<compile_context>
chip_gen: v7x
topology: tpu7x:2x2x1
jax: 0.10.2.dev20260603
libtpu: 0.0.44.dev20260713+nightly
codegen_flags: <defaults>
</compile_context>

<pallas_src>
import math

import jax
import jax.numpy as jnp
from jax import lax
from jax.experimental import pallas as pl
from jax.experimental.pallas import tpu as pltpu
from jax.experimental.pallas import tpu_sc as plsc

N = 10000
E = 320000
D = 128
H = 8
DK = 16
SQRT_DK = math.sqrt(DK)

NC = 2
NS = 16
L = 16
DH = D // NC
HPC = H // NC
EPT = E // NS
C = 80
NCH = EPT // C
RPT = 624
ZR = 16
DEN_W = 16
BLK = 1000


def _proj_body(x_ref, wad_ref, bad_ref, wk_ref, bk_ref, wq_ref, bq_ref,
               wv_ref, bv_ref, bda_ref, bdm_ref, pri_ref,
               h_ref, qp_ref, key_ref, val_ref):
    xb = x_ref[...]
    h = jnp.tanh(jnp.dot(xb, wad_ref[...], preferred_element_type=jnp.float32)
                 + bad_ref[...])
    h_ref[...] = h
    q = jnp.dot(h, wq_ref[...], preferred_element_type=jnp.float32) + bq_ref[...]
    qp_ref[...] = q * pri_ref[...]
    k = jnp.dot(h, wk_ref[...], preferred_element_type=jnp.float32) + bk_ref[...]
    key_ref[...] = jnp.dot(k, bda_ref[...], preferred_element_type=jnp.float32)
    v = jnp.dot(h, wv_ref[...], preferred_element_type=jnp.float32) + bv_ref[...]
    val_ref[...] = jnp.dot(v, bdm_ref[...], preferred_element_type=jnp.float32)


def _edge_body(src_hbm, dst_hbm, qp_hbm, key_hbm, val_hbm,
               agg_out, den_out,
               srcA, dstA, s2A, d2A, d3A, srcB, dstB, s2B, d2B, d3B,
               qA, kA, vA, qB, kB, vB, ewA, ewB, z_v, zd_v,
               agg_sh, den_sh,
               sqA, skA, svA, sqB, skB, svB, siAs, siAd, siBs, siBd):
    c = lax.axis_index("c")
    s = lax.axis_index("s")
    zvec = jnp.zeros((L,), jnp.float32)
    zivec = jnp.zeros((L,), jnp.int32)

    for i in range(ZR):
        for j in range(DH // L):
            z_v[i, pl.ds(j * L, L)] = zvec
        zd_v[i, :] = zvec
    for i in range(C):
        ewA[i, :] = zvec
        ewB[i, :] = zvec

    def zloop(t, carry):
        r0 = s * RPT + t * ZR
        pltpu.sync_copy(z_v, agg_sh.at[pl.ds(r0, ZR)])
        pltpu.sync_copy(zd_v, den_sh.at[pl.ds(r0, ZR)])
        return carry

    lax.fori_loop(0, RPT // ZR, zloop, 0)
    r_left = NS * RPT
    pltpu.sync_copy(z_v, agg_sh.at[pl.ds(r_left, ZR)])
    pltpu.sync_copy(zd_v, den_sh.at[pl.ds(r_left, ZR)])
    plsc.subcore_barrier()

    rows_base = lax.iota(jnp.int32, L)
    coff = c * N
    ebase = s * EPT

    def issue_ids(g, sv, dv, ss, sd):
        base = jnp.minimum(ebase + g * C, E - C)
        pltpu.async_copy(src_hbm.at[pl.ds(base, C)], sv, ss)
        pltpu.async_copy(dst_hbm.at[pl.ds(base, C)], dv, sd)

    def wait_ids(sv, dv, ss, sd):
        pltpu.make_async_copy(src_hbm.at[pl.ds(0, C)], sv, ss).wait()
        pltpu.make_async_copy(dst_hbm.at[pl.ds(0, C)], dv, sd).wait()

    def shift_issue(sv, dv, s2, d2, d3, qb, kb, vb, sq, sk, svm):
        def sh(j, carry):
            sl = pl.ds(j * L, L)
            s2[sl] = sv[sl] + coff
            d2[sl] = dv[sl] + coff
            d3[sl] = dv[sl] + zivec
            return carry

        lax.fori_loop(0, C // L, sh, 0)
        pltpu.async_copy(qp_hbm.at[d2], qb, sq)
        pltpu.async_copy(key_hbm.at[s2], kb, sk)
        pltpu.async_copy(val_hbm.at[s2], vb, svm)

    def wait_gathers(s2, d2, qb, kb, vb, sq, sk, svm):
        pltpu.make_async_copy(qp_hbm.at[d2], qb, sq).wait()
        pltpu.make_async_copy(key_hbm.at[s2], kb, sk).wait()
        pltpu.make_async_copy(val_hbm.at[s2], vb, svm).wait()

    def compute_scatter(d3, qb, kb, vb, ewb, sem1, sem2):
        def group(eb, carry):
            rows = rows_base + eb * L

            def head(hl, carry2):
                accs = [zvec, zvec, zvec, zvec]
                for d in range(DK):
                    colv = jnp.full((L,), hl * DK + d, dtype=jnp.int32) + zivec
                    qg = plsc.load_gather(qb, [rows, colv])
                    kg = plsc.load_gather(kb, [rows, colv])
                    accs[d % 4] = accs[d % 4] + qg * kg
                acc = (accs[0] + accs[1]) + (accs[2] + accs[3])
                ew = jnp.exp(jnp.minimum(acc, 60.0))
                plsc.store_scatter(
                    ewb,
                    [rows, jnp.full((L,), c * HPC + hl, dtype=jnp.int32)],
                    ew)
                for d in range(DK):
                    colv = jnp.full((L,), hl * DK + d, dtype=jnp.int32) + zivec
                    vg = plsc.load_gather(vb, [rows, colv])
                    plsc.store_scatter(vb, [rows, colv], vg * ew)
                return carry2

            return lax.fori_loop(0, HPC, head, carry)

        lax.fori_loop(0, C // L, group, 0)
        ca = pltpu.async_copy(vb, agg_sh.at[d3], sem1, add=True)
        cd = pltpu.async_copy(ewb, den_sh.at[d3], sem2, add=True)
        ca.wait()
        cd.wait()

    issue_ids(0, srcA, dstA, siAs, siAd)
    wait_ids(srcA, dstA, siAs, siAd)
    shift_issue(srcA, dstA, s2A, d2A, d3A, qA, kA, vA, sqA, skA, svA)
    issue_ids(1, srcB, dstB, siBs, siBd)

    def pair(t, carry):
        g0 = 2 * t
        wait_ids(srcB, dstB, siBs, siBd)
        shift_issue(srcB, dstB, s2B, d2B, d3B, qB, kB, vB, sqB, skB, svB)
        issue_ids(g0 + 2, srcA, dstA, siAs, siAd)
        wait_gathers(s2A, d2A, qA, kA, vA, sqA, skA, svA)
        compute_scatter(d3A, qA, kA, vA, ewA, sqA, skA)
        wait_ids(srcA, dstA, siAs, siAd)
        shift_issue(srcA, dstA, s2A, d2A, d3A, qA, kA, vA, sqA, skA, svA)
        issue_ids(g0 + 3, srcB, dstB, siBs, siBd)
        wait_gathers(s2B, d2B, qB, kB, vB, sqB, skB, svB)
        compute_scatter(d3B, qB, kB, vB, ewB, sqB, skB)
        return carry

    lax.fori_loop(0, NCH // 2, pair, 0)
    wait_gathers(s2A, d2A, qA, kA, vA, sqA, skA, svA)
    wait_ids(srcB, dstB, siBs, siBd)
    plsc.subcore_barrier()

    def wloop(t, carry):
        r0 = s * RPT + t * ZR
        pltpu.sync_copy(agg_sh.at[pl.ds(r0, ZR)], z_v)
        pltpu.sync_copy(z_v, agg_out.at[pl.ds(c * N + r0, ZR)])
        pltpu.sync_copy(den_sh.at[pl.ds(r0, ZR)], zd_v)
        pltpu.sync_copy(zd_v, den_out.at[pl.ds(c * N + r0, ZR)])
        return carry

    lax.fori_loop(0, RPT // ZR, wloop, 0)
    pltpu.sync_copy(agg_sh.at[pl.ds(r_left, ZR)], z_v)
    pltpu.sync_copy(z_v, agg_out.at[pl.ds(c * N + r_left, ZR)])
    pltpu.sync_copy(den_sh.at[pl.ds(r_left, ZR)], zd_v)
    pltpu.sync_copy(zd_v, den_out.at[pl.ds(c * N + r_left, ZR)])


def _out_body(agg_ref, den0_ref, den1_ref, h_ref, exp_ref,
              wa_ref, ba_ref, alpha_ref, out_ref):
    den = den0_ref[...] + den1_ref[...]
    den_exp = jnp.dot(den, exp_ref[...], preferred_element_type=jnp.float32)
    agg = agg_ref[...]
    norm = jnp.where(den_exp > 0.0, agg / den_exp, 0.0)
    trans = (jnp.dot(norm, wa_ref[...], preferred_element_type=jnp.float32)
             + ba_ref[...])
    a = alpha_ref[0, 0]
    out_ref[...] = trans * a + h_ref[...] * (1.0 - a)


def _row_spec(blk, cols):
    return pl.BlockSpec((blk, cols), lambda i: (i, 0))


def _full_spec(r, cols):
    return pl.BlockSpec((r, cols), lambda i: (0, 0))


def kernel(x, edge_index, W_adapt, b_adapt, Wk, bk, Wq, bq, Wv, bv, Wa, ba,
           rel_att, rel_msg, rel_pri, skip):
    src = edge_index[0]
    dst = edge_index[1]
    bda = jax.scipy.linalg.block_diag(*[rel_att[h] for h in range(H)])
    bdm = jax.scipy.linalg.block_diag(*[rel_msg[h] for h in range(H)])
    pri = (jnp.repeat(rel_pri, DK) / SQRT_DK).reshape(1, D)
    alpha = jax.nn.sigmoid(skip).reshape(1, 1)
    expmat = jnp.concatenate(
        [jnp.kron(jnp.eye(H, dtype=jnp.float32), jnp.ones((1, DK), jnp.float32)),
         jnp.zeros((DEN_W - H, D), jnp.float32)], axis=0)

    h, qp, key, val = pl.pallas_call(
        _proj_body,
        grid=(N // BLK,),
        in_specs=[
            _row_spec(BLK, D),
            _full_spec(D, D), _full_spec(1, D),
            _full_spec(D, D), _full_spec(1, D),
            _full_spec(D, D), _full_spec(1, D),
            _full_spec(D, D), _full_spec(1, D),
            _full_spec(D, D), _full_spec(D, D),
            _full_spec(1, D),
        ],
        out_specs=[_row_spec(BLK, D)] * 4,
        out_shape=[jax.ShapeDtypeStruct((N, D), jnp.float32)] * 4,
    )(x, W_adapt, b_adapt.reshape(1, D), Wk, bk.reshape(1, D),
      Wq, bq.reshape(1, D), Wv, bv.reshape(1, D), bda, bdm, pri)

    qp2 = jnp.concatenate([qp[:, :DH], qp[:, DH:]], axis=0)
    key2 = jnp.concatenate([key[:, :DH], key[:, DH:]], axis=0)
    val2 = jnp.concatenate([val[:, :DH], val[:, DH:]], axis=0)

    agg2, den2 = pl.kernel(
        _edge_body,
        out_type=(jax.ShapeDtypeStruct((NC * N, DH), jnp.float32),
                  jax.ShapeDtypeStruct((NC * N, DEN_W), jnp.float32)),
        mesh=plsc.VectorSubcoreMesh(core_axis_name="c", subcore_axis_name="s"),
        compiler_params=pltpu.CompilerParams(needs_layout_passes=False,
                                             use_tc_tiling_on_sc=False),
        scratch_types=[
            pltpu.VMEM((C,), jnp.int32),
            pltpu.VMEM((C,), jnp.int32),
            pltpu.VMEM((C,), jnp.int32),
            pltpu.VMEM((C,), jnp.int32),
            pltpu.VMEM((C,), jnp.int32),
            pltpu.VMEM((C,), jnp.int32),
            pltpu.VMEM((C,), jnp.int32),
            pltpu.VMEM((C,), jnp.int32),
            pltpu.VMEM((C,), jnp.int32),
            pltpu.VMEM((C,), jnp.int32),
            pltpu.VMEM((C, DH), jnp.float32),
            pltpu.VMEM((C, DH), jnp.float32),
            pltpu.VMEM((C, DH), jnp.float32),
            pltpu.VMEM((C, DH), jnp.float32),
            pltpu.VMEM((C, DH), jnp.float32),
            pltpu.VMEM((C, DH), jnp.float32),
            pltpu.VMEM((C, DEN_W), jnp.float32),
            pltpu.VMEM((C, DEN_W), jnp.float32),
            pltpu.VMEM((ZR, DH), jnp.float32),
            pltpu.VMEM((ZR, DEN_W), jnp.float32),
            pltpu.VMEM_SHARED((N, DH), jnp.float32),
            pltpu.VMEM_SHARED((N, DEN_W), jnp.float32),
            pltpu.SemaphoreType.DMA,
            pltpu.SemaphoreType.DMA,
            pltpu.SemaphoreType.DMA,
            pltpu.SemaphoreType.DMA,
            pltpu.SemaphoreType.DMA,
            pltpu.SemaphoreType.DMA,
            pltpu.SemaphoreType.DMA,
            pltpu.SemaphoreType.DMA,
            pltpu.SemaphoreType.DMA,
            pltpu.SemaphoreType.DMA,
        ],
    )(src, dst, qp2, key2, val2)

    agg = jnp.concatenate([agg2[:N], agg2[N:]], axis=1)

    out = pl.pallas_call(
        _out_body,
        grid=(N // BLK,),
        in_specs=[
            _row_spec(BLK, D),
            _row_spec(BLK, DEN_W), _row_spec(BLK, DEN_W),
            _row_spec(BLK, D),
            _full_spec(DEN_W, D),
            _full_spec(D, D), _full_spec(1, D),
            _full_spec(1, 1),
        ],
        out_specs=_row_spec(BLK, D),
        out_shape=jax.ShapeDtypeStruct((N, D), jnp.float32),
    )(agg, den2[:N], den2[N:], h, expmat, Wa, ba.reshape(1, D), alpha)
    return out

# --- scband reference (transcript-rebuilt; emitter-appended) ---
"""Pipeline reference for scband-hrcdc-24309514895386 (READ-ONLY COPY).

The authoritative reference and input builder live on the scoring server;
editing this copy changes nothing except your own understanding.
"""

import jax, jax.numpy as jnp
import numpy as np
import math

N_NODES = 10000
N_EDGES = 320000
D_FEAT = 128
N_HID = 128
N_HEADS = 8
D_K = N_HID // N_HEADS
SQRT_DK = math.sqrt(D_K)


def setup_inputs(seed: int = 0):
    key = jax.random.key(seed)
    ks = jax.random.split(key, 16)
    s_in = 1.0 / math.sqrt(D_FEAT)
    s_hid = 1.0 / math.sqrt(N_HID)
    s_dk = 1.0 / math.sqrt(D_K)
    inp = {}
    inp['x'] = jax.random.normal(ks[0], (N_NODES, D_FEAT), dtype=jnp.float32)
    inp['edge_index'] = jax.random.randint(ks[1], (2, N_EDGES), 0, N_NODES, dtype=jnp.int32)
    inp['W_adapt'] = jax.random.normal(ks[2], (D_FEAT, N_HID), dtype=jnp.float32) * s_in
    inp['b_adapt'] = jnp.zeros((N_HID,), dtype=jnp.float32)
    inp['Wk'] = jax.random.normal(ks[3], (N_HID, N_HID), dtype=jnp.float32) * s_hid
    inp['bk'] = jnp.zeros((N_HID,), dtype=jnp.float32)
    inp['Wq'] = jax.random.normal(ks[4], (N_HID, N_HID), dtype=jnp.float32) * s_hid
    inp['bq'] = jnp.zeros((N_HID,), dtype=jnp.float32)
    inp['Wv'] = jax.random.normal(ks[5], (N_HID, N_HID), dtype=jnp.float32) * s_hid
    inp['bv'] = jnp.zeros((N_HID,), dtype=jnp.float32)
    inp['Wa'] = jax.random.normal(ks[6], (N_HID, N_HID), dtype=jnp.float32) * s_hid
    inp['ba'] = jnp.zeros((N_HID,), dtype=jnp.float32)
    inp['rel_att'] = jax.random.normal(ks[7], (N_HEADS, D_K, D_K), dtype=jnp.float32) * s_dk
    inp['rel_msg'] = jax.random.normal(ks[8], (N_HEADS, D_K, D_K), dtype=jnp.float32) * s_dk
    inp['rel_pri'] = jnp.ones((N_HEADS,), dtype=jnp.float32)
    inp['skip'] = jnp.ones((), dtype=jnp.float32)
    return inp


def reference(x, edge_index, W_adapt, b_adapt, Wk, bk, Wq, bq, Wv, bv, Wa, ba, rel_att, rel_msg, rel_pri, skip):
    # HRCDC input adaptation: h = tanh(adapt_w(x))  (BatchNorm affine=False at init-state acts ~identity in eval)
    h = jnp.tanh(x @ W_adapt + b_adapt)
    N = h.shape[0]
    # HGTLayer (single node-type, single relation)
    k = (h @ Wk + bk).reshape(N, N_HEADS, D_K)
    q = (h @ Wq + bq).reshape(N, N_HEADS, D_K)
    v = (h @ Wv + bv).reshape(N, N_HEADS, D_K)
    src = edge_index[0]
    dst = edge_index[1]
    # edge_attention: key = bmm(k_src^T, rel_att)^T ; att = (q_dst * key).sum(-1) * pri / sqrt(dk)
    key_e = jnp.einsum('ehd,hdf->ehf', k[src], rel_att)
    att = (q[dst] * key_e).sum(axis=-1) * rel_pri / SQRT_DK
    val = jnp.einsum('ehd,hdf->ehf', v[src], rel_msg)
    # reduce_func: softmax over incoming edges per dst node (segment softmax), then weighted sum
    m = jax.ops.segment_max(att, dst, num_segments=N)
    m = jnp.where(jnp.isfinite(m), m, 0.0)
    e = jnp.exp(att - m[dst])
    denom = jax.ops.segment_sum(e, dst, num_segments=N)
    w = e / denom[dst]
    agg = jax.ops.segment_sum(w[:, :, None] * val, dst, num_segments=N).reshape(N, N_HID)
    # skip-gated output: trans_out * alpha + inp * (1 - alpha); dropout is identity in eval
    alpha = jax.nn.sigmoid(skip)
    trans = agg @ Wa + ba
    out = trans * alpha + h * (1.0 - alpha)
    return out

if __name__ == "__main__":
    import jax
    _d = setup_inputs()
    print(jax.jit(kernel)(*tuple(_d.values())))

</pallas_src>

<mosaic_0001>
#map = affine_map<(d0, d1) -> (0)>
#map1 = affine_map<(d0, d1) -> (0, 0)>
module attributes {stable_mosaic.version = 14 : i64} {
  func.func @_edge_body(%arg0: i32, %arg1: i32, %arg2: memref<320000xi32, #tpu.memory_space<hbm>>, %arg3: memref<320000xi32, #tpu.memory_space<hbm>>, %arg4: memref<20000x64xf32, #tpu.memory_space<hbm>>, %arg5: memref<20000x64xf32, #tpu.memory_space<hbm>>, %arg6: memref<20000x64xf32, #tpu.memory_space<hbm>>, %arg7: memref<20000x64xf32, #tpu.memory_space<hbm>>, %arg8: memref<20000x16xf32, #tpu.memory_space<hbm>>, %arg9: memref<80xi32, #tpu.memory_space<vmem>>, %arg10: memref<80xi32, #tpu.memory_space<vmem>>, %arg11: memref<80xi32, #tpu.memory_space<vmem>>, %arg12: memref<80xi32, #tpu.memory_space<vmem>>, %arg13: memref<80xi32, #tpu.memory_space<vmem>>, %arg14: memref<80xi32, #tpu.memory_space<vmem>>, %arg15: memref<80xi32, #tpu.memory_space<vmem>>, %arg16: memref<80xi32, #tpu.memory_space<vmem>>, %arg17: memref<80xi32, #tpu.memory_space<vmem>>, %arg18: memref<80xi32, #tpu.memory_space<vmem>>, %arg19: memref<80x64xf32, #tpu.memory_space<vmem>>, %arg20: memref<80x64xf32, #tpu.memory_space<vmem>>, %arg21: memref<80x64xf32, #tpu.memory_space<vmem>>, %arg22: memref<80x64xf32, #tpu.memory_space<vmem>>, %arg23: memref<80x64xf32, #tpu.memory_space<vmem>>, %arg24: memref<80x64xf32, #tpu.memory_space<vmem>>, %arg25: memref<80x16xf32, #tpu.memory_space<vmem>>, %arg26: memref<80x16xf32, #tpu.memory_space<vmem>>, %arg27: memref<16x64xf32, #tpu.memory_space<vmem>>, %arg28: memref<16x16xf32, #tpu.memory_space<vmem>>, %arg29: memref<10000x64xf32, #tpu.memory_space<vmem_shared>>, %arg30: memref<10000x16xf32, #tpu.memory_space<vmem_shared>>, %arg31: memref<!tpu.dma_semaphore, #tpu.memory_space<semaphore_mem>>, %arg32: memref<!tpu.dma_semaphore, #tpu.memory_space<semaphore_mem>>, %arg33: memref<!tpu.dma_semaphore, #tpu.memory_space<semaphore_mem>>, %arg34: memref<!tpu.dma_semaphore, #tpu.memory_space<semaphore_mem>>, %arg35: memref<!tpu.dma_semaphore, #tpu.memory_space<semaphore_mem>>, %arg36: memref<!tpu.dma_semaphore, #tpu.memory_space<semaphore_mem>>, %arg37: memref<!tpu.dma_semaphore, #tpu.memory_space<semaphore_mem>>, %arg38: memref<!tpu.dma_semaphore, #tpu.memory_space<semaphore_mem>>, %arg39: memref<!tpu.dma_semaphore, #tpu.memory_space<semaphore_mem>>, %arg40: memref<!tpu.dma_semaphore, #tpu.memory_space<semaphore_mem>>) attributes {dimension_semantics = [#tpu.dimension_semantics<core_parallel>, #tpu.dimension_semantics<subcore_parallel>], iteration_bounds = array<i64: 2, 16>, scalar_prefetch = 0 : i64, scratch_operands = 32 : i64, tpu.core_type = #tpu.core_type<sc_vector_subcore>, window_params = [{transform_indices = #map}, {transform_indices = #map}, {transform_indices = #map1}, {transform_indices = #map1}, {transform_indices = #map1}, {transform_indices = #map1}, {transform_indices = #map1}]} {
    %broadcast_in_dim3A = arith.constant 0.000000e+00 : f32
    %broadcast_in_dim3A_0 = vector.broadcast %broadcast_in_dim3A : f32 to vector<16xf32>
    %broadcast_in_dim3A_1 = arith.constant 0 : i32
    %broadcast_in_dim3A_2 = vector.broadcast %broadcast_in_dim3A_1 : i32 to vector<16xi32>
    %swap3A = arith.constant 0 : i32
    %swap3A_3 = arith.index_cast %swap3A : i32 to index
    %swap3A_4 = arith.constant 0 : index
    %swap3A_5 = tpu.vector_load %arg27[%swap3A_3, %swap3A_4] {strides = array<i32>} : memref<16x64xf32, #tpu.memory_space<vmem>>, vector<16xf32>,
    tpu.vector_store %arg27[%swap3A_3, %swap3A_4], %broadcast_in_dim3A_0 {strides = array<i32>} : memref<16x64xf32, #tpu.memory_space<vmem>>, vector<16xf32>,
    %swap3A_6 = arith.constant 0 : i32
    %swap3A_7 = arith.index_cast %swap3A_6 : i32 to index
    %swap3A_8 = arith.constant 16 : index
    %swap3A_9 = tpu.vector_load %arg27[%swap3A_7, %swap3A_8] {strides = array<i32>} : memref<16x64xf32, #tpu.memory_space<vmem>>, vector<16xf32>,
    tpu.vector_store %arg27[%swap3A_7, %swap3A_8], %broadcast_in_dim3A_0 {strides = array<i32>} : memref<16x64xf32, #tpu.memory_space<vmem>>, vector<16xf32>,
    %swap3A_10 = arith.constant 0 : i32
    %swap3A_11 = arith.index_cast %swap3A_10 : i32 to index
    %swap3A_12 = arith.constant 32 : index
    %swap3A_13 = tpu.vector_load %arg27[%swap3A_11, %swap3A_12] {strides = array<i32>} : memref<16x64xf32, #tpu.memory_space<vmem>>, vector<16xf32>,
    tpu.vector_store %arg27[%swap3A_11, %swap3A_12], %broadcast_in_dim3A_0 {strides = array<i32>} : memref<16x64xf32, #tpu.memory_space<vmem>>, vector<16xf32>,
    %swap3A_14 = arith.constant 0 : i32
    %swap3A_15 = arith.index_cast %swap3A_14 : i32 to index
    %swap3A_16 = arith.constant 48 : index
    %swap3A_17 = tpu.vector_load %arg27[%swap3A_15, %swap3A_16] {strides = array<i32>} : memref<16x64xf32, #tpu.memory_space<vmem>>, vector<16xf32>,
    tpu.vector_store %arg27[%swap3A_15, %swap3A_16], %broadcast_in_dim3A_0 {strides = array<i32>} : memref<16x64xf32, #tpu.memory_space<vmem>>, vector<16xf32>,
    %swap3A_18 = arith.constant 0 : i32
    %swap3A_19 = arith.index_cast %swap3A_18 : i32 to index
    %swap3A_20 = arith.constant 0 : index
    %swap3A_21 = tpu.vector_load %arg28[%swap3A_19, %swap3A_20] {strides = array<i32>} : memref<16x16xf32, #tpu.memory_space<vmem>>, vector<16xf32>,
    tpu.vector_store %arg28[%swap3A_19, %swap3A_20], %broadcast_in_dim3A_0 {strides = array<i32>} : memref<16x16xf32, #tpu.memory_space<vmem>>, vector<16xf32>,
    %swap3A_22 = arith.constant 1 : i32
    %swap3A_23 = arith.index_cast %swap3A_22 : i32 to index
    %swap3A_24 = arith.constant 0 : index
    %swap3A_25 = tpu.vector_load %arg27[%swap3A_23, %swap3A_24] {strides = array<i32>} : memref<16x64xf32, #tpu.memory_space<vmem>>, vector<16xf32>,
    tpu.vector_store %arg27[%swap3A_23, %swap3A_24], %broadcast_in_dim3A_0 {strides = array<i32>} : memref<16x64xf32, #tpu.memory_space<vmem>>, vector<16xf32>,
    %swap3A_26 = arith.constant 1 : i32
    %swap3A_27 = arith.index_cast %swap3A_26 : i32 to index
    %swap3A_28 = arith.constant 16 : index
    %swap3A_29 = tpu.vector_load %arg27[%swap3A_27, %swap3A_28] {strides = array<i32>} : memref<16x64xf32, #tpu.memory_space<vmem>>, vector<16xf32>,
    tpu.vector_store %arg27[%swap3A_27, %swap3A_28], %broadcast_in_dim3A_0 {strides = array<i32>} : memref<16x64xf32, #tpu.memory_space<vmem>>, vector<16xf32>,
    %swap3A_30 = arith.constant 1 : i32
    %swap3A_31 = arith.index_cast %swap3A_30 : i32 to index
    %swap3A_32 = arith.constant 32 : index
    %swap3A_33 = tpu.vector_load %arg27[%swap3A_31, %swap3A_32] {strides = array<i32>} : memref<16x64xf32, #tpu.memory_space<vmem>>, vector<16xf32>,
    tpu.vector_store %arg27[%swap3A_31, %swap3A_32], %broadcast_in_dim3A_0 {strides = array<i32>} : memref<16x64xf32, #tpu.memory_space<vmem>>, vector<16xf32>,
    %swap3A_34 = arith.constant 1 : i32
    %swap3A_35 = arith.index_cast %swap3A_34 : i32 to index
    %swap3A_36 = arith.constant 48 : index
    %swap3A_37 = tpu.vector_load %arg27[%swap3A_35, %swap3A_36] {strides = array<i32>} : memref<16x64xf32, #tpu.memory_space<vmem>>, vector<16xf32>,
    tpu.vector_store %arg27[%swap3A_35, %swap3A_36], %broadcast_in_dim3A_0 {strides = array<i32>} : memref<16x64xf32, #tpu.memory_space<vmem>>, vector<16xf32>,
    %swap3A_38 = arith.constant 1 : i32
    %swap3A_39 = arith.index_cast %swap3A_38 : i32 to index
    %swap3A_40 = arith.constant 0 : index
    %swap3A_41 = tpu.vector_load %arg28[%swap3A_39, %swap3A_40] {strides = array<i32>} : memref<16x16xf32, #tpu.memory_space<vmem>>, vector<16xf32>,
    tpu.vector_store %arg28[%swap3A_39, %swap3A_40], %broadcast_in_dim3A_0 {strides = array<i32>} : memref<16x16xf32, #tpu.memory_space<vmem>>, vector<16xf32>,
    %swap3A_42 = arith.constant 2 : i32
    %swap3A_43 = arith.index_cast %swap3A_42 : i32 to index
    %swap3A_44 = arith.constant 0 : index
    %swap3A_45 = tpu.vector_load %arg27[%swap3A_43, %swap3A_44] {strides = array<i32>} : memref<16x64xf32, #tpu.memory_space<vmem>>, vector<16xf32>,
    tpu.vector_store %arg27[%swap3A_43, %swap3A_44], %broadcast_in_dim3A_0 {strides = array<i32>} : memref<16x64xf32, #tpu.memory_space<vmem>>, vector<16xf32>,
    %swap3A_46 = arith.constant 2 : i32
    %swap3A_47 = arith.index_cast %swap3A_46 : i32 to index
    %swap3A_48 = arith.constant 16 : index
    %swap3A_49 = tpu.vector_load %arg27[%swap3A_47, %swap3A_48] {strides = array<i32>} : memref<16x64xf32, #tpu.memory_space<vmem>>, vector<16xf32>,
    tpu.vector_store %arg27[%swap3A_47, %swap3A_48], %broadcast_in_dim3A_0 {strides = array<i32>} : memref<16x64xf32, #tpu.memory_space<vmem>>, vector<16xf32>,
    %swap3A_50 = arith.constant 2 : i32
    %swap3A_51 = arith.index_cast %swap3A_50 : i32 to index
    %swap3A_52 = arith.constant 32 : index
    %swap3A_53 = tpu.vector_load %arg27[%swap3A_51, %swap3A_52] {strides = array<i32>} : memref<16x64xf32, #tpu.memory_space<vmem>>, vector<16xf32>,
    tpu.vector_store %arg27[%swap3A_51, %swap3A_52], %broadcast_in_dim3A_0 {strides = array<i32>} : memref<16x64xf32, #tpu.memory_space<vmem>>, vector<16xf32>,
    %swap3A_54 = arith.constant 2 : i32
    %swap3A_55 = arith.index_cast %swap3A_54 : i32 to index
    %swap3A_56 = arith.constant 48 : index
    %swap3A_57 = tpu.vector_load %arg27[%swap3A_55, %swap3A_56] {strides = array<i32>} : memref<16x64xf32, #tpu.memory_space<vmem>>, vector<16xf32>,
    tpu.vector_store %arg27[%swap3A_55, %swap3A_56], %broadcast_in_dim3A_0 {strides = array<i32>} : memref<16x64xf32, #tpu.memory_space<vmem>>, vector<16xf32>,
    %swap3A_58 = arith.constant 2 : i32
    %swap3A_59 = arith.index_cast %swap3A_58 : i32 to index
    %swap3A_60 = arith.constant 0 : index
    %swap3A_61 = tpu.vector_load %arg28[%swap3A_59, %swap3A_60] {strides = array<i32>} : memref<16x16xf32, #tpu.memory_space<vmem>>, vector<16xf32>,
    tpu.vector_store %arg28[%swap3A_59, %swap3A_60], %broadcast_in_dim3A_0 {strides = array<i32>} : memref<16x16xf32, #tpu.memory_space<vmem>>, vector<16xf32>,
    %swap3A_62 = arith.constant 3 : i32
    %swap3A_63 = arith.index_cast %swap3A_62 : i32 to index
    %swap3A_64 = arith.constant 0 : index
    %swap3A_65 = tpu.vector_load %arg27[%swap3A_63, %swap3A_64] {strides = array<i32>} : memref<16x64xf32, #tpu.memory_space<vmem>>, vector<16xf32>,
    tpu.vector_store %arg27[%swap3A_63, %swap3A_64], %broadcast_in_dim3A_0 {strides = array<i32>} : memref<16x64xf32, #tpu.memory_space<vmem>>, vector<16xf32>,
    %swap3A_66 = arith.constant 3 : i32
    %swap3A_67 = arith.index_cast %swap3A_66 : i32 to index
    %swap3A_68 = arith.constant 16 : index
    %swap3A_69 = tpu.vector_load %arg27[%swap3A_67, %swap3A_68] {strides = array<i32>} : memref<16x64xf32, #tpu.memory_space<vmem>>, vector<16xf32>,
    tpu.vector_store %arg27[%swap3A_67, %swap3A_68], %broadcast_in_dim3A_0 {strides = array<i32>} : memref<16x64xf32, #tpu.memory_space<vmem>>, vector<16xf32>,
    %swap3A_70 = arith.constant 3 : i32
    %swap3A_71 = arith.index_cast %swap3A_70 : i32 to index
    %swap3A_72 = arith.constant 32 : index
    %swap3A_73 = tpu.vector_load %arg27[%swap3A_71, %swap3A_72] {strides = array<i32>} : memref<16x64xf32, #tpu.memory_space<vmem>>, vector<16xf32>,
    tpu.vector_store %arg27[%swap3A_71, %swap3A_72], %broadcast_in_dim3A_0 {strides = array<i32>} : memref<16x64xf32, #tpu.memory_space<vmem>>, vector<16xf32>,
    %swap3A_74 = arith.constant 3 : i32
    %swap3A_75 = arith.index_cast %swap3A_74 : i32 to index
    %swap3A_76 = arith.constant 48 : index
    %swap3A_77 = tpu.vector_load %arg27[%swap3A_75, %swap3A_76] {strides = array<i32>} : memref<16x64xf32, #tpu.memory_space<vmem>>, vector<16xf32>,
    tpu.vector_store %arg27[%swap3A_75, %swap3A_76], %broadcast_in_dim3A_0 {strides = array<i32>} : memref<16x64xf32, #tpu.memory_space<vmem>>, vector<16xf32>,
    %swap3A_78 = arith.constant 3 : i32
    %swap3A_79 = arith.index_cast %swap3A_78 : i32 to index
    %swap3A_80 = arith.constant 0 : index
    %swap3A_81 = tpu.vector_load %arg28[%swap3A_79, %swap3A_80] {strides = array<i32>} : memref<16x16xf32, #tpu.memory_space<vmem>>, vector<16xf32>,
    tpu.vector_store %arg28[%swap3A_79, %swap3A_80], %broadcast_in_dim3A_0 {strides = array<i32>} : memref<16x16xf32, #tpu.memory_space<vmem>>, vector<16xf32>,
    %swap3A_82 = arith.constant 4 : i32
    %swap3A_83 = arith.index_cast %swap3A_82 : i32 to index
    %swap3A_84 = arith.constant 0 : index
    %swap3A_85 = tpu.vector_load %arg27[%swap3A_83, %swap3A_84] {strides = array<i32>} : memref<16x64xf32, #tpu.memory_space<vmem>>, vector<16xf32>,
    tpu.vector_store %arg27[%swap3A_83, %swap3A_84], %broadcast_in_dim3A_0 {strides = array<i32>} : memref<16x64xf32, #tpu.memory_space<vmem>>, vector<16xf32>,
    %swap3A_86 = arith.constant 4 : i32
    %swap3A_87 = arith.index_cast %swap3A_86 : i32 to index
    %swap3A_88 = arith.constant 16 : index
    %swap3A_89 = tpu.vector_load %arg27[%swap3A_87, %swap3A_88] {strides = array<i32>} : memref<16x64xf32, #tpu.memory_space<vmem>>, vector<16xf32>,
    tpu.vector_store %arg27[%swap3A_87, %swap3A_88], %broadcast_in_dim3A_0 {strides = array<i32>} : memref<16x64xf32, #tpu.memory_space<vmem>>, vector<16xf32>,
    %swap3A_90 = arith.constant 4 : i32
    %swap3A_91 = arith.index_cast %swap3A_90 : i32 to index
    %swap3A_92 = arith.constant 32 : index
    %swap3A_93 = tpu.vector_load %arg27[%swap3A_91, %swap3A_92] {strides = array<i32>} : memref<16x64xf32, #tpu.memory_space<vmem>>, vector<16xf32>,
    tpu.vector_store %arg27[%swap3A_91, %swap3A_92], %broadcast_in_dim3A_0 {strides = array<i32>} : memref<16x64xf32, #tpu.memory_space<vmem>>, vector<16xf32>,
    %swap3A_94 = arith.constant 4 : i32
    %swap3A_95 = arith.index_cast %swap3A_94 : i32 to index
    %swap3A_96 = arith.constant 48 : index
    %swap3A_97 = tpu.vector_load %arg27[%swap3A_95, %swap3A_96] {strides = array<i32>} : memref<16x64xf32, #tpu.memory_space<vmem>>, vector<16xf32>,
    tpu.vector_store %arg27[%swap3A_95, %swap3A_96], %broadcast_in_dim3A_0 {strides = array<i32>} : memref<16x64xf32, #tpu.memory_space<vmem>>, vector<16xf32>,
    %swap3A_98 = arith.constant 4 : i32
    %swap3A_99 = arith.index_cast %swap3A_98 : i32 to index
    %swap3A_100 = arith.constant 0 : index
    %swap3A_101 = tpu.vector_load %arg28[%swap3A_99, %swap3A_100] {strides = array<i32>} : memref<16x16xf32, #tpu.memory_space<vmem>>, vector<16xf32>,
    tpu.vector_store %arg28[%swap3A_99, %swap3A_100], %broadcast_in_dim3A_0 {strides = array<i32>} : memref<16x16xf32, #tpu.memory_space<vmem>>, vector<16xf32>,
    %swap3A_102 = arith.constant 5 : i32
    %swap3A_103 = arith.index_cast %swap3A_102 : i32 to index
    %swap3A_104 = arith.constant 0 : index
    %swap3A_105 = tpu.vector_load %arg27[%swap3A_103, %swap3A_104] {strides = array<i32>} : memref<16x64xf32, #tpu.memory_space<vmem>>, vector<16xf32>,
    tpu.vector_store %arg27[%swap3A_103, %swap3A_104], %broadcast_in_dim3A_0 {strides = array<i32>} : memref<16x64xf32, #tpu.memory_space<vmem>>, vector<16xf32>,
    %swap3A_106 = arith.constant 5 : i32
    %swap3A_107 = arith.index_cast %swap3A_106 : i32 to index
    %swap3A_108 = arith.constant 16 : index
    %swap3A_109 = tpu.vector_load %arg27[%swap3A_107, %swap3A_108] {strides = array<i32>} : memref<16x64xf32, #tpu.memory_space<vmem>>, vector<16xf32>,
    tpu.vector_store %arg27[%swap3A_107, %swap3A_108], %broadcast_in_dim3A_0 {strides = array<i32>} : memref<16x64xf32, #tpu.memory_space<vmem>>, vector<16xf32>,
    %swap3A_110 = arith.constant 5 : i32
    %swap3A_111 = arith.index_cast %swap3A_110 : i32 to index
    %swap3A_112 = arith.constant 32 : index
    %swap3A_113 = tpu.vector_load %arg27[%swap3A_111, %swap3A_112] {strides = array<i32>} : memref<16x64xf32, #tpu.memory_space<vmem>>, vector<16xf32>,
    tpu.vector_store %arg27[%swap3A_111, %swap3A_112], %broadcast_in_dim3A_0 {strides = array<i32>} : memref<16x64xf32, #tpu.memory_space<vmem>>, vector<16xf32>,
    %swap3A_114 = arith.constant 5 : i32
    %swap3A_115 = arith.index_cast %swap3A_114 : i32 to index
    %swap3A_116 = arith.constant 48 : index
    %swap3A_117 = tpu.vector_load %arg27[%swap3A_115, %swap3A_116] {strides = array<i32>} : memref<16x64xf32, #tpu.memory_space<vmem>>, vector<16xf32>,
    tpu.vector_store %arg27[%swap3A_115, %swap3A_116], %broadcast_in_dim3A_0 {strides = array<i32>} : memref<16x64xf32, #tpu.memory_space<vmem>>, vector<16xf32>,
    %swap3A_118 = arith.constant 5 : i32
    %swap3A_119 = arith.index_cast %swap3A_118 : i32 to index
    %swap3A_120 = arith.constant 0 : index
    %swap3A_121 = tpu.vector_load %arg28[%swap3A_119, %swap3A_120] {strides = array<i32>} : memref<16x16xf32, #tpu.memory_space<vmem>>, vector<16xf32>,
    tpu.vector_store %arg28[%swap3A_119, %swap3A_120], %broadcast_in_dim3A_0 {strides = array<i32>} : memref<16x16xf32, #tpu.memory_space<vmem>>, vector<16xf32>,
    %swap3A_122 = arith.constant 6 : i32
    %swap3A_123 = arith.index_cast %swap3A_122 : i32 to index
    %swap3A_124 = arith.constant 0 : index
    %swap3A_125 = tpu.vector_load %arg27[%swap3A_123, %swap3A_124] {strides = array<i32>} : memref<16x64xf32, #tpu.memory_space<vmem>>, vector<16xf32>,
    tpu.vector_store %arg27[%swap3A_123, %swap3A_124], %broadcast_in_dim3A_0 {strides = array<i32>} : memref<16x64xf32, #tpu.memory_space<vmem>>, vector<16xf32>,
    %swap3A_126 = arith.constant 6 : i32
    %swap3A_127 = arith.index_cast %swap3A_126 : i32 to index
    %swap3A_128 = arith.constant 16 : index
    %swap3A_129 = tpu.vector_load %arg27[%swap3A_127, %swap3A_128] {strides = array<i32>} : memref<16x64xf32, #tpu.memory_space<vmem>>, vector<16xf32>,
    tpu.vector_store %arg27[%swap3A_127, %swap3A_128], %broadcast_in_dim3A_0 {strides = array<i32>} : memref<16x64xf32, #tpu.memory_space<vmem>>, vector<16xf32>,
    %swap3A_130 = arith.constant 6 : i32
    %swap3A_131 = arith.index_cast %swap3A_130 : i32 to index
    %swap3A_132 = arith.constant 32 : index
    %swap3A_133 = tpu.vector_load %arg27[%swap3A_131, %swap3A_132] {strides = array<i32>} : memref<16x64xf32, #tpu.memory_space<vmem>>, vector<16xf32>,
    tpu.vector_store %arg27[%swap3A_131, %swap3A_132], %broadcast_in_dim3A_0 {strides = array<i32>} : memref<16x64xf32, #tpu.memory_space<vmem>>, vector<16xf32>,
    %swap3A_134 = arith.constant 6 : i32
    %swap3A_135 = arith.index_cast %swap3A_134 : i32 to index
    %swap3A_136 = arith.constant 48 : index
    %swap3A_137 = tpu.vector_load %arg27[%swap3A_135, %swap3A_136] {strides = array<i32>} : memref<16x64xf32, #tpu.memory_space<vmem>>, vector<16xf32>,
    tpu.vector_store %arg27[%swap3A_135, %swap3A_136], %broadcast_in_dim3A_0 {strides = array<i32>} : memref<16x64xf32, #tpu.memory_space<vmem>>, vector<16xf32>,
    %swap3A_138 = arith.constant 6 : i32
    %swap3A_139 = arith.index_cast %swap3A_138 : i32 to index
    %swap3A_140 = arith.constant 0 : index
    %swap3A_141 = tpu.vector_load %arg28[%swap3A_139, %swap3A_140] {strides = array<i32>} : memref<16x16xf32, #tpu.memory_space<vmem>>, vector<16xf32>,
    tpu.vector_store %arg28[%swap3A_139, %swap3A_140], %broadcast_in_dim3A_0 {strides = array<i32>} : memref<16x16xf32, #tpu.memory_space<vmem>>, vector<16xf32>,
    %swap3A_142 = arith.constant 7 : i32
    %swap3A_143 = arith.index_cast %swap3A_142 : i32 to index
    %swap3A_144 = arith.constant 0 : index
    %swap3A_145 = tpu.vector_load %arg27[%swap3A_143, %swap3A_144] {strides = array<i32>} : memref<16x64xf32, #tpu.memory_space<vmem>>, vector<16xf32>,
    tpu.vector_store %arg27[%swap3A_143, %swap3A_144], %broadcast_in_dim3A_0 {strides = array<i32>} : memref<16x64xf32, #tpu.memory_space<vmem>>, vector<16xf32>,
    %swap3A_146 = arith.constant 7 : i32
    %swap3A_147 = arith.index_cast %swap3A_146 : i32 to index
    %swap3A_148 = arith.constant 16 : index
    %swap3A_149 = tpu.vector_load %arg27[%swap3A_147, %swap3A_148] {strides = array<i32>} : memref<16x64xf32, #tpu.memory_space<vmem>>, vector<16xf32>,
    tpu.vector_store %arg27[%swap3A_147, %swap3A_148], %broadcast_in_dim3A_0 {strides = array<i32>} : memref<16x64xf32, #tpu.memory_space<vmem>>, vector<16xf32>,
    %swap3A_150 = arith.constant 7 : i32
    %swap3A_151 = arith.index_cast %swap3A_150 : i32 to index
    %swap3A_152 = arith.constant 32 : index
    %swap3A_153 = tpu.vector_load %arg27[%swap3A_151, %swap3A_152] {strides = array<i32>} : memref<16x64xf32, #tpu.memory_space<vmem>>, vector<16xf32>,
    tpu.vector_store %arg27[%swap3A_151, %swap3A_152], %broadcast_in_dim3A_0 {strides = array<i32>} : memref<16x64xf32, #tpu.memory_space<vmem>>, vector<16xf32>,
    %swap3A_154 = arith.constant 7 : i32
    %swap3A_155 = arith.index_cast %swap3A_154 : i32 to index
    %swap3A_156 = arith.constant 48 : index
    %swap3A_157 = tpu.vector_load %arg27[%swap3A_155, %swap3A_156] {strides = array<i32>} : memref<16x64xf32, #tpu.memory_space<vmem>>, vector<16xf32>,
    tpu.vector_store %arg27[%swap3A_155, %swap3A_156], %broadcast_in_dim3A_0 {strides = array<i32>} : memref<16x64xf32, #tpu.memory_space<vmem>>, vector<16xf32>,
    %swap3A_158 = arith.constant 7 : i32
    %swap3A_159 = arith.index_cast %swap3A_158 : i32 to index
    %swap3A_160 = arith.constant 0 : index
    %swap3A_161 = tpu.vector_load %arg28[%swap3A_159, %swap3A_160] {strides = array<i32>} : memref<16x16xf32, #tpu.memory_space<vmem>>, vector<16xf32>,
    tpu.vector_store %arg28[%swap3A_159, %swap3A_160], %broadcast_in_dim3A_0 {strides = array<i32>} : memref<16x16xf32, #tpu.memory_space<vmem>>, vector<16xf32>,
    %swap3A_162 = arith.constant 8 : i32
    %swap3A_163 = arith.index_cast %swap3A_162 : i32 to index
    %swap3A_164 = arith.constant 0 : index
    %swap3A_165 = tpu.vector_load %arg27[%swap3A_163, %swap3A_164] {strides = array<i32>} : memref<16x64xf32, #tpu.memory_space<vmem>>, vector<16xf32>,
    tpu.vector_store %arg27[%swap3A_163, %swap3A_164], %broadcast_in_dim3A_0 {strides = array<i32>} : memref<16x64xf32, #tpu.memory_space<vmem>>, vector<16xf32>,
    %swap3A_166 = arith.constant 8 : i32
    %swap3A_167 = arith.index_cast %swap3A_166 : i32 to index
    %swap3A_168 = arith.constant 16 : index
    %swap3A_169 = tpu.vector_load %arg27[%swap3A_167, %swap3A_168] {strides = array<i32>} : memref<16x64xf32, #tpu.memory_space<vmem>>, vector<16xf32>,
    tpu.vector_store %arg27[%swap3A_167, %swap3A_168], %broadcast_in_dim3A_0 {strides = array<i32>} : memref<16x64xf32, #tpu.memory_space<vmem>>, vector<16xf32>,
    %swap3A_170 = arith.constant 8 : i32
    %swap3A_171 = arith.index_cast %swap3A_170 : i32 to index
    %swap3A_172 = arith.constant 32 : index
    %swap3A_173 = tpu.vector_load %arg27[%swap3A_171, %swap3A_172] {strides = array<i32>} : memref<16x64xf32, #tpu.memory_space<vmem>>, vector<16xf32>,
    tpu.vector_store %arg27[%swap3A_171, %swap3A_172], %broadcast_in_dim3A_0 {strides = array<i32>} : memref<16x64xf32, #tpu.memory_space<vmem>>, vector<16xf32>,
    %swap3A_174 = arith.constant 8 : i32
    %swap3A_175 = arith.index_cast %swap3A_174 : i32 to index
    %swap3A_176 = arith.constant 48 : index
    %swap3A_177 = tpu.vector_load %arg27[%swap3A_175, %swap3A_176] {strides = array<i32>} : memref<16x64xf32, #tpu.memory_space<vmem>>, vector<16xf32>,
    tpu.vector_store %arg27[%swap3A_175, %swap3A_176], %broadcast_in_dim3A_0 {strides = array<i32>} : memref<16x64xf32, #tpu.memory_space<vmem>>, vector<16xf32>,
    %swap3A_178 = arith.constant 8 : i32
    %swap3A_179 = arith.index_cast %swap3A_178 : i32 to index
    %swap3A_180 = arith.constant 0 : index
    %swap3A_181 = tpu.vector_load %arg28[%swap3A_179, %swap3A_180] {strides = array<i32>} : memref<16x16xf32, #tpu.memory_space<vmem>>, vector<16xf32>,
    tpu.vector_store %arg28[%swap3A_179, %swap3A_180], %broadcast_in_dim3A_0 {strides = array<i32>} : memref<16x16xf32, #tpu.memory_space<vmem>>, vector<16xf32>,
    %swap3A_182 = arith.constant 9 : i32
    %swap3A_183 = arith.index_cast %swap3A_182 : i32 to index
    %swap3A_184 = arith.constant 0 : index
    %swap3A_185 = tpu.vector_load %arg27[%swap3A_183, %swap3A_184] {strides = array<i32>} : memref<16x64xf32, #tpu.memory_space<vmem>>, vector<16xf32>,
    tpu.vector_store %arg27[%swap3A_183, %swap3A_184], %broadcast_in_dim3A_0 {strides = array<i32>} : memref<16x64xf32, #tpu.memory_space<vmem>>, vector<16xf32>,
    %swap3A_186 = arith.constant 9 : i32
    %swap3A_187 = arith.index_cast %swap3A_186 : i32 to index
    %swap3A_188 = arith.constant 16 : index
    %swap3A_189 = tpu.vector_load %arg27[%swap3A_187, %swap3A_188] {strides = array<i32>} : memref<16x64xf32, #tpu.memory_space<vmem>>, vector<16xf32>,
    tpu.vector_store %arg27[%swap3A_187, %swap3A_188], %broadcast_in_dim3A_0 {strides = array<i32>} : memref<16x64xf32, #tpu.memory_space<vmem>>, vector<16xf32>,
    %swap3A_190 = arith.constant 9 : i32
    %swap3A_191 = arith.index_cast %swap3A_190 : i32 to index
    %swap3A_192 = arith.constant 32 : index
    %swap3A_193 = tpu.vector_load %arg27[%swap3A_191, %swap3A_192] {strides = array<i32>} : memref<16x64xf32, #tpu.memory_space<vmem>>, vector<16xf32>,
    tpu.vector_store %arg27[%swap3A_191, %swap3A_192], %broadcast_in_dim3A_0 {strides = array<i32>} : memref<16x64xf32, #tpu.memory_space<vmem>>, vector<16xf32>,
    %swap3A_194 = arith.constant 9 : i32
    %swap3A_195 = arith.index_cast %swap3A_194 : i32 to index
    %swap3A_196 = arith.constant 48 : index
    %swap3A_197 = tpu.vector_load %arg27[%swap3A_195, %swap3A_196] {strides = array<i32>} : memref<16x64xf32, #tpu.memory_space<vmem>>, vector<16xf32>,
    tpu.vector_store %arg27[%swap3A_195, %swap3A_196], %broadcast_in_dim3A_0 {strides = array<i32>} : memref<16x64xf32, #tpu.memory_space<vmem>>, vector<16xf32>,
    %swap3A_198 = arith.constant 9 : i32
    %swap3A_199 = arith.index_cast %swap3A_198 : i32 to index
    %swap3A_200 = arith.constant 0 : index
    %swap3A_201 = tpu.vector_load %arg28[%swap3A_199, %swap3A_200] {strides = array<i32>} : memref<16x16xf32, #tpu.memory_space<vmem>>, vector<16xf32>,
    tpu.vector_store %arg28[%swap3A_199, %swap3A_200], %broadcast_in_dim3A_0 {strides = array<i32>} : memref<16x16xf32, #tpu.memory_space<vmem>>, vector<16xf32>,
    %swap3A_202 = arith.constant 10 : i32
    %swap3A_203 = arith.index_cast %swap3A_202 : i32 to index
    %swap3A_204 = arith.constant 0 : index
    %swap3A_205 = tpu.vector_load %arg27[%swap3A_203, %swap3A_204] {strides = array<i32>} : memref<16x64xf32, #tpu.memory_space<vmem>>, vector<16xf32>,
    tpu.vector_store %arg27[%swap3A_203, %swap3A_204], %broadcast_in_dim3A_0 {strides = array<i32>} : memref<16x64xf32, #tpu.memory_space<vmem>>, vector<16xf32>,
    %swap3A_206 = arith.constant 10 : i32
    %swap3A_207 = arith.index_cast %swap3A_206 : i32 to index
    %swap3A_208 = arith.constant 16 : index
    %swap3A_209 = tpu.vector_load %arg27[%swap3A_207, %swap3A_208] {strides = array<i32>} : memref<16x64xf32, #tpu.memory_space<vmem>>, vector<16xf32>,
    tpu.vector_store %arg27[%swap3A_207, %swap3A_208], %broadcast_in_dim3A_0 {strides = array<i32>} : memref<16x64xf32, #tpu.memory_space<vmem>>, vector<16xf32>,
    %swap3A_210 = arith.constant 10 : i32
    %swap3A_211 = arith.index_cast %swap3A_210 : i32 to index
    %swap3A_212 = arith.constant 32 : index
    %swap3A_213 = tpu.vector_load %arg27[%swap3A_211, %swap3A_212] {strides = array<i32>} : memref<16x64xf32, #tpu.memory_space<vmem>>, vector<16xf32>,
    tpu.vector_store %arg27[%swap3A_211, %swap3A_212], %broadcast_in_dim3A_0 {strides = array<i32>} : memref<16x64xf32, #tpu.memory_space<vmem>>, vector<16xf32>,
    %swap3A_214 = arith.constant 10 : i32
    %swap3A_215 = arith.index_cast %swap3A_214 : i32 to index
    %swap3A_216 = arith.constant 48 : index
    %swap3A_217 = tpu.vector_load %arg27[%swap3A_215, %swap3A_216] {strides = array<i32>} : memref<16x64xf32, #tpu.memory_space<vmem>>, vector<16xf32>,
    tpu.vector_store %arg27[%swap3A_215, %swap3A_216], %broadcast_in_dim3A_0 {strides = array<i32>} : memref<16x64xf32, #tpu.memory_space<vmem>>, vector<16xf32>,
    %swap3A_218 = arith.constant 10 : i32
    %swap3A_219 = arith.index_cast %swap3A_218 : i32 to index
    %swap3A_220 = arith.constant 0 : index
    %swap3A_221 = tpu.vector_load %arg28[%swap3A_219, %swap3A_220] {strides = array<i32>} : memref<16x16xf32, #tpu.memory_space<vmem>>, vector<16xf32>,
    tpu.vector_store %arg28[%swap3A_219, %swap3A_220], %broadcast_in_dim3A_0 {strides = array<i32>} : memref<16x16xf32, #tpu.memory_space<vmem>>, vector<16xf32>,
    %swap3A_222 = arith.constant 11 : i32
    %swap3A_223 = arith.index_cast %swap3A_222 : i32 to index
    %swap3A_224 = arith.constant 0 : index
    %swap3A_225 = tpu.vector_load %arg27[%swap3A_223, %swap3A_224] {strides = array<i32>} : memref<16x64xf32, #tpu.memory_space<vmem>>, vector<16xf32>,
    tpu.vector_store %arg27[%swap3A_223, %swap3A_224], %broadcast_in_dim3A_0 {strides = array<i32>} : memref<16x64xf32, #tpu.memory_space<vmem>>, vector<16xf32>,
    %swap3A_226 = arith.constant 11 : i32
    %swap3A_227 = arith.index_cast %swap3A_226 : i32 to index
    %swap3A_228 = arith.constant 16 : index
    %swap3A_229 = tpu.vector_load %arg27[%swap3A_227, %swap3A_228] {strides = array<i32>} : memref<16x64xf32, #tpu.memory_space<vmem>>, vector<16xf32>,
    tpu.vector_store %arg27[%swap3A_227, %swap3A_228], %broadcast_in_dim3A_0 {strides = array<i32>} : memref<16x64xf32, #tpu.memory_space<vmem>>, vector<16xf32>,
    %swap3A_230 = arith.constant 11 : i32
    %swap3A_231 = arith.index_cast %swap3A_230 : i32 to index
    %swap3A_232 = arith.constant 32 : index
    %swap3A_233 = tpu.vector_load %arg27[%swap3A_231, %swap3A_232] {strides = array<i32>} : memref<16x64xf32, #tpu.memory_space<vmem>>, vector<16xf32>,
    tpu.vector_store %arg27[%swap3A_231, %swap3A_232], %broadcast_in_dim3A_0 {strides = array<i32>} : memref<16x64xf32, #tpu.memory_space<vmem>>, vector<16xf32>,
    %swap3A_234 = arith.constant 11 : i32
    %swap3A_235 = arith.index_cast %swap3A_234 : i32 to index
    %swap3A_236 = arith.constant 48 : index
    %swap3A_237 = tpu.vector_load %arg27[%swap3A_235, %swap3A_236] {strides = array<i32>} : memref<16x64xf32, #tpu.memory_space<vmem>>, vector<16xf32>,
    tpu.vector_store %arg27[%swap3A_235, %swap3A_236], %broadcast_in_dim3A_0 {strides = array<i32>} : memref<16x64xf32, #tpu.memory_space<vmem>>, vector<16xf32>,
    %swap3A_238 = arith.constant 11 : i32
    %swap3A_239 = arith.index_cast %swap3A_238 : i32 to index
    %swap3A_240 = arith.constant 0 : index
    %swap3A_241 = tpu.vector_load %arg28[%swap3A_239, %swap3A_240] {strides = array<i32>} : memref<16x16xf32, #tpu.memory_space<vmem>>, vector<16xf32>,
    tpu.vector_store %arg28[%swap3A_239, %swap3A_240], %broadcast_in_dim3A_0 {strides = array<i32>} : memref<16x16xf32, #tpu.memory_space<vmem>>, vector<16xf32>,
    %swap3A_242 = arith.constant 12 : i32
    %swap3A_243 = arith.index_cast %swap3A_242 : i32 to index
    %swap3A_244 = arith.constant 0 : index
    %swap3A_245 = tpu.vector_load %arg27[%swap3A_243, %swap3A_244] {strides = array<i32>} : memref<16x64xf32, #tpu.memory_space<vmem>>, vector<16xf32>,
    tpu.vector_store %arg27[%swap3A_243, %swap3A_244], %broadcast_in_dim3A_0 {strides = array<i32>} : memref<16x64xf32, #tpu.memory_space<vmem>>, vector<16xf32>,
    %swap3A_246 = arith.constant 12 : i32
    %swap3A_247 = arith.index_cast %swap3A_246 : i32 to index
    %swap3A_248 = arith.constant 16 : index
    %swap3A_249 = tpu.vector_load %arg27[%swap3A_247, %swap3A_248] {strides = array<i32>} : memref<16x64xf32, #tpu.memory_space<vmem>>, vector<16xf32>,
    tpu.vector_store %arg27[%swap3A_247, %swap3A_248], %broadcast_in_dim3A_0 {strides = array<i32>} : memref<16x64xf32, #tpu.memory_space<vmem>>, vector<16xf32>,
    %swap3A_250 = arith.constant 12 : i32
    %swap3A_251 = arith.index_cast %swap3A_250 : i32 to index
    %swap3A_252 = arith.constant 32 : index
    %swap3A_253 = tpu.vector_load %arg27[%swap3A_251, %swap3A_252] {strides = array<i32>} : memref<16x64xf32, #tpu.memory_space<vmem>>, vector<16xf32>,
    tpu.vector_store %arg27[%swap3A_251, %swap3A_252], %broadcast_in_dim3A_0 {strides = array<i32>} : memref<16x64xf32, #tpu.memory_space<vmem>>, vector<16xf32>,
    %swap3A_254 = arith.constant 12 : i32
    %swap3A_255 = arith.index_cast %swap3A_254 : i32 to index
    %swap3A_256 = arith.constant 48 : index
    %swap3A_257 = tpu.vector_load %arg27[%swap3A_255, %swap3A_256] {strides = array<i32>} : memref<16x64xf32, #tpu.memory_space<vmem>>, vector<16xf32>,
    tpu.vector_store %arg27[%swap3A_255, %swap3A_256], %broadcast_in_dim3A_0 {strides = array<i32>} : memref<16x64xf32, #tpu.memory_space<vmem>>, vector<16xf32>,
    %swap3A_258 = arith.constant 12 : i32
    %swap3A_259 = arith.index_cast %swap3A_258 : i32 to index
    %swap3A_260 = arith.constant 0 : index
    %swap3A_261 = tpu.vector_load %arg28[%swap3A_259, %swap3A_260] {strides = array<i32>} : memref<16x16xf32, #tpu.memory_space<vmem>>, vector<16xf32>,
    tpu.vector_store %arg28[%swap3A_259, %swap3A_260], %broadcast_in_dim3A_0 {strides = array<i32>} : memref<16x16xf32, #tpu.memory_space<vmem>>, vector<16xf32>,
    %swap3A_262 = arith.constant 13 : i32
    %swap3A_263 = arith.index_cast %swap3A_262 : i32 to index
    %swap3A_264 = arith.constant 0 : index
    %swap3A_265 = tpu.vector_load %arg27[%swap3A_263, %swap3A_264] {strides = array<i32>} : memref<16x64xf32, #tpu.memory_space<vmem>>, vector<16xf32>,
    tpu.vector_store %arg27[%swap3A_263, %swap3A_264], %broadcast_in_dim3A_0 {strides = array<i32>} : memref<16x64xf32, #tpu.memory_space<vmem>>, vector<16xf32>,
    %swap3A_266 = arith.constant 13 : i32
    %swap3A_267 = arith.index_cast %swap3A_266 : i32 to index
    %swap3A_268 = arith.constant 16 : index
    %swap3A_269 = tpu.vector_load %arg27[%swap3A_267, %swap3A_268] {strides = array<i32>} : memref<16x64xf32, #tpu.memory_space<vmem>>, vector<16xf32>,
    tpu.vector_store %arg27[%swap3A_267, %swap3A_268], %broadcast_in_dim3A_0 {strides = array<i32>} : memref<16x64xf32, #tpu.memory_space<vmem>>, vector<16xf32>,
    %swap3A_270 = arith.constant 13 : i32
    %swap3A_271 = arith.index_cast %swap3A_270 : i32 to index
    %swap3A_272 = arith.constant 32 : index
    %swap3A_273 = tpu.vector_load %arg27[%swap3A_271, %swap3A_272] {strides = array<i32>} : memref<16x64xf32, #tpu.memory_space<vmem>>, vector<16xf32>,
    tpu.vector_store %arg27[%swap3A_271, %swap3A_272], %broadcast_in_dim3A_0 {strides = array<i32>} : memref<16x64xf32, #tpu.memory_space<vmem>>, vector<16xf32>,
    %swap3A_274 = arith.constant 13 : i32
    %swap3A_275 = arith.index_cast %swap3A_274 : i32 to index
    %swap3A_276 = arith.constant 48 : index
    %swap3A_277 = tpu.vector_load %arg27[%swap3A_275, %swap3A_276] {strides = array<i32>} : memref<16x64xf32, #tpu.memory_space<vmem>>, vector<16xf32>,
    tpu.vector_store %arg27[%swap3A_275, %swap3A_276], %broadcast_in_dim3A_0 {strides = array<i32>} : memref<16x64xf32, #tpu.memory_space<vmem>>, vector<16xf32>,
    %swap3A_278 = arith.constant 13 : i32
    %swap3A_279 = arith.index_cast %swap3A_278 : i32 to index
    %swap3A_280 = arith.constant 0 : index
    %swap3A_281 = tpu.vector_load %arg28[%swap3A_279, %swap3A_280] {strides = array<i32>} : memref<16x16xf32, #tpu.memory_space<vmem>>, vector<16xf32>,
    tpu.vector_store %arg28[%swap3A_279, %swap3A_280], %broadcast_in_dim3A_0 {strides = array<i32>} : memref<16x16xf32, #tpu.memory_space<vmem>>, vector<16xf32>,
    %swap3A_282 = arith.constant 14 : i32
    %swap3A_283 = arith.index_cast %swap3A_282 : i32 to index
    %swap3A_284 = arith.constant 0 : index
    %swap3A_285 = tpu.vector_load %arg27[%swap3A_283, %swap3A_284] {strides = array<i32>} : memref<16x64xf32, #tpu.memory_space<vmem>>, vector<16xf32>,
    tpu.vector_store %arg27[%swap3A_283, %swap3A_284], %broadcast_in_dim3A_0 {strides = array<i32>} : memref<16x64xf32, #tpu.memory_space<vmem>>, vector<16xf32>,
    %swap3A_286 = arith.constant 14 : i32
    %swap3A_287 = arith.index_cast %swap3A_286 : i32 to index
    %swap3A_288 = arith.constant 16 : index
    %swap3A_289 = tpu.vector_load %arg27[%swap3A_287, %swap3A_288] {strides = array<i32>} : memref<16x64xf32, #tpu.memory_space<vmem>>, vector<16xf32>,
    tpu.vector_store %arg27[%swap3A_287, %swap3A_288], %broadcast_in_dim3A_0 {strides = array<i32>} : memref<16x64xf32, #tpu.memory_space<vmem>>, vector<16xf32>,
    %swap3A_290 = arith.constant 14 : i32
    %swap3A_291 = arith.index_cast %swap3A_290 : i32 to index
    %swap3A_292 = arith.constant 32 : index
    %swap3A_293 = tpu.vector_load %arg27[%swap3A_291, %swap3A_292] {strides = array<i32>} : memref<16x64xf32, #tpu.memory_space<vmem>>, vector<16xf32>,
    tpu.vector_store %arg27[%swap3A_291, %swap3A_292], %broadcast_in_dim3A_0 {strides = array<i32>} : memref<16x64xf32, #tpu.memory_space<vmem>>, vector<16xf32>,
    %swap3A_294 = arith.constant 14 : i32
    %swap3A_295 = arith.index_cast %swap3A_294 : i32 to index
    %swap3A_296 = arith.constant 48 : index
    %swap3A_297 = tpu.vector_load %arg27[%swap3A_295, %swap3A_296] {strides = array<i32>} : memref<16x64xf32, #tpu.memory_space<vmem>>, vector<16xf32>,
    tpu.vector_store %arg27[%swap3A_295, %swap3A_296], %broadcast_in_dim3A_0 {strides = array<i32>} : memref<16x64xf32, #tpu.memory_space<vmem>>, vector<16xf32>,
    %swap3A_298 = arith.constant 14 : i32
    %swap3A_299 = arith.index_cast %swap3A_298 : i32 to index
    %swap3A_300 = arith.constant 0 : index
    %swap3A_301 = tpu.vector_load %arg28[%swap3A_299, %swap3A_300] {strides = array<i32>} : memref<16x16xf32, #tpu.memory_space<vmem>>, vector<16xf32>,
    tpu.vector_store %arg28[%swap3A_299, %swap3A_300], %broadcast_in_dim3A_0 {strides = array<i32>} : memref<16x16xf32, #tpu.memory_space<vmem>>, vector<16xf32>,
    %swap3A_302 = arith.constant 15 : i32
    %swap3A_303 = arith.index_cast %swap3A_302 : i32 to index
    %swap3A_304 = arith.constant 0 : index
    %swap3A_305 = tpu.vector_load %arg27[%swap3A_303, %swap3A_304] {strides = array<i32>} : memref<16x64xf32, #tpu.memory_space<vmem>>, vector<16xf32>,
    tpu.vector_store %arg27[%swap3A_303, %swap3A_304], %broadcast_in_dim3A_0 {strides = array<i32>} : memref<16x64xf32, #tpu.memory_space<vmem>>, vector<16xf32>,
    %swap3A_306 = arith.constant 15 : i32
    %swap3A_307 = arith.index_cast %swap3A_306 : i32 to index
    %swap3A_308 = arith.constant 16 : index
    %swap3A_309 = tpu.vector_load %arg27[%swap3A_307, %swap3A_308] {strides = array<i32>} : memref<16x64xf32, #tpu.memory_space<vmem>>, vector<16xf32>,
    tpu.vector_store %arg27[%swap3A_307, %swap3A_308], %broadcast_in_dim3A_0 {strides = array<i32>} : memref<16x64xf32, #tpu.memory_space<vmem>>, vector<16xf32>,
    %swap3A_310 = arith.constant 15 : i32
    %swap3A_311 = arith.index_cast %swap3A_310 : i32 to index
    %swap3A_312 = arith.constant 32 : index
    %swap3A_313 = tpu.vector_load %arg27[%swap3A_311, %swap3A_312] {strides = array<i32>} : memref<16x64xf32, #tpu.memory_space<vmem>>, vector<16xf32>,
    tpu.vector_store %arg27[%swap3A_311, %swap3A_312], %broadcast_in_dim3A_0 {strides = array<i32>} : memref<16x64xf32, #tpu.memory_space<vmem>>, vector<16xf32>,
    %swap3A_314 = arith.constant 15 : i32
    %swap3A_315 = arith.index_cast %swap3A_314 : i32 to index
    %swap3A_316 = arith.constant 48 : index
    %swap3A_317 = tpu.vector_load %arg27[%swap3A_315, %swap3A_316] {strides = array<i32>} : memref<16x64xf32, #tpu.memory_space<vmem>>, vector<16xf32>,
    tpu.vector_store %arg27[%swap3A_315, %swap3A_316], %broadcast_in_dim3A_0 {strides = array<i32>} : memref<16x64xf32, #tpu.memory_space<vmem>>, vector<16xf32>,
    %swap3A_318 = arith.constant 15 : i32
    %swap3A_319 = arith.index_cast %swap3A_318 : i32 to index
    %swap3A_320 = arith.constant 0 : index
    %swap3A_321 = tpu.vector_load %arg28[%swap3A_319, %swap3A_320] {strides = array<i32>} : memref<16x16xf32, #tpu.memory_space<vmem>>, vector<16xf32>,
    tpu.vector_store %arg28[%swap3A_319, %swap3A_320], %broadcast_in_dim3A_0 {strides = array<i32>} : memref<16x16xf32, #tpu.memory_space<vmem>>, vector<16xf32>,
    %swap3A_322 = arith.constant 0 : i32
    %swap3A_323 = arith.index_cast %swap3A_322 : i32 to index
    %swap3A_324 = arith.constant 0 : index
    %swap3A_325 = tpu.vector_load %arg25[%swap3A_323, %swap3A_324] {strides = array<i32>} : memref<80x16xf32, #tpu.memory_space<vmem>>, vector<16xf32>,
    tpu.vector_store %arg25[%swap3A_323, %swap3A_324], %broadcast_in_dim3A_0 {strides = array<i32>} : memref<80x16xf32, #tpu.memory_space<vmem>>, vector<16xf32>,
    %swap3A_326 = arith.constant 0 : i32
    %swap3A_327 = arith.index_cast %swap3A_326 : i32 to index
    %swap3A_328 = arith.constant 0 : index
    %swap3A_329 = tpu.vector_load %arg26[%swap3A_327, %swap3A_328] {strides = array<i32>} : memref<80x16xf32, #tpu.memory_space<vmem>>, vector<16xf32>,
    tpu.vector_store %arg26[%swap3A_327, %swap3A_328], %broadcast_in_dim3A_0 {strides = array<i32>} : memref<80x16xf32, #tpu.memory_space<vmem>>, vector<16xf32>,
    %swap3A_330 = arith.constant 1 : i32
    %swap3A_331 = arith.index_cast %swap3A_330 : i32 to index
    %swap3A_332 = arith.constant 0 : index
    %swap3A_333 = tpu.vector_load %arg25[%swap3A_331, %swap3A_332] {strides = array<i32>} : memref<80x16xf32, #tpu.memory_space<vmem>>, vector<16xf32>,
    tpu.vector_store %arg25[%swap3A_331, %swap3A_332], %broadcast_in_dim3A_0 {strides = array<i32>} : memref<80x16xf32, #tpu.memory_space<vmem>>, vector<16xf32>,
    %swap3A_334 = arith.constant 1 : i32
    %swap3A_335 = arith.index_cast %swap3A_334 : i32 to index
    %swap3A_336 = arith.constant 0 : index
    %swap3A_337 = tpu.vector_load %arg26[%swap3A_335, %swap3A_336] {strides = array<i32>} : memref<80x16xf32, #tpu.memory_space<vmem>>, vector<16xf32>,
    tpu.vector_store %arg26[%swap3A_335, %swap3A_336], %broadcast_in_dim3A_0 {strides = array<i32>} : memref<80x16xf32, #tpu.memory_space<vmem>>, vector<16xf32>,
    %swap3A_338 = arith.constant 2 : i32
    %swap3A_339 = arith.index_cast %swap3A_338 : i32 to index
    %swap3A_340 = arith.constant 0 : index
    %swap3A_341 = tpu.vector_load %arg25[%swap3A_339, %swap3A_340] {strides = array<i32>} : memref<80x16xf32, #tpu.memory_space<vmem>>, vector<16xf32>,
    tpu.vector_store %arg25[%swap3A_339, %swap3A_340], %broadcast_in_dim3A_0 {strides = array<i32>} : memref<80x16xf32, #tpu.memory_space<vmem>>, vector<16xf32>,
    %swap3A_342 = arith.constant 2 : i32
    %swap3A_343 = arith.index_cast %swap3A_342 : i32 to index
    %swap3A_344 = arith.constant 0 : index
    %swap3A_345 = tpu.vector_load %arg26[%swap3A_343, %swap3A_344] {strides = array<i32>} : memref<80x16xf32, #tpu.memory_space<vmem>>, vector<16xf32>,
    tpu.vector_store %arg26[%swap3A_343, %swap3A_344], %broadcast_in_dim3A_0 {strides = array<i32>} : memref<80x16xf32, #tpu.memory_space<vmem>>, vector<16xf32>,
    %swap3A_346 = arith.constant 3 : i32
    %swap3A_347 = arith.index_cast %swap3A_346 : i32 to index
    %swap3A_348 = arith.constant 0 : index
    %swap3A_349 = tpu.vector_load %arg25[%swap3A_347, %swap3A_348] {strides = array<i32>} : memref<80x16xf32, #tpu.memory_space<vmem>>, vector<16xf32>,
    tpu.vector_store %arg25[%swap3A_347, %swap3A_348], %broadcast_in_dim3A_0 {strides = array<i32>} : memref<80x16xf32, #tpu.memory_space<vmem>>, vector<16xf32>,
    %swap3A_350 = arith.constant 3 : i32
    %swap3A_351 = arith.index_cast %swap3A_350 : i32 to index
    %swap3A_352 = arith.constant 0 : index
    %swap3A_353 = tpu.vector_load %arg26[%swap3A_351, %swap3A_352] {strides = array<i32>} : memref<80x16xf32, #tpu.memory_space<vmem>>, vector<16xf32>,
    tpu.vector_store %arg26[%swap3A_351, %swap3A_352], %broadcast_in_dim3A_0 {strides = array<i32>} : memref<80x16xf32, #tpu.memory_space<vmem>>, vector<16xf32>,
    %swap3A_354 = arith.constant 4 : i32
    %swap3A_355 = arith.index_cast %swap3A_354 : i32 to index
    %swap3A_356 = arith.constant 0 : index
    %swap3A_357 = tpu.vector_load %arg25[%swap3A_355, %swap3A_356] {strides = array<i32>} : memref<80x16xf32, #tpu.memory_space<vmem>>, vector<16xf32>,
    tpu.vector_store %arg25[%swap3A_355, %swap3A_356], %broadcast_in_dim3A_0 {strides = array<i32>} : memref<80x16xf32, #tpu.memory_space<vmem>>, vector<16xf32>,
    %swap3A_358 = arith.constant 4 : i32
    %swap3A_359 = arith.index_cast %swap3A_358 : i32 to index
    %swap3A_360 = arith.constant 0 : index
    %swap3A_361 = tpu.vector_load %arg26[%swap3A_359, %swap3A_360] {strides = array<i32>} : memref<80x16xf32, #tpu.memory_space<vmem>>, vector<16xf32>,
    tpu.vector_store %arg26[%swap3A_359, %swap3A_360], %broadcast_in_dim3A_0 {strides = array<i32>} : memref<80x16xf32, #tpu.memory_space<vmem>>, vector<16xf32>,
    %swap3A_362 = arith.constant 5 : i32
    %swap3A_363 = arith.index_cast %swap3A_362 : i32 to index
    %swap3A_364 = arith.constant 0 : index
    %swap3A_365 = tpu.vector_load %arg25[%swap3A_363, %swap3A_364] {strides = array<i32>} : memref<80x16xf32, #tpu.memory_space<vmem>>, vector<16xf32>,
    tpu.vector_store %arg25[%swap3A_363, %swap3A_364], %broadcast_in_dim3A_0 {strides = array<i32>} : memref<80x16xf32, #tpu.memory_space<vmem>>, vector<16xf32>,
    %swap3A_366 = arith.constant 5 : i32
    %swap3A_367 = arith.index_cast %swap3A_366 : i32 to index
    %swap3A_368 = arith.constant 0 : index
    %swap3A_369 = tpu.vector_load %arg26[%swap3A_367, %swap3A_368] {strides = array<i32>} : memref<80x16xf32, #tpu.memory_space<vmem>>, vector<16xf32>,
    tpu.vector_store %arg26[%swap3A_367, %swap3A_368], %broadcast_in_dim3A_0 {strides = array<i32>} : memref<80x16xf32, #tpu.memory_space<vmem>>, vector<16xf32>,
    %swap3A_370 = arith.constant 6 : i32
    %swap3A_371 = arith.index_cast %swap3A_370 : i32 to index
    %swap3A_372 = arith.constant 0 : index
    %swap3A_373 = tpu.vector_load %arg25[%swap3A_371, %swap3A_372] {strides = array<i32>} : memref<80x16xf32, #tpu.memory_space<vmem>>, vector<16xf32>,
    tpu.vector_store %arg25[%swap3A_371, %swap3A_372], %broadcast_in_dim3A_0 {strides = array<i32>} : memref<80x16xf32, #tpu.memory_space<vmem>>, vector<16xf32>,
    %swap3A_374 = arith.constant 6 : i32
    %swap3A_375 = arith.index_cast %swap3A_374 : i32 to index
    %swap3A_376 = arith.constant 0 : index
    %swap3A_377 = tpu.vector_load %arg26[%swap3A_375, %swap3A_376] {strides = array<i32>} : memref<80x16xf32, #tpu.memory_space<vmem>>, vector<16xf32>,
    tpu.vector_store %arg26[%swap3A_375, %swap3A_376], %broadcast_in_dim3A_0 {strides = array<i32>} : memref<80x16xf32, #tpu.memory_space<vmem>>, vector<16xf32>,
    %swap3A_378 = arith.constant 7 : i32
    %swap3A_379 = arith.index_cast %swap3A_378 : i32 to index
    %swap3A_380 = arith.constant 0 : index
    %swap3A_381 = tpu.vector_load %arg25[%swap3A_379, %swap3A_380] {strides = array<i32>} : memref<80x16xf32, #tpu.memory_space<vmem>>, vector<16xf32>,
    tpu.vector_store %arg25[%swap3A_379, %swap3A_380], %broadcast_in_dim3A_0 {strides = array<i32>} : memref<80x16xf32, #tpu.memory_space<vmem>>, vector<16xf32>,
    %swap3A_382 = arith.constant 7 : i32
    %swap3A_383 = arith.index_cast %swap3A_382 : i32 to index
    %swap3A_384 = arith.constant 0 : index
    %swap3A_385 = tpu.vector_load %arg26[%swap3A_383, %swap3A_384] {strides = array<i32>} : memref<80x16xf32, #tpu.memory_space<vmem>>, vector<16xf32>,
    tpu.vector_store %arg26[%swap3A_383, %swap3A_384], %broadcast_in_dim3A_0 {strides = array<i32>} : memref<80x16xf32, #tpu.memory_space<vmem>>, vector<16xf32>,
    %swap3A_386 = arith.constant 8 : i32
    %swap3A_387 = arith.index_cast %swap3A_386 : i32 to index
    %swap3A_388 = arith.constant 0 : index
    %swap3A_389 = tpu.vector_load %arg25[%swap3A_387, %swap3A_388] {strides = array<i32>} : memref<80x16xf32, #tpu.memory_space<vmem>>, vector<16xf32>,
    tpu.vector_store %arg25[%swap3A_387, %swap3A_388], %broadcast_in_dim3A_0 {strides = array<i32>} : memref<80x16xf32, #tpu.memory_space<vmem>>, vector<16xf32>,
    %swap3A_390 = arith.constant 8 : i32
    %swap3A_391 = arith.index_cast %swap3A_390 : i32 to index
    %swap3A_392 = arith.constant 0 : index
    %swap3A_393 = tpu.vector_load %arg26[%swap3A_391, %swap3A_392] {strides = array<i32>} : memref<80x16xf32, #tpu.memory_space<vmem>>, vector<16xf32>,
    tpu.vector_store %arg26[%swap3A_391, %swap3A_392], %broadcast_in_dim3A_0 {strides = array<i32>} : memref<80x16xf32, #tpu.memory_space<vmem>>, vector<16xf32>,
    %swap3A_394 = arith.constant 9 : i32
    %swap3A_395 = arith.index_cast %swap3A_394 : i32 to index
    %swap3A_396 = arith.constant 0 : index
    %swap3A_397 = tpu.vector_load %arg25[%swap3A_395, %swap3A_396] {strides = array<i32>} : memref<80x16xf32, #tpu.memory_space<vmem>>, vector<16xf32>,
    tpu.vector_store %arg25[%swap3A_395, %swap3A_396], %broadcast_in_dim3A_0 {strides = array<i32>} : memref<80x16xf32, #tpu.memory_space<vmem>>, vector<16xf32>,
    %swap3A_398 = arith.constant 9 : i32
    %swap3A_399 = arith.index_cast %swap3A_398 : i32 to index
    %swap3A_400 = arith.constant 0 : index
    %swap3A_401 = tpu.vector_load %arg26[%swap3A_399, %swap3A_400] {strides = array<i32>} : memref<80x16xf32, #tpu.memory_space<vmem>>, vector<16xf32>,
    tpu.vector_store %arg26[%swap3A_399, %swap3A_400], %broadcast_in_dim3A_0 {strides = array<i32>} : memref<80x16xf32, #tpu.memory_space<vmem>>, vector<16xf32>,
    %swap3A_402 = arith.constant 10 : i32
    %swap3A_403 = arith.index_cast %swap3A_402 : i32 to index
    %swap3A_404 = arith.constant 0 : index
    %swap3A_405 = tpu.vector_load %arg25[%swap3A_403, %swap3A_404] {strides = array<i32>} : memref<80x16xf32, #tpu.memory_space<vmem>>, vector<16xf32>,
    tpu.vector_store %arg25[%swap3A_403, %swap3A_404], %broadcast_in_dim3A_0 {strides = array<i32>} : memref<80x16xf32, #tpu.memory_space<vmem>>, vector<16xf32>,
    %swap3A_406 = arith.constant 10 : i32
    %swap3A_407 = arith.index_cast %swap3A_406 : i32 to index
    %swap3A_408 = arith.constant 0 : index
    %swap3A_409 = tpu.vector_load %arg26[%swap3A_407, %swap3A_408] {strides = array<i32>} : memref<80x16xf32, #tpu.memory_space<vmem>>, vector<16xf32>,
    tpu.vector_store %arg26[%swap3A_407, %swap3A_408], %broadcast_in_dim3A_0 {strides = array<i32>} : memref<80x16xf32, #tpu.memory_space<vmem>>, vector<16xf32>,
    %swap3A_410 = arith.constant 11 : i32
    %swap3A_411 = arith.index_cast %swap3A_410 : i32 to index
    %swap3A_412 = arith.constant 0 : index
    %swap3A_413 = tpu.vector_load %arg25[%swap3A_411, %swap3A_412] {strides = array<i32>} : memref<80x16xf32, #tpu.memory_space<vmem>>, vector<16xf32>,
    tpu.vector_store %arg25[%swap3A_411, %swap3A_412], %broadcast_in_dim3A_0 {strides = array<i32>} : memref<80x16xf32, #tpu.memory_space<vmem>>, vector<16xf32>,
    %swap3A_414 = arith.constant 11 : i32
    %swap3A_415 = arith.index_cast %swap3A_414 : i32 to index
    %swap3A_416 = arith.constant 0 : index
    %swap3A_417 = tpu.vector_load %arg26[%swap3A_415, %swap3A_416] {strides = array<i32>} : memref<80x16xf32, #tpu.memory_space<vmem>>, vector<16xf32>,
    tpu.vector_store %arg26[%swap3A_415, %swap3A_416], %broadcast_in_dim3A_0 {strides = array<i32>} : memref<80x16xf32, #tpu.memory_space<vmem>>, vector<16xf32>,
    %swap3A_418 = arith.constant 12 : i32
    %swap3A_419 = arith.index_cast %swap3A_418 : i32 to index
    %swap3A_420 = arith.constant 0 : index
    %swap3A_421 = tpu.vector_load %arg25[%swap3A_419, %swap3A_420] {strides = array<i32>} : memref<80x16xf32, #tpu.memory_space<vmem>>, vector<16xf32>,
    tpu.vector_store %arg25[%swap3A_419, %swap3A_420], %broadcast_in_dim3A_0 {strides = array<i32>} : memref<80x16xf32, #tpu.memory_space<vmem>>, vector<16xf32>,
    %swap3A_422 = arith.constant 12 : i32
    %swap3A_423 = arith.index_cast %swap3A_422 : i32 to index
    %swap3A_424 = arith.constant 0 : index
    %swap3A_425 = tpu.vector_load %arg26[%swap3A_423, %swap3A_424] {strides = array<i32>} : memref<80x16xf32, #tpu.memory_space<vmem>>, vector<16xf32>,
    tpu.vector_store %arg26[%swap3A_423, %swap3A_424], %broadcast_in_dim3A_0 {strides = array<i32>} : memref<80x16xf32, #tpu.memory_space<vmem>>, vector<16xf32>,
    %swap3A_426 = arith.constant 13 : i32
    %swap3A_427 = arith.index_cast %swap3A_426 : i32 to index
    %swap3A_428 = arith.constant 0 : index
    %swap3A_429 = tpu.vector_load %arg25[%swap3A_427, %swap3A_428] {strides = array<i32>} : memref<80x16xf32, #tpu.memory_space<vmem>>, vector<16xf32>,
    tpu.vector_store %arg25[%swap3A_427, %swap3A_428], %broadcast_in_dim3A_0 {strides = array<i32>} : memref<80x16xf32, #tpu.memory_space<vmem>>, vector<16xf32>,
    %swap3A_430 = arith.constant 13 : i32
    %swap3A_431 = arith.index_cast %swap3A_430 : i32 to index
    %swap3A_432 = arith.constant 0 : index
    %swap3A_433 = tpu.vector_load %arg26[%swap3A_431, %swap3A_432] {strides = array<i32>} : memref<80x16xf32, #tpu.memory_space<vmem>>, vector<16xf32>,
    tpu.vector_store %arg26[%swap3A_431, %swap3A_432], %broadcast_in_dim3A_0 {strides = array<i32>} : memref<80x16xf32, #tpu.memory_space<vmem>>, vector<16xf32>,
    %swap3A_434 = arith.constant 14 : i32
    %swap3A_435 = arith.index_cast %swap3A_434 : i32 to index
    %swap3A_436 = arith.constant 0 : index
    %swap3A_437 = tpu.vector_load %arg25[%swap3A_435, %swap3A_436] {strides = array<i32>} : memref<80x16xf32, #tpu.memory_space<vmem>>, vector<16xf32>,
    tpu.vector_store %arg25[%swap3A_435, %swap3A_436], %broadcast_in_dim3A_0 {strides = array<i32>} : memref<80x16xf32, #tpu.memory_space<vmem>>, vector<16xf32>,
    %swap3A_438 = arith.constant 14 : i32
    %swap3A_439 = arith.index_cast %swap3A_438 : i32 to index
    %swap3A_440 = arith.constant 0 : index
    %swap3A_441 = tpu.vector_load %arg26[%swap3A_439, %swap3A_440] {strides = array<i32>} : memref<80x16xf32, #tpu.memory_space<vmem>>, vector<16xf32>,
    tpu.vector_store %arg26[%swap3A_439, %swap3A_440], %broadcast_in_dim3A_0 {strides = array<i32>} : memref<80x16xf32, #tpu.memory_space<vmem>>, vector<16xf32>,
    %swap3A_442 = arith.constant 15 : i32
    %swap3A_443 = arith.index_cast %swap3A_442 : i32 to index
    %swap3A_444 = arith.constant 0 : index
    %swap3A_445 = tpu.vector_load %arg25[%swap3A_443, %swap3A_444] {strides = array<i32>} : memref<80x16xf32, #tpu.memory_space<vmem>>, vector<16xf32>,
    tpu.vector_store %arg25[%swap3A_443, %swap3A_444], %broadcast_in_dim3A_0 {strides = array<i32>} : memref<80x16xf32, #tpu.memory_space<vmem>>, vector<16xf32>,
    %swap3A_446 = arith.constant 15 : i32
    %swap3A_447 = arith.index_cast %swap3A_446 : i32 to index
    %swap3A_448 = arith.constant 0 : index
    %swap3A_449 = tpu.vector_load %arg26[%swap3A_447, %swap3A_448] {strides = array<i32>} : memref<80x16xf32, #tpu.memory_space<vmem>>, vector<16xf32>,
    tpu.vector_store %arg26[%swap3A_447, %swap3A_448], %broadcast_in_dim3A_0 {strides = array<i32>} : memref<80x16xf32, #tpu.memory_space<vmem>>, vector<16xf32>,
    %swap3A_450 = arith.constant 16 : i32
    %swap3A_451 = arith.index_cast %swap3A_450 : i32 to index
    %swap3A_452 = arith.constant 0 : index
    %swap3A_453 = tpu.vector_load %arg25[%swap3A_451, %swap3A_452] {strides = array<i32>} : memref<80x16xf32, #tpu.memory_space<vmem>>, vector<16xf32>,
    tpu.vector_store %arg25[%swap3A_451, %swap3A_452], %broadcast_in_dim3A_0 {strides = array<i32>} : memref<80x16xf32, #tpu.memory_space<vmem>>, vector<16xf32>,
    %swap3A_454 = arith.constant 16 : i32
    %swap3A_455 = arith.index_cast %swap3A_454 : i32 to index
    %swap3A_456 = arith.constant 0 : index
    %swap3A_457 = tpu.vector_load %arg26[%swap3A_455, %swap3A_456] {strides = array<i32>} : memref<80x16xf32, #tpu.memory_space<vmem>>, vector<16xf32>,
    tpu.vector_store %arg26[%swap3A_455, %swap3A_456], %broadcast_in_dim3A_0 {strides = array<i32>} : memref<80x16xf32, #tpu.memory_space<vmem>>, vector<16xf32>,
    %swap3A_458 = arith.constant 17 : i32
    %swap3A_459 = arith.index_cast %swap3A_458 : i32 to index
    %swap3A_460 = arith.constant 0 : index
    %swap3A_461 = tpu.vector_load %arg25[%swap3A_459, %swap3A_460] {strides = array<i32>} : memref<80x16xf32, #tpu.memory_space<vmem>>, vector<16xf32>,
    tpu.vector_store %arg25[%swap3A_459, %swap3A_460], %broadcast_in_dim3A_0 {strides = array<i32>} : memref<80x16xf32, #tpu.memory_space<vmem>>, vector<16xf32>,
    %swap3A_462 = arith.constant 17 : i32
    %swap3A_463 = arith.index_cast %swap3A_462 : i32 to index
    %swap3A_464 = arith.constant 0 : index
    %swap3A_465 = tpu.vector_load %arg26[%swap3A_463, %swap3A_464] {strides = array<i32>} : memref<80x16xf32, #tpu.memory_space<vmem>>, vector<16xf32>,
    tpu.vector_store %arg26[%swap3A_463, %swap3A_464], %broadcast_in_dim3A_0 {strides = array<i32>} : memref<80x16xf32, #tpu.memory_space<vmem>>, vector<16xf32>,
    %swap3A_466 = arith.constant 18 : i32
    %swap3A_467 = arith.index_cast %swap3A_466 : i32 to index
    %swap3A_468 = arith.constant 0 : index
    %swap3A_469 = tpu.vector_load %arg25[%swap3A_467, %swap3A_468] {strides = array<i32>} : memref<80x16xf32, #tpu.memory_space<vmem>>, vector<16xf32>,
    tpu.vector_store %arg25[%swap3A_467, %swap3A_468], %broadcast_in_dim3A_0 {strides = array<i32>} : memref<80x16xf32, #tpu.memory_space<vmem>>, vector<16xf32>,
    %swap3A_470 = arith.constant 18 : i32
    %swap3A_471 = arith.index_cast %swap3A_470 : i32 to index
    %swap3A_472 = arith.constant 0 : index
    %swap3A_473 = tpu.vector_load %arg26[%swap3A_471, %swap3A_472] {strides = array<i32>} : memref<80x16xf32, #tpu.memory_space<vmem>>, vector<16xf32>,
    tpu.vector_store %arg26[%swap3A_471, %swap3A_472], %broadcast_in_dim3A_0 {strides = array<i32>} : memref<80x16xf32, #tpu.memory_space<vmem>>, vector<16xf32>,
    %swap3A_474 = arith.constant 19 : i32
    %swap3A_475 = arith.index_cast %swap3A_474 : i32 to index
    %swap3A_476 = arith.constant 0 : index
    %swap3A_477 = tpu.vector_load %arg25[%swap3A_475, %swap3A_476] {strides = array<i32>} : memref<80x16xf32, #tpu.memory_space<vmem>>, vector<16xf32>,
    tpu.vector_store %arg25[%swap3A_475, %swap3A_476], %broadcast_in_dim3A_0 {strides = array<i32>} : memref<80x16xf32, #tpu.memory_space<vmem>>, vector<16xf32>,
    %swap3A_478 = arith.constant 19 : i32
    %swap3A_479 = arith.index_cast %swap3A_478 : i32 to index
    %swap3A_480 = arith.constant 0 : index
    %swap3A_481 = tpu.vector_load %arg26[%swap3A_479, %swap3A_480] {strides = array<i32>} : memref<80x16xf32, #tpu.memory_space<vmem>>, vector<16xf32>,
    tpu.vector_store %arg26[%swap3A_479, %swap3A_480], %broadcast_in_dim3A_0 {strides = array<i32>} : memref<80x16xf32, #tpu.memory_space<vmem>>, vector<16xf32>,
    %swap3A_482 = arith.constant 20 : i32
    %swap3A_483 = arith.index_cast %swap3A_482 : i32 to index
    %swap3A_484 = arith.constant 0 : index
    %swap3A_485 = tpu.vector_load %arg25[%swap3A_483, %swap3A_484] {strides = array<i32>} : memref<80x16xf32, #tpu.memory_space<vmem>>, vector<16xf32>,
    tpu.vector_store %arg25[%swap3A_483, %swap3A_484], %broadcast_in_dim3A_0 {strides = array<i32>} : memref<80x16xf32, #tpu.memory_space<vmem>>, vector<16xf32>,
    %swap3A_486 = arith.constant 20 : i32
    %swap3A_487 = arith.index_cast %swap3A_486 : i32 to index
    %swap3A_488 = arith.constant 0 : index
    %swap3A_489 = tpu.vector_load %arg26[%swap3A_487, %swap3A_488] {strides = array<i32>} : memref<80x16xf32, #tpu.memory_space<vmem>>, vector<16xf32>,
    tpu.vector_store %arg26[%swap3A_487, %swap3A_488], %broadcast_in_dim3A_0 {strides = array<i32>} : memref<80x16xf32, #tpu.memory_space<vmem>>, vector<16xf32>,
    %swap3A_490 = arith.constant 21 : i32
    %swap3A_491 = arith.index_cast %swap3A_490 : i32 to index
    %swap3A_492 = arith.constant 0 : index
    %swap3A_493 = tpu.vector_load %arg25[%swap3A_491, %swap3A_492] {strides = array<i32>} : memref<80x16xf32, #tpu.memory_space<vmem>>, vector<16xf32>,
    tpu.vector_store %arg25[%swap3A_491, %swap3A_492], %broadcast_in_dim3A_0 {strides = array<i32>} : memref<80x16xf32, #tpu.memory_space<vmem>>, vector<16xf32>,
    %swap3A_494 = arith.constant 21 : i32
    %swap3A_495 = arith.index_cast %swap3A_494 : i32 to index
    %swap3A_496 = arith.constant 0 : index
    %swap3A_497 = tpu.vector_load %arg26[%swap3A_495, %swap3A_496] {strides = array<i32>} : memref<80x16xf32, #tpu.memory_space<vmem>>, vector<16xf32>,
    tpu.vector_store %arg26[%swap3A_495, %swap3A_496], %broadcast_in_dim3A_0 {strides = array<i32>} : memref<80x16xf32, #tpu.memory_space<vmem>>, vector<16xf32>,
    %swap3A_498 = arith.constant 22 : i32
    %swap3A_499 = arith.index_cast %swap3A_498 : i32 to index
    %swap3A_500 = arith.constant 0 : index
    %swap3A_501 = tpu.vector_load %arg25[%swap3A_499, %swap3A_500] {strides = array<i32>} : memref<80x16xf32, #tpu.memory_space<vmem>>, vector<16xf32>,
    tpu.vector_store %arg25[%swap3A_499, %swap3A_500], %broadcast_in_dim3A_0 {strides = array<i32>} : memref<80x16xf32, #tpu.memory_space<vmem>>, vector<16xf32>,
    %swap3A_502 = arith.constant 22 : i32
    %swap3A_503 = arith.index_cast %swap3A_502 : i32 to index
    %swap3A_504 = arith.constant 0 : index
    %swap3A_505 = tpu.vector_load %arg26[%swap3A_503, %swap3A_504] {strides = array<i32>} : memref<80x16xf32, #tpu.memory_space<vmem>>, vector<16xf32>,
    tpu.vector_store %arg26[%swap3A_503, %swap3A_504], %broadcast_in_dim3A_0 {strides = array<i32>} : memref<80x16xf32, #tpu.memory_space<vmem>>, vector<16xf32>,
    %swap3A_506 = arith.constant 23 : i32
    %swap3A_507 = arith.index_cast %swap3A_506 : i32 to index
    %swap3A_508 = arith.constant 0 : index
    %swap3A_509 = tpu.vector_load %arg25[%swap3A_507, %swap3A_508] {strides = array<i32>} : memref<80x16xf32, #tpu.memory_space<vmem>>, vector<16xf32>,
    tpu.vector_store %arg25[%swap3A_507, %swap3A_508], %broadcast_in_dim3A_0 {strides = array<i32>} : memref<80x16xf32, #tpu.memory_space<vmem>>, vector<16xf32>,
    %swap3A_510 = arith.constant 23 : i32
    %swap3A_511 = arith.index_cast %swap3A_510 : i32 to index
    %swap3A_512 = arith.constant 0 : index
    %swap3A_513 = tpu.vector_load %arg26[%swap3A_511, %swap3A_512] {strides = array<i32>} : memref<80x16xf32, #tpu.memory_space<vmem>>, vector<16xf32>,
    tpu.vector_store %arg26[%swap3A_511, %swap3A_512], %broadcast_in_dim3A_0 {strides = array<i32>} : memref<80x16xf32, #tpu.memory_space<vmem>>, vector<16xf32>,
    %swap3A_514 = arith.constant 24 : i32
    %swap3A_515 = arith.index_cast %swap3A_514 : i32 to index
    %swap3A_516 = arith.constant 0 : index
    %swap3A_517 = tpu.vector_load %arg25[%swap3A_515, %swap3A_516] {strides = array<i32>} : memref<80x16xf32, #tpu.memory_space<vmem>>, vector<16xf32>,
    tpu.vector_store %arg25[%swap3A_515, %swap3A_516], %broadcast_in_dim3A_0 {strides = array<i32>} : memref<80x16xf32, #tpu.memory_space<vmem>>, vector<16xf32>,
    %swap3A_518 = arith.constant 24 : i32
    %swap3A_519 = arith.index_cast %swap3A_518 : i32 to index
    %swap3A_520 = arith.constant 0 : index
    %swap3A_521 = tpu.vector_load %arg26[%swap3A_519, %swap3A_520] {strides = array<i32>} : memref<80x16xf32, #tpu.memory_space<vmem>>, vector<16xf32>,
    tpu.vector_store %arg26[%swap3A_519, %swap3A_520], %broadcast_in_dim3A_0 {strides = array<i32>} : memref<80x16xf32, #tpu.memory_space<vmem>>, vector<16xf32>,
    %swap3A_522 = arith.constant 25 : i32
    %swap3A_523 = arith.index_cast %swap3A_522 : i32 to index
    %swap3A_524 = arith.constant 0 : index
    %swap3A_525 = tpu.vector_load %arg25[%swap3A_523, %swap3A_524] {strides = array<i32>} : memref<80x16xf32, #tpu.memory_space<vmem>>, vector<16xf32>,
    tpu.vector_store %arg25[%swap3A_523, %swap3A_524], %broadcast_in_dim3A_0 {strides = array<i32>} : memref<80x16xf32, #tpu.memory_space<vmem>>, vector<16xf32>,
    %swap3A_526 = arith.constant 25 : i32
    %swap3A_527 = arith.index_cast %swap3A_526 : i32 to index
    %swap3A_528 = arith.constant 0 : index
    %swap3A_529 = tpu.vector_load %arg26[%swap3A_527, %swap3A_528] {strides = array<i32>} : memref<80x16xf32, #tpu.memory_space<vmem>>, vector<16xf32>,
    tpu.vector_store %arg26[%swap3A_527, %swap3A_528], %broadcast_in_dim3A_0 {strides = array<i32>} : memref<80x16xf32, #tpu.memory_space<vmem>>, vector<16xf32>,
    %swap3A_530 = arith.constant 26 : i32
    %swap3A_531 = arith.index_cast %swap3A_530 : i32 to index
    %swap3A_532 = arith.constant 0 : index
    %swap3A_533 = tpu.vector_load %arg25[%swap3A_531, %swap3A_532] {strides = array<i32>} : memref<80x16xf32, #tpu.memory_space<vmem>>, vector<16xf32>,
    tpu.vector_store %arg25[%swap3A_531, %swap3A_532], %broadcast_in_dim3A_0 {strides = array<i32>} : memref<80x16xf32, #tpu.memory_space<vmem>>, vector<16xf32>,
    %swap3A_534 = arith.constant 26 : i32
    %swap3A_535 = arith.index_cast %swap3A_534 : i32 to index
    %swap3A_536 = arith.constant 0 : index
    %swap3A_537 = tpu.vector_load %arg26[%swap3A_535, %swap3A_536] {strides = array<i32>} : memref<80x16xf32, #tpu.memory_space<vmem>>, vector<16xf32>,
    tpu.vector_store %arg26[%swap3A_535, %swap3A_536], %broadcast_in_dim3A_0 {strides = array<i32>} : memref<80x16xf32, #tpu.memory_space<vmem>>, vector<16xf32>,
    %swap3A_538 = arith.constant 27 : i32
    %swap3A_539 = arith.index_cast %swap3A_538 : i32 to index
    %swap3A_540 = arith.constant 0 : index
    %swap3A_541 = tpu.vector_load %arg25[%swap3A_539, %swap3A_540] {strides = array<i32>} : memref<80x16xf32, #tpu.memory_space<vmem>>, vector<16xf32>,
    tpu.vector_store %arg25[%swap3A_539, %swap3A_540], %broadcast_in_dim3A_0 {strides = array<i32>} : memref<80x16xf32, #tpu.memory_space<vmem>>, vector<16xf32>,
    %swap3A_542 = arith.constant 27 : i32
    %swap3A_543 = arith.index_cast %swap3A_542 : i32 to index
    %swap3A_544 = arith.constant 0 : index
    %swap3A_545 = tpu.vector_load %arg26[%swap3A_543, %swap3A_544] {strides = array<i32>} : memref<80x16xf32, #tpu.memory_space<vmem>>, vector<16xf32>,
    tpu.vector_store %arg26[%swap3A_543, %swap3A_544], %broadcast_in_dim3A_0 {strides = array<i32>} : memref<80x16xf32, #tpu.memory_space<vmem>>, vector<16xf32>,
    %swap3A_546 = arith.constant 28 : i32
    %swap3A_547 = arith.index_cast %swap3A_546 : i32 to index
    %swap3A_548 = arith.constant 0 : index
    %swap3A_549 = tpu.vector_load %arg25[%swap3A_547, %swap3A_548] {strides = array<i32>} : memref<80x16xf32, #tpu.memory_space<vmem>>, vector<16xf32>,
    tpu.vector_store %arg25[%swap3A_547, %swap3A_548], %broadcast_in_dim3A_0 {strides = array<i32>} : memref<80x16xf32, #tpu.memory_space<vmem>>, vector<16xf32>,
    %swap3A_550 = arith.constant 28 : i32
    %swap3A_551 = arith.index_cast %swap3A_550 : i32 to index
    %swap3A_552 = arith.constant 0 : index
    %swap3A_553 = tpu.vector_load %arg26[%swap3A_551, %swap3A_552] {strides = array<i32>} : memref<80x16xf32, #tpu.memory_space<vmem>>, vector<16xf32>,
    tpu.vector_store %arg26[%swap3A_551, %swap3A_552], %broadcast_in_dim3A_0 {strides = array<i32>} : memref<80x16xf32, #tpu.memory_space<vmem>>, vector<16xf32>,
    %swap3A_554 = arith.constant 29 : i32
    %swap3A_555 = arith.index_cast %swap3A_554 : i32 to index
    %swap3A_556 = arith.constant 0 : index
    %swap3A_557 = tpu.vector_load %arg25[%swap3A_555, %swap3A_556] {strides = array<i32>} : memref<80x16xf32, #tpu.memory_space<vmem>>, vector<16xf32>,
    tpu.vector_store %arg25[%swap3A_555, %swap3A_556], %broadcast_in_dim3A_0 {strides = array<i32>} : memref<80x16xf32, #tpu.memory_space<vmem>>, vector<16xf32>,
    %swap3A_558 = arith.constant 29 : i32
    %swap3A_559 = arith.index_cast %swap3A_558 : i32 to index
    %swap3A_560 = arith.constant 0 : index
    %swap3A_561 = tpu.vector_load %arg26[%swap3A_559, %swap3A_560] {strides = array<i32>} : memref<80x16xf32, #tpu.memory_space<vmem>>, vector<16xf32>,
    tpu.vector_store %arg26[%swap3A_559, %swap3A_560], %broadcast_in_dim3A_0 {strides = array<i32>} : memref<80x16xf32, #tpu.memory_space<vmem>>, vector<16xf32>,
    %swap3A_562 = arith.constant 30 : i32
    %swap3A_563 = arith.index_cast %swap3A_562 : i32 to index
    %swap3A_564 = arith.constant 0 : index
    %swap3A_565 = tpu.vector_load %arg25[%swap3A_563, %swap3A_564] {strides = array<i32>} : memref<80x16xf32, #tpu.memory_space<vmem>>, vector<16xf32>,
    tpu.vector_store %arg25[%swap3A_563, %swap3A_564], %broadcast_in_dim3A_0 {strides = array<i32>} : memref<80x16xf32, #tpu.memory_space<vmem>>, vector<16xf32>,
    %swap3A_566 = arith.constant 30 : i32
    %swap3A_567 = arith.index_cast %swap3A_566 : i32 to index
    %swap3A_568 = arith.constant 0 : index
    %swap3A_569 = tpu.vector_load %arg26[%swap3A_567, %swap3A_568] {strides = array<i32>} : memref<80x16xf32, #tpu.memory_space<vmem>>, vector<16xf32>,
    tpu.vector_store %arg26[%swap3A_567, %swap3A_568], %broadcast_in_dim3A_0 {strides = array<i32>} : memref<80x16xf32, #tpu.memory_space<vmem>>, vector<16xf32>,
    %swap3A_570 = arith.constant 31 : i32
    %swap3A_571 = arith.index_cast %swap3A_570 : i32 to index
    %swap3A_572 = arith.constant 0 : index
    %swap3A_573 = tpu.vector_load %arg25[%swap3A_571, %swap3A_572] {strides = array<i32>} : memref<80x16xf32, #tpu.memory_space<vmem>>, vector<16xf32>,
    tpu.vector_store %arg25[%swap3A_571, %swap3A_572], %broadcast_in_dim3A_0 {strides = array<i32>} : memref<80x16xf32, #tpu.memory_space<vmem>>, vector<16xf32>,
    %swap3A_574 = arith.constant 31 : i32
    %swap3A_575 = arith.index_cast %swap3A_574 : i32 to index
    %swap3A_576 = arith.constant 0 : index
    %swap3A_577 = tpu.vector_load %arg26[%swap3A_575, %swap3A_576] {strides = array<i32>} : memref<80x16xf32, #tpu.memory_space<vmem>>, vector<16xf32>,
    tpu.vector_store %arg26[%swap3A_575, %swap3A_576], %broadcast_in_dim3A_0 {strides = array<i32>} : memref<80x16xf32, #tpu.memory_space<vmem>>, vector<16xf32>,
    %swap3A_578 = arith.constant 32 : i32
    %swap3A_579 = arith.index_cast %swap3A_578 : i32 to index
    %swap3A_580 = arith.constant 0 : index
    %swap3A_581 = tpu.vector_load %arg25[%swap3A_579, %swap3A_580] {strides = array<i32>} : memref<80x16xf32, #tpu.memory_space<vmem>>, vector<16xf32>,
    tpu.vector_store %arg25[%swap3A_579, %swap3A_580], %broadcast_in_dim3A_0 {strides = array<i32>} : memref<80x16xf32, #tpu.memory_space<vmem>>, vector<16xf32>,
    %swap3A_582 = arith.constant 32 : i32
    %swap3A_583 = arith.index_cast %swap3A_582 : i32 to index
    %swap3A_584 = arith.constant 0 : index
    %swap3A_585 = tpu.vector_load %arg26[%swap3A_583, %swap3A_584] {strides = array<i32>} : memref<80x16xf32, #tpu.memory_space<vmem>>, vector<16xf32>,
    tpu.vector_store %arg26[%swap3A_583, %swap3A_584], %broadcast_in_dim3A_0 {strides = array<i32>} : memref<80x16xf32, #tpu.memory_space<vmem>>, vector<16xf32>,
    %swap3A_586 = arith.constant 33 : i32
    %swap3A_587 = arith.index_cast %swap3A_586 : i32 to index
    %swap3A_588 = arith.constant 0 : index
    %swap3A_589 = tpu.vector_load %arg25[%swap3A_587, %swap3A_588] {strides = array<i32>} : memref<80x16xf32, #tpu.memory_space<vmem>>, vector<16xf32>,
    tpu.vector_store %arg25[%swap3A_587, %swap3A_588], %broadcast_in_dim3A_0 {strides = array<i32>} : memref<80x16xf32, #tpu.memory_space<vmem>>, vector<16xf32>,
    %swap3A_590 = arith.constant 33 : i32
    %swap3A_591 = arith.index_cast %swap3A_590 : i32 to index
    %swap3A_592 = arith.constant 0 : index
    %swap3A_593 = tpu.vector_load %arg26[%swap3A_591, %swap3A_592] {strides = array<i32>} : memref<80x16xf32, #tpu.memory_space<vmem>>, vector<16xf32>,
    tpu.vector_store %arg26[%swap3A_591, %swap3A_592], %broadcast_in_dim3A_0 {strides = array<i32>} : memref<80x16xf32, #tpu.memory_space<vmem>>, vector<16xf32>,
    %swap3A_594 = arith.constant 34 : i32
    %swap3A_595 = arith.index_cast %swap3A_594 : i32 to index
    %swap3A_596 = arith.constant 0 : index
    %swap3A_597 = tpu.vector_load %arg25[%swap3A_595, %swap3A_596] {strides = array<i32>} : memref<80x16xf32, #tpu.memory_space<vmem>>, vector<16xf32>,
    tpu.vector_store %arg25[%swap3A_595, %swap3A_596], %broadcast_in_dim3A_0 {strides = array<i32>} : memref<80x16xf32, #tpu.memory_space<vmem>>, vector<16xf32>,
    %swap3A_598 = arith.constant 34 : i32
    %swap3A_599 = arith.index_cast %swap3A_598 : i32 to index
    %swap3A_600 = arith.constant 0 : index
    %swap3A_601 = tpu.vector_load %arg26[%swap3A_599, %swap3A_600] {strides = array<i32>} : memref<80x16xf32, #tpu.memory_space<vmem>>, vector<16xf32>,
    tpu.vector_store %arg26[%swap3A_599, %swap3A_600], %broadcast_in_dim3A_0 {strides = array<i32>} : memref<80x16xf32, #tpu.memory_space<vmem>>, vector<16xf32>,
    %swap3A_602 = arith.constant 35 : i32
    %swap3A_603 = arith.index_cast %swap3A_602 : i32 to index
    %swap3A_604 = arith.constant 0 : index
    %swap3A_605 = tpu.vector_load %arg25[%swap3A_603, %swap3A_604] {strides = array<i32>} : memref<80x16xf32, #tpu.memory_space<vmem>>, vector<16xf32>,
    tpu.vector_store %arg25[%swap3A_603, %swap3A_604], %broadcast_in_dim3A_0 {strides = array<i32>} : memref<80x16xf32, #tpu.memory_space<vmem>>, vector<16xf32>,
    %swap3A_606 = arith.constant 35 : i32
    %swap3A_607 = arith.index_cast %swap3A_606 : i32 to index
    %swap3A_608 = arith.constant 0 : index
    %swap3A_609 = tpu.vector_load %arg26[%swap3A_607, %swap3A_608] {strides = array<i32>} : memref<80x16xf32, #tpu.memory_space<vmem>>, vector<16xf32>,
    tpu.vector_store %arg26[%swap3A_607, %swap3A_608], %broadcast_in_dim3A_0 {strides = array<i32>} : memref<80x16xf32, #tpu.memory_space<vmem>>, vector<16xf32>,
    %swap3A_610 = arith.constant 36 : i32
    %swap3A_611 = arith.index_cast %swap3A_610 : i32 to index
    %swap3A_612 = arith.constant 0 : index
    %swap3A_613 = tpu.vector_load %arg25[%swap3A_611, %swap3A_612] {strides = array<i32>} : memref<80x16xf32, #tpu.memory_space<vmem>>, vector<16xf32>,
    tpu.vector_store %arg25[%swap3A_611, %swap3A_612], %broadcast_in_dim3A_0 {strides = array<i32>} : memref<80x16xf32, #tpu.memory_space<vmem>>, vector<16xf32>,
    %swap3A_614 = arith.constant 36 : i32
    %swap3A_615 = arith.index_cast %swap3A_614 : i32 to index
    %swap3A_616 = arith.constant 0 : index
    %swap3A_617 = tpu.vector_load %arg26[%swap3A_615, %swap3A_616] {strides = array<i32>} : memref<80x16xf32, #tpu.memory_space<vmem>>, vector<16xf32>,
    tpu.vector_store %arg26[%swap3A_615, %swap3A_616], %broadcast_in_dim3A_0 {strides = array<i32>} : memref<80x16xf32, #tpu.memory_space<vmem>>, vector<16xf32>,
    %swap3A_618 = arith.constant 37 : i32
    %swap3A_619 = arith.index_cast %swap3A_618 : i32 to index
    %swap3A_620 = arith.constant 0 : index
    %swap3A_621 = tpu.vector_load %arg25[%swap3A_619, %swap3A_620] {strides = array<i32>} : memref<80x16xf32, #tpu.memory_space<vmem>>, vector<16xf32>,
    tpu.vector_store %arg25[%swap3A_619, %swap3A_620], %broadcast_in_dim3A_0 {strides = array<i32>} : memref<80x16xf32, #tpu.memory_space<vmem>>, vector<16xf32>,
    %swap3A_622 = arith.constant 37 : i32
    %swap3A_623 = arith.index_cast %swap3A_622 : i32 to index
    %swap3A_624 = arith.constant 0 : index
    %swap3A_625 = tpu.vector_load %arg26[%swap3A_623, %swap3A_624] {strides = array<i32>} : memref<80x16xf32, #tpu.memory_space<vmem>>, vector<16xf32>,
    tpu.vector_store %arg26[%swap3A_623, %swap3A_624], %broadcast_in_dim3A_0 {strides = array<i32>} : memref<80x16xf32, #tpu.memory_space<vmem>>, vector<16xf32>,
    %swap3A_626 = arith.constant 38 : i32
    %swap3A_627 = arith.index_cast %swap3A_626 : i32 to index
    %swap3A_628 = arith.constant 0 : index
    %swap3A_629 = tpu.vector_load %arg25[%swap3A_627, %swap3A_628] {strides = array<i32>} : memref<80x16xf32, #tpu.memory_space<vmem>>, vector<16xf32>,
    tpu.vector_store %arg25[%swap3A_627, %swap3A_628], %broadcast_in_dim3A_0 {strides = array<i32>} : memref<80x16xf32, #tpu.memory_space<vmem>>, vector<16xf32>,
    %swap3A_630 = arith.constant 38 : i32
    %swap3A_631 = arith.index_cast %swap3A_630 : i32 to index
    %swap3A_632 = arith.constant 0 : index
    %swap3A_633 = tpu.vector_load %arg26[%swap3A_631, %swap3A_632] {strides = array<i32>} : memref<80x16xf32, #tpu.memory_space<vmem>>, vector<16xf32>,
    tpu.vector_store %arg26[%swap3A_631, %swap3A_632], %broadcast_in_dim3A_0 {strides = array<i32>} : memref<80x16xf32, #tpu.memory_space<vmem>>, vector<16xf32>,
    %swap3A_634 = arith.constant 39 : i32
    %swap3A_635 = arith.index_cast %swap3A_634 : i32 to index
    %swap3A_636 = arith.constant 0 : index
    %swap3A_637 = tpu.vector_load %arg25[%swap3A_635, %swap3A_636] {strides = array<i32>} : memref<80x16xf32, #tpu.memory_space<vmem>>, vector<16xf32>,
    tpu.vector_store %arg25[%swap3A_635, %swap3A_636], %broadcast_in_dim3A_0 {strides = array<i32>} : memref<80x16xf32, #tpu.memory_space<vmem>>, vector<16xf32>,
    %swap3A_638 = arith.constant 39 : i32
    %swap3A_639 = arith.index_cast %swap3A_638 : i32 to index
    %swap3A_640 = arith.constant 0 : index
    %swap3A_641 = tpu.vector_load %arg26[%swap3A_639, %swap3A_640] {strides = array<i32>} : memref<80x16xf32, #tpu.memory_space<vmem>>, vector<16xf32>,
    tpu.vector_store %arg26[%swap3A_639, %swap3A_640], %broadcast_in_dim3A_0 {strides = array<i32>} : memref<80x16xf32, #tpu.memory_space<vmem>>, vector<16xf32>,
    %swap3A_642 = arith.constant 40 : i32
    %swap3A_643 = arith.index_cast %swap3A_642 : i32 to index
    %swap3A_644 = arith.constant 0 : index
    %swap3A_645 = tpu.vector_load %arg25[%swap3A_643, %swap3A_644] {strides = array<i32>} : memref<80x16xf32, #tpu.memory_space<vmem>>, vector<16xf32>,
    tpu.vector_store %arg25[%swap3A_643, %swap3A_644], %broadcast_in_dim3A_0 {strides = array<i32>} : memref<80x16xf32, #tpu.memory_space<vmem>>, vector<16xf32>,
    %swap3A_646 = arith.constant 40 : i32
    %swap3A_647 = arith.index_cast %swap3A_646 : i32 to index
    %swap3A_648 = arith.constant 0 : index
    %swap3A_649 = tpu.vector_load %arg26[%swap3A_647, %swap3A_648] {strides = array<i32>} : memref<80x16xf32, #tpu.memory_space<vmem>>, vector<16xf32>,
    tpu.vector_store %arg26[%swap3A_647, %swap3A_648], %broadcast_in_dim3A_0 {strides = array<i32>} : memref<80x16xf32, #tpu.memory_space<vmem>>, vector<16xf32>,
    %swap3A_650 = arith.constant 41 : i32
    %swap3A_651 = arith.index_cast %swap3A_650 : i32 to index
    %swap3A_652 = arith.constant 0 : index
    %swap3A_653 = tpu.vector_load %arg25[%swap3A_651, %swap3A_652] {strides = array<i32>} : memref<80x16xf32, #tpu.memory_space<vmem>>, vector<16xf32>,
    tpu.vector_store %arg25[%swap3A_651, %swap3A_652], %broadcast_in_dim3A_0 {strides = array<i32>} : memref<80x16xf32, #tpu.memory_space<vmem>>, vector<16xf32>,
    %swap3A_654 = arith.constant 41 : i32
    %swap3A_655 = arith.index_cast %swap3A_654 : i32 to index
    %swap3A_656 = arith.constant 0 : index
    %swap3A_657 = tpu.vector_load %arg26[%swap3A_655, %swap3A_656] {strides = array<i32>} : memref<80x16xf32, #tpu.memory_space<vmem>>, vector<16xf32>,
    tpu.vector_store %arg26[%swap3A_655, %swap3A_656], %broadcast_in_dim3A_0 {strides = array<i32>} : memref<80x16xf32, #tpu.memory_space<vmem>>, vector<16xf32>,
    %swap3A_658 = arith.constant 42 : i32
    %swap3A_659 = arith.index_cast %swap3A_658 : i32 to index
    %swap3A_660 = arith.constant 0 : index
    %swap3A_661 = tpu.vector_load %arg25[%swap3A_659, %swap3A_660] {strides = array<i32>} : memref<80x16xf32, #tpu.memory_space<vmem>>, vector<16xf32>,
    tpu.vector_store %arg25[%swap3A_659, %swap3A_660], %broadcast_in_dim3A_0 {strides = array<i32>} : memref<80x16xf32, #tpu.memory_space<vmem>>, vector<16xf32>,
    %swap3A_662 = arith.constant 42 : i32
    %swap3A_663 = arith.index_cast %swap3A_662 : i32 to index
    %swap3A_664 = arith.constant 0 : index
    %swap3A_665 = tpu.vector_load %arg26[%swap3A_663, %swap3A_664] {strides = array<i32>} : memref<80x16xf32, #tpu.memory_space<vmem>>, vector<16xf32>,
    tpu.vector_store %arg26[%swap3A_663, %swap3A_664], %broadcast_in_dim3A_0 {strides = array<i32>} : memref<80x16xf32, #tpu.memory_space<vmem>>, vector<16xf32>,
    %swap3A_666 = arith.constant 43 : i32
    %swap3A_667 = arith.index_cast %swap3A_666 : i32 to index
    %swap3A_668 = arith.constant 0 : index
    %swap3A_669 = tpu.vector_load %arg25[%swap3A_667, %swap3A_668] {strides = array<i32>} : memref<80x16xf32, #tpu.memory_space<vmem>>, vector<16xf32>,
    tpu.vector_store %arg25[%swap3A_667, %swap3A_668], %broadcast_in_dim3A_0 {strides = array<i32>} : memref<80x16xf32, #tpu.memory_space<vmem>>, vector<16xf32>,
    %swap3A_670 = arith.constant 43 : i32
    %swap3A_671 = arith.index_cast %swap3A_670 : i32 to index
    %swap3A_672 = arith.constant 0 : index
    %swap3A_673 = tpu.vector_load %arg26[%swap3A_671, %swap3A_672] {strides = array<i32>} : memref<80x16xf32, #tpu.memory_space<vmem>>, vector<16xf32>,
    tpu.vector_store %arg26[%swap3A_671, %swap3A_672], %broadcast_in_dim3A_0 {strides = array<i32>} : memref<80x16xf32, #tpu.memory_space<vmem>>, vector<16xf32>,
    %swap3A_674 = arith.constant 44 : i32
    %swap3A_675 = arith.index_cast %swap3A_674 : i32 to index
    %swap3A_676 = arith.constant 0 : index
    %swap3A_677 = tpu.vector_load %arg25[%swap3A_675, %swap3A_676] {strides = array<i32>} : memref<80x16xf32, #tpu.memory_space<vmem>>, vector<16xf32>,
    tpu.vector_store %arg25[%swap3A_675, %swap3A_676], %broadcast_in_dim3A_0 {strides = array<i32>} : memref<80x16xf32, #tpu.memory_space<vmem>>, vector<16xf32>,
    %swap3A_678 = arith.constant 44 : i32
    %swap3A_679 = arith.index_cast %swap3A_678 : i32 to index
    %swap3A_680 = arith.constant 0 : index
    %swap3A_681 = tpu.vector_load %arg26[%swap3A_679, %swap3A_680] {strides = array<i32>} : memref<80x16xf32, #tpu.memory_space<vmem>>, vector<16xf32>,
    tpu.vector_store %arg26[%swap3A_679, %swap3A_680], %broadcast_in_dim3A_0 {strides = array<i32>} : memref<80x16xf32, #tpu.memory_space<vmem>>, vector<16xf32>,
    %swap3A_682 = arith.constant 45 : i32
    %swap3A_683 = arith.index_cast %swap3A_682 : i32 to index
    %swap3A_684 = arith.constant 0 : index
    %swap3A_685 = tpu.vector_load %arg25[%swap3A_683, %swap3A_684] {strides = array<i32>} : memref<80x16xf32, #tpu.memory_space<vmem>>, vector<16xf32>,
    tpu.vector_store %arg25[%swap3A_683, %swap3A_684], %broadcast_in_dim3A_0 {strides = array<i32>} : memref<80x16xf32, #tpu.memory_space<vmem>>, vector<16xf32>,
    %swap3A_686 = arith.constant 45 : i32
    %swap3A_687 = arith.index_cast %swap3A_686 : i32 to index
    %swap3A_688 = arith.constant 0 : index
    %swap3A_689 = tpu.vector_load %arg26[%swap3A_687, %swap3A_688] {strides = array<i32>} : memref<80x16xf32, #tpu.memory_space<vmem>>, vector<16xf32>,
    tpu.vector_store %arg26[%swap3A_687, %swap3A_688], %broadcast_in_dim3A_0 {strides = array<i32>} : memref<80x16xf32, #tpu.memory_space<vmem>>, vector<16xf32>,
    %swap3A_690 = arith.constant 46 : i32
    %swap3A_691 = arith.index_cast %swap3A_690 : i32 to index
    %swap3A_692 = arith.constant 0 : index
    %swap3A_693 = tpu.vector_load %arg25[%swap3A_691, %swap3A_692] {strides = array<i32>} : memref<80x16xf32, #tpu.memory_space<vmem>>, vector<16xf32>,
    tpu.vector_store %arg25[%swap3A_691, %swap3A_692], %broadcast_in_dim3A_0 {strides = array<i32>} : memref<80x16xf32, #tpu.memory_space<vmem>>, vector<16xf32>,
    %swap3A_694 = arith.constant 46 : i32
    %swap3A_695 = arith.index_cast %swap3A_694 : i32 to index
    %swap3A_696 = arith.constant 0 : index
    %swap3A_697 = tpu.vector_load %arg26[%swap3A_695, %swap3A_696] {strides = array<i32>} : memref<80x16xf32, #tpu.memory_space<vmem>>, vector<16xf32>,
    tpu.vector_store %arg26[%swap3A_695, %swap3A_696], %broadcast_in_dim3A_0 {strides = array<i32>} : memref<80x16xf32, #tpu.memory_space<vmem>>, vector<16xf32>,
    %swap3A_698 = arith.constant 47 : i32
    %swap3A_699 = arith.index_cast %swap3A_698 : i32 to index
    %swap3A_700 = arith.constant 0 : index
    %swap3A_701 = tpu.vector_load %arg25[%swap3A_699, %swap3A_700] {strides = array<i32>} : memref<80x16xf32, #tpu.memory_space<vmem>>, vector<16xf32>,
    tpu.vector_store %arg25[%swap3A_699, %swap3A_700], %broadcast_in_dim3A_0 {strides = array<i32>} : memref<80x16xf32, #tpu.memory_space<vmem>>, vector<16xf32>,
    %swap3A_702 = arith.constant 47 : i32
    %swap3A_703 = arith.index_cast %swap3A_702 : i32 to index
    %swap3A_704 = arith.constant 0 : index
    %swap3A_705 = tpu.vector_load %arg26[%swap3A_703, %swap3A_704] {strides = array<i32>} : memref<80x16xf32, #tpu.memory_space<vmem>>, vector<16xf32>,
    tpu.vector_store %arg26[%swap3A_703, %swap3A_704], %broadcast_in_dim3A_0 {strides = array<i32>} : memref<80x16xf32, #tpu.memory_space<vmem>>, vector<16xf32>,
    %swap3A_706 = arith.constant 48 : i32
    %swap3A_707 = arith.index_cast %swap3A_706 : i32 to index
    %swap3A_708 = arith.constant 0 : index
    %swap3A_709 = tpu.vector_load %arg25[%swap3A_707, %swap3A_708] {strides = array<i32>} : memref<80x16xf32, #tpu.memory_space<vmem>>, vector<16xf32>,
    tpu.vector_store %arg25[%swap3A_707, %swap3A_708], %broadcast_in_dim3A_0 {strides = array<i32>} : memref<80x16xf32, #tpu.memory_space<vmem>>, vector<16xf32>,
    %swap3A_710 = arith.constant 48 : i32
    %swap3A_711 = arith.index_cast %swap3A_710 : i32 to index
    %swap3A_712 = arith.constant 0 : index
    %swap3A_713 = tpu.vector_load %arg26[%swap3A_711, %swap3A_712] {strides = array<i32>} : memref<80x16xf32, #tpu.memory_space<vmem>>, vector<16xf32>,
    tpu.vector_store %arg26[%swap3A_711, %swap3A_712], %broadcast_in_dim3A_0 {strides = array<i32>} : memref<80x16xf32, #tpu.memory_space<vmem>>, vector<16xf32>,
    %swap3A_714 = arith.constant 49 : i32
    %swap3A_715 = arith.index_cast %swap3A_714 : i32 to index
    %swap3A_716 = arith.constant 0 : index
    %swap3A_717 = tpu.vector_load %arg25[%swap3A_715, %swap3A_716] {strides = array<i32>} : memref<80x16xf32, #tpu.memory_space<vmem>>, vector<16xf32>,
    tpu.vector_store %arg25[%swap3A_715, %swap3A_716], %broadcast_in_dim3A_0 {strides = array<i32>} : memref<80x16xf32, #tpu.memory_space<vmem>>, vector<16xf32>,
    %swap3A_718 = arith.constant 49 : i32
    %swap3A_719 = arith.index_cast %swap3A_718 : i32 to index
    %swap3A_720 = arith.constant 0 : index
    %swap3A_721 = tpu.vector_load %arg26[%swap3A_719, %swap3A_720] {strides = array<i32>} : memref<80x16xf32, #tpu.memory_space<vmem>>, vector<16xf32>,
    tpu.vector_store %arg26[%swap3A_719, %swap3A_720], %broadcast_in_dim3A_0 {strides = array<i32>} : memref<80x16xf32, #tpu.memory_space<vmem>>, vector<16xf32>,
    %swap3A_722 = arith.constant 50 : i32
    %swap3A_723 = arith.index_cast %swap3A_722 : i32 to index
    %swap3A_724 = arith.constant 0 : index
    %swap3A_725 = tpu.vector_load %arg25[%swap3A_723, %swap3A_724] {strides = array<i32>} : memref<80x16xf32, #tpu.memory_space<vmem>>, vector<16xf32>,
    tpu.vector_store %arg25[%swap3A_723, %swap3A_724], %broadcast_in_dim3A_0 {strides = array<i32>} : memref<80x16xf32, #tpu.memory_space<vmem>>, vector<16xf32>,
    %swap3A_726 = arith.constant 50 : i32
    %swap3A_727 = arith.index_cast %swap3A_726 : i32 to index
    %swap3A_728 = arith.constant 0 : index
    %swap3A_729 = tpu.vector_load %arg26[%swap3A_727, %swap3A_728] {strides = array<i32>} : memref<80x16xf32, #tpu.memory_space<vmem>>, vector<16xf32>,
    tpu.vector_store %arg26[%swap3A_727, %swap3A_728], %broadcast_in_dim3A_0 {strides = array<i32>} : memref<80x16xf32, #tpu.memory_space<vmem>>, vector<16xf32>,
    %swap3A_730 = arith.constant 51 : i32
    %swap3A_731 = arith.index_cast %swap3A_730 : i32 to index
    %swap3A_732 = arith.constant 0 : index
    %swap3A_733 = tpu.vector_load %arg25[%swap3A_731, %swap3A_732] {strides = array<i32>} : memref<80x16xf32, #tpu.memory_space<vmem>>, vector<16xf32>,
    tpu.vector_store %arg25[%swap3A_731, %swap3A_732], %broadcast_in_dim3A_0 {strides = array<i32>} : memref<80x16xf32, #tpu.memory_space<vmem>>, vector<16xf32>,
    %swap3A_734 = arith.constant 51 : i32
    %swap3A_735 = arith.index_cast %swap3A_734 : i32 to index
    %swap3A_736 = arith.constant 0 : index
    %swap3A_737 = tpu.vector_load %arg26[%swap3A_735, %swap3A_736] {strides = array<i32>} : memref<80x16xf32, #tpu.memory_space<vmem>>, vector<16xf32>,
    tpu.vector_store %arg26[%swap3A_735, %swap3A_736], %broadcast_in_dim3A_0 {strides = array<i32>} : memref<80x16xf32, #tpu.memory_space<vmem>>, vector<16xf32>,
    %swap3A_738 = arith.constant 52 : i32
    %swap3A_739 = arith.index_cast %swap3A_738 : i32 to index
    %swap3A_740 = arith.constant 0 : index
    %swap3A_741 = tpu.vector_load %arg25[%swap3A_739, %swap3A_740] {strides = array<i32>} : memref<80x16xf32, #tpu.memory_space<vmem>>, vector<16xf32>,
    tpu.vector_store %arg25[%swap3A_739, %swap3A_740], %broadcast_in_dim3A_0 {strides = array<i32>} : memref<80x16xf32, #tpu.memory_space<vmem>>, vector<16xf32>,
    %swap3A_742 = arith.constant 52 : i32
    %swap3A_743 = arith.index_cast %swap3A_742 : i32 to index
    %swap3A_744 = arith.constant 0 : index
    %swap3A_745 = tpu.vector_load %arg26[%swap3A_743, %swap3A_744] {strides = array<i32>} : memref<80x16xf32, #tpu.memory_space<vmem>>, vector<16xf32>,
    tpu.vector_store %arg26[%swap3A_743, %swap3A_744], %broadcast_in_dim3A_0 {strides = array<i32>} : memref<80x16xf32, #tpu.memory_space<vmem>>, vector<16xf32>,
    %swap3A_746 = arith.constant 53 : i32
    %swap3A_747 = arith.index_cast %swap3A_746 : i32 to index
    %swap3A_748 = arith.constant 0 : index
    %swap3A_749 = tpu.vector_load %arg25[%swap3A_747, %swap3A_748] {strides = array<i32>} : memref<80x16xf32, #tpu.memory_space<vmem>>, vector<16xf32>,
    tpu.vector_store %arg25[%swap3A_747, %swap3A_748], %broadcast_in_dim3A_0 {strides = array<i32>} : memref<80x16xf32, #tpu.memory_space<vmem>>, vector<16xf32>,
    %swap3A_750 = arith.constant 53 : i32
    %swap3A_751 = arith.index_cast %swap3A_750 : i32 to index
    %swap3A_752 = arith.constant 0 : index
    %swap3A_753 = tpu.vector_load %arg26[%swap3A_751, %swap3A_752] {strides = array<i32>} : memref<80x16xf32, #tpu.memory_space<vmem>>, vector<16xf32>,
    tpu.vector_store %arg26[%swap3A_751, %swap3A_752], %broadcast_in_dim3A_0 {strides = array<i32>} : memref<80x16xf32, #tpu.memory_space<vmem>>, vector<16xf32>,
    %swap3A_754 = arith.constant 54 : i32
    %swap3A_755 = arith.index_cast %swap3A_754 : i32 to index
    %swap3A_756 = arith.constant 0 : index
    %swap3A_757 = tpu.vector_load %arg25[%swap3A_755, %swap3A_756] {strides = array<i32>} : memref<80x16xf32, #tpu.memory_space<vmem>>, vector<16xf32>,
    tpu.vector_store %arg25[%swap3A_755, %swap3A_756], %broadcast_in_dim3A_0 {strides = array<i32>} : memref<80x16xf32, #tpu.memory_space<vmem>>, vector<16xf32>,
    %swap3A_758 = arith.constant 54 : i32
    %swap3A_759 = arith.index_cast %swap3A_758 : i32 to index
    %swap3A_760 = arith.constant 0 : index
    %swap3A_761 = tpu.vector_load %arg26[%swap3A_759, %swap3A_760] {strides = array<i32>} : memref<80x16xf32, #tpu.memory_space<vmem>>, vector<16xf32>,
    tpu.vector_store %arg26[%swap3A_759, %swap3A_760], %broadcast_in_dim3A_0 {strides = array<i32>} : memref<80x16xf32, #tpu.memory_space<vmem>>, vector<16xf32>,
    %swap3A_762 = arith.constant 55 : i32
    %swap3A_763 = arith.index_cast %swap3A_762 : i32 to index
    %swap3A_764 = arith.constant 0 : index
    %swap3A_765 = tpu.vector_load %arg25[%swap3A_763, %swap3A_764] {strides = array<i32>} : memref<80x16xf32, #tpu.memory_space<vmem>>, vector<16xf32>,
    tpu.vector_store %arg25[%swap3A_763, %swap3A_764], %broadcast_in_dim3A_0 {strides = array<i32>} : memref<80x16xf32, #tpu.memory_space<vmem>>, vector<16xf32>,
    %swap3A_766 = arith.constant 55 : i32
    %swap3A_767 = arith.index_cast %swap3A_766 : i32 to index
    %swap3A_768 = arith.constant 0 : index
    %swap3A_769 = tpu.vector_load %arg26[%swap3A_767, %swap3A_768] {strides = array<i32>} : memref<80x16xf32, #tpu.memory_space<vmem>>, vector<16xf32>,
    tpu.vector_store %arg26[%swap3A_767, %swap3A_768], %broadcast_in_dim3A_0 {strides = array<i32>} : memref<80x16xf32, #tpu.memory_space<vmem>>, vector<16xf32>,
    %swap3A_770 = arith.constant 56 : i32
    %swap3A_771 = arith.index_cast %swap3A_770 : i32 to index
    %swap3A_772 = arith.constant 0 : index
    %swap3A_773 = tpu.vector_load %arg25[%swap3A_771, %swap3A_772] {strides = array<i32>} : memref<80x16xf32, #tpu.memory_space<vmem>>, vector<16xf32>,
    tpu.vector_store %arg25[%swap3A_771, %swap3A_772], %broadcast_in_dim3A_0 {strides = array<i32>} : memref<80x16xf32, #tpu.memory_space<vmem>>, vector<16xf32>,
    %swap3A_774 = arith.constant 56 : i32
    %swap3A_775 = arith.index_cast %swap3A_774 : i32 to index
    %swap3A_776 = arith.constant 0 : index
    %swap3A_777 = tpu.vector_load %arg26[%swap3A_775, %swap3A_776] {strides = array<i32>} : memref<80x16xf32, #tpu.memory_space<vmem>>, vector<16xf32>,
    tpu.vector_store %arg26[%swap3A_775, %swap3A_776], %broadcast_in_dim3A_0 {strides = array<i32>} : memref<80x16xf32, #tpu.memory_space<vmem>>, vector<16xf32>,
    %swap3A_778 = arith.constant 57 : i32
    %swap3A_779 = arith.index_cast %swap3A_778 : i32 to index
    %swap3A_780 = arith.constant 0 : index
    %swap3A_781 = tpu.vector_load %arg25[%swap3A_779, %swap3A_780] {strides = array<i32>} : memref<80x16xf32, #tpu.memory_space<vmem>>, vector<16xf32>,
    tpu.vector_store %arg25[%swap3A_779, %swap3A_780], %broadcast_in_dim3A_0 {strides = array<i32>} : memref<80x16xf32, #tpu.memory_space<vmem>>, vector<16xf32>,
    %swap3A_782 = arith.constant 57 : i32
    %swap3A_783 = arith.index_cast %swap3A_782 : i32 to index
    %swap3A_784 = arith.constant 0 : index
    %swap3A_785 = tpu.vector_load %arg26[%swap3A_783, %swap3A_784] {strides = array<i32>} : memref<80x16xf32, #tpu.memory_space<vmem>>, vector<16xf32>,
    tpu.vector_store %arg26[%swap3A_783, %swap3A_784], %broadcast_in_dim3A_0 {strides = array<i32>} : memref<80x16xf32, #tpu.memory_space<vmem>>, vector<16xf32>,
    %swap3A_786 = arith.constant 58 : i32
    %swap3A_787 = arith.index_cast %swap3A_786 : i32 to index
    %swap3A_788 = arith.constant 0 : index
    %swap3A_789 = tpu.vector_load %arg25[%swap3A_787, %swap3A_788] {strides = array<i32>} : memref<80x16xf32, #tpu.memory_space<vmem>>, vector<16xf32>,
    tpu.vector_store %arg25[%swap3A_787, %swap3A_788], %broadcast_in_dim3A_0 {strides = array<i32>} : memref<80x16xf32, #tpu.memory_space<vmem>>, vector<16xf32>,
    %swap3A_790 = arith.constant 58 : i32
    %swap3A_791 = arith.index_cast %swap3A_790 : i32 to index
    %swap3A_792 = arith.constant 0 : index
    %swap3A_793 = tpu.vector_load %arg26[%swap3A_791, %swap3A_792] {strides = array<i32>} : memref<80x16xf32, #tpu.memory_space<vmem>>, vector<16xf32>,
    tpu.vector_store %arg26[%swap3A_791, %swap3A_792], %broadcast_in_dim3A_0 {strides = array<i32>} : memref<80x16xf32, #tpu.memory_space<vmem>>, vector<16xf32>,
    %swap3A_794 = arith.constant 59 : i32
    %swap3A_795 = arith.index_cast %swap3A_794 : i32 to index
    %swap3A_796 = arith.constant 0 : index
    %swap3A_797 = tpu.vector_load %arg25[%swap3A_795, %swap3A_796] {strides = array<i32>} : memref<80x16xf32, #tpu.memory_space<vmem>>, vector<16xf32>,
    tpu.vector_store %arg25[%swap3A_795, %swap3A_796], %broadcast_in_dim3A_0 {strides = array<i32>} : memref<80x16xf32, #tpu.memory_space<vmem>>, vector<16xf32>,
    %swap3A_798 = arith.constant 59 : i32
    %swap3A_799 = arith.index_cast %swap3A_798 : i32 to index
    %swap3A_800 = arith.constant 0 : index
    %swap3A_801 = tpu.vector_load %arg26[%swap3A_799, %swap3A_800] {strides = array<i32>} : memref<80x16xf32, #tpu.memory_space<vmem>>, vector<16xf32>,
    tpu.vector_store %arg26[%swap3A_799, %swap3A_800], %broadcast_in_dim3A_0 {strides = array<i32>} : memref<80x16xf32, #tpu.memory_space<vmem>>, vector<16xf32>,
    %swap3A_802 = arith.constant 60 : i32
    %swap3A_803 = arith.index_cast %swap3A_802 : i32 to index
    %swap3A_804 = arith.constant 0 : index
    %swap3A_805 = tpu.vector_load %arg25[%swap3A_803, %swap3A_804] {strides = array<i32>} : memref<80x16xf32, #tpu.memory_space<vmem>>, vector<16xf32>,
    tpu.vector_store %arg25[%swap3A_803, %swap3A_804], %broadcast_in_dim3A_0 {strides = array<i32>} : memref<80x16xf32, #tpu.memory_space<vmem>>, vector<16xf32>,
    %swap3A_806 = arith.constant 60 : i32
    %swap3A_807 = arith.index_cast %swap3A_806 : i32 to index
    %swap3A_808 = arith.constant 0 : index
    %swap3A_809 = tpu.vector_load %arg26[%swap3A_807, %swap3A_808] {strides = array<i32>} : memref<80x16xf32, #tpu.memory_space<vmem>>, vector<16xf32>,
    tpu.vector_store %arg26[%swap3A_807, %swap3A_808], %broadcast_in_dim3A_0 {strides = array<i32>} : memref<80x16xf32, #tpu.memory_space<vmem>>, vector<16xf32>,
    %swap3A_810 = arith.constant 61 : i32
    %swap3A_811 = arith.index_cast %swap3A_810 : i32 to index
    %swap3A_812 = arith.constant 0 : index
    %swap3A_813 = tpu.vector_load %arg25[%swap3A_811, %swap3A_812] {strides = array<i32>} : memref<80x16xf32, #tpu.memory_space<vmem>>, vector<16xf32>,
    tpu.vector_store %arg25[%swap3A_811, %swap3A_812], %broadcast_in_dim3A_0 {strides = array<i32>} : memref<80x16xf32, #tpu.memory_space<vmem>>, vector<16xf32>,
    %swap3A_814 = arith.constant 61 : i32
    %swap3A_815 = arith.index_cast %swap3A_814 : i32 to index
    %swap3A_816 = arith.constant 0 : index
    %swap3A_817 = tpu.vector_load %arg26[%swap3A_815, %swap3A_816] {strides = array<i32>} : memref<80x16xf32, #tpu.memory_space<vmem>>, vector<16xf32>,
    tpu.vector_store %arg26[%swap3A_815, %swap3A_816], %broadcast_in_dim3A_0 {strides = array<i32>} : memref<80x16xf32, #tpu.memory_space<vmem>>, vector<16xf32>,
    %swap3A_818 = arith.constant 62 : i32
    %swap3A_819 = arith.index_cast %swap3A_818 : i32 to index
    %swap3A_820 = arith.constant 0 : index
    %swap3A_821 = tpu.vector_load %arg25[%swap3A_819, %swap3A_820] {strides = array<i32>} : memref<80x16xf32, #tpu.memory_space<vmem>>, vector<16xf32>,
    tpu.vector_store %arg25[%swap3A_819, %swap3A_820], %broadcast_in_dim3A_0 {strides = array<i32>} : memref<80x16xf32, #tpu.memory_space<vmem>>, vector<16xf32>,
    %swap3A_822 = arith.constant 62 : i32
    %swap3A_823 = arith.index_cast %swap3A_822 : i32 to index
    %swap3A_824 = arith.constant 0 : index
    %swap3A_825 = tpu.vector_load %arg26[%swap3A_823, %swap3A_824] {strides = array<i32>} : memref<80x16xf32, #tpu.memory_space<vmem>>, vector<16xf32>,
    tpu.vector_store %arg26[%swap3A_823, %swap3A_824], %broadcast_in_dim3A_0 {strides = array<i32>} : memref<80x16xf32, #tpu.memory_space<vmem>>, vector<16xf32>,
    %swap3A_826 = arith.constant 63 : i32
    %swap3A_827 = arith.index_cast %swap3A_826 : i32 to index
    %swap3A_828 = arith.constant 0 : index
    %swap3A_829 = tpu.vector_load %arg25[%swap3A_827, %swap3A_828] {strides = array<i32>} : memref<80x16xf32, #tpu.memory_space<vmem>>, vector<16xf32>,
    tpu.vector_store %arg25[%swap3A_827, %swap3A_828], %broadcast_in_dim3A_0 {strides = array<i32>} : memref<80x16xf32, #tpu.memory_space<vmem>>, vector<16xf32>,
    %swap3A_830 = arith.constant 63 : i32
    %swap3A_831 = arith.index_cast %swap3A_830 : i32 to index
    %swap3A_832 = arith.constant 0 : index
    %swap3A_833 = tpu.vector_load %arg26[%swap3A_831, %swap3A_832] {strides = array<i32>} : memref<80x16xf32, #tpu.memory_space<vmem>>, vector<16xf32>,
    tpu.vector_store %arg26[%swap3A_831, %swap3A_832], %broadcast_in_dim3A_0 {strides = array<i32>} : memref<80x16xf32, #tpu.memory_space<vmem>>, vector<16xf32>,
    %swap3A_834 = arith.constant 64 : i32
    %swap3A_835 = arith.index_cast %swap3A_834 : i32 to index
    %swap3A_836 = arith.constant 0 : index
    %swap3A_837 = tpu.vector_load %arg25[%swap3A_835, %swap3A_836] {strides = array<i32>} : memref<80x16xf32, #tpu.memory_space<vmem>>, vector<16xf32>,
    tpu.vector_store %arg25[%swap3A_835, %swap3A_836], %broadcast_in_dim3A_0 {strides = array<i32>} : memref<80x16xf32, #tpu.memory_space<vmem>>, vector<16xf32>,
    %swap3A_838 = arith.constant 64 : i32
    %swap3A_839 = arith.index_cast %swap3A_838 : i32 to index
    %swap3A_840 = arith.constant 0 : index
    %swap3A_841 = tpu.vector_load %arg26[%swap3A_839, %swap3A_840] {strides = array<i32>} : memref<80x16xf32, #tpu.memory_space<vmem>>, vector<16xf32>,
    tpu.vector_store %arg26[%swap3A_839, %swap3A_840], %broadcast_in_dim3A_0 {strides = array<i32>} : memref<80x16xf32, #tpu.memory_space<vmem>>, vector<16xf32>,
    %swap3A_842 = arith.constant 65 : i32
    %swap3A_843 = arith.index_cast %swap3A_842 : i32 to index
    %swap3A_844 = arith.constant 0 : index
    %swap3A_845 = tpu.vector_load %arg25[%swap3A_843, %swap3A_844] {strides = array<i32>} : memref<80x16xf32, #tpu.memory_space<vmem>>, vector<16xf32>,
    tpu.vector_store %arg25[%swap3A_843, %swap3A_844], %broadcast_in_dim3A_0 {strides = array<i32>} : memref<80x16xf32, #tpu.memory_space<vmem>>, vector<16xf32>,
    %swap3A_846 = arith.constant 65 : i32
    %swap3A_847 = arith.index_cast %swap3A_846 : i32 to index
    %swap3A_848 = arith.constant 0 : index
    %swap3A_849 = tpu.vector_load %arg26[%swap3A_847, %swap3A_848] {strides = array<i32>} : memref<80x16xf32, #tpu.memory_space<vmem>>, vector<16xf32>,
    tpu.vector_store %arg26[%swap3A_847, %swap3A_848], %broadcast_in_dim3A_0 {strides = array<i32>} : memref<80x16xf32, #tpu.memory_space<vmem>>, vector<16xf32>,
    %swap3A_850 = arith.constant 66 : i32
    %swap3A_851 = arith.index_cast %swap3A_850 : i32 to index
    %swap3A_852 = arith.constant 0 : index
    %swap3A_853 = tpu.vector_load %arg25[%swap3A_851, %swap3A_852] {strides = array<i32>} : memref<80x16xf32, #tpu.memory_space<vmem>>, vector<16xf32>,
    tpu.vector_store %arg25[%swap3A_851, %swap3A_852], %broadcast_in_dim3A_0 {strides = array<i32>} : memref<80x16xf32, #tpu.memory_space<vmem>>, vector<16xf32>,
    %swap3A_854 = arith.constant 66 : i32
    %swap3A_855 = arith.index_cast %swap3A_854 : i32 to index
    %swap3A_856 = arith.constant 0 : index
    %swap3A_857 = tpu.vector_load %arg26[%swap3A_855, %swap3A_856] {strides = array<i32>} : memref<80x16xf32, #tpu.memory_space<vmem>>, vector<16xf32>,
    tpu.vector_store %arg26[%swap3A_855, %swap3A_856], %broadcast_in_dim3A_0 {strides = array<i32>} : memref<80x16xf32, #tpu.memory_space<vmem>>, vector<16xf32>,
    %swap3A_858 = arith.constant 67 : i32
    %swap3A_859 = arith.index_cast %swap3A_858 : i32 to index
    %swap3A_860 = arith.constant 0 : index
    %swap3A_861 = tpu.vector_load %arg25[%swap3A_859, %swap3A_860] {strides = array<i32>} : memref<80x16xf32, #tpu.memory_space<vmem>>, vector<16xf32>,
    tpu.vector_store %arg25[%swap3A_859, %swap3A_860], %broadcast_in_dim3A_0 {strides = array<i32>} : memref<80x16xf32, #tpu.memory_space<vmem>>, vector<16xf32>,
    %swap3A_862 = arith.constant 67 : i32
    %swap3A_863 = arith.index_cast %swap3A_862 : i32 to index
    %swap3A_864 = arith.constant 0 : index
    %swap3A_865 = tpu.vector_load %arg26[%swap3A_863, %swap3A_864] {strides = array<i32>} : memref<80x16xf32, #tpu.memory_space<vmem>>, vector<16xf32>,
    tpu.vector_store %arg26[%swap3A_863, %swap3A_864], %broadcast_in_dim3A_0 {strides = array<i32>} : memref<80x16xf32, #tpu.memory_space<vmem>>, vector<16xf32>,
    %swap3A_866 = arith.constant 68 : i32
    %swap3A_867 = arith.index_cast %swap3A_866 : i32 to index
    %swap3A_868 = arith.constant 0 : index
    %swap3A_869 = tpu.vector_load %arg25[%swap3A_867, %swap3A_868] {strides = array<i32>} : memref<80x16xf32, #tpu.memory_space<vmem>>, vector<16xf32>,
    tpu.vector_store %arg25[%swap3A_867, %swap3A_868], %broadcast_in_dim3A_0 {strides = array<i32>} : memref<80x16xf32, #tpu.memory_space<vmem>>, vector<16xf32>,
    %swap3A_870 = arith.constant 68 : i32
    %swap3A_871 = arith.index_cast %swap3A_870 : i32 to index
    %swap3A_872 = arith.constant 0 : index
    %swap3A_873 = tpu.vector_load %arg26[%swap3A_871, %swap3A_872] {strides = array<i32>} : memref<80x16xf32, #tpu.memory_space<vmem>>, vector<16xf32>,
    tpu.vector_store %arg26[%swap3A_871, %swap3A_872], %broadcast_in_dim3A_0 {strides = array<i32>} : memref<80x16xf32, #tpu.memory_space<vmem>>, vector<16xf32>,
    %swap3A_874 = arith.constant 69 : i32
    %swap3A_875 = arith.index_cast %swap3A_874 : i32 to index
    %swap3A_876 = arith.constant 0 : index
    %swap3A_877 = tpu.vector_load %arg25[%swap3A_875, %swap3A_876] {strides = array<i32>} : memref<80x16xf32, #tpu.memory_space<vmem>>, vector<16xf32>,
    tpu.vector_store %arg25[%swap3A_875, %swap3A_876], %broadcast_in_dim3A_0 {strides = array<i32>} : memref<80x16xf32, #tpu.memory_space<vmem>>, vector<16xf32>,
    %swap3A_878 = arith.constant 69 : i32
    %swap3A_879 = arith.index_cast %swap3A_878 : i32 to index
    %swap3A_880 = arith.constant 0 : index
    %swap3A_881 = tpu.vector_load %arg26[%swap3A_879, %swap3A_880] {strides = array<i32>} : memref<80x16xf32, #tpu.memory_space<vmem>>, vector<16xf32>,
    tpu.vector_store %arg26[%swap3A_879, %swap3A_880], %broadcast_in_dim3A_0 {strides = array<i32>} : memref<80x16xf32, #tpu.memory_space<vmem>>, vector<16xf32>,
    %swap3A_882 = arith.constant 70 : i32
    %swap3A_883 = arith.index_cast %swap3A_882 : i32 to index
    %swap3A_884 = arith.constant 0 : index
    %swap3A_885 = tpu.vector_load %arg25[%swap3A_883, %swap3A_884] {strides = array<i32>} : memref<80x16xf32, #tpu.memory_space<vmem>>, vector<16xf32>,
    tpu.vector_store %arg25[%swap3A_883, %swap3A_884], %broadcast_in_dim3A_0 {strides = array<i32>} : memref<80x16xf32, #tpu.memory_space<vmem>>, vector<16xf32>,
    %swap3A_886 = arith.constant 70 : i32
    %swap3A_887 = arith.index_cast %swap3A_886 : i32 to index
    %swap3A_888 = arith.constant 0 : index
    %swap3A_889 = tpu.vector_load %arg26[%swap3A_887, %swap3A_888] {strides = array<i32>} : memref<80x16xf32, #tpu.memory_space<vmem>>, vector<16xf32>,
    tpu.vector_store %arg26[%swap3A_887, %swap3A_888], %broadcast_in_dim3A_0 {strides = array<i32>} : memref<80x16xf32, #tpu.memory_space<vmem>>, vector<16xf32>,
    %swap3A_890 = arith.constant 71 : i32
    %swap3A_891 = arith.index_cast %swap3A_890 : i32 to index
    %swap3A_892 = arith.constant 0 : index
    %swap3A_893 = tpu.vector_load %arg25[%swap3A_891, %swap3A_892] {strides = array<i32>} : memref<80x16xf32, #tpu.memory_space<vmem>>, vector<16xf32>,
    tpu.vector_store %arg25[%swap3A_891, %swap3A_892], %broadcast_in_dim3A_0 {strides = array<i32>} : memref<80x16xf32, #tpu.memory_space<vmem>>, vector<16xf32>,
    %swap3A_894 = arith.constant 71 : i32
    %swap3A_895 = arith.index_cast %swap3A_894 : i32 to index
    %swap3A_896 = arith.constant 0 : index
    %swap3A_897 = tpu.vector_load %arg26[%swap3A_895, %swap3A_896] {strides = array<i32>} : memref<80x16xf32, #tpu.memory_space<vmem>>, vector<16xf32>,
    tpu.vector_store %arg26[%swap3A_895, %swap3A_896], %broadcast_in_dim3A_0 {strides = array<i32>} : memref<80x16xf32, #tpu.memory_space<vmem>>, vector<16xf32>,
    %swap3A_898 = arith.constant 72 : i32
    %swap3A_899 = arith.index_cast %swap3A_898 : i32 to index
    %swap3A_900 = arith.constant 0 : index
    %swap3A_901 = tpu.vector_load %arg25[%swap3A_899, %swap3A_900] {strides = array<i32>} : memref<80x16xf32, #tpu.memory_space<vmem>>, vector<16xf32>,
    tpu.vector_store %arg25[%swap3A_899, %swap3A_900], %broadcast_in_dim3A_0 {strides = array<i32>} : memref<80x16xf32, #tpu.memory_space<vmem>>, vector<16xf32>,
    %swap3A_902 = arith.constant 72 : i32
    %swap3A_903 = arith.index_cast %swap3A_902 : i32 to index
    %swap3A_904 = arith.constant 0 : index
    %swap3A_905 = tpu.vector_load %arg26[%swap3A_903, %swap3A_904] {strides = array<i32>} : memref<80x16xf32, #tpu.memory_space<vmem>>, vector<16xf32>,
    tpu.vector_store %arg26[%swap3A_903, %swap3A_904], %broadcast_in_dim3A_0 {strides = array<i32>} : memref<80x16xf32, #tpu.memory_space<vmem>>, vector<16xf32>,
    %swap3A_906 = arith.constant 73 : i32
    %swap3A_907 = arith.index_cast %swap3A_906 : i32 to index
    %swap3A_908 = arith.constant 0 : index
    %swap3A_909 = tpu.vector_load %arg25[%swap3A_907, %swap3A_908] {strides = array<i32>} : memref<80x16xf32, #tpu.memory_space<vmem>>, vector<16xf32>,
    tpu.vector_store %arg25[%swap3A_907, %swap3A_908], %broadcast_in_dim3A_0 {strides = array<i32>} : memref<80x16xf32, #tpu.memory_space<vmem>>, vector<16xf32>,
    %swap3A_910 = arith.constant 73 : i32
    %swap3A_911 = arith.index_cast %swap3A_910 : i32 to index
    %swap3A_912 = arith.constant 0 : index
    %swap3A_913 = tpu.vector_load %arg26[%swap3A_911, %swap3A_912] {strides = array<i32>} : memref<80x16xf32, #tpu.memory_space<vmem>>, vector<16xf32>,
    tpu.vector_store %arg26[%swap3A_911, %swap3A_912], %broadcast_in_dim3A_0 {strides = array<i32>} : memref<80x16xf32, #tpu.memory_space<vmem>>, vector<16xf32>,
    %swap3A_914 = arith.constant 74 : i32
    %swap3A_915 = arith.index_cast %swap3A_914 : i32 to index
    %swap3A_916 = arith.constant 0 : index
    %swap3A_917 = tpu.vector_load %arg25[%swap3A_915, %swap3A_916] {strides = array<i32>} : memref<80x16xf32, #tpu.memory_space<vmem>>, vector<16xf32>,
    tpu.vector_store %arg25[%swap3A_915, %swap3A_916], %broadcast_in_dim3A_0 {strides = array<i32>} : memref<80x16xf32, #tpu.memory_space<vmem>>, vector<16xf32>,
    %swap3A_918 = arith.constant 74 : i32
    %swap3A_919 = arith.index_cast %swap3A_918 : i32 to index
    %swap3A_920 = arith.constant 0 : index
    %swap3A_921 = tpu.vector_load %arg26[%swap3A_919, %swap3A_920] {strides = array<i32>} : memref<80x16xf32, #tpu.memory_space<vmem>>, vector<16xf32>,
    tpu.vector_store %arg26[%swap3A_919, %swap3A_920], %broadcast_in_dim3A_0 {strides = array<i32>} : memref<80x16xf32, #tpu.memory_space<vmem>>, vector<16xf32>,
    %swap3A_922 = arith.constant 75 : i32
    %swap3A_923 = arith.index_cast %swap3A_922 : i32 to index
    %swap3A_924 = arith.constant 0 : index
    %swap3A_925 = tpu.vector_load %arg25[%swap3A_923, %swap3A_924] {strides = array<i32>} : memref<80x16xf32, #tpu.memory_space<vmem>>, vector<16xf32>,
    tpu.vector_store %arg25[%swap3A_923, %swap3A_924], %broadcast_in_dim3A_0 {strides = array<i32>} : memref<80x16xf32, #tpu.memory_space<vmem>>, vector<16xf32>,
    %swap3A_926 = arith.constant 75 : i32
    %swap3A_927 = arith.index_cast %swap3A_926 : i32 to index
    %swap3A_928 = arith.constant 0 : index
    %swap3A_929 = tpu.vector_load %arg26[%swap3A_927, %swap3A_928] {strides = array<i32>} : memref<80x16xf32, #tpu.memory_space<vmem>>, vector<16xf32>,
    tpu.vector_store %arg26[%swap3A_927, %swap3A_928], %broadcast_in_dim3A_0 {strides = array<i32>} : memref<80x16xf32, #tpu.memory_space<vmem>>, vector<16xf32>,
    %swap3A_930 = arith.constant 76 : i32
    %swap3A_931 = arith.index_cast %swap3A_930 : i32 to index
    %swap3A_932 = arith.constant 0 : index
    %swap3A_933 = tpu.vector_load %arg25[%swap3A_931, %swap3A_932] {strides = array<i32>} : memref<80x16xf32, #tpu.memory_space<vmem>>, vector<16xf32>,
    tpu.vector_store %arg25[%swap3A_931, %swap3A_932], %broadcast_in_dim3A_0 {strides = array<i32>} : memref<80x16xf32, #tpu.memory_space<vmem>>, vector<16xf32>,
    %swap3A_934 = arith.constant 76 : i32
    %swap3A_935 = arith.index_cast %swap3A_934 : i32 to index
    %swap3A_936 = arith.constant 0 : index
    %swap3A_937 = tpu.vector_load %arg26[%swap3A_935, %swap3A_936] {strides = array<i32>} : memref<80x16xf32, #tpu.memory_space<vmem>>, vector<16xf32>,
    tpu.vector_store %arg26[%swap3A_935, %swap3A_936], %broadcast_in_dim3A_0 {strides = array<i32>} : memref<80x16xf32, #tpu.memory_space<vmem>>, vector<16xf32>,
    %swap3A_938 = arith.constant 77 : i32
    %swap3A_939 = arith.index_cast %swap3A_938 : i32 to index
    %swap3A_940 = arith.constant 0 : index
    %swap3A_941 = tpu.vector_load %arg25[%swap3A_939, %swap3A_940] {strides = array<i32>} : memref<80x16xf32, #tpu.memory_space<vmem>>, vector<16xf32>,
    tpu.vector_store %arg25[%swap3A_939, %swap3A_940], %broadcast_in_dim3A_0 {strides = array<i32>} : memref<80x16xf32, #tpu.memory_space<vmem>>, vector<16xf32>,
    %swap3A_942 = arith.constant 77 : i32
    %swap3A_943 = arith.index_cast %swap3A_942 : i32 to index
    %swap3A_944 = arith.constant 0 : index
    %swap3A_945 = tpu.vector_load %arg26[%swap3A_943, %swap3A_944] {strides = array<i32>} : memref<80x16xf32, #tpu.memory_space<vmem>>, vector<16xf32>,
    tpu.vector_store %arg26[%swap3A_943, %swap3A_944], %broadcast_in_dim3A_0 {strides = array<i32>} : memref<80x16xf32, #tpu.memory_space<vmem>>, vector<16xf32>,
    %swap3A_946 = arith.constant 78 : i32
    %swap3A_947 = arith.index_cast %swap3A_946 : i32 to index
    %swap3A_948 = arith.constant 0 : index
    %swap3A_949 = tpu.vector_load %arg25[%swap3A_947, %swap3A_948] {strides = array<i32>} : memref<80x16xf32, #tpu.memory_space<vmem>>, vector<16xf32>,
    tpu.vector_store %arg25[%swap3A_947, %swap3A_948], %broadcast_in_dim3A_0 {strides = array<i32>} : memref<80x16xf32, #tpu.memory_space<vmem>>, vector<16xf32>,
    %swap3A_950 = arith.constant 78 : i32
    %swap3A_951 = arith.index_cast %swap3A_950 : i32 to index
    %swap3A_952 = arith.constant 0 : index
    %swap3A_953 = tpu.vector_load %arg26[%swap3A_951, %swap3A_952] {strides = array<i32>} : memref<80x16xf32, #tpu.memory_space<vmem>>, vector<16xf32>,
    tpu.vector_store %arg26[%swap3A_951, %swap3A_952], %broadcast_in_dim3A_0 {strides = array<i32>} : memref<80x16xf32, #tpu.memory_space<vmem>>, vector<16xf32>,
    %swap3A_954 = arith.constant 79 : i32
    %swap3A_955 = arith.index_cast %swap3A_954 : i32 to index
    %swap3A_956 = arith.constant 0 : index
    %swap3A_957 = tpu.vector_load %arg25[%swap3A_955, %swap3A_956] {strides = array<i32>} : memref<80x16xf32, #tpu.memory_space<vmem>>, vector<16xf32>,
    tpu.vector_store %arg25[%swap3A_955, %swap3A_956], %broadcast_in_dim3A_0 {strides = array<i32>} : memref<80x16xf32, #tpu.memory_space<vmem>>, vector<16xf32>,
    %swap3A_958 = arith.constant 79 : i32
    %swap3A_959 = arith.index_cast %swap3A_958 : i32 to index
    %swap3A_960 = arith.constant 0 : index
    %swap3A_961 = tpu.vector_load %arg26[%swap3A_959, %swap3A_960] {strides = array<i32>} : memref<80x16xf32, #tpu.memory_space<vmem>>, vector<16xf32>,
    tpu.vector_store %arg26[%swap3A_959, %swap3A_960], %broadcast_in_dim3A_0 {strides = array<i32>} : memref<80x16xf32, #tpu.memory_space<vmem>>, vector<16xf32>,
    %scan3A = arith.constant 0 : i32
    %scan3A_962 = arith.constant 0 : i32
    %scan3A_963 = arith.constant 39 : i32
    %scan3A_964 = arith.addi %scan3A_962, %scan3A_963 : i32
    %scan3A_965 = arith.constant 1 : i32
    scf.for %scan3A_1043 = %scan3A_962 to %scan3A_964 step %scan3A_965  : i32 {
      %mul3A_1044 = arith.constant 624 : i32
      %mul3A_1045 = arith.muli %arg1, %mul3A_1044 : i32
      %mul3A_1046 = arith.constant 16 : i32
      %mul3A_1047 = arith.muli %scan3A_1043, %mul3A_1046 : i32
      %add3A_1048 = arith.addi %mul3A_1045, %mul3A_1047 : i32
      "tpu.region"() ({
        %run_scoped3A = tpu.sem_alloc : memref<!tpu.dma_semaphore, #tpu.memory_space<semaphore_mem>>
        %dma_start3A_1049 = arith.constant 0 : i32
        %dma_start3A_1050 = tpu.memref_slice %arg29[%add3A_1048, %dma_start3A_1049] : memref<10000x64xf32, #tpu.memory_space<vmem_shared>> -> memref<16x64xf32, #tpu.memory_space<vmem_shared>>
        %dma_start3A_1051 = arith.constant 0 : i32
        %dma_start3A_1052 = tpu.memref_slice %arg29[%add3A_1048, %dma_start3A_1051] : memref<10000x64xf32, #tpu.memory_space<vmem_shared>> -> memref<16x64xf32, #tpu.memory_space<vmem_shared>>
        tpu.enqueue_dma source(%arg27 : memref<16x64xf32, #tpu.memory_space<vmem>>) target(%dma_start3A_1052 : memref<16x64xf32, #tpu.memory_space<vmem_shared>>) target_semaphore(%run_scoped3A : memref<!tpu.dma_semaphore, #tpu.memory_space<semaphore_mem>>)
        %dma_wait3A_1053 = arith.constant 0 : i32
        %dma_wait3A_1054 = tpu.memref_slice %arg29[%add3A_1048, %dma_wait3A_1053] : memref<10000x64xf32, #tpu.memory_space<vmem_shared>> -> memref<16x64xf32, #tpu.memory_space<vmem_shared>>
        %dma_wait3A_1055 = arith.constant 0 : i32
        %dma_wait3A_1056 = tpu.memref_slice %arg29[%add3A_1048, %dma_wait3A_1055] : memref<10000x64xf32, #tpu.memory_space<vmem_shared>> -> memref<16x64xf32, #tpu.memory_space<vmem_shared>>
        tpu.wait_dma2 semaphore(%run_scoped3A : memref<!tpu.dma_semaphore, #tpu.memory_space<semaphore_mem>>) src(%arg27 : memref<16x64xf32, #tpu.memory_space<vmem>>) dst(%dma_wait3A_1056 : memref<16x64xf32, #tpu.memory_space<vmem_shared>>)
        tpu.yield
      }) : () -> ()
      "tpu.region"() ({
        %run_scoped3A = tpu.sem_alloc : memref<!tpu.dma_semaphore, #tpu.memory_space<semaphore_mem>>
        %dma_start3A_1049 = arith.constant 0 : i32
        %dma_start3A_1050 = tpu.memref_slice %arg30[%add3A_1048, %dma_start3A_1049] : memref<10000x16xf32, #tpu.memory_space<vmem_shared>> -> memref<16x16xf32, #tpu.memory_space<vmem_shared>>
        %dma_start3A_1051 = arith.constant 0 : i32
        %dma_start3A_1052 = tpu.memref_slice %arg30[%add3A_1048, %dma_start3A_1051] : memref<10000x16xf32, #tpu.memory_space<vmem_shared>> -> memref<16x16xf32, #tpu.memory_space<vmem_shared>>
        tpu.enqueue_dma source(%arg28 : memref<16x16xf32, #tpu.memory_space<vmem>>) target(%dma_start3A_1052 : memref<16x16xf32, #tpu.memory_space<vmem_shared>>) target_semaphore(%run_scoped3A : memref<!tpu.dma_semaphore, #tpu.memory_space<semaphore_mem>>)
        %dma_wait3A_1053 = arith.constant 0 : i32
        %dma_wait3A_1054 = tpu.memref_slice %arg30[%add3A_1048, %dma_wait3A_1053] : memref<10000x16xf32, #tpu.memory_space<vmem_shared>> -> memref<16x16xf32, #tpu.memory_space<vmem_shared>>
        %dma_wait3A_1055 = arith.constant 0 : i32
        %dma_wait3A_1056 = tpu.memref_slice %arg30[%add3A_1048, %dma_wait3A_1055] : memref<10000x16xf32, #tpu.memory_space<vmem_shared>> -> memref<16x16xf32, #tpu.memory_space<vmem_shared>>
        tpu.wait_dma2 semaphore(%run_scoped3A : memref<!tpu.dma_semaphore, #tpu.memory_space<semaphore_mem>>) src(%arg28 : memref<16x16xf32, #tpu.memory_space<vmem>>) dst(%dma_wait3A_1056 : memref<16x16xf32, #tpu.memory_space<vmem_shared>>)
        tpu.yield
      }) : () -> ()
    }
    %scan3A_966 = arith.constant 39 : i32
    "tpu.region"() ({
      %run_scoped3A = tpu.sem_alloc : memref<!tpu.dma_semaphore, #tpu.memory_space<semaphore_mem>>
      %dma_start3A_1043 = arith.constant 9984 : i32
      %dma_start3A_1044 = arith.constant 0 : i32
      %dma_start3A_1045 = tpu.memref_slice %arg29[%dma_start3A_1043, %dma_start3A_1044] : memref<10000x64xf32, #tpu.memory_space<vmem_shared>> -> memref<16x64xf32, #tpu.memory_space<vmem_shared>>
      %dma_start3A_1046 = arith.constant 9984 : i32
      %dma_start3A_1047 = arith.constant 0 : i32
      %dma_start3A_1048 = tpu.memref_slice %arg29[%dma_start3A_1046, %dma_start3A_1047] : memref<10000x64xf32, #tpu.memory_space<vmem_shared>> -> memref<16x64xf32, #tpu.memory_space<vmem_shared>>
      tpu.enqueue_dma source(%arg27 : memref<16x64xf32, #tpu.memory_space<vmem>>) target(%dma_start3A_1048 : memref<16x64xf32, #tpu.memory_space<vmem_shared>>) target_semaphore(%run_scoped3A : memref<!tpu.dma_semaphore, #tpu.memory_space<semaphore_mem>>)
      %dma_wait3A_1049 = arith.constant 9984 : i32
      %dma_wait3A_1050 = arith.constant 0 : i32
      %dma_wait3A_1051 = tpu.memref_slice %arg29[%dma_wait3A_1049, %dma_wait3A_1050] : memref<10000x64xf32, #tpu.memory_space<vmem_shared>> -> memref<16x64xf32, #tpu.memory_space<vmem_shared>>
      %dma_wait3A_1052 = arith.constant 9984 : i32
      %dma_wait3A_1053 = arith.constant 0 : i32
      %dma_wait3A_1054 = tpu.memref_slice %arg29[%dma_wait3A_1052, %dma_wait3A_1053] : memref<10000x64xf32, #tpu.memory_space<vmem_shared>> -> memref<16x64xf32, #tpu.memory_space<vmem_shared>>
      tpu.wait_dma2 semaphore(%run_scoped3A : memref<!tpu.dma_semaphore, #tpu.memory_space<semaphore_mem>>) src(%arg27 : memref<16x64xf32, #tpu.memory_space<vmem>>) dst(%dma_wait3A_1054 : memref<16x64xf32, #tpu.memory_space<vmem_shared>>)
      tpu.yield
    }) : () -> ()
    "tpu.region"() ({
      %run_scoped3A = tpu.sem_alloc : memref<!tpu.dma_semaphore, #tpu.memory_space<semaphore_mem>>
      %dma_start3A_1043 = arith.constant 9984 : i32
      %dma_start3A_1044 = arith.constant 0 : i32
      %dma_start3A_1045 = tpu.memref_slice %arg30[%dma_start3A_1043, %dma_start3A_1044] : memref<10000x16xf32, #tpu.memory_space<vmem_shared>> -> memref<16x16xf32, #tpu.memory_space<vmem_shared>>
      %dma_start3A_1046 = arith.constant 9984 : i32
      %dma_start3A_1047 = arith.constant 0 : i32
      %dma_start3A_1048 = tpu.memref_slice %arg30[%dma_start3A_1046, %dma_start3A_1047] : memref<10000x16xf32, #tpu.memory_space<vmem_shared>> -> memref<16x16xf32, #tpu.memory_space<vmem_shared>>
      tpu.enqueue_dma source(%arg28 : memref<16x16xf32, #tpu.memory_space<vmem>>) target(%dma_start3A_1048 : memref<16x16xf32, #tpu.memory_space<vmem_shared>>) target_semaphore(%run_scoped3A : memref<!tpu.dma_semaphore, #tpu.memory_space<semaphore_mem>>)
      %dma_wait3A_1049 = arith.constant 9984 : i32
      %dma_wait3A_1050 = arith.constant 0 : i32
      %dma_wait3A_1051 = tpu.memref_slice %arg30[%dma_wait3A_1049, %dma_wait3A_1050] : memref<10000x16xf32, #tpu.memory_space<vmem_shared>> -> memref<16x16xf32, #tpu.memory_space<vmem_shared>>
      %dma_wait3A_1052 = arith.constant 9984 : i32
      %dma_wait3A_1053 = arith.constant 0 : i32
      %dma_wait3A_1054 = tpu.memref_slice %arg30[%dma_wait3A_1052, %dma_wait3A_1053] : memref<10000x16xf32, #tpu.memory_space<vmem_shared>> -> memref<16x16xf32, #tpu.memory_space<vmem_shared>>
      tpu.wait_dma2 semaphore(%run_scoped3A : memref<!tpu.dma_semaphore, #tpu.memory_space<semaphore_mem>>) src(%arg28 : memref<16x16xf32, #tpu.memory_space<vmem>>) dst(%dma_wait3A_1054 : memref<16x16xf32, #tpu.memory_space<vmem_shared>>)
      tpu.yield
    }) : () -> ()
    %barrier3A = arith.constant 0 : index
    tpu.barrier barrier_id(%barrier3A)
    %iota3A = tpu.iota {dimensions = array<i32: 0>} : vector<16xi32>
    %mul3A = arith.constant 10000 : i32
    %mul3A_967 = arith.muli %arg0, %mul3A : i32
    %mul3A_968 = arith.constant 20000 : i32
    %mul3A_969 = arith.muli %arg1, %mul3A_968 : i32
    %add3A = arith.constant 0 : i32
    %add3A_970 = arith.addi %mul3A_969, %add3A : i32
    %min3A = arith.constant 319920 : i32
    %min3A_971 = arith.minsi %add3A_970, %min3A : i32
    %dma_start3A = tpu.memref_slice %arg2[%min3A_971] : memref<320000xi32, #tpu.memory_space<hbm>> -> memref<80xi32, #tpu.memory_space<hbm>>
    %dma_start3A_972 = tpu.memref_slice %arg2[%min3A_971] : memref<320000xi32, #tpu.memory_space<hbm>> -> memref<80xi32, #tpu.memory_space<hbm>>
    tpu.enqueue_dma source(%dma_start3A_972 : memref<80xi32, #tpu.memory_space<hbm>>) target(%arg9 : memref<80xi32, #tpu.memory_space<vmem>>) target_semaphore(%arg37 : memref<!tpu.dma_semaphore, #tpu.memory_space<semaphore_mem>>)
    %dma_start3A_973 = tpu.memref_slice %arg3[%min3A_971] : memref<320000xi32, #tpu.memory_space<hbm>> -> memref<80xi32, #tpu.memory_space<hbm>>
    %dma_start3A_974 = tpu.memref_slice %arg3[%min3A_971] : memref<320000xi32, #tpu.memory_space<hbm>> -> memref<80xi32, #tpu.memory_space<hbm>>
    tpu.enqueue_dma source(%dma_start3A_974 : memref<80xi32, #tpu.memory_space<hbm>>) target(%arg10 : memref<80xi32, #tpu.memory_space<vmem>>) target_semaphore(%arg38 : memref<!tpu.dma_semaphore, #tpu.memory_space<semaphore_mem>>)
    %dma_wait3A = arith.constant 0 : i32
    %dma_wait3A_975 = tpu.memref_slice %arg2[%dma_wait3A] : memref<320000xi32, #tpu.memory_space<hbm>> -> memref<80xi32, #tpu.memory_space<hbm>>
    %dma_wait3A_976 = arith.constant 0 : i32
    %dma_wait3A_977 = tpu.memref_slice %arg2[%dma_wait3A_976] : memref<320000xi32, #tpu.memory_space<hbm>> -> memref<80xi32, #tpu.memory_space<hbm>>
    tpu.wait_dma2 semaphore(%arg37 : memref<!tpu.dma_semaphore, #tpu.memory_space<semaphore_mem>>) src(%dma_wait3A_977 : memref<80xi32, #tpu.memory_space<hbm>>) dst(%arg9 : memref<80xi32, #tpu.memory_space<vmem>>)
    %dma_wait3A_978 = arith.constant 0 : i32
    %dma_wait3A_979 = tpu.memref_slice %arg3[%dma_wait3A_978] : memref<320000xi32, #tpu.memory_space<hbm>> -> memref<80xi32, #tpu.memory_space<hbm>>
    %dma_wait3A_980 = arith.constant 0 : i32
    %dma_wait3A_981 = tpu.memref_slice %arg3[%dma_wait3A_980] : memref<320000xi32, #tpu.memory_space<hbm>> -> memref<80xi32, #tpu.memory_space<hbm>>
    tpu.wait_dma2 semaphore(%arg38 : memref<!tpu.dma_semaphore, #tpu.memory_space<semaphore_mem>>) src(%dma_wait3A_981 : memref<80xi32, #tpu.memory_space<hbm>>) dst(%arg10 : memref<80xi32, #tpu.memory_space<vmem>>)
    %scan3A_982 = arith.constant 0 : i32
    %scan3A_983 = arith.constant 0 : i32
    %scan3A_984 = arith.constant 5 : i32
    %scan3A_985 = arith.addi %scan3A_983, %scan3A_984 : i32
    %scan3A_986 = arith.constant 1 : i32
    scf.for %scan3A_1043 = %scan3A_983 to %scan3A_985 step %scan3A_986  : i32 {
      %mul3A_1044 = arith.constant 16 : i32
      %mul3A_1045 = arith.muli %scan3A_1043, %mul3A_1044 : i32
      %get3A = arith.index_cast %mul3A_1045 : i32 to index
      %get3A_1046 = tpu.vector_load %arg9[%get3A] {strides = array<i32>} : memref<80xi32, #tpu.memory_space<vmem>>, vector<16xi32>,
      %add3A_1047 = vector.broadcast %mul3A_967 : i32 to vector<16xi32>
      %add3A_1048 = arith.addi %get3A_1046, %add3A_1047 : vector<16xi32>
      %swap3A_1049 = arith.index_cast %mul3A_1045 : i32 to index
      %swap3A_1050 = tpu.vector_load %arg11[%swap3A_1049] {strides = array<i32>} : memref<80xi32, #tpu.memory_space<vmem>>, vector<16xi32>,
      tpu.vector_store %arg11[%swap3A_1049], %add3A_1048 {strides = array<i32>} : memref<80xi32, #tpu.memory_space<vmem>>, vector<16xi32>,
      %get3A_1051 = arith.index_cast %mul3A_1045 : i32 to index
      %get3A_1052 = tpu.vector_load %arg10[%get3A_1051] {strides = array<i32>} : memref<80xi32, #tpu.memory_space<vmem>>, vector<16xi32>,
      %add3A_1053 = vector.broadcast %mul3A_967 : i32 to vector<16xi32>
      %add3A_1054 = arith.addi %get3A_1052, %add3A_1053 : vector<16xi32>
      %swap3A_1055 = arith.index_cast %mul3A_1045 : i32 to index
      %swap3A_1056 = tpu.vector_load %arg12[%swap3A_1055] {strides = array<i32>} : memref<80xi32, #tpu.memory_space<vmem>>, vector<16xi32>,
      tpu.vector_store %arg12[%swap3A_1055], %add3A_1054 {strides = array<i32>} : memref<80xi32, #tpu.memory_space<vmem>>, vector<16xi32>,
      %get3A_1057 = arith.index_cast %mul3A_1045 : i32 to index
      %get3A_1058 = tpu.vector_load %arg10[%get3A_1057] {strides = array<i32>} : memref<80xi32, #tpu.memory_space<vmem>>, vector<16xi32>,
      %add3A_1059 = arith.addi %get3A_1058, %broadcast_in_dim3A_2 : vector<16xi32>
      %swap3A_1060 = arith.index_cast %mul3A_1045 : i32 to index
      %swap3A_1061 = tpu.vector_load %arg13[%swap3A_1060] {strides = array<i32>} : memref<80xi32, #tpu.memory_space<vmem>>, vector<16xi32>,
      tpu.vector_store %arg13[%swap3A_1060], %add3A_1059 {strides = array<i32>} : memref<80xi32, #tpu.memory_space<vmem>>, vector<16xi32>,
    }
    %scan3A_987 = arith.constant 5 : i32
    %dma_start3A_988 = arith.constant 0 : i32
    %dma_start3A_989 = arith.constant 0 : i32
    %dma_start3A_990 = tpu.memref_slice %arg4[%dma_start3A_988, %dma_start3A_989] : memref<20000x64xf32, #tpu.memory_space<hbm>> -> memref<20000x64xf32, #tpu.memory_space<hbm>>
    tpu.enqueue_indirect_dma source(%dma_start3A_990 : memref<20000x64xf32, #tpu.memory_space<hbm>>) target(%arg19 : memref<80x64xf32, #tpu.memory_space<vmem>>) offsets(%arg12 : memref<80xi32, #tpu.memory_space<vmem>>) semaphore(%arg31 : memref<!tpu.dma_semaphore, #tpu.memory_space<semaphore_mem>>)
    %dma_start3A_991 = arith.constant 0 : i32
    %dma_start3A_992 = arith.constant 0 : i32
    %dma_start3A_993 = tpu.memref_slice %arg5[%dma_start3A_991, %dma_start3A_992] : memref<20000x64xf32, #tpu.memory_space<hbm>> -> memref<20000x64xf32, #tpu.memory_space<hbm>>
    tpu.enqueue_indirect_dma source(%dma_start3A_993 : memref<20000x64xf32, #tpu.memory_space<hbm>>) target(%arg20 : memref<80x64xf32, #tpu.memory_space<vmem>>) offsets(%arg11 : memref<80xi32, #tpu.memory_space<vmem>>) semaphore(%arg32 : memref<!tpu.dma_semaphore, #tpu.memory_space<semaphore_mem>>)
    %dma_start3A_994 = arith.constant 0 : i32
    %dma_start3A_995 = arith.constant 0 : i32
    %dma_start3A_996 = tpu.memref_slice %arg6[%dma_start3A_994, %dma_start3A_995] : memref<20000x64xf32, #tpu.memory_space<hbm>> -> memref<20000x64xf32, #tpu.memory_space<hbm>>
    tpu.enqueue_indirect_dma source(%dma_start3A_996 : memref<20000x64xf32, #tpu.memory_space<hbm>>) target(%arg21 : memref<80x64xf32, #tpu.memory_space<vmem>>) offsets(%arg11 : memref<80xi32, #tpu.memory_space<vmem>>) semaphore(%arg33 : memref<!tpu.dma_semaphore, #tpu.memory_space<semaphore_mem>>)
    %add3A_997 = arith.constant 80 : i32
    %add3A_998 = arith.addi %mul3A_969, %add3A_997 : i32
    %min3A_999 = arith.constant 319920 : i32
    %min3A_1000 = arith.minsi %add3A_998, %min3A_999 : i32
    %dma_start3A_1001 = tpu.memref_slice %arg2[%min3A_1000] : memref<320000xi32, #tpu.memory_space<hbm>> -> memref<80xi32, #tpu.memory_space<hbm>>
    %dma_start3A_1002 = tpu.memref_slice %arg2[%min3A_1000] : memref<320000xi32, #tpu.memory_space<hbm>> -> memref<80xi32, #tpu.memory_space<hbm>>
    tpu.enqueue_dma source(%dma_start3A_1002 : memref<80xi32, #tpu.memory_space<hbm>>) target(%arg14 : memref<80xi32, #tpu.memory_space<vmem>>) target_semaphore(%arg39 : memref<!tpu.dma_semaphore, #tpu.memory_space<semaphore_mem>>)
    %dma_start3A_1003 = tpu.memref_slice %arg3[%min3A_1000] : memref<320000xi32, #tpu.memory_space<hbm>> -> memref<80xi32, #tpu.memory_space<hbm>>
    %dma_start3A_1004 = tpu.memref_slice %arg3[%min3A_1000] : memref<320000xi32, #tpu.memory_space<hbm>> -> memref<80xi32, #tpu.memory_space<hbm>>
    tpu.enqueue_dma source(%dma_start3A_1004 : memref<80xi32, #tpu.memory_space<hbm>>) target(%arg15 : memref<80xi32, #tpu.memory_space<vmem>>) target_semaphore(%arg40 : memref<!tpu.dma_semaphore, #tpu.memory_space<semaphore_mem>>)
    %scan3A_1005 = arith.constant 0 : i32
    %scan3A_1006 = arith.constant 0 : i32
    %scan3A_1007 = arith.constant 125 : i32
    %scan3A_1008 = arith.addi %scan3A_1006, %scan3A_1007 : i32
    %scan3A_1009 = arith.constant 1 : i32
    scf.for %scan3A_1043 = %scan3A_1006 to %scan3A_1008 step %scan3A_1009  : i32 {
      %mul3A_1044 = arith.constant 2 : i32
      %mul3A_1045 = arith.muli %mul3A_1044, %scan3A_1043 : i32
      %dma_wait3A_1046 = arith.constant 0 : i32
      %dma_wait3A_1047 = tpu.memref_slice %arg2[%dma_wait3A_1046] : memref<320000xi32, #tpu.memory_space<hbm>> -> memref<80xi32, #tpu.memory_space<hbm>>
      %dma_wait3A_1048 = arith.constant 0 : i32
      %dma_wait3A_1049 = tpu.memref_slice %arg2[%dma_wait3A_1048] : memref<320000xi32, #tpu.memory_space<hbm>> -> memref<80xi32, #tpu.memory_space<hbm>>
      tpu.wait_dma2 semaphore(%arg39 : memref<!tpu.dma_semaphore, #tpu.memory_space<semaphore_mem>>) src(%dma_wait3A_1049 : memref<80xi32, #tpu.memory_space<hbm>>) dst(%arg14 : memref<80xi32, #tpu.memory_space<vmem>>)
      %dma_wait3A_1050 = arith.constant 0 : i32
      %dma_wait3A_1051 = tpu.memref_slice %arg3[%dma_wait3A_1050] : memref<320000xi32, #tpu.memory_space<hbm>> -> memref<80xi32, #tpu.memory_space<hbm>>
      %dma_wait3A_1052 = arith.constant 0 : i32
      %dma_wait3A_1053 = tpu.memref_slice %arg3[%dma_wait3A_1052] : memref<320000xi32, #tpu.memory_space<hbm>> -> memref<80xi32, #tpu.memory_space<hbm>>
      tpu.wait_dma2 semaphore(%arg40 : memref<!tpu.dma_semaphore, #tpu.memory_space<semaphore_mem>>) src(%dma_wait3A_1053 : memref<80xi32, #tpu.memory_space<hbm>>) dst(%arg15 : memref<80xi32, #tpu.memory_space<vmem>>)
      %scan3A_1054 = arith.constant 0 : i32
      %scan3A_1055 = arith.constant 0 : i32
      %scan3A_1056 = arith.constant 5 : i32
      %scan3A_1057 = arith.addi %scan3A_1055, %scan3A_1056 : i32
      %scan3A_1058 = arith.constant 1 : i32
      scf.for %scan3A_1168 = %scan3A_1055 to %scan3A_1057 step %scan3A_1058  : i32 {
        %mul3A_1169 = arith.constant 16 : i32
        %mul3A_1170 = arith.muli %scan3A_1168, %mul3A_1169 : i32
        %get3A = arith.index_cast %mul3A_1170 : i32 to index
        %get3A_1171 = tpu.vector_load %arg14[%get3A] {strides = array<i32>} : memref<80xi32, #tpu.memory_space<vmem>>, vector<16xi32>,
        %add3A_1172 = vector.broadcast %mul3A_967 : i32 to vector<16xi32>
        %add3A_1173 = arith.addi %get3A_1171, %add3A_1172 : vector<16xi32>
        %swap3A_1174 = arith.index_cast %mul3A_1170 : i32 to index
        %swap3A_1175 = tpu.vector_load %arg16[%swap3A_1174] {strides = array<i32>} : memref<80xi32, #tpu.memory_space<vmem>>, vector<16xi32>,
        tpu.vector_store %arg16[%swap3A_1174], %add3A_1173 {strides = array<i32>} : memref<80xi32, #tpu.memory_space<vmem>>, vector<16xi32>,
        %get3A_1176 = arith.index_cast %mul3A_1170 : i32 to index
        %get3A_1177 = tpu.vector_load %arg15[%get3A_1176] {strides = array<i32>} : memref<80xi32, #tpu.memory_space<vmem>>, vector<16xi32>,
        %add3A_1178 = vector.broadcast %mul3A_967 : i32 to vector<16xi32>
        %add3A_1179 = arith.addi %get3A_1177, %add3A_1178 : vector<16xi32>
        %swap3A_1180 = arith.index_cast %mul3A_1170 : i32 to index
        %swap3A_1181 = tpu.vector_load %arg17[%swap3A_1180] {strides = array<i32>} : memref<80xi32, #tpu.memory_space<vmem>>, vector<16xi32>,
        tpu.vector_store %arg17[%swap3A_1180], %add3A_1179 {strides = array<i32>} : memref<80xi32, #tpu.memory_space<vmem>>, vector<16xi32>,
        %get3A_1182 = arith.index_cast %mul3A_1170 : i32 to index
        %get3A_1183 = tpu.vector_load %arg15[%get3A_1182] {strides = array<i32>} : memref<80xi32, #tpu.memory_space<vmem>>, vector<16xi32>,
        %add3A_1184 = arith.addi %get3A_1183, %broadcast_in_dim3A_2 : vector<16xi32>
        %swap3A_1185 = arith.index_cast %mul3A_1170 : i32 to index
        %swap3A_1186 = tpu.vector_load %arg18[%swap3A_1185] {strides = array<i32>} : memref<80xi32, #tpu.memory_space<vmem>>, vector<16xi32>,
        tpu.vector_store %arg18[%swap3A_1185], %add3A_1184 {strides = array<i32>} : memref<80xi32, #tpu.memory_space<vmem>>, vector<16xi32>,
      }
      %scan3A_1059 = arith.constant 5 : i32
      %dma_start3A_1060 = arith.constant 0 : i32
      %dma_start3A_1061 = arith.constant 0 : i32
      %dma_start3A_1062 = tpu.memref_slice %arg4[%dma_start3A_1060, %dma_start3A_1061] : memref<20000x64xf32, #tpu.memory_space<hbm>> -> memref<20000x64xf32, #tpu.memory_space<hbm>>
      tpu.enqueue_indirect_dma source(%dma_start3A_1062 : memref<20000x64xf32, #tpu.memory_space<hbm>>) target(%arg22 : memref<80x64xf32, #tpu.memory_space<vmem>>) offsets(%arg17 : memref<80xi32, #tpu.memory_space<vmem>>) semaphore(%arg34 : memref<!tpu.dma_semaphore, #tpu.memory_space<semaphore_mem>>)
      %dma_start3A_1063 = arith.constant 0 : i32
      %dma_start3A_1064 = arith.constant 0 : i32
      %dma_start3A_1065 = tpu.memref_slice %arg5[%dma_start3A_1063, %dma_start3A_1064] : memref<20000x64xf32, #tpu.memory_space<hbm>> -> memref<20000x64xf32, #tpu.memory_space<hbm>>
      tpu.enqueue_indirect_dma source(%dma_start3A_1065 : memref<20000x64xf32, #tpu.memory_space<hbm>>) target(%arg23 : memref<80x64xf32, #tpu.memory_space<vmem>>) offsets(%arg16 : memref<80xi32, #tpu.memory_space<vmem>>) semaphore(%arg35 : memref<!tpu.dma_semaphore, #tpu.memory_space<semaphore_mem>>)
      %dma_start3A_1066 = arith.constant 0 : i32
      %dma_start3A_1067 = arith.constant 0 : i32
      %dma_start3A_1068 = tpu.memref_slice %arg6[%dma_start3A_1066, %dma_start3A_1067] : memref<20000x64xf32, #tpu.memory_space<hbm>> -> memref<20000x64xf32, #tpu.memory_space<hbm>>
      tpu.enqueue_indirect_dma source(%dma_start3A_1068 : memref<20000x64xf32, #tpu.memory_space<hbm>>) target(%arg24 : memref<80x64xf32, #tpu.memory_space<vmem>>) offsets(%arg16 : memref<80xi32, #tpu.memory_space<vmem>>) semaphore(%arg36 : memref<!tpu.dma_semaphore, #tpu.memory_space<semaphore_mem>>)
      %add3A_1069 = arith.constant 2 : i32
      %add3A_1070 = arith.addi %mul3A_1045, %add3A_1069 : i32
      %mul3A_1071 = arith.constant 80 : i32
      %mul3A_1072 = arith.muli %add3A_1070, %mul3A_1071 : i32
      %add3A_1073 = arith.addi %mul3A_969, %mul3A_1072 : i32
      %min3A_1074 = arith.constant 319920 : i32
      %min3A_1075 = arith.minsi %add3A_1073, %min3A_1074 : i32
      %dma_start3A_1076 = tpu.memref_slice %arg2[%min3A_1075] : memref<320000xi32, #tpu.memory_space<hbm>> -> memref<80xi32, #tpu.memory_space<hbm>>
      %dma_start3A_1077 = tpu.memref_slice %arg2[%min3A_1075] : memref<320000xi32, #tpu.memory_space<hbm>> -> memref<80xi32, #tpu.memory_space<hbm>>
      tpu.enqueue_dma source(%dma_start3A_1077 : memref<80xi32, #tpu.memory_space<hbm>>) target(%arg9 : memref<80xi32, #tpu.memory_space<vmem>>) target_semaphore(%arg37 : memref<!tpu.dma_semaphore, #tpu.memory_space<semaphore_mem>>)
      %dma_start3A_1078 = tpu.memref_slice %arg3[%min3A_1075] : memref<320000xi32, #tpu.memory_space<hbm>> -> memref<80xi32, #tpu.memory_space<hbm>>
      %dma_start3A_1079 = tpu.memref_slice %arg3[%min3A_1075] : memref<320000xi32, #tpu.memory_space<hbm>> -> memref<80xi32, #tpu.memory_space<hbm>>
      tpu.enqueue_dma source(%dma_start3A_1079 : memref<80xi32, #tpu.memory_space<hbm>>) target(%arg10 : memref<80xi32, #tpu.memory_space<vmem>>) target_semaphore(%arg38 : memref<!tpu.dma_semaphore, #tpu.memory_space<semaphore_mem>>)
      %dma_wait3A_1080 = arith.constant 0 : i32
      %dma_wait3A_1081 = arith.constant 0 : i32
      %dma_wait3A_1082 = tpu.memref_slice %arg4[%dma_wait3A_1080, %dma_wait3A_1081] : memref<20000x64xf32, #tpu.memory_space<hbm>> -> memref<20000x64xf32, #tpu.memory_space<hbm>>
      tpu.wait_indirect_dma semaphore(%arg31 : memref<!tpu.dma_semaphore, #tpu.memory_space<semaphore_mem>>) src(%dma_wait3A_1082 : memref<20000x64xf32, #tpu.memory_space<hbm>>) dst(%arg19 : memref<80x64xf32, #tpu.memory_space<vmem>>)
      %dma_wait3A_1083 = arith.constant 0 : i32
      %dma_wait3A_1084 = arith.constant 0 : i32
      %dma_wait3A_1085 = tpu.memref_slice %arg5[%dma_wait3A_1083, %dma_wait3A_1084] : memref<20000x64xf32, #tpu.memory_space<hbm>> -> memref<20000x64xf32, #tpu.memory_space<hbm>>
      tpu.wait_indirect_dma semaphore(%arg32 : memref<!tpu.dma_semaphore, #tpu.memory_space<semaphore_mem>>) src(%dma_wait3A_1085 : memref<20000x64xf32, #tpu.memory_space<hbm>>) dst(%arg20 : memref<80x64xf32, #tpu.memory_space<vmem>>)
      %dma_wait3A_1086 = arith.constant 0 : i32
      %dma_wait3A_1087 = arith.constant 0 : i32
      %dma_wait3A_1088 = tpu.memref_slice %arg6[%dma_wait3A_1086, %dma_wait3A_1087] : memref<20000x64xf32, #tpu.memory_space<hbm>> -> memref<20000x64xf32, #tpu.memory_space<hbm>>
      tpu.wait_indirect_dma semaphore(%arg33 : memref<!tpu.dma_semaphore, #tpu.memory_space<semaphore_mem>>) src(%dma_wait3A_1088 : memref<20000x64xf32, #tpu.memory_space<hbm>>) dst(%arg21 : memref<80x64xf32, #tpu.memory_space<vmem>>)
      %scan3A_1089 = arith.constant 0 : i32
      %scan3A_1090 = arith.constant 0 : i32
      %scan3A_1091 = arith.constant 5 : i32
      %scan3A_1092 = arith.addi %scan3A_1090, %scan3A_1091 : i32
      %scan3A_1093 = arith.constant 1 : i32
      scf.for %scan3A_1168 = %scan3A_1090 to %scan3A_1092 step %scan3A_1093  : i32 {
        %mul3A_1169 = arith.constant 16 : i32
        %mul3A_1170 = arith.muli %scan3A_1168, %mul3A_1169 : i32
        %add3A_1171 = vector.broadcast %mul3A_1170 : i32 to vector<16xi32>
        %add3A_1172 = arith.addi %iota3A, %add3A_1171 : vector<16xi32>
        %scan3A_1173 = arith.constant 0 : i32
        %scan3A_1174 = arith.constant 4 : i32
        %scan3A_1175 = arith.addi %scan3A_1173, %scan3A_1174 : i32
        %scan3A_1176 = arith.constant 1 : i32
        scf.for %scan3A_1178 = %scan3A_1173 to %scan3A_1175 step %scan3A_1176  : i32 {
          %mul3A_1179 = arith.constant 16 : i32
          %mul3A_1180 = arith.muli %scan3A_1178, %mul3A_1179 : i32
          %add3A_1181 = arith.constant 0 : i32
          %add3A_1182 = arith.addi %mul3A_1180, %add3A_1181 : i32
          %broadcast_in_dim3A_1183 = vector.broadcast %add3A_1182 : i32 to vector<16xi32>
          %add3A_1184 = arith.addi %broadcast_in_dim3A_1183, %broadcast_in_dim3A_2 : vector<16xi32>
          %gather3A = tpu.vector_load_idx %arg19[%add3A_1172, %add3A_1184] : memref<80x64xf32, #tpu.memory_space<vmem>>[vector<16xi32>, vector<16xi32>], vector<16xf32>,
          %gather3A_1185 = tpu.vector_load_idx %arg20[%add3A_1172, %add3A_1184] : memref<80x64xf32, #tpu.memory_space<vmem>>[vector<16xi32>, vector<16xi32>], vector<16xf32>,
          %mul3A_1186 = arith.mulf %gather3A, %gather3A_1185 : vector<16xf32>
          %add3A_1187 = arith.addf %broadcast_in_dim3A_0, %mul3A_1186 : vector<16xf32>
          %mul3A_1188 = arith.constant 16 : i32
          %mul3A_1189 = arith.muli %scan3A_1178, %mul3A_1188 : i32
          %add3A_1190 = arith.constant 1 : i32
          %add3A_1191 = arith.addi %mul3A_1189, %add3A_1190 : i32
          %broadcast_in_dim3A_1192 = vector.broadcast %add3A_1191 : i32 to vector<16xi32>
          %add3A_1193 = arith.addi %broadcast_in_dim3A_1192, %broadcast_in_dim3A_2 : vector<16xi32>
          %gather3A_1194 = tpu.vector_load_idx %arg19[%add3A_1172, %add3A_1193] : memref<80x64xf32, #tpu.memory_space<vmem>>[vector<16xi32>, vector<16xi32>], vector<16xf32>,
          %gather3A_1195 = tpu.vector_load_idx %arg20[%add3A_1172, %add3A_1193] : memref<80x64xf32, #tpu.memory_space<vmem>>[vector<16xi32>, vector<16xi32>], vector<16xf32>,
          %mul3A_1196 = arith.mulf %gather3A_1194, %gather3A_1195 : vector<16xf32>
          %add3A_1197 = arith.addf %broadcast_in_dim3A_0, %mul3A_1196 : vector<16xf32>
          %mul3A_1198 = arith.constant 16 : i32
          %mul3A_1199 = arith.muli %scan3A_1178, %mul3A_1198 : i32
          %add3A_1200 = arith.constant 2 : i32
          %add3A_1201 = arith.addi %mul3A_1199, %add3A_1200 : i32
          %broadcast_in_dim3A_1202 = vector.broadcast %add3A_1201 : i32 to vector<16xi32>
          %add3A_1203 = arith.addi %broadcast_in_dim3A_1202, %broadcast_in_dim3A_2 : vector<16xi32>
          %gather3A_1204 = tpu.vector_load_idx %arg19[%add3A_1172, %add3A_1203] : memref<80x64xf32, #tpu.memory_space<vmem>>[vector<16xi32>, vector<16xi32>], vector<16xf32>,
          %gather3A_1205 = tpu.vector_load_idx %arg20[%add3A_1172, %add3A_1203] : memref<80x64xf32, #tpu.memory_space<vmem>>[vector<16xi32>, vector<16xi32>], vector<16xf32>,
          %mul3A_1206 = arith.mulf %gather3A_1204, %gather3A_1205 : vector<16xf32>
          %add3A_1207 = arith.addf %broadcast_in_dim3A_0, %mul3A_1206 : vector<16xf32>
          %mul3A_1208 = arith.constant 16 : i32
          %mul3A_1209 = arith.muli %scan3A_1178, %mul3A_1208 : i32
          %add3A_1210 = arith.constant 3 : i32
          %add3A_1211 = arith.addi %mul3A_1209, %add3A_1210 : i32
          %broadcast_in_dim3A_1212 = vector.broadcast %add3A_1211 : i32 to vector<16xi32>
          %add3A_1213 = arith.addi %broadcast_in_dim3A_1212, %broadcast_in_dim3A_2 : vector<16xi32>
          %gather3A_1214 = tpu.vector_load_idx %arg19[%add3A_1172, %add3A_1213] : memref<80x64xf32, #tpu.memory_space<vmem>>[vector<16xi32>, vector<16xi32>], vector<16xf32>,
          %gather3A_1215 = tpu.vector_load_idx %arg20[%add3A_1172, %add3A_1213] : memref<80x64xf32, #tpu.memory_space<vmem>>[vector<16xi32>, vector<16xi32>], vector<16xf32>,
          %mul3A_1216 = arith.mulf %gather3A_1214, %gather3A_1215 : vector<16xf32>
          %add3A_1217 = arith.addf %broadcast_in_dim3A_0, %mul3A_1216 : vector<16xf32>
          %mul3A_1218 = arith.constant 16 : i32
          %mul3A_1219 = arith.muli %scan3A_1178, %mul3A_1218 : i32
          %add3A_1220 = arith.constant 4 : i32
          %add3A_1221 = arith.addi %mul3A_1219, %add3A_1220 : i32
          %broadcast_in_dim3A_1222 = vector.broadcast %add3A_1221 : i32 to vector<16xi32>
          %add3A_1223 = arith.addi %broadcast_in_dim3A_1222, %broadcast_in_dim3A_2 : vector<16xi32>
          %gather3A_1224 = tpu.vector_load_idx %arg19[%add3A_1172, %add3A_1223] : memref<80x64xf32, #tpu.memory_space<vmem>>[vector<16xi32>, vector<16xi32>], vector<16xf32>,
          %gather3A_1225 = tpu.vector_load_idx %arg20[%add3A_1172, %add3A_1223] : memref<80x64xf32, #tpu.memory_space<vmem>>[vector<16xi32>, vector<16xi32>], vector<16xf32>,
          %mul3A_1226 = arith.mulf %gather3A_1224, %gather3A_1225 : vector<16xf32>
          %add3A_1227 = arith.addf %add3A_1187, %mul3A_1226 : vector<16xf32>
          %mul3A_1228 = arith.constant 16 : i32
          %mul3A_1229 = arith.muli %scan3A_1178, %mul3A_1228 : i32
          %add3A_1230 = arith.constant 5 : i32
          %add3A_1231 = arith.addi %mul3A_1229, %add3A_1230 : i32
          %broadcast_in_dim3A_1232 = vector.broadcast %add3A_1231 : i32 to vector<16xi32>
          %add3A_1233 = arith.addi %broadcast_in_dim3A_1232, %broadcast_in_dim3A_2 : vector<16xi32>
          %gather3A_1234 = tpu.vector_load_idx %arg19[%add3A_1172, %add3A_1233] : memref<80x64xf32, #tpu.memory_space<vmem>>[vector<16xi32>, vector<16xi32>], vector<16xf32>,
          %gather3A_1235 = tpu.vector_load_idx %arg20[%add3A_1172, %add3A_1233] : memref<80x64xf32, #tpu.memory_space<vmem>>[vector<16xi32>, vector<16xi32>], vector<16xf32>,
          %mul3A_1236 = arith.mulf %gather3A_1234, %gather3A_1235 : vector<16xf32>
          %add3A_1237 = arith.addf %add3A_1197, %mul3A_1236 : vector<16xf32>
          %mul3A_1238 = arith.constant 16 : i32
          %mul3A_1239 = arith.muli %scan3A_1178, %mul3A_1238 : i32
          %add3A_1240 = arith.constant 6 : i32
          %add3A_1241 = arith.addi %mul3A_1239, %add3A_1240 : i32
          %broadcast_in_dim3A_1242 = vector.broadcast %add3A_1241 : i32 to vector<16xi32>
          %add3A_1243 = arith.addi %broadcast_in_dim3A_1242, %broadcast_in_dim3A_2 : vector<16xi32>
          %gather3A_1244 = tpu.vector_load_idx %arg19[%add3A_1172, %add3A_1243] : memref<80x64xf32, #tpu.memory_space<vmem>>[vector<16xi32>, vector<16xi32>], vector<16xf32>,
          %gather3A_1245 = tpu.vector_load_idx %arg20[%add3A_1172, %add3A_1243] : memref<80x64xf32, #tpu.memory_space<vmem>>[vector<16xi32>, vector<16xi32>], vector<16xf32>,
          %mul3A_1246 = arith.mulf %gather3A_1244, %gather3A_1245 : vector<16xf32>
          %add3A_1247 = arith.addf %add3A_1207, %mul3A_1246 : vector<16xf32>
          %mul3A_1248 = arith.constant 16 : i32
          %mul3A_1249 = arith.muli %scan3A_1178, %mul3A_1248 : i32
          %add3A_1250 = arith.constant 7 : i32
          %add3A_1251 = arith.addi %mul3A_1249, %add3A_1250 : i32
          %broadcast_in_dim3A_1252 = vector.broadcast %add3A_1251 : i32 to vector<16xi32>
          %add3A_1253 = arith.addi %broadcast_in_dim3A_1252, %broadcast_in_dim3A_2 : vector<16xi32>
          %gather3A_1254 = tpu.vector_load_idx %arg19[%add3A_1172, %add3A_1253] : memref<80x64xf32, #tpu.memory_space<vmem>>[vector<16xi32>, vector<16xi32>], vector<16xf32>,
          %gather3A_1255 = tpu.vector_load_idx %arg20[%add3A_1172, %add3A_1253] : memref<80x64xf32, #tpu.memory_space<vmem>>[vector<16xi32>, vector<16xi32>], vector<16xf32>,
          %mul3A_1256 = arith.mulf %gather3A_1254, %gather3A_1255 : vector<16xf32>
          %add3A_1257 = arith.addf %add3A_1217, %mul3A_1256 : vector<16xf32>
          %mul3A_1258 = arith.constant 16 : i32
          %mul3A_1259 = arith.muli %scan3A_1178, %mul3A_1258 : i32
          %add3A_1260 = arith.constant 8 : i32
          %add3A_1261 = arith.addi %mul3A_1259, %add3A_1260 : i32
          %broadcast_in_dim3A_1262 = vector.broadcast %add3A_1261 : i32 to vector<16xi32>
          %add3A_1263 = arith.addi %broadcast_in_dim3A_1262, %broadcast_in_dim3A_2 : vector<16xi32>
          %gather3A_1264 = tpu.vector_load_idx %arg19[%add3A_1172, %add3A_1263] : memref<80x64xf32, #tpu.memory_space<vmem>>[vector<16xi32>, vector<16xi32>], vector<16xf32>,
          %gather3A_1265 = tpu.vector_load_idx %arg20[%add3A_1172, %add3A_1263] : memref<80x64xf32, #tpu.memory_space<vmem>>[vector<16xi32>, vector<16xi32>], vector<16xf32>,
          %mul3A_1266 = arith.mulf %gather3A_1264, %gather3A_1265 : vector<16xf32>
          %add3A_1267 = arith.addf %add3A_1227, %mul3A_1266 : vector<16xf32>
          %mul3A_1268 = arith.constant 16 : i32
          %mul3A_1269 = arith.muli %scan3A_1178, %mul3A_1268 : i32
          %add3A_1270 = arith.constant 9 : i32
          %add3A_1271 = arith.addi %mul3A_1269, %add3A_1270 : i32
          %broadcast_in_dim3A_1272 = vector.broadcast %add3A_1271 : i32 to vector<16xi32>
          %add3A_1273 = arith.addi %broadcast_in_dim3A_1272, %broadcast_in_dim3A_2 : vector<16xi32>
          %gather3A_1274 = tpu.vector_load_idx %arg19[%add3A_1172, %add3A_1273] : memref<80x64xf32, #tpu.memory_space<vmem>>[vector<16xi32>, vector<16xi32>], vector<16xf32>,
          %gather3A_1275 = tpu.vector_load_idx %arg20[%add3A_1172, %add3A_1273] : memref<80x64xf32, #tpu.memory_space<vmem>>[vector<16xi32>, vector<16xi32>], vector<16xf32>,
          %mul3A_1276 = arith.mulf %gather3A_1274, %gather3A_1275 : vector<16xf32>
          %add3A_1277 = arith.addf %add3A_1237, %mul3A_1276 : vector<16xf32>
          %mul3A_1278 = arith.constant 16 : i32
          %mul3A_1279 = arith.muli %scan3A_1178, %mul3A_1278 : i32
          %add3A_1280 = arith.constant 10 : i32
          %add3A_1281 = arith.addi %mul3A_1279, %add3A_1280 : i32
          %broadcast_in_dim3A_1282 = vector.broadcast %add3A_1281 : i32 to vector<16xi32>
          %add3A_1283 = arith.addi %broadcast_in_dim3A_1282, %broadcast_in_dim3A_2 : vector<16xi32>
          %gather3A_1284 = tpu.vector_load_idx %arg19[%add3A_1172, %add3A_1283] : memref<80x64xf32, #tpu.memory_space<vmem>>[vector<16xi32>, vector<16xi32>], vector<16xf32>,
          %gather3A_1285 = tpu.vector_load_idx %arg20[%add3A_1172, %add3A_1283] : memref<80x64xf32, #tpu.memory_space<vmem>>[vector<16xi32>, vector<16xi32>], vector<16xf32>,
          %mul3A_1286 = arith.mulf %gather3A_1284, %gather3A_1285 : vector<16xf32>
          %add3A_1287 = arith.addf %add3A_1247, %mul3A_1286 : vector<16xf32>
          %mul3A_1288 = arith.constant 16 : i32
          %mul3A_1289 = arith.muli %scan3A_1178, %mul3A_1288 : i32
          %add3A_1290 = arith.constant 11 : i32
          %add3A_1291 = arith.addi %mul3A_1289, %add3A_1290 : i32
          %broadcast_in_dim3A_1292 = vector.broadcast %add3A_1291 : i32 to vector<16xi32>
          %add3A_1293 = arith.addi %broadcast_in_dim3A_1292, %broadcast_in_dim3A_2 : vector<16xi32>
          %gather3A_1294 = tpu.vector_load_idx %arg19[%add3A_1172, %add3A_1293] : memref<80x64xf32, #tpu.memory_space<vmem>>[vector<16xi32>, vector<16xi32>], vector<16xf32>,
          %gather3A_1295 = tpu.vector_load_idx %arg20[%add3A_1172, %add3A_1293] : memref<80x64xf32, #tpu.memory_space<vmem>>[vector<16xi32>, vector<16xi32>], vector<16xf32>,
          %mul3A_1296 = arith.mulf %gather3A_1294, %gather3A_1295 : vector<16xf32>
          %add3A_1297 = arith.addf %add3A_1257, %mul3A_1296 : vector<16xf32>
          %mul3A_1298 = arith.constant 16 : i32
          %mul3A_1299 = arith.muli %scan3A_1178, %mul3A_1298 : i32
          %add3A_1300 = arith.constant 12 : i32
          %add3A_1301 = arith.addi %mul3A_1299, %add3A_1300 : i32
          %broadcast_in_dim3A_1302 = vector.broadcast %add3A_1301 : i32 to vector<16xi32>
          %add3A_1303 = arith.addi %broadcast_in_dim3A_1302, %broadcast_in_dim3A_2 : vector<16xi32>
          %gather3A_1304 = tpu.vector_load_idx %arg19[%add3A_1172, %add3A_1303] : memref<80x64xf32, #tpu.memory_space<vmem>>[vector<16xi32>, vector<16xi32>], vector<16xf32>,
          %gather3A_1305 = tpu.vector_load_idx %arg20[%add3A_1172, %add3A_1303] : memref<80x64xf32, #tpu.memory_space<vmem>>[vector<16xi32>, vector<16xi32>], vector<16xf32>,
          %mul3A_1306 = arith.mulf %gather3A_1304, %gather3A_1305 : vector<16xf32>
          %add3A_1307 = arith.addf %add3A_1267, %mul3A_1306 : vector<16xf32>
          %mul3A_1308 = arith.constant 16 : i32
          %mul3A_1309 = arith.muli %scan3A_1178, %mul3A_1308 : i32
          %add3A_1310 = arith.constant 13 : i32
          %add3A_1311 = arith.addi %mul3A_1309, %add3A_1310 : i32
          %broadcast_in_dim3A_1312 = vector.broadcast %add3A_1311 : i32 to vector<16xi32>
          %add3A_1313 = arith.addi %broadcast_in_dim3A_1312, %broadcast_in_dim3A_2 : vector<16xi32>
          %gather3A_1314 = tpu.vector_load_idx %arg19[%add3A_1172, %add3A_1313] : memref<80x64xf32, #tpu.memory_space<vmem>>[vector<16xi32>, vector<16xi32>], vector<16xf32>,
          %gather3A_1315 = tpu.vector_load_idx %arg20[%add3A_1172, %add3A_1313] : memref<80x64xf32, #tpu.memory_space<vmem>>[vector<16xi32>, vector<16xi32>], vector<16xf32>,
          %mul3A_1316 = arith.mulf %gather3A_1314, %gather3A_1315 : vector<16xf32>
          %add3A_1317 = arith.addf %add3A_1277, %mul3A_1316 : vector<16xf32>
          %mul3A_1318 = arith.constant 16 : i32
          %mul3A_1319 = arith.muli %scan3A_1178, %mul3A_1318 : i32
          %add3A_1320 = arith.constant 14 : i32
          %add3A_1321 = arith.addi %mul3A_1319, %add3A_1320 : i32
          %broadcast_in_dim3A_1322 = vector.broadcast %add3A_1321 : i32 to vector<16xi32>
          %add3A_1323 = arith.addi %broadcast_in_dim3A_1322, %broadcast_in_dim3A_2 : vector<16xi32>
          %gather3A_1324 = tpu.vector_load_idx %arg19[%add3A_1172, %add3A_1323] : memref<80x64xf32, #tpu.memory_space<vmem>>[vector<16xi32>, vector<16xi32>], vector<16xf32>,
          %gather3A_1325 = tpu.vector_load_idx %arg20[%add3A_1172, %add3A_1323] : memref<80x64xf32, #tpu.memory_space<vmem>>[vector<16xi32>, vector<16xi32>], vector<16xf32>,
          %mul3A_1326 = arith.mulf %gather3A_1324, %gather3A_1325 : vector<16xf32>
          %add3A_1327 = arith.addf %add3A_1287, %mul3A_1326 : vector<16xf32>
          %mul3A_1328 = arith.constant 16 : i32
          %mul3A_1329 = arith.muli %scan3A_1178, %mul3A_1328 : i32
          %add3A_1330 = arith.constant 15 : i32
          %add3A_1331 = arith.addi %mul3A_1329, %add3A_1330 : i32
          %broadcast_in_dim3A_1332 = vector.broadcast %add3A_1331 : i32 to vector<16xi32>
          %add3A_1333 = arith.addi %broadcast_in_dim3A_1332, %broadcast_in_dim3A_2 : vector<16xi32>
          %gather3A_1334 = tpu.vector_load_idx %arg19[%add3A_1172, %add3A_1333] : memref<80x64xf32, #tpu.memory_space<vmem>>[vector<16xi32>, vector<16xi32>], vector<16xf32>,
          %gather3A_1335 = tpu.vector_load_idx %arg20[%add3A_1172, %add3A_1333] : memref<80x64xf32, #tpu.memory_space<vmem>>[vector<16xi32>, vector<16xi32>], vector<16xf32>,
          %mul3A_1336 = arith.mulf %gather3A_1334, %gather3A_1335 : vector<16xf32>
          %add3A_1337 = arith.addf %add3A_1297, %mul3A_1336 : vector<16xf32>
          %add3A_1338 = arith.addf %add3A_1307, %add3A_1317 : vector<16xf32>
          %add3A_1339 = arith.addf %add3A_1327, %add3A_1337 : vector<16xf32>
          %add3A_1340 = arith.addf %add3A_1338, %add3A_1339 : vector<16xf32>
          %min3A_1341 = arith.constant 6.000000e+01 : f32
          %min3A_1342 = vector.broadcast %min3A_1341 : f32 to vector<16xf32>
          %min3A_1343 = arith.minimumf %add3A_1340, %min3A_1342 : vector<16xf32>
          %exp3A = math.exp %min3A_1343 : vector<16xf32>
          %mul3A_1344 = arith.constant 4 : i32
          %mul3A_1345 = arith.muli %arg0, %mul3A_1344 : i32
          %add3A_1346 = arith.addi %mul3A_1345, %scan3A_1178 : i32
          %broadcast_in_dim3A_1347 = vector.broadcast %add3A_1346 : i32 to vector<16xi32>
          tpu.vector_store_idx %arg25[%add3A_1172, %broadcast_in_dim3A_1347], %exp3A : memref<80x16xf32, #tpu.memory_space<vmem>>[vector<16xi32>, vector<16xi32>], vector<16xf32>,
          %mul3A_1348 = arith.constant 16 : i32
          %mul3A_1349 = arith.muli %scan3A_1178, %mul3A_1348 : i32
          %add3A_1350 = arith.constant 0 : i32
          %add3A_1351 = arith.addi %mul3A_1349, %add3A_1350 : i32
          %broadcast_in_dim3A_1352 = vector.broadcast %add3A_1351 : i32 to vector<16xi32>
          %add3A_1353 = arith.addi %broadcast_in_dim3A_1352, %broadcast_in_dim3A_2 : vector<16xi32>
          %gather3A_1354 = tpu.vector_load_idx %arg21[%add3A_1172, %add3A_1353] : memref<80x64xf32, #tpu.memory_space<vmem>>[vector<16xi32>, vector<16xi32>], vector<16xf32>,
          %mul3A_1355 = arith.mulf %gather3A_1354, %exp3A : vector<16xf32>
          tpu.vector_store_idx %arg21[%add3A_1172, %add3A_1353], %mul3A_1355 : memref<80x64xf32, #tpu.memory_space<vmem>>[vector<16xi32>, vector<16xi32>], vector<16xf32>,
          %mul3A_1356 = arith.constant 16 : i32
          %mul3A_1357 = arith.muli %scan3A_1178, %mul3A_1356 : i32
          %add3A_1358 = arith.constant 1 : i32
          %add3A_1359 = arith.addi %mul3A_1357, %add3A_1358 : i32
          %broadcast_in_dim3A_1360 = vector.broadcast %add3A_1359 : i32 to vector<16xi32>
          %add3A_1361 = arith.addi %broadcast_in_dim3A_1360, %broadcast_in_dim3A_2 : vector<16xi32>
          %gather3A_1362 = tpu.vector_load_idx %arg21[%add3A_1172, %add3A_1361] : memref<80x64xf32, #tpu.memory_space<vmem>>[vector<16xi32>, vector<16xi32>], vector<16xf32>,
          %mul3A_1363 = arith.mulf %gather3A_1362, %exp3A : vector<16xf32>
          tpu.vector_store_idx %arg21[%add3A_1172, %add3A_1361], %mul3A_1363 : memref<80x64xf32, #tpu.memory_space<vmem>>[vector<16xi32>, vector<16xi32>], vector<16xf32>,
          %mul3A_1364 = arith.constant 16 : i32
          %mul3A_1365 = arith.muli %scan3A_1178, %mul3A_1364 : i32
          %add3A_1366 = arith.constant 2 : i32
          %add3A_1367 = arith.addi %mul3A_1365, %add3A_1366 : i32
          %broadcast_in_dim3A_1368 = vector.broadcast %add3A_1367 : i32 to vector<16xi32>
          %add3A_1369 = arith.addi %broadcast_in_dim3A_1368, %broadcast_in_dim3A_2 : vector<16xi32>
          %gather3A_1370 = tpu.vector_load_idx %arg21[%add3A_1172, %add3A_1369] : memref<80x64xf32, #tpu.memory_space<vmem>>[vector<16xi32>, vector<16xi32>], vector<16xf32>,
          %mul3A_1371 = arith.mulf %gather3A_1370, %exp3A : vector<16xf32>
          tpu.vector_store_idx %arg21[%add3A_1172, %add3A_1369], %mul3A_1371 : memref<80x64xf32, #tpu.memory_space<vmem>>[vector<16xi32>, vector<16xi32>], vector<16xf32>,
          %mul3A_1372 = arith.constant 16 : i32
          %mul3A_1373 = arith.muli %scan3A_1178, %mul3A_1372 : i32
          %add3A_1374 = arith.constant 3 : i32
          %add3A_1375 = arith.addi %mul3A_1373, %add3A_1374 : i32
          %broadcast_in_dim3A_1376 = vector.broadcast %add3A_1375 : i32 to vector<16xi32>
          %add3A_1377 = arith.addi %broadcast_in_dim3A_1376, %broadcast_in_dim3A_2 : vector<16xi32>
          %gather3A_1378 = tpu.vector_load_idx %arg21[%add3A_1172, %add3A_1377] : memref<80x64xf32, #tpu.memory_space<vmem>>[vector<16xi32>, vector<16xi32>], vector<16xf32>,
          %mul3A_1379 = arith.mulf %gather3A_1378, %exp3A : vector<16xf32>
          tpu.vector_store_idx %arg21[%add3A_1172, %add3A_1377], %mul3A_1379 : memref<80x64xf32, #tpu.memory_space<vmem>>[vector<16xi32>, vector<16xi32>], vector<16xf32>,
          %mul3A_1380 = arith.constant 16 : i32
          %mul3A_1381 = arith.muli %scan3A_1178, %mul3A_1380 : i32
          %add3A_1382 = arith.constant 4 : i32
          %add3A_1383 = arith.addi %mul3A_1381, %add3A_1382 : i32
          %broadcast_in_dim3A_1384 = vector.broadcast %add3A_1383 : i32 to vector<16xi32>
          %add3A_1385 = arith.addi %broadcast_in_dim3A_1384, %broadcast_in_dim3A_2 : vector<16xi32>
          %gather3A_1386 = tpu.vector_load_idx %arg21[%add3A_1172, %add3A_1385] : memref<80x64xf32, #tpu.memory_space<vmem>>[vector<16xi32>, vector<16xi32>], vector<16xf32>,
          %mul3A_1387 = arith.mulf %gather3A_1386, %exp3A : vector<16xf32>
          tpu.vector_store_idx %arg21[%add3A_1172, %add3A_1385], %mul3A_1387 : memref<80x64xf32, #tpu.memory_space<vmem>>[vector<16xi32>, vector<16xi32>], vector<16xf32>,
          %mul3A_1388 = arith.constant 16 : i32
          %mul3A_1389 = arith.muli %scan3A_1178, %mul3A_1388 : i32
          %add3A_1390 = arith.constant 5 : i32
          %add3A_1391 = arith.addi %mul3A_1389, %add3A_1390 : i32
          %broadcast_in_dim3A_1392 = vector.broadcast %add3A_1391 : i32 to vector<16xi32>
          %add3A_1393 = arith.addi %broadcast_in_dim3A_1392, %broadcast_in_dim3A_2 : vector<16xi32>
          %gather3A_1394 = tpu.vector_load_idx %arg21[%add3A_1172, %add3A_1393] : memref<80x64xf32, #tpu.memory_space<vmem>>[vector<16xi32>, vector<16xi32>], vector<16xf32>,
          %mul3A_1395 = arith.mulf %gather3A_1394, %exp3A : vector<16xf32>
          tpu.vector_store_idx %arg21[%add3A_1172, %add3A_1393], %mul3A_1395 : memref<80x64xf32, #tpu.memory_space<vmem>>[vector<16xi32>, vector<16xi32>], vector<16xf32>,
          %mul3A_1396 = arith.constant 16 : i32
          %mul3A_1397 = arith.muli %scan3A_1178, %mul3A_1396 : i32
          %add3A_1398 = arith.constant 6 : i32
          %add3A_1399 = arith.addi %mul3A_1397, %add3A_1398 : i32
          %broadcast_in_dim3A_1400 = vector.broadcast %add3A_1399 : i32 to vector<16xi32>
          %add3A_1401 = arith.addi %broadcast_in_dim3A_1400, %broadcast_in_dim3A_2 : vector<16xi32>
          %gather3A_1402 = tpu.vector_load_idx %arg21[%add3A_1172, %add3A_1401] : memref<80x64xf32, #tpu.memory_space<vmem>>[vector<16xi32>, vector<16xi32>], vector<16xf32>,
          %mul3A_1403 = arith.mulf %gather3A_1402, %exp3A : vector<16xf32>
          tpu.vector_store_idx %arg21[%add3A_1172, %add3A_1401], %mul3A_1403 : memref<80x64xf32, #tpu.memory_space<vmem>>[vector<16xi32>, vector<16xi32>], vector<16xf32>,
          %mul3A_1404 = arith.constant 16 : i32
          %mul3A_1405 = arith.muli %scan3A_1178, %mul3A_1404 : i32
          %add3A_1406 = arith.constant 7 : i32
          %add3A_1407 = arith.addi %mul3A_1405, %add3A_1406 : i32
          %broadcast_in_dim3A_1408 = vector.broadcast %add3A_1407 : i32 to vector<16xi32>
          %add3A_1409 = arith.addi %broadcast_in_dim3A_1408, %broadcast_in_dim3A_2 : vector<16xi32>
          %gather3A_1410 = tpu.vector_load_idx %arg21[%add3A_1172, %add3A_1409] : memref<80x64xf32, #tpu.memory_space<vmem>>[vector<16xi32>, vector<16xi32>], vector<16xf32>,
          %mul3A_1411 = arith.mulf %gather3A_1410, %exp3A : vector<16xf32>
          tpu.vector_store_idx %arg21[%add3A_1172, %add3A_1409], %mul3A_1411 : memref<80x64xf32, #tpu.memory_space<vmem>>[vector<16xi32>, vector<16xi32>], vector<16xf32>,
          %mul3A_1412 = arith.constant 16 : i32
          %mul3A_1413 = arith.muli %scan3A_1178, %mul3A_1412 : i32
          %add3A_1414 = arith.constant 8 : i32
          %add3A_1415 = arith.addi %mul3A_1413, %add3A_1414 : i32
          %broadcast_in_dim3A_1416 = vector.broadcast %add3A_1415 : i32 to vector<16xi32>
          %add3A_1417 = arith.addi %broadcast_in_dim3A_1416, %broadcast_in_dim3A_2 : vector<16xi32>
          %gather3A_1418 = tpu.vector_load_idx %arg21[%add3A_1172, %add3A_1417] : memref<80x64xf32, #tpu.memory_space<vmem>>[vector<16xi32>, vector<16xi32>], vector<16xf32>,
          %mul3A_1419 = arith.mulf %gather3A_1418, %exp3A : vector<16xf32>
          tpu.vector_store_idx %arg21[%add3A_1172, %add3A_1417], %mul3A_1419 : memref<80x64xf32, #tpu.memory_space<vmem>>[vector<16xi32>, vector<16xi32>], vector<16xf32>,
          %mul3A_1420 = arith.constant 16 : i32
          %mul3A_1421 = arith.muli %scan3A_1178, %mul3A_1420 : i32
          %add3A_1422 = arith.constant 9 : i32
          %add3A_1423 = arith.addi %mul3A_1421, %add3A_1422 : i32
          %broadcast_in_dim3A_1424 = vector.broadcast %add3A_1423 : i32 to vector<16xi32>
          %add3A_1425 = arith.addi %broadcast_in_dim3A_1424, %broadcast_in_dim3A_2 : vector<16xi32>
          %gather3A_1426 = tpu.vector_load_idx %arg21[%add3A_1172, %add3A_1425] : memref<80x64xf32, #tpu.memory_space<vmem>>[vector<16xi32>, vector<16xi32>], vector<16xf32>,
          %mul3A_1427 = arith.mulf %gather3A_1426, %exp3A : vector<16xf32>
          tpu.vector_store_idx %arg21[%add3A_1172, %add3A_1425], %mul3A_1427 : memref<80x64xf32, #tpu.memory_space<vmem>>[vector<16xi32>, vector<16xi32>], vector<16xf32>,
          %mul3A_1428 = arith.constant 16 : i32
          %mul3A_1429 = arith.muli %scan3A_1178, %mul3A_1428 : i32
          %add3A_1430 = arith.constant 10 : i32
          %add3A_1431 = arith.addi %mul3A_1429, %add3A_1430 : i32
          %broadcast_in_dim3A_1432 = vector.broadcast %add3A_1431 : i32 to vector<16xi32>
          %add3A_1433 = arith.addi %broadcast_in_dim3A_1432, %broadcast_in_dim3A_2 : vector<16xi32>
          %gather3A_1434 = tpu.vector_load_idx %arg21[%add3A_1172, %add3A_1433] : memref<80x64xf32, #tpu.memory_space<vmem>>[vector<16xi32>, vector<16xi32>], vector<16xf32>,
          %mul3A_1435 = arith.mulf %gather3A_1434, %exp3A : vector<16xf32>
          tpu.vector_store_idx %arg21[%add3A_1172, %add3A_1433], %mul3A_1435 : memref<80x64xf32, #tpu.memory_space<vmem>>[vector<16xi32>, vector<16xi32>], vector<16xf32>,
          %mul3A_1436 = arith.constant 16 : i32
          %mul3A_1437 = arith.muli %scan3A_1178, %mul3A_1436 : i32
          %add3A_1438 = arith.constant 11 : i32
          %add3A_1439 = arith.addi %mul3A_1437, %add3A_1438 : i32
          %broadcast_in_dim3A_1440 = vector.broadcast %add3A_1439 : i32 to vector<16xi32>
          %add3A_1441 = arith.addi %broadcast_in_dim3A_1440, %broadcast_in_dim3A_2 : vector<16xi32>
          %gather3A_1442 = tpu.vector_load_idx %arg21[%add3A_1172, %add3A_1441] : memref<80x64xf32, #tpu.memory_space<vmem>>[vector<16xi32>, vector<16xi32>], vector<16xf32>,
          %mul3A_1443 = arith.mulf %gather3A_1442, %exp3A : vector<16xf32>
          tpu.vector_store_idx %arg21[%add3A_1172, %add3A_1441], %mul3A_1443 : memref<80x64xf32, #tpu.memory_space<vmem>>[vector<16xi32>, vector<16xi32>], vector<16xf32>,
          %mul3A_1444 = arith.constant 16 : i32
          %mul3A_1445 = arith.muli %scan3A_1178, %mul3A_1444 : i32
          %add3A_1446 = arith.constant 12 : i32
          %add3A_1447 = arith.addi %mul3A_1445, %add3A_1446 : i32
          %broadcast_in_dim3A_1448 = vector.broadcast %add3A_1447 : i32 to vector<16xi32>
          %add3A_1449 = arith.addi %broadcast_in_dim3A_1448, %broadcast_in_dim3A_2 : vector<16xi32>
          %gather3A_1450 = tpu.vector_load_idx %arg21[%add3A_1172, %add3A_1449] : memref<80x64xf32, #tpu.memory_space<vmem>>[vector<16xi32>, vector<16xi32>], vector<16xf32>,
          %mul3A_1451 = arith.mulf %gather3A_1450, %exp3A : vector<16xf32>
          tpu.vector_store_idx %arg21[%add3A_1172, %add3A_1449], %mul3A_1451 : memref<80x64xf32, #tpu.memory_space<vmem>>[vector<16xi32>, vector<16xi32>], vector<16xf32>,
          %mul3A_1452 = arith.constant 16 : i32
          %mul3A_1453 = arith.muli %scan3A_1178, %mul3A_1452 : i32
          %add3A_1454 = arith.constant 13 : i32
          %add3A_1455 = arith.addi %mul3A_1453, %add3A_1454 : i32
          %broadcast_in_dim3A_1456 = vector.broadcast %add3A_1455 : i32 to vector<16xi32>
          %add3A_1457 = arith.addi %broadcast_in_dim3A_1456, %broadcast_in_dim3A_2 : vector<16xi32>
          %gather3A_1458 = tpu.vector_load_idx %arg21[%add3A_1172, %add3A_1457] : memref<80x64xf32, #tpu.memory_space<vmem>>[vector<16xi32>, vector<16xi32>], vector<16xf32>,
          %mul3A_1459 = arith.mulf %gather3A_1458, %exp3A : vector<16xf32>
          tpu.vector_store_idx %arg21[%add3A_1172, %add3A_1457], %mul3A_1459 : memref<80x64xf32, #tpu.memory_space<vmem>>[vector<16xi32>, vector<16xi32>], vector<16xf32>,
          %mul3A_1460 = arith.constant 16 : i32
          %mul3A_1461 = arith.muli %scan3A_1178, %mul3A_1460 : i32
          %add3A_1462 = arith.constant 14 : i32
          %add3A_1463 = arith.addi %mul3A_1461, %add3A_1462 : i32
          %broadcast_in_dim3A_1464 = vector.broadcast %add3A_1463 : i32 to vector<16xi32>
          %add3A_1465 = arith.addi %broadcast_in_dim3A_1464, %broadcast_in_dim3A_2 : vector<16xi32>
          %gather3A_1466 = tpu.vector_load_idx %arg21[%add3A_1172, %add3A_1465] : memref<80x64xf32, #tpu.memory_space<vmem>>[vector<16xi32>, vector<16xi32>], vector<16xf32>,
          %mul3A_1467 = arith.mulf %gather3A_1466, %exp3A : vector<16xf32>
          tpu.vector_store_idx %arg21[%add3A_1172, %add3A_1465], %mul3A_1467 : memref<80x64xf32, #tpu.memory_space<vmem>>[vector<16xi32>, vector<16xi32>], vector<16xf32>,
          %mul3A_1468 = arith.constant 16 : i32
          %mul3A_1469 = arith.muli %scan3A_1178, %mul3A_1468 : i32
          %add3A_1470 = arith.constant 15 : i32
          %add3A_1471 = arith.addi %mul3A_1469, %add3A_1470 : i32
          %broadcast_in_dim3A_1472 = vector.broadcast %add3A_1471 : i32 to vector<16xi32>
          %add3A_1473 = arith.addi %broadcast_in_dim3A_1472, %broadcast_in_dim3A_2 : vector<16xi32>
          %gather3A_1474 = tpu.vector_load_idx %arg21[%add3A_1172, %add3A_1473] : memref<80x64xf32, #tpu.memory_space<vmem>>[vector<16xi32>, vector<16xi32>], vector<16xf32>,
          %mul3A_1475 = arith.mulf %gather3A_1474, %exp3A : vector<16xf32>
          tpu.vector_store_idx %arg21[%add3A_1172, %add3A_1473], %mul3A_1475 : memref<80x64xf32, #tpu.memory_space<vmem>>[vector<16xi32>, vector<16xi32>], vector<16xf32>,
        }
        %scan3A_1177 = arith.constant 4 : i32
      }
      %scan3A_1094 = arith.constant 5 : i32
      %dma_start3A_1095 = arith.constant 0 : i32
      %dma_start3A_1096 = arith.constant 0 : i32
      %dma_start3A_1097 = tpu.memref_slice %arg29[%dma_start3A_1095, %dma_start3A_1096] : memref<10000x64xf32, #tpu.memory_space<vmem_shared>> -> memref<10000x64xf32, #tpu.memory_space<vmem_shared>>
      tpu.enqueue_indirect_dma source(%arg21 : memref<80x64xf32, #tpu.memory_space<vmem>>) target(%dma_start3A_1097 : memref<10000x64xf32, #tpu.memory_space<vmem_shared>>) offsets(%arg13 : memref<80xi32, #tpu.memory_space<vmem>>) semaphore(%arg31 : memref<!tpu.dma_semaphore, #tpu.memory_space<semaphore_mem>>) {add = true}
      %dma_start3A_1098 = arith.constant 0 : i32
      %dma_start3A_1099 = arith.constant 0 : i32
      %dma_start3A_1100 = tpu.memref_slice %arg30[%dma_start3A_1098, %dma_start3A_1099] : memref<10000x16xf32, #tpu.memory_space<vmem_shared>> -> memref<10000x16xf32, #tpu.memory_space<vmem_shared>>
      tpu.enqueue_indirect_dma source(%arg25 : memref<80x16xf32, #tpu.memory_space<vmem>>) target(%dma_start3A_1100 : memref<10000x16xf32, #tpu.memory_space<vmem_shared>>) offsets(%arg13 : memref<80xi32, #tpu.memory_space<vmem>>) semaphore(%arg32 : memref<!tpu.dma_semaphore, #tpu.memory_space<semaphore_mem>>) {add = true}
      %dma_wait3A_1101 = arith.constant 0 : i32
      %dma_wait3A_1102 = arith.constant 0 : i32
      %dma_wait3A_1103 = tpu.memref_slice %arg29[%dma_wait3A_1101, %dma_wait3A_1102] : memref<10000x64xf32, #tpu.memory_space<vmem_shared>> -> memref<10000x64xf32, #tpu.memory_space<vmem_shared>>
      tpu.wait_indirect_dma semaphore(%arg31 : memref<!tpu.dma_semaphore, #tpu.memory_space<semaphore_mem>>) src(%arg21 : memref<80x64xf32, #tpu.memory_space<vmem>>) dst(%dma_wait3A_1103 : memref<10000x64xf32, #tpu.memory_space<vmem_shared>>)
      %dma_wait3A_1104 = arith.constant 0 : i32
      %dma_wait3A_1105 = arith.constant 0 : i32
      %dma_wait3A_1106 = tpu.memref_slice %arg30[%dma_wait3A_1104, %dma_wait3A_1105] : memref<10000x16xf32, #tpu.memory_space<vmem_shared>> -> memref<10000x16xf32, #tpu.memory_space<vmem_shared>>
      tpu.wait_indirect_dma semaphore(%arg32 : memref<!tpu.dma_semaphore, #tpu.memory_space<semaphore_mem>>) src(%arg25 : memref<80x16xf32, #tpu.memory_space<vmem>>) dst(%dma_wait3A_1106 : memref<10000x16xf32, #tpu.memory_space<vmem_shared>>)
      %dma_wait3A_1107 = arith.constant 0 : i32
      %dma_wait3A_1108 = tpu.memref_slice %arg2[%dma_wait3A_1107] : memref<320000xi32, #tpu.memory_space<hbm>> -> memref<80xi32, #tpu.memory_space<hbm>>
      %dma_wait3A_1109 = arith.constant 0 : i32
      %dma_wait3A_1110 = tpu.memref_slice %arg2[%dma_wait3A_1109] : memref<320000xi32, #tpu.memory_space<hbm>> -> memref<80xi32, #tpu.memory_space<hbm>>
      tpu.wait_dma2 semaphore(%arg37 : memref<!tpu.dma_semaphore, #tpu.memory_space<semaphore_mem>>) src(%dma_wait3A_1110 : memref<80xi32, #tpu.memory_space<hbm>>) dst(%arg9 : memref<80xi32, #tpu.memory_space<vmem>>)
      %dma_wait3A_1111 = arith.constant 0 : i32
      %dma_wait3A_1112 = tpu.memref_slice %arg3[%dma_wait3A_1111] : memref<320000xi32, #tpu.memory_space<hbm>> -> memref<80xi32, #tpu.memory_space<hbm>>
      %dma_wait3A_1113 = arith.constant 0 : i32
      %dma_wait3A_1114 = tpu.memref_slice %arg3[%dma_wait3A_1113] : memref<320000xi32, #tpu.memory_space<hbm>> -> memref<80xi32, #tpu.memory_space<hbm>>
      tpu.wait_dma2 semaphore(%arg38 : memref<!tpu.dma_semaphore, #tpu.memory_space<semaphore_mem>>) src(%dma_wait3A_1114 : memref<80xi32, #tpu.memory_space<hbm>>) dst(%arg10 : memref<80xi32, #tpu.memory_space<vmem>>)
      %scan3A_1115 = arith.constant 0 : i32
      %scan3A_1116 = arith.constant 0 : i32
      %scan3A_1117 = arith.constant 5 : i32
      %scan3A_1118 = arith.addi %scan3A_1116, %scan3A_1117 : i32
      %scan3A_1119 = arith.constant 1 : i32
      scf.for %scan3A_1168 = %scan3A_1116 to %scan3A_1118 step %scan3A_1119  : i32 {
        %mul3A_1169 = arith.constant 16 : i32
        %mul3A_1170 = arith.muli %scan3A_1168, %mul3A_1169 : i32
        %get3A = arith.index_cast %mul3A_1170 : i32 to index
        %get3A_1171 = tpu.vector_load %arg9[%get3A] {strides = array<i32>} : memref<80xi32, #tpu.memory_space<vmem>>, vector<16xi32>,
        %add3A_1172 = vector.broadcast %mul3A_967 : i32 to vector<16xi32>
        %add3A_1173 = arith.addi %get3A_1171, %add3A_1172 : vector<16xi32>
        %swap3A_1174 = arith.index_cast %mul3A_1170 : i32 to index
        %swap3A_1175 = tpu.vector_load %arg11[%swap3A_1174] {strides = array<i32>} : memref<80xi32, #tpu.memory_space<vmem>>, vector<16xi32>,
        tpu.vector_store %arg11[%swap3A_1174], %add3A_1173 {strides = array<i32>} : memref<80xi32, #tpu.memory_space<vmem>>, vector<16xi32>,
        %get3A_1176 = arith.index_cast %mul3A_1170 : i32 to index
        %get3A_1177 = tpu.vector_load %arg10[%get3A_1176] {strides = array<i32>} : memref<80xi32, #tpu.memory_space<vmem>>, vector<16xi32>,
        %add3A_1178 = vector.broadcast %mul3A_967 : i32 to vector<16xi32>
        %add3A_1179 = arith.addi %get3A_1177, %add3A_1178 : vector<16xi32>
        %swap3A_1180 = arith.index_cast %mul3A_1170 : i32 to index
        %swap3A_1181 = tpu.vector_load %arg12[%swap3A_1180] {strides = array<i32>} : memref<80xi32, #tpu.memory_space<vmem>>, vector<16xi32>,
        tpu.vector_store %arg12[%swap3A_1180], %add3A_1179 {strides = array<i32>} : memref<80xi32, #tpu.memory_space<vmem>>, vector<16xi32>,
        %get3A_1182 = arith.index_cast %mul3A_1170 : i32 to index
        %get3A_1183 = tpu.vector_load %arg10[%get3A_1182] {strides = array<i32>} : memref<80xi32, #tpu.memory_space<vmem>>, vector<16xi32>,
        %add3A_1184 = arith.addi %get3A_1183, %broadcast_in_dim3A_2 : vector<16xi32>
        %swap3A_1185 = arith.index_cast %mul3A_1170 : i32 to index
        %swap3A_1186 = tpu.vector_load %arg13[%swap3A_1185] {strides = array<i32>} : memref<80xi32, #tpu.memory_space<vmem>>, vector<16xi32>,
        tpu.vector_store %arg13[%swap3A_1185], %add3A_1184 {strides = array<i32>} : memref<80xi32, #tpu.memory_space<vmem>>, vector<16xi32>,
      }
      %scan3A_1120 = arith.constant 5 : i32
      %dma_start3A_1121 = arith.constant 0 : i32
      %dma_start3A_1122 = arith.constant 0 : i32
      %dma_start3A_1123 = tpu.memref_slice %arg4[%dma_start3A_1121, %dma_start3A_1122] : memref<20000x64xf32, #tpu.memory_space<hbm>> -> memref<20000x64xf32, #tpu.memory_space<hbm>>
      tpu.enqueue_indirect_dma source(%dma_start3A_1123 : memref<20000x64xf32, #tpu.memory_space<hbm>>) target(%arg19 : memref<80x64xf32, #tpu.memory_space<vmem>>) offsets(%arg12 : memref<80xi32, #tpu.memory_space<vmem>>) semaphore(%arg31 : memref<!tpu.dma_semaphore, #tpu.memory_space<semaphore_mem>>)
      %dma_start3A_1124 = arith.constant 0 : i32
      %dma_start3A_1125 = arith.constant 0 : i32
      %dma_start3A_1126 = tpu.memref_slice %arg5[%dma_start3A_1124, %dma_start3A_1125] : memref<20000x64xf32, #tpu.memory_space<hbm>> -> memref<20000x64xf32, #tpu.memory_space<hbm>>
      tpu.enqueue_indirect_dma source(%dma_start3A_1126 : memref<20000x64xf32, #tpu.memory_space<hbm>>) target(%arg20 : memref<80x64xf32, #tpu.memory_space<vmem>>) offsets(%arg11 : memref<80xi32, #tpu.memory_space<vmem>>) semaphore(%arg32 : memref<!tpu.dma_semaphore, #tpu.memory_space<semaphore_mem>>)
      %dma_start3A_1127 = arith.constant 0 : i32
      %dma_start3A_1128 = arith.constant 0 : i32
      %dma_start3A_1129 = tpu.memref_slice %arg6[%dma_start3A_1127, %dma_start3A_1128] : memref<20000x64xf32, #tpu.memory_space<hbm>> -> memref<20000x64xf32, #tpu.memory_space<hbm>>
      tpu.enqueue_indirect_dma source(%dma_start3A_1129 : memref<20000x64xf32, #tpu.memory_space<hbm>>) target(%arg21 : memref<80x64xf32, #tpu.memory_space<vmem>>) offsets(%arg11 : memref<80xi32, #tpu.memory_space<vmem>>) semaphore(%arg33 : memref<!tpu.dma_semaphore, #tpu.memory_space<semaphore_mem>>)
      %add3A_1130 = arith.constant 3 : i32
      %add3A_1131 = arith.addi %mul3A_1045, %add3A_1130 : i32
      %mul3A_1132 = arith.constant 80 : i32
      %mul3A_1133 = arith.muli %add3A_1131, %mul3A_1132 : i32
      %add3A_1134 = arith.addi %mul3A_969, %mul3A_1133 : i32
      %min3A_1135 = arith.constant 319920 : i32
      %min3A_1136 = arith.minsi %add3A_1134, %min3A_1135 : i32
      %dma_start3A_1137 = tpu.memref_slice %arg2[%min3A_1136] : memref<320000xi32, #tpu.memory_space<hbm>> -> memref<80xi32, #tpu.memory_space<hbm>>
      %dma_start3A_1138 = tpu.memref_slice %arg2[%min3A_1136] : memref<320000xi32, #tpu.memory_space<hbm>> -> memref<80xi32, #tpu.memory_space<hbm>>
      tpu.enqueue_dma source(%dma_start3A_1138 : memref<80xi32, #tpu.memory_space<hbm>>) target(%arg14 : memref<80xi32, #tpu.memory_space<vmem>>) target_semaphore(%arg39 : memref<!tpu.dma_semaphore, #tpu.memory_space<semaphore_mem>>)
      %dma_start3A_1139 = tpu.memref_slice %arg3[%min3A_1136] : memref<320000xi32, #tpu.memory_space<hbm>> -> memref<80xi32, #tpu.memory_space<hbm>>
      %dma_start3A_1140 = tpu.memref_slice %arg3[%min3A_1136] : memref<320000xi32, #tpu.memory_space<hbm>> -> memref<80xi32, #tpu.memory_space<hbm>>
      tpu.enqueue_dma source(%dma_start3A_1140 : memref<80xi32, #tpu.memory_space<hbm>>) target(%arg15 : memref<80xi32, #tpu.memory_space<vmem>>) target_semaphore(%arg40 : memref<!tpu.dma_semaphore, #tpu.memory_space<semaphore_mem>>)
      %dma_wait3A_1141 = arith.constant 0 : i32
      %dma_wait3A_1142 = arith.constant 0 : i32
      %dma_wait3A_1143 = tpu.memref_slice %arg4[%dma_wait3A_1141, %dma_wait3A_1142] : memref<20000x64xf32, #tpu.memory_space<hbm>> -> memref<20000x64xf32, #tpu.memory_space<hbm>>
      tpu.wait_indirect_dma semaphore(%arg34 : memref<!tpu.dma_semaphore, #tpu.memory_space<semaphore_mem>>) src(%dma_wait3A_1143 : memref<20000x64xf32, #tpu.memory_space<hbm>>) dst(%arg22 : memref<80x64xf32, #tpu.memory_space<vmem>>)
      %dma_wait3A_1144 = arith.constant 0 : i32
      %dma_wait3A_1145 = arith.constant 0 : i32
      %dma_wait3A_1146 = tpu.memref_slice %arg5[%dma_wait3A_1144, %dma_wait3A_1145] : memref<20000x64xf32, #tpu.memory_space<hbm>> -> memref<20000x64xf32, #tpu.memory_space<hbm>>
      tpu.wait_indirect_dma semaphore(%arg35 : memref<!tpu.dma_semaphore, #tpu.memory_space<semaphore_mem>>) src(%dma_wait3A_1146 : memref<20000x64xf32, #tpu.memory_space<hbm>>) dst(%arg23 : memref<80x64xf32, #tpu.memory_space<vmem>>)
      %dma_wait3A_1147 = arith.constant 0 : i32
      %dma_wait3A_1148 = arith.constant 0 : i32
      %dma_wait3A_1149 = tpu.memref_slice %arg6[%dma_wait3A_1147, %dma_wait3A_1148] : memref<20000x64xf32, #tpu.memory_space<hbm>> -> memref<20000x64xf32, #tpu.memory_space<hbm>>
      tpu.wait_indirect_dma semaphore(%arg36 : memref<!tpu.dma_semaphore, #tpu.memory_space<semaphore_mem>>) src(%dma_wait3A_1149 : memref<20000x64xf32, #tpu.memory_space<hbm>>) dst(%arg24 : memref<80x64xf32, #tpu.memory_space<vmem>>)
      %scan3A_1150 = arith.constant 0 : i32
      %scan3A_1151 = arith.constant 0 : i32
      %scan3A_1152 = arith.constant 5 : i32
      %scan3A_1153 = arith.addi %scan3A_1151, %scan3A_1152 : i32
      %scan3A_1154 = arith.constant 1 : i32
      scf.for %scan3A_1168 = %scan3A_1151 to %scan3A_1153 step %scan3A_1154  : i32 {
        %mul3A_1169 = arith.constant 16 : i32
        %mul3A_1170 = arith.muli %scan3A_1168, %mul3A_1169 : i32
        %add3A_1171 = vector.broadcast %mul3A_1170 : i32 to vector<16xi32>
        %add3A_1172 = arith.addi %iota3A, %add3A_1171 : vector<16xi32>
        %scan3A_1173 = arith.constant 0 : i32
        %scan3A_1174 = arith.constant 4 : i32
        %scan3A_1175 = arith.addi %scan3A_1173, %scan3A_1174 : i32
        %scan3A_1176 = arith.constant 1 : i32
        scf.for %scan3A_1178 = %scan3A_1173 to %scan3A_1175 step %scan3A_1176  : i32 {
          %mul3A_1179 = arith.constant 16 : i32
          %mul3A_1180 = arith.muli %scan3A_1178, %mul3A_1179 : i32
          %add3A_1181 = arith.constant 0 : i32
          %add3A_1182 = arith.addi %mul3A_1180, %add3A_1181 : i32
          %broadcast_in_dim3A_1183 = vector.broadcast %add3A_1182 : i32 to vector<16xi32>
          %add3A_1184 = arith.addi %broadcast_in_dim3A_1183, %broadcast_in_dim3A_2 : vector<16xi32>
          %gather3A = tpu.vector_load_idx %arg22[%add3A_1172, %add3A_1184] : memref<80x64xf32, #tpu.memory_space<vmem>>[vector<16xi32>, vector<16xi32>], vector<16xf32>,
          %gather3A_1185 = tpu.vector_load_idx %arg23[%add3A_1172, %add3A_1184] : memref<80x64xf32, #tpu.memory_space<vmem>>[vector<16xi32>, vector<16xi32>], vector<16xf32>,
          %mul3A_1186 = arith.mulf %gather3A, %gather3A_1185 : vector<16xf32>
          %add3A_1187 = arith.addf %broadcast_in_dim3A_0, %mul3A_1186 : vector<16xf32>
          %mul3A_1188 = arith.constant 16 : i32
          %mul3A_1189 = arith.muli %scan3A_1178, %mul3A_1188 : i32
          %add3A_1190 = arith.constant 1 : i32
          %add3A_1191 = arith.addi %mul3A_1189, %add3A_1190 : i32
          %broadcast_in_dim3A_1192 = vector.broadcast %add3A_1191 : i32 to vector<16xi32>
          %add3A_1193 = arith.addi %broadcast_in_dim3A_1192, %broadcast_in_dim3A_2 : vector<16xi32>
          %gather3A_1194 = tpu.vector_load_idx %arg22[%add3A_1172, %add3A_1193] : memref<80x64xf32, #tpu.memory_space<vmem>>[vector<16xi32>, vector<16xi32>], vector<16xf32>,
          %gather3A_1195 = tpu.vector_load_idx %arg23[%add3A_1172, %add3A_1193] : memref<80x64xf32, #tpu.memory_space<vmem>>[vector<16xi32>, vector<16xi32>], vector<16xf32>,
          %mul3A_1196 = arith.mulf %gather3A_1194, %gather3A_1195 : vector<16xf32>
          %add3A_1197 = arith.addf %broadcast_in_dim3A_0, %mul3A_1196 : vector<16xf32>
          %mul3A_1198 = arith.constant 16 : i32
          %mul3A_1199 = arith.muli %scan3A_1178, %mul3A_1198 : i32
          %add3A_1200 = arith.constant 2 : i32
          %add3A_1201 = arith.addi %mul3A_1199, %add3A_1200 : i32
          %broadcast_in_dim3A_1202 = vector.broadcast %add3A_1201 : i32 to vector<16xi32>
          %add3A_1203 = arith.addi %broadcast_in_dim3A_1202, %broadcast_in_dim3A_2 : vector<16xi32>
          %gather3A_1204 = tpu.vector_load_idx %arg22[%add3A_1172, %add3A_1203] : memref<80x64xf32, #tpu.memory_space<vmem>>[vector<16xi32>, vector<16xi32>], vector<16xf32>,
          %gather3A_1205 = tpu.vector_load_idx %arg23[%add3A_1172, %add3A_1203] : memref<80x64xf32, #tpu.memory_space<vmem>>[vector<16xi32>, vector<16xi32>], vector<16xf32>,
          %mul3A_1206 = arith.mulf %gather3A_1204, %gather3A_1205 : vector<16xf32>
          %add3A_1207 = arith.addf %broadcast_in_dim3A_0, %mul3A_1206 : vector<16xf32>
          %mul3A_1208 = arith.constant 16 : i32
          %mul3A_1209 = arith.muli %scan3A_1178, %mul3A_1208 : i32
          %add3A_1210 = arith.constant 3 : i32
          %add3A_1211 = arith.addi %mul3A_1209, %add3A_1210 : i32
          %broadcast_in_dim3A_1212 = vector.broadcast %add3A_1211 : i32 to vector<16xi32>
          %add3A_1213 = arith.addi %broadcast_in_dim3A_1212, %broadcast_in_dim3A_2 : vector<16xi32>
          %gather3A_1214 = tpu.vector_load_idx %arg22[%add3A_1172, %add3A_1213] : memref<80x64xf32, #tpu.memory_space<vmem>>[vector<16xi32>, vector<16xi32>], vector<16xf32>,
          %gather3A_1215 = tpu.vector_load_idx %arg23[%add3A_1172, %add3A_1213] : memref<80x64xf32, #tpu.memory_space<vmem>>[vector<16xi32>, vector<16xi32>], vector<16xf32>,
          %mul3A_1216 = arith.mulf %gather3A_1214, %gather3A_1215 : vector<16xf32>
          %add3A_1217 = arith.addf %broadcast_in_dim3A_0, %mul3A_1216 : vector<16xf32>
          %mul3A_1218 = arith.constant 16 : i32
          %mul3A_1219 = arith.muli %scan3A_1178, %mul3A_1218 : i32
          %add3A_1220 = arith.constant 4 : i32
          %add3A_1221 = arith.addi %mul3A_1219, %add3A_1220 : i32
          %broadcast_in_dim3A_1222 = vector.broadcast %add3A_1221 : i32 to vector<16xi32>
          %add3A_1223 = arith.addi %broadcast_in_dim3A_1222, %broadcast_in_dim3A_2 : vector<16xi32>
          %gather3A_1224 = tpu.vector_load_idx %arg22[%add3A_1172, %add3A_1223] : memref<80x64xf32, #tpu.memory_space<vmem>>[vector<16xi32>, vector<16xi32>], vector<16xf32>,
          %gather3A_1225 = tpu.vector_load_idx %arg23[%add3A_1172, %add3A_1223] : memref<80x64xf32, #tpu.memory_space<vmem>>[vector<16xi32>, vector<16xi32>], vector<16xf32>,
          %mul3A_1226 = arith.mulf %gather3A_1224, %gather3A_1225 : vector<16xf32>
          %add3A_1227 = arith.addf %add3A_1187, %mul3A_1226 : vector<16xf32>
          %mul3A_1228 = arith.constant 16 : i32
          %mul3A_1229 = arith.muli %scan3A_1178, %mul3A_1228 : i32
          %add3A_1230 = arith.constant 5 : i32
          %add3A_1231 = arith.addi %mul3A_1229, %add3A_1230 : i32
          %broadcast_in_dim3A_1232 = vector.broadcast %add3A_1231 : i32 to vector<16xi32>
          %add3A_1233 = arith.addi %broadcast_in_dim3A_1232, %broadcast_in_dim3A_2 : vector<16xi32>
          %gather3A_1234 = tpu.vector_load_idx %arg22[%add3A_1172, %add3A_1233] : memref<80x64xf32, #tpu.memory_space<vmem>>[vector<16xi32>, vector<16xi32>], vector<16xf32>,
          %gather3A_1235 = tpu.vector_load_idx %arg23[%add3A_1172, %add3A_1233] : memref<80x64xf32, #tpu.memory_space<vmem>>[vector<16xi32>, vector<16xi32>], vector<16xf32>,
          %mul3A_1236 = arith.mulf %gather3A_1234, %gather3A_1235 : vector<16xf32>
          %add3A_1237 = arith.addf %add3A_1197, %mul3A_1236 : vector<16xf32>
          %mul3A_1238 = arith.constant 16 : i32
          %mul3A_1239 = arith.muli %scan3A_1178, %mul3A_1238 : i32
          %add3A_1240 = arith.constant 6 : i32
          %add3A_1241 = arith.addi %mul3A_1239, %add3A_1240 : i32
          %broadcast_in_dim3A_1242 = vector.broadcast %add3A_1241 : i32 to vector<16xi32>
          %add3A_1243 = arith.addi %broadcast_in_dim3A_1242, %broadcast_in_dim3A_2 : vector<16xi32>
          %gather3A_1244 = tpu.vector_load_idx %arg22[%add3A_1172, %add3A_1243] : memref<80x64xf32, #tpu.memory_space<vmem>>[vector<16xi32>, vector<16xi32>], vector<16xf32>,
          %gather3A_1245 = tpu.vector_load_idx %arg23[%add3A_1172, %add3A_1243] : memref<80x64xf32, #tpu.memory_space<vmem>>[vector<16xi32>, vector<16xi32>], vector<16xf32>,
          %mul3A_1246 = arith.mulf %gather3A_1244, %gather3A_1245 : vector<16xf32>
          %add3A_1247 = arith.addf %add3A_1207, %mul3A_1246 : vector<16xf32>
          %mul3A_1248 = arith.constant 16 : i32
          %mul3A_1249 = arith.muli %scan3A_1178, %mul3A_1248 : i32
          %add3A_1250 = arith.constant 7 : i32
          %add3A_1251 = arith.addi %mul3A_1249, %add3A_1250 : i32
          %broadcast_in_dim3A_1252 = vector.broadcast %add3A_1251 : i32 to vector<16xi32>
          %add3A_1253 = arith.addi %broadcast_in_dim3A_1252, %broadcast_in_dim3A_2 : vector<16xi32>
          %gather3A_1254 = tpu.vector_load_idx %arg22[%add3A_1172, %add3A_1253] : memref<80x64xf32, #tpu.memory_space<vmem>>[vector<16xi32>, vector<16xi32>], vector<16xf32>,
          %gather3A_1255 = tpu.vector_load_idx %arg23[%add3A_1172, %add3A_1253] : memref<80x64xf32, #tpu.memory_space<vmem>>[vector<16xi32>, vector<16xi32>], vector<16xf32>,
          %mul3A_1256 = arith.mulf %gather3A_1254, %gather3A_1255 : vector<16xf32>
          %add3A_1257 = arith.addf %add3A_1217, %mul3A_1256 : vector<16xf32>
          %mul3A_1258 = arith.constant 16 : i32
          %mul3A_1259 = arith.muli %scan3A_1178, %mul3A_1258 : i32
          %add3A_1260 = arith.constant 8 : i32
          %add3A_1261 = arith.addi %mul3A_1259, %add3A_1260 : i32
          %broadcast_in_dim3A_1262 = vector.broadcast %add3A_1261 : i32 to vector<16xi32>
          %add3A_1263 = arith.addi %broadcast_in_dim3A_1262, %broadcast_in_dim3A_2 : vector<16xi32>
          %gather3A_1264 = tpu.vector_load_idx %arg22[%add3A_1172, %add3A_1263] : memref<80x64xf32, #tpu.memory_space<vmem>>[vector<16xi32>, vector<16xi32>], vector<16xf32>,
          %gather3A_1265 = tpu.vector_load_idx %arg23[%add3A_1172, %add3A_1263] : memref<80x64xf32, #tpu.memory_space<vmem>>[vector<16xi32>, vector<16xi32>], vector<16xf32>,
          %mul3A_1266 = arith.mulf %gather3A_1264, %gather3A_1265 : vector<16xf32>
          %add3A_1267 = arith.addf %add3A_1227, %mul3A_1266 : vector<16xf32>
          %mul3A_1268 = arith.constant 16 : i32
          %mul3A_1269 = arith.muli %scan3A_1178, %mul3A_1268 : i32
          %add3A_1270 = arith.constant 9 : i32
          %add3A_1271 = arith.addi %mul3A_1269, %add3A_1270 : i32
          %broadcast_in_dim3A_1272 = vector.broadcast %add3A_1271 : i32 to vector<16xi32>
          %add3A_1273 = arith.addi %broadcast_in_dim3A_1272, %broadcast_in_dim3A_2 : vector<16xi32>
          %gather3A_1274 = tpu.vector_load_idx %arg22[%add3A_1172, %add3A_1273] : memref<80x64xf32, #tpu.memory_space<vmem>>[vector<16xi32>, vector<16xi32>], vector<16xf32>,
          %gather3A_1275 = tpu.vector_load_idx %arg23[%add3A_1172, %add3A_1273] : memref<80x64xf32, #tpu.memory_space<vmem>>[vector<16xi32>, vector<16xi32>], vector<16xf32>,
          %mul3A_1276 = arith.mulf %gather3A_1274, %gather3A_1275 : vector<16xf32>
          %add3A_1277 = arith.addf %add3A_1237, %mul3A_1276 : vector<16xf32>
          %mul3A_1278 = arith.constant 16 : i32
          %mul3A_1279 = arith.muli %scan3A_1178, %mul3A_1278 : i32
          %add3A_1280 = arith.constant 10 : i32
          %add3A_1281 = arith.addi %mul3A_1279, %add3A_1280 : i32
          %broadcast_in_dim3A_1282 = vector.broadcast %add3A_1281 : i32 to vector<16xi32>
          %add3A_1283 = arith.addi %broadcast_in_dim3A_1282, %broadcast_in_dim3A_2 : vector<16xi32>
          %gather3A_1284 = tpu.vector_load_idx %arg22[%add3A_1172, %add3A_1283] : memref<80x64xf32, #tpu.memory_space<vmem>>[vector<16xi32>, vector<16xi32>], vector<16xf32>,
          %gather3A_1285 = tpu.vector_load_idx %arg23[%add3A_1172, %add3A_1283] : memref<80x64xf32, #tpu.memory_space<vmem>>[vector<16xi32>, vector<16xi32>], vector<16xf32>,
          %mul3A_1286 = arith.mulf %gather3A_1284, %gather3A_1285 : vector<16xf32>
          %add3A_1287 = arith.addf %add3A_1247, %mul3A_1286 : vector<16xf32>
          %mul3A_1288 = arith.constant 16 : i32
          %mul3A_1289 = arith.muli %scan3A_1178, %mul3A_1288 : i32
          %add3A_1290 = arith.constant 11 : i32
          %add3A_1291 = arith.addi %mul3A_1289, %add3A_1290 : i32
          %broadcast_in_dim3A_1292 = vector.broadcast %add3A_1291 : i32 to vector<16xi32>
          %add3A_1293 = arith.addi %broadcast_in_dim3A_1292, %broadcast_in_dim3A_2 : vector<16xi32>
          %gather3A_1294 = tpu.vector_load_idx %arg22[%add3A_1172, %add3A_1293] : memref<80x64xf32, #tpu.memory_space<vmem>>[vector<16xi32>, vector<16xi32>], vector<16xf32>,
          %gather3A_1295 = tpu.vector_load_idx %arg23[%add3A_1172, %add3A_1293] : memref<80x64xf32, #tpu.memory_space<vmem>>[vector<16xi32>, vector<16xi32>], vector<16xf32>,
          %mul3A_1296 = arith.mulf %gather3A_1294, %gather3A_1295 : vector<16xf32>
          %add3A_1297 = arith.addf %add3A_1257, %mul3A_1296 : vector<16xf32>
          %mul3A_1298 = arith.constant 16 : i32
          %mul3A_1299 = arith.muli %scan3A_1178, %mul3A_1298 : i32
          %add3A_1300 = arith.constant 12 : i32
          %add3A_1301 = arith.addi %mul3A_1299, %add3A_1300 : i32
          %broadcast_in_dim3A_1302 = vector.broadcast %add3A_1301 : i32 to vector<16xi32>
          %add3A_1303 = arith.addi %broadcast_in_dim3A_1302, %broadcast_in_dim3A_2 : vector<16xi32>
          %gather3A_1304 = tpu.vector_load_idx %arg22[%add3A_1172, %add3A_1303] : memref<80x64xf32, #tpu.memory_space<vmem>>[vector<16xi32>, vector<16xi32>], vector<16xf32>,
          %gather3A_1305 = tpu.vector_load_idx %arg23[%add3A_1172, %add3A_1303] : memref<80x64xf32, #tpu.memory_space<vmem>>[vector<16xi32>, vector<16xi32>], vector<16xf32>,
          %mul3A_1306 = arith.mulf %gather3A_1304, %gather3A_1305 : vector<16xf32>
          %add3A_1307 = arith.addf %add3A_1267, %mul3A_1306 : vector<16xf32>
          %mul3A_1308 = arith.constant 16 : i32
          %mul3A_1309 = arith.muli %scan3A_1178, %mul3A_1308 : i32
          %add3A_1310 = arith.constant 13 : i32
          %add3A_1311 = arith.addi %mul3A_1309, %add3A_1310 : i32
          %broadcast_in_dim3A_1312 = vector.broadcast %add3A_1311 : i32 to vector<16xi32>
          %add3A_1313 = arith.addi %broadcast_in_dim3A_1312, %broadcast_in_dim3A_2 : vector<16xi32>
          %gather3A_1314 = tpu.vector_load_idx %arg22[%add3A_1172, %add3A_1313] : memref<80x64xf32, #tpu.memory_space<vmem>>[vector<16xi32>, vector<16xi32>], vector<16xf32>,
          %gather3A_1315 = tpu.vector_load_idx %arg23[%add3A_1172, %add3A_1313] : memref<80x64xf32, #tpu.memory_space<vmem>>[vector<16xi32>, vector<16xi32>], vector<16xf32>,
          %mul3A_1316 = arith.mulf %gather3A_1314, %gather3A_1315 : vector<16xf32>
          %add3A_1317 = arith.addf %add3A_1277, %mul3A_1316 : vector<16xf32>
          %mul3A_1318 = arith.constant 16 : i32
          %mul3A_1319 = arith.muli %scan3A_1178, %mul3A_1318 : i32
          %add3A_1320 = arith.constant 14 : i32
          %add3A_1321 = arith.addi %mul3A_1319, %add3A_1320 : i32
          %broadcast_in_dim3A_1322 = vector.broadcast %add3A_1321 : i32 to vector<16xi32>
          %add3A_1323 = arith.addi %broadcast_in_dim3A_1322, %broadcast_in_dim3A_2 : vector<16xi32>
          %gather3A_1324 = tpu.vector_load_idx %arg22[%add3A_1172, %add3A_1323] : memref<80x64xf32, #tpu.memory_space<vmem>>[vector<16xi32>, vector<16xi32>], vector<16xf32>,
          %gather3A_1325 = tpu.vector_load_idx %arg23[%add3A_1172, %add3A_1323] : memref<80x64xf32, #tpu.memory_space<vmem>>[vector<16xi32>, vector<16xi32>], vector<16xf32>,
          %mul3A_1326 = arith.mulf %gather3A_1324, %gather3A_1325 : vector<16xf32>
          %add3A_1327 = arith.addf %add3A_1287, %mul3A_1326 : vector<16xf32>
          %mul3A_1328 = arith.constant 16 : i32
          %mul3A_1329 = arith.muli %scan3A_1178, %mul3A_1328 : i32
          %add3A_1330 = arith.constant 15 : i32
          %add3A_1331 = arith.addi %mul3A_1329, %add3A_1330 : i32
          %broadcast_in_dim3A_1332 = vector.broadcast %add3A_1331 : i32 to vector<16xi32>
          %add3A_1333 = arith.addi %broadcast_in_dim3A_1332, %broadcast_in_dim3A_2 : vector<16xi32>
          %gather3A_1334 = tpu.vector_load_idx %arg22[%add3A_1172, %add3A_1333] : memref<80x64xf32, #tpu.memory_space<vmem>>[vector<16xi32>, vector<16xi32>], vector<16xf32>,
          %gather3A_1335 = tpu.vector_load_idx %arg23[%add3A_1172, %add3A_1333] : memref<80x64xf32, #tpu.memory_space<vmem>>[vector<16xi32>, vector<16xi32>], vector<16xf32>,
          %mul3A_1336 = arith.mulf %gather3A_1334, %gather3A_1335 : vector<16xf32>
          %add3A_1337 = arith.addf %add3A_1297, %mul3A_1336 : vector<16xf32>
          %add3A_1338 = arith.addf %add3A_1307, %add3A_1317 : vector<16xf32>
          %add3A_1339 = arith.addf %add3A_1327, %add3A_1337 : vector<16xf32>
          %add3A_1340 = arith.addf %add3A_1338, %add3A_1339 : vector<16xf32>
          %min3A_1341 = arith.constant 6.000000e+01 : f32
          %min3A_1342 = vector.broadcast %min3A_1341 : f32 to vector<16xf32>
          %min3A_1343 = arith.minimumf %add3A_1340, %min3A_1342 : vector<16xf32>
          %exp3A = math.exp %min3A_1343 : vector<16xf32>
          %mul3A_1344 = arith.constant 4 : i32
          %mul3A_1345 = arith.muli %arg0, %mul3A_1344 : i32
          %add3A_1346 = arith.addi %mul3A_1345, %scan3A_1178 : i32
          %broadcast_in_dim3A_1347 = vector.broadcast %add3A_1346 : i32 to vector<16xi32>
          tpu.vector_store_idx %arg26[%add3A_1172, %broadcast_in_dim3A_1347], %exp3A : memref<80x16xf32, #tpu.memory_space<vmem>>[vector<16xi32>, vector<16xi32>], vector<16xf32>,
          %mul3A_1348 = arith.constant 16 : i32
          %mul3A_1349 = arith.muli %scan3A_1178, %mul3A_1348 : i32
          %add3A_1350 = arith.constant 0 : i32
          %add3A_1351 = arith.addi %mul3A_1349, %add3A_1350 : i32
          %broadcast_in_dim3A_1352 = vector.broadcast %add3A_1351 : i32 to vector<16xi32>
          %add3A_1353 = arith.addi %broadcast_in_dim3A_1352, %broadcast_in_dim3A_2 : vector<16xi32>
          %gather3A_1354 = tpu.vector_load_idx %arg24[%add3A_1172, %add3A_1353] : memref<80x64xf32, #tpu.memory_space<vmem>>[vector<16xi32>, vector<16xi32>], vector<16xf32>,
          %mul3A_1355 = arith.mulf %gather3A_1354, %exp3A : vector<16xf32>
          tpu.vector_store_idx %arg24[%add3A_1172, %add3A_1353], %mul3A_1355 : memref<80x64xf32, #tpu.memory_space<vmem>>[vector<16xi32>, vector<16xi32>], vector<16xf32>,
          %mul3A_1356 = arith.constant 16 : i32
          %mul3A_1357 = arith.muli %scan3A_1178, %mul3A_1356 : i32
          %add3A_1358 = arith.constant 1 : i32
          %add3A_1359 = arith.addi %mul3A_1357, %add3A_1358 : i32
          %broadcast_in_dim3A_1360 = vector.broadcast %add3A_1359 : i32 to vector<16xi32>
          %add3A_1361 = arith.addi %broadcast_in_dim3A_1360, %broadcast_in_dim3A_2 : vector<16xi32>
          %gather3A_1362 = tpu.vector_load_idx %arg24[%add3A_1172, %add3A_1361] : memref<80x64xf32, #tpu.memory_space<vmem>>[vector<16xi32>, vector<16xi32>], vector<16xf32>,
          %mul3A_1363 = arith.mulf %gather3A_1362, %exp3A : vector<16xf32>
          tpu.vector_store_idx %arg24[%add3A_1172, %add3A_1361], %mul3A_1363 : memref<80x64xf32, #tpu.memory_space<vmem>>[vector<16xi32>, vector<16xi32>], vector<16xf32>,
          %mul3A_1364 = arith.constant 16 : i32
          %mul3A_1365 = arith.muli %scan3A_1178, %mul3A_1364 : i32
          %add3A_1366 = arith.constant 2 : i32
          %add3A_1367 = arith.addi %mul3A_1365, %add3A_1366 : i32
          %broadcast_in_dim3A_1368 = vector.broadcast %add3A_1367 : i32 to vector<16xi32>
          %add3A_1369 = arith.addi %broadcast_in_dim3A_1368, %broadcast_in_dim3A_2 : vector<16xi32>
          %gather3A_1370 = tpu.vector_load_idx %arg24[%add3A_1172, %add3A_1369] : memref<80x64xf32, #tpu.memory_space<vmem>>[vector<16xi32>, vector<16xi32>], vector<16xf32>,
          %mul3A_1371 = arith.mulf %gather3A_1370, %exp3A : vector<16xf32>
          tpu.vector_store_idx %arg24[%add3A_1172, %add3A_1369], %mul3A_1371 : memref<80x64xf32, #tpu.memory_space<vmem>>[vector<16xi32>, vector<16xi32>], vector<16xf32>,
          %mul3A_1372 = arith.constant 16 : i32
          %mul3A_1373 = arith.muli %scan3A_1178, %mul3A_1372 : i32
          %add3A_1374 = arith.constant 3 : i32
          %add3A_1375 = arith.addi %mul3A_1373, %add3A_1374 : i32
          %broadcast_in_dim3A_1376 = vector.broadcast %add3A_1375 : i32 to vector<16xi32>
          %add3A_1377 = arith.addi %broadcast_in_dim3A_1376, %broadcast_in_dim3A_2 : vector<16xi32>
          %gather3A_1378 = tpu.vector_load_idx %arg24[%add3A_1172, %add3A_1377] : memref<80x64xf32, #tpu.memory_space<vmem>>[vector<16xi32>, vector<16xi32>], vector<16xf32>,
          %mul3A_1379 = arith.mulf %gather3A_1378, %exp3A : vector<16xf32>
          tpu.vector_store_idx %arg24[%add3A_1172, %add3A_1377], %mul3A_1379 : memref<80x64xf32, #tpu.memory_space<vmem>>[vector<16xi32>, vector<16xi32>], vector<16xf32>,
          %mul3A_1380 = arith.constant 16 : i32
          %mul3A_1381 = arith.muli %scan3A_1178, %mul3A_1380 : i32
          %add3A_1382 = arith.constant 4 : i32
          %add3A_1383 = arith.addi %mul3A_1381, %add3A_1382 : i32
          %broadcast_in_dim3A_1384 = vector.broadcast %add3A_1383 : i32 to vector<16xi32>
          %add3A_1385 = arith.addi %broadcast_in_dim3A_1384, %broadcast_in_dim3A_2 : vector<16xi32>
          %gather3A_1386 = tpu.vector_load_idx %arg24[%add3A_1172, %add3A_1385] : memref<80x64xf32, #tpu.memory_space<vmem>>[vector<16xi32>, vector<16xi32>], vector<16xf32>,
          %mul3A_1387 = arith.mulf %gather3A_1386, %exp3A : vector<16xf32>
          tpu.vector_store_idx %arg24[%add3A_1172, %add3A_1385], %mul3A_1387 : memref<80x64xf32, #tpu.memory_space<vmem>>[vector<16xi32>, vector<16xi32>], vector<16xf32>,
          %mul3A_1388 = arith.constant 16 : i32
          %mul3A_1389 = arith.muli %scan3A_1178, %mul3A_1388 : i32
          %add3A_1390 = arith.constant 5 : i32
          %add3A_1391 = arith.addi %mul3A_1389, %add3A_1390 : i32
          %broadcast_in_dim3A_1392 = vector.broadcast %add3A_1391 : i32 to vector<16xi32>
          %add3A_1393 = arith.addi %broadcast_in_dim3A_1392, %broadcast_in_dim3A_2 : vector<16xi32>
          %gather3A_1394 = tpu.vector_load_idx %arg24[%add3A_1172, %add3A_1393] : memref<80x64xf32, #tpu.memory_space<vmem>>[vector<16xi32>, vector<16xi32>], vector<16xf32>,
          %mul3A_1395 = arith.mulf %gather3A_1394, %exp3A : vector<16xf32>
          tpu.vector_store_idx %arg24[%add3A_1172, %add3A_1393], %mul3A_1395 : memref<80x64xf32, #tpu.memory_space<vmem>>[vector<16xi32>, vector<16xi32>], vector<16xf32>,
          %mul3A_1396 = arith.constant 16 : i32
          %mul3A_1397 = arith.muli %scan3A_1178, %mul3A_1396 : i32
          %add3A_1398 = arith.constant 6 : i32
          %add3A_1399 = arith.addi %mul3A_1397, %add3A_1398 : i32
          %broadcast_in_dim3A_1400 = vector.broadcast %add3A_1399 : i32 to vector<16xi32>
          %add3A_1401 = arith.addi %broadcast_in_dim3A_1400, %broadcast_in_dim3A_2 : vector<16xi32>
          %gather3A_1402 = tpu.vector_load_idx %arg24[%add3A_1172, %add3A_1401] : memref<80x64xf32, #tpu.memory_space<vmem>>[vector<16xi32>, vector<16xi32>], vector<16xf32>,
          %mul3A_1403 = arith.mulf %gather3A_1402, %exp3A : vector<16xf32>
          tpu.vector_store_idx %arg24[%add3A_1172, %add3A_1401], %mul3A_1403 : memref<80x64xf32, #tpu.memory_space<vmem>>[vector<16xi32>, vector<16xi32>], vector<16xf32>,
          %mul3A_1404 = arith.constant 16 : i32
          %mul3A_1405 = arith.muli %scan3A_1178, %mul3A_1404 : i32
          %add3A_1406 = arith.constant 7 : i32
          %add3A_1407 = arith.addi %mul3A_1405, %add3A_1406 : i32
          %broadcast_in_dim3A_1408 = vector.broadcast %add3A_1407 : i32 to vector<16xi32>
          %add3A_1409 = arith.addi %broadcast_in_dim3A_1408, %broadcast_in_dim3A_2 : vector<16xi32>
          %gather3A_1410 = tpu.vector_load_idx %arg24[%add3A_1172, %add3A_1409] : memref<80x64xf32, #tpu.memory_space<vmem>>[vector<16xi32>, vector<16xi32>], vector<16xf32>,
          %mul3A_1411 = arith.mulf %gather3A_1410, %exp3A : vector<16xf32>
          tpu.vector_store_idx %arg24[%add3A_1172, %add3A_1409], %mul3A_1411 : memref<80x64xf32, #tpu.memory_space<vmem>>[vector<16xi32>, vector<16xi32>], vector<16xf32>,
          %mul3A_1412 = arith.constant 16 : i32
          %mul3A_1413 = arith.muli %scan3A_1178, %mul3A_1412 : i32
          %add3A_1414 = arith.constant 8 : i32
          %add3A_1415 = arith.addi %mul3A_1413, %add3A_1414 : i32
          %broadcast_in_dim3A_1416 = vector.broadcast %add3A_1415 : i32 to vector<16xi32>
          %add3A_1417 = arith.addi %broadcast_in_dim3A_1416, %broadcast_in_dim3A_2 : vector<16xi32>
          %gather3A_1418 = tpu.vector_load_idx %arg24[%add3A_1172, %add3A_1417] : memref<80x64xf32, #tpu.memory_space<vmem>>[vector<16xi32>, vector<16xi32>], vector<16xf32>,
          %mul3A_1419 = arith.mulf %gather3A_1418, %exp3A : vector<16xf32>
          tpu.vector_store_idx %arg24[%add3A_1172, %add3A_1417], %mul3A_1419 : memref<80x64xf32, #tpu.memory_space<vmem>>[vector<16xi32>, vector<16xi32>], vector<16xf32>,
          %mul3A_1420 = arith.constant 16 : i32
          %mul3A_1421 = arith.muli %scan3A_1178, %mul3A_1420 : i32
          %add3A_1422 = arith.constant 9 : i32
          %add3A_1423 = arith.addi %mul3A_1421, %add3A_1422 : i32
          %broadcast_in_dim3A_1424 = vector.broadcast %add3A_1423 : i32 to vector<16xi32>
          %add3A_1425 = arith.addi %broadcast_in_dim3A_1424, %broadcast_in_dim3A_2 : vector<16xi32>
          %gather3A_1426 = tpu.vector_load_idx %arg24[%add3A_1172, %add3A_1425] : memref<80x64xf32, #tpu.memory_space<vmem>>[vector<16xi32>, vector<16xi32>], vector<16xf32>,
          %mul3A_1427 = arith.mulf %gather3A_1426, %exp3A : vector<16xf32>
          tpu.vector_store_idx %arg24[%add3A_1172, %add3A_1425], %mul3A_1427 : memref<80x64xf32, #tpu.memory_space<vmem>>[vector<16xi32>, vector<16xi32>], vector<16xf32>,
          %mul3A_1428 = arith.constant 16 : i32
          %mul3A_1429 = arith.muli %scan3A_1178, %mul3A_1428 : i32
          %add3A_1430 = arith.constant 10 : i32
          %add3A_1431 = arith.addi %mul3A_1429, %add3A_1430 : i32
          %broadcast_in_dim3A_1432 = vector.broadcast %add3A_1431 : i32 to vector<16xi32>
          %add3A_1433 = arith.addi %broadcast_in_dim3A_1432, %broadcast_in_dim3A_2 : vector<16xi32>
          %gather3A_1434 = tpu.vector_load_idx %arg24[%add3A_1172, %add3A_1433] : memref<80x64xf32, #tpu.memory_space<vmem>>[vector<16xi32>, vector<16xi32>], vector<16xf32>,
          %mul3A_1435 = arith.mulf %gather3A_1434, %exp3A : vector<16xf32>
          tpu.vector_store_idx %arg24[%add3A_1172, %add3A_1433], %mul3A_1435 : memref<80x64xf32, #tpu.memory_space<vmem>>[vector<16xi32>, vector<16xi32>], vector<16xf32>,
          %mul3A_1436 = arith.constant 16 : i32
          %mul3A_1437 = arith.muli %scan3A_1178, %mul3A_1436 : i32
          %add3A_1438 = arith.constant 11 : i32
          %add3A_1439 = arith.addi %mul3A_1437, %add3A_1438 : i32
          %broadcast_in_dim3A_1440 = vector.broadcast %add3A_1439 : i32 to vector<16xi32>
          %add3A_1441 = arith.addi %broadcast_in_dim3A_1440, %broadcast_in_dim3A_2 : vector<16xi32>
          %gather3A_1442 = tpu.vector_load_idx %arg24[%add3A_1172, %add3A_1441] : memref<80x64xf32, #tpu.memory_space<vmem>>[vector<16xi32>, vector<16xi32>], vector<16xf32>,
          %mul3A_1443 = arith.mulf %gather3A_1442, %exp3A : vector<16xf32>
          tpu.vector_store_idx %arg24[%add3A_1172, %add3A_1441], %mul3A_1443 : memref<80x64xf32, #tpu.memory_space<vmem>>[vector<16xi32>, vector<16xi32>], vector<16xf32>,
          %mul3A_1444 = arith.constant 16 : i32
          %mul3A_1445 = arith.muli %scan3A_1178, %mul3A_1444 : i32
          %add3A_1446 = arith.constant 12 : i32
          %add3A_1447 = arith.addi %mul3A_1445, %add3A_1446 : i32
          %broadcast_in_dim3A_1448 = vector.broadcast %add3A_1447 : i32 to vector<16xi32>
          %add3A_1449 = arith.addi %broadcast_in_dim3A_1448, %broadcast_in_dim3A_2 : vector<16xi32>
          %gather3A_1450 = tpu.vector_load_idx %arg24[%add3A_1172, %add3A_1449] : memref<80x64xf32, #tpu.memory_space<vmem>>[vector<16xi32>, vector<16xi32>], vector<16xf32>,
          %mul3A_1451 = arith.mulf %gather3A_1450, %exp3A : vector<16xf32>
          tpu.vector_store_idx %arg24[%add3A_1172, %add3A_1449], %mul3A_1451 : memref<80x64xf32, #tpu.memory_space<vmem>>[vector<16xi32>, vector<16xi32>], vector<16xf32>,
          %mul3A_1452 = arith.constant 16 : i32
          %mul3A_1453 = arith.muli %scan3A_1178, %mul3A_1452 : i32
          %add3A_1454 = arith.constant 13 : i32
          %add3A_1455 = arith.addi %mul3A_1453, %add3A_1454 : i32
          %broadcast_in_dim3A_1456 = vector.broadcast %add3A_1455 : i32 to vector<16xi32>
          %add3A_1457 = arith.addi %broadcast_in_dim3A_1456, %broadcast_in_dim3A_2 : vector<16xi32>
          %gather3A_1458 = tpu.vector_load_idx %arg24[%add3A_1172, %add3A_1457] : memref<80x64xf32, #tpu.memory_space<vmem>>[vector<16xi32>, vector<16xi32>], vector<16xf32>,
          %mul3A_1459 = arith.mulf %gather3A_1458, %exp3A : vector<16xf32>
          tpu.vector_store_idx %arg24[%add3A_1172, %add3A_1457], %mul3A_1459 : memref<80x64xf32, #tpu.memory_space<vmem>>[vector<16xi32>, vector<16xi32>], vector<16xf32>,
          %mul3A_1460 = arith.constant 16 : i32
          %mul3A_1461 = arith.muli %scan3A_1178, %mul3A_1460 : i32
          %add3A_1462 = arith.constant 14 : i32
          %add3A_1463 = arith.addi %mul3A_1461, %add3A_1462 : i32
          %broadcast_in_dim3A_1464 = vector.broadcast %add3A_1463 : i32 to vector<16xi32>
          %add3A_1465 = arith.addi %broadcast_in_dim3A_1464, %broadcast_in_dim3A_2 : vector<16xi32>
          %gather3A_1466 = tpu.vector_load_idx %arg24[%add3A_1172, %add3A_1465] : memref<80x64xf32, #tpu.memory_space<vmem>>[vector<16xi32>, vector<16xi32>], vector<16xf32>,
          %mul3A_1467 = arith.mulf %gather3A_1466, %exp3A : vector<16xf32>
          tpu.vector_store_idx %arg24[%add3A_1172, %add3A_1465], %mul3A_1467 : memref<80x64xf32, #tpu.memory_space<vmem>>[vector<16xi32>, vector<16xi32>], vector<16xf32>,
          %mul3A_1468 = arith.constant 16 : i32
          %mul3A_1469 = arith.muli %scan3A_1178, %mul3A_1468 : i32
          %add3A_1470 = arith.constant 15 : i32
          %add3A_1471 = arith.addi %mul3A_1469, %add3A_1470 : i32
          %broadcast_in_dim3A_1472 = vector.broadcast %add3A_1471 : i32 to vector<16xi32>
          %add3A_1473 = arith.addi %broadcast_in_dim3A_1472, %broadcast_in_dim3A_2 : vector<16xi32>
          %gather3A_1474 = tpu.vector_load_idx %arg24[%add3A_1172, %add3A_1473] : memref<80x64xf32, #tpu.memory_space<vmem>>[vector<16xi32>, vector<16xi32>], vector<16xf32>,
          %mul3A_1475 = arith.mulf %gather3A_1474, %exp3A : vector<16xf32>
          tpu.vector_store_idx %arg24[%add3A_1172, %add3A_1473], %mul3A_1475 : memref<80x64xf32, #tpu.memory_space<vmem>>[vector<16xi32>, vector<16xi32>], vector<16xf32>,
        }
        %scan3A_1177 = arith.constant 4 : i32
      }
      %scan3A_1155 = arith.constant 5 : i32
      %dma_start3A_1156 = arith.constant 0 : i32
      %dma_start3A_1157 = arith.constant 0 : i32
      %dma_start3A_1158 = tpu.memref_slice %arg29[%dma_start3A_1156, %dma_start3A_1157] : memref<10000x64xf32, #tpu.memory_space<vmem_shared>> -> memref<10000x64xf32, #tpu.memory_space<vmem_shared>>
      tpu.enqueue_indirect_dma source(%arg24 : memref<80x64xf32, #tpu.memory_space<vmem>>) target(%dma_start3A_1158 : memref<10000x64xf32, #tpu.memory_space<vmem_shared>>) offsets(%arg18 : memref<80xi32, #tpu.memory_space<vmem>>) semaphore(%arg34 : memref<!tpu.dma_semaphore, #tpu.memory_space<semaphore_mem>>) {add = true}
      %dma_start3A_1159 = arith.constant 0 : i32
      %dma_start3A_1160 = arith.constant 0 : i32
      %dma_start3A_1161 = tpu.memref_slice %arg30[%dma_start3A_1159, %dma_start3A_1160] : memref<10000x16xf32, #tpu.memory_space<vmem_shared>> -> memref<10000x16xf32, #tpu.memory_space<vmem_shared>>
      tpu.enqueue_indirect_dma source(%arg26 : memref<80x16xf32, #tpu.memory_space<vmem>>) target(%dma_start3A_1161 : memref<10000x16xf32, #tpu.memory_space<vmem_shared>>) offsets(%arg18 : memref<80xi32, #tpu.memory_space<vmem>>) semaphore(%arg35 : memref<!tpu.dma_semaphore, #tpu.memory_space<semaphore_mem>>) {add = true}
      %dma_wait3A_1162 = arith.constant 0 : i32
      %dma_wait3A_1163 = arith.constant 0 : i32
      %dma_wait3A_1164 = tpu.memref_slice %arg29[%dma_wait3A_1162, %dma_wait3A_1163] : memref<10000x64xf32, #tpu.memory_space<vmem_shared>> -> memref<10000x64xf32, #tpu.memory_space<vmem_shared>>
      tpu.wait_indirect_dma semaphore(%arg34 : memref<!tpu.dma_semaphore, #tpu.memory_space<semaphore_mem>>) src(%arg24 : memref<80x64xf32, #tpu.memory_space<vmem>>) dst(%dma_wait3A_1164 : memref<10000x64xf32, #tpu.memory_space<vmem_shared>>)
      %dma_wait3A_1165 = arith.constant 0 : i32
      %dma_wait3A_1166 = arith.constant 0 : i32
      %dma_wait3A_1167 = tpu.memref_slice %arg30[%dma_wait3A_1165, %dma_wait3A_1166] : memref<10000x16xf32, #tpu.memory_space<vmem_shared>> -> memref<10000x16xf32, #tpu.memory_space<vmem_shared>>
      tpu.wait_indirect_dma semaphore(%arg35 : memref<!tpu.dma_semaphore, #tpu.memory_space<semaphore_mem>>) src(%arg26 : memref<80x16xf32, #tpu.memory_space<vmem>>) dst(%dma_wait3A_1167 : memref<10000x16xf32, #tpu.memory_space<vmem_shared>>)
    }
    %scan3A_1010 = arith.constant 125 : i32
    %dma_wait3A_1011 = arith.constant 0 : i32
    %dma_wait3A_1012 = arith.constant 0 : i32
    %dma_wait3A_1013 = tpu.memref_slice %arg4[%dma_wait3A_1011, %dma_wait3A_1012] : memref<20000x64xf32, #tpu.memory_space<hbm>> -> memref<20000x64xf32, #tpu.memory_space<hbm>>
    tpu.wait_indirect_dma semaphore(%arg31 : memref<!tpu.dma_semaphore, #tpu.memory_space<semaphore_mem>>) src(%dma_wait3A_1013 : memref<20000x64xf32, #tpu.memory_space<hbm>>) dst(%arg19 : memref<80x64xf32, #tpu.memory_space<vmem>>)
    %dma_wait3A_1014 = arith.constant 0 : i32
    %dma_wait3A_1015 = arith.constant 0 : i32
    %dma_wait3A_1016 = tpu.memref_slice %arg5[%dma_wait3A_1014, %dma_wait3A_1015] : memref<20000x64xf32, #tpu.memory_space<hbm>> -> memref<20000x64xf32, #tpu.memory_space<hbm>>
    tpu.wait_indirect_dma semaphore(%arg32 : memref<!tpu.dma_semaphore, #tpu.memory_space<semaphore_mem>>) src(%dma_wait3A_1016 : memref<20000x64xf32, #tpu.memory_space<hbm>>) dst(%arg20 : memref<80x64xf32, #tpu.memory_space<vmem>>)
    %dma_wait3A_1017 = arith.constant 0 : i32
    %dma_wait3A_1018 = arith.constant 0 : i32
    %dma_wait3A_1019 = tpu.memref_slice %arg6[%dma_wait3A_1017, %dma_wait3A_1018] : memref<20000x64xf32, #tpu.memory_space<hbm>> -> memref<20000x64xf32, #tpu.memory_space<hbm>>
    tpu.wait_indirect_dma semaphore(%arg33 : memref<!tpu.dma_semaphore, #tpu.memory_space<semaphore_mem>>) src(%dma_wait3A_1019 : memref<20000x64xf32, #tpu.memory_space<hbm>>) dst(%arg21 : memref<80x64xf32, #tpu.memory_space<vmem>>)
    %dma_wait3A_1020 = arith.constant 0 : i32
    %dma_wait3A_1021 = tpu.memref_slice %arg2[%dma_wait3A_1020] : memref<320000xi32, #tpu.memory_space<hbm>> -> memref<80xi32, #tpu.memory_space<hbm>>
    %dma_wait3A_1022 = arith.constant 0 : i32
    %dma_wait3A_1023 = tpu.memref_slice %arg2[%dma_wait3A_1022] : memref<320000xi32, #tpu.memory_space<hbm>> -> memref<80xi32, #tpu.memory_space<hbm>>
    tpu.wait_dma2 semaphore(%arg39 : memref<!tpu.dma_semaphore, #tpu.memory_space<semaphore_mem>>) src(%dma_wait3A_1023 : memref<80xi32, #tpu.memory_space<hbm>>) dst(%arg14 : memref<80xi32, #tpu.memory_space<vmem>>)
    %dma_wait3A_1024 = arith.constant 0 : i32
    %dma_wait3A_1025 = tpu.memref_slice %arg3[%dma_wait3A_1024] : memref<320000xi32, #tpu.memory_space<hbm>> -> memref<80xi32, #tpu.memory_space<hbm>>
    %dma_wait3A_1026 = arith.constant 0 : i32
    %dma_wait3A_1027 = tpu.memref_slice %arg3[%dma_wait3A_1026] : memref<320000xi32, #tpu.memory_space<hbm>> -> memref<80xi32, #tpu.memory_space<hbm>>
    tpu.wait_dma2 semaphore(%arg40 : memref<!tpu.dma_semaphore, #tpu.memory_space<semaphore_mem>>) src(%dma_wait3A_1027 : memref<80xi32, #tpu.memory_space<hbm>>) dst(%arg15 : memref<80xi32, #tpu.memory_space<vmem>>)
    %barrier3A_1028 = arith.constant 0 : index
    tpu.barrier barrier_id(%barrier3A_1028)
    %scan3A_1029 = arith.constant 0 : i32
    %scan3A_1030 = arith.constant 0 : i32
    %scan3A_1031 = arith.constant 39 : i32
    %scan3A_1032 = arith.addi %scan3A_1030, %scan3A_1031 : i32
    %scan3A_1033 = arith.constant 1 : i32
    scf.for %scan3A_1043 = %scan3A_1030 to %scan3A_1032 step %scan3A_1033  : i32 {
      %mul3A_1044 = arith.constant 624 : i32
      %mul3A_1045 = arith.muli %arg1, %mul3A_1044 : i32
      %mul3A_1046 = arith.constant 16 : i32
      %mul3A_1047 = arith.muli %scan3A_1043, %mul3A_1046 : i32
      %add3A_1048 = arith.addi %mul3A_1045, %mul3A_1047 : i32
      "tpu.region"() ({
        %run_scoped3A = tpu.sem_alloc : memref<!tpu.dma_semaphore, #tpu.memory_space<semaphore_mem>>
        %dma_start3A_1055 = arith.constant 0 : i32
        %dma_start3A_1056 = tpu.memref_slice %arg29[%add3A_1048, %dma_start3A_1055] : memref<10000x64xf32, #tpu.memory_space<vmem_shared>> -> memref<16x64xf32, #tpu.memory_space<vmem_shared>>
        %dma_start3A_1057 = arith.constant 0 : i32
        %dma_start3A_1058 = tpu.memref_slice %arg29[%add3A_1048, %dma_start3A_1057] : memref<10000x64xf32, #tpu.memory_space<vmem_shared>> -> memref<16x64xf32, #tpu.memory_space<vmem_shared>>
        tpu.enqueue_dma source(%dma_start3A_1058 : memref<16x64xf32, #tpu.memory_space<vmem_shared>>) target(%arg27 : memref<16x64xf32, #tpu.memory_space<vmem>>) target_semaphore(%run_scoped3A : memref<!tpu.dma_semaphore, #tpu.memory_space<semaphore_mem>>)
        %dma_wait3A_1059 = arith.constant 0 : i32
        %dma_wait3A_1060 = tpu.memref_slice %arg29[%add3A_1048, %dma_wait3A_1059] : memref<10000x64xf32, #tpu.memory_space<vmem_shared>> -> memref<16x64xf32, #tpu.memory_space<vmem_shared>>
        %dma_wait3A_1061 = arith.constant 0 : i32
        %dma_wait3A_1062 = tpu.memref_slice %arg29[%add3A_1048, %dma_wait3A_1061] : memref<10000x64xf32, #tpu.memory_space<vmem_shared>> -> memref<16x64xf32, #tpu.memory_space<vmem_shared>>
        tpu.wait_dma2 semaphore(%run_scoped3A : memref<!tpu.dma_semaphore, #tpu.memory_space<semaphore_mem>>) src(%dma_wait3A_1062 : memref<16x64xf32, #tpu.memory_space<vmem_shared>>) dst(%arg27 : memref<16x64xf32, #tpu.memory_space<vmem>>)
        tpu.yield
      }) : () -> ()
      %mul3A_1049 = arith.constant 10000 : i32
      %mul3A_1050 = arith.muli %arg0, %mul3A_1049 : i32
      %add3A_1051 = arith.addi %mul3A_1050, %add3A_1048 : i32
      "tpu.region"() ({
        %run_scoped3A = tpu.sem_alloc : memref<!tpu.dma_semaphore, #tpu.memory_space<semaphore_mem>>
        %dma_start3A_1055 = arith.constant 0 : i32
        %dma_start3A_1056 = tpu.memref_slice %arg7[%add3A_1051, %dma_start3A_1055] : memref<20000x64xf32, #tpu.memory_space<hbm>> -> memref<16x64xf32, #tpu.memory_space<hbm>>
        %dma_start3A_1057 = arith.constant 0 : i32
        %dma_start3A_1058 = tpu.memref_slice %arg7[%add3A_1051, %dma_start3A_1057] : memref<20000x64xf32, #tpu.memory_space<hbm>> -> memref<16x64xf32, #tpu.memory_space<hbm>>
        tpu.enqueue_dma source(%arg27 : memref<16x64xf32, #tpu.memory_space<vmem>>) target(%dma_start3A_1058 : memref<16x64xf32, #tpu.memory_space<hbm>>) target_semaphore(%run_scoped3A : memref<!tpu.dma_semaphore, #tpu.memory_space<semaphore_mem>>)
        %dma_wait3A_1059 = arith.constant 0 : i32
        %dma_wait3A_1060 = tpu.memref_slice %arg7[%add3A_1051, %dma_wait3A_1059] : memref<20000x64xf32, #tpu.memory_space<hbm>> -> memref<16x64xf32, #tpu.memory_space<hbm>>
        %dma_wait3A_1061 = arith.constant 0 : i32
        %dma_wait3A_1062 = tpu.memref_slice %arg7[%add3A_1051, %dma_wait3A_1061] : memref<20000x64xf32, #tpu.memory_space<hbm>> -> memref<16x64xf32, #tpu.memory_space<hbm>>
        tpu.wait_dma2 semaphore(%run_scoped3A : memref<!tpu.dma_semaphore, #tpu.memory_space<semaphore_mem>>) src(%arg27 : memref<16x64xf32, #tpu.memory_space<vmem>>) dst(%dma_wait3A_1062 : memref<16x64xf32, #tpu.memory_space<hbm>>)
        tpu.yield
      }) : () -> ()
      "tpu.region"() ({
        %run_scoped3A = tpu.sem_alloc : memref<!tpu.dma_semaphore, #tpu.memory_space<semaphore_mem>>
        %dma_start3A_1055 = arith.constant 0 : i32
        %dma_start3A_1056 = tpu.memref_slice %arg30[%add3A_1048, %dma_start3A_1055] : memref<10000x16xf32, #tpu.memory_space<vmem_shared>> -> memref<16x16xf32, #tpu.memory_space<vmem_shared>>
        %dma_start3A_1057 = arith.constant 0 : i32
        %dma_start3A_1058 = tpu.memref_slice %arg30[%add3A_1048, %dma_start3A_1057] : memref<10000x16xf32, #tpu.memory_space<vmem_shared>> -> memref<16x16xf32, #tpu.memory_space<vmem_shared>>
        tpu.enqueue_dma source(%dma_start3A_1058 : memref<16x16xf32, #tpu.memory_space<vmem_shared>>) target(%arg28 : memref<16x16xf32, #tpu.memory_space<vmem>>) target_semaphore(%run_scoped3A : memref<!tpu.dma_semaphore, #tpu.memory_space<semaphore_mem>>)
        %dma_wait3A_1059 = arith.constant 0 : i32
        %dma_wait3A_1060 = tpu.memref_slice %arg30[%add3A_1048, %dma_wait3A_1059] : memref<10000x16xf32, #tpu.memory_space<vmem_shared>> -> memref<16x16xf32, #tpu.memory_space<vmem_shared>>
        %dma_wait3A_1061 = arith.constant 0 : i32
        %dma_wait3A_1062 = tpu.memref_slice %arg30[%add3A_1048, %dma_wait3A_1061] : memref<10000x16xf32, #tpu.memory_space<vmem_shared>> -> memref<16x16xf32, #tpu.memory_space<vmem_shared>>
        tpu.wait_dma2 semaphore(%run_scoped3A : memref<!tpu.dma_semaphore, #tpu.memory_space<semaphore_mem>>) src(%dma_wait3A_1062 : memref<16x16xf32, #tpu.memory_space<vmem_shared>>) dst(%arg28 : memref<16x16xf32, #tpu.memory_space<vmem>>)
        tpu.yield
      }) : () -> ()
      %mul3A_1052 = arith.constant 10000 : i32
      %mul3A_1053 = arith.muli %arg0, %mul3A_1052 : i32
      %add3A_1054 = arith.addi %mul3A_1053, %add3A_1048 : i32
      "tpu.region"() ({
        %run_scoped3A = tpu.sem_alloc : memref<!tpu.dma_semaphore, #tpu.memory_space<semaphore_mem>>
        %dma_start3A_1055 = arith.constant 0 : i32
        %dma_start3A_1056 = tpu.memref_slice %arg8[%add3A_1054, %dma_start3A_1055] : memref<20000x16xf32, #tpu.memory_space<hbm>> -> memref<16x16xf32, #tpu.memory_space<hbm>>
        %dma_start3A_1057 = arith.constant 0 : i32
        %dma_start3A_1058 = tpu.memref_slice %arg8[%add3A_1054, %dma_start3A_1057] : memref<20000x16xf32, #tpu.memory_space<hbm>> -> memref<16x16xf32, #tpu.memory_space<hbm>>
        tpu.enqueue_dma source(%arg28 : memref<16x16xf32, #tpu.memory_space<vmem>>) target(%dma_start3A_1058 : memref<16x16xf32, #tpu.memory_space<hbm>>) target_semaphore(%run_scoped3A : memref<!tpu.dma_semaphore, #tpu.memory_space<semaphore_mem>>)
        %dma_wait3A_1059 = arith.constant 0 : i32
        %dma_wait3A_1060 = tpu.memref_slice %arg8[%add3A_1054, %dma_wait3A_1059] : memref<20000x16xf32, #tpu.memory_space<hbm>> -> memref<16x16xf32, #tpu.memory_space<hbm>>
        %dma_wait3A_1061 = arith.constant 0 : i32
        %dma_wait3A_1062 = tpu.memref_slice %arg8[%add3A_1054, %dma_wait3A_1061] : memref<20000x16xf32, #tpu.memory_space<hbm>> -> memref<16x16xf32, #tpu.memory_space<hbm>>
        tpu.wait_dma2 semaphore(%run_scoped3A : memref<!tpu.dma_semaphore, #tpu.memory_space<semaphore_mem>>) src(%arg28 : memref<16x16xf32, #tpu.memory_space<vmem>>) dst(%dma_wait3A_1062 : memref<16x16xf32, #tpu.memory_space<hbm>>)
        tpu.yield
      }) : () -> ()
    }
    %scan3A_1034 = arith.constant 39 : i32
    "tpu.region"() ({
      %run_scoped3A = tpu.sem_alloc : memref<!tpu.dma_semaphore, #tpu.memory_space<semaphore_mem>>
      %dma_start3A_1043 = arith.constant 9984 : i32
      %dma_start3A_1044 = arith.constant 0 : i32
      %dma_start3A_1045 = tpu.memref_slice %arg29[%dma_start3A_1043, %dma_start3A_1044] : memref<10000x64xf32, #tpu.memory_space<vmem_shared>> -> memref<16x64xf32, #tpu.memory_space<vmem_shared>>
      %dma_start3A_1046 = arith.constant 9984 : i32
      %dma_start3A_1047 = arith.constant 0 : i32
      %dma_start3A_1048 = tpu.memref_slice %arg29[%dma_start3A_1046, %dma_start3A_1047] : memref<10000x64xf32, #tpu.memory_space<vmem_shared>> -> memref<16x64xf32, #tpu.memory_space<vmem_shared>>
      tpu.enqueue_dma source(%dma_start3A_1048 : memref<16x64xf32, #tpu.memory_space<vmem_shared>>) target(%arg27 : memref<16x64xf32, #tpu.memory_space<vmem>>) target_semaphore(%run_scoped3A : memref<!tpu.dma_semaphore, #tpu.memory_space<semaphore_mem>>)
      %dma_wait3A_1049 = arith.constant 9984 : i32
      %dma_wait3A_1050 = arith.constant 0 : i32
      %dma_wait3A_1051 = tpu.memref_slice %arg29[%dma_wait3A_1049, %dma_wait3A_1050] : memref<10000x64xf32, #tpu.memory_space<vmem_shared>> -> memref<16x64xf32, #tpu.memory_space<vmem_shared>>
      %dma_wait3A_1052 = arith.constant 9984 : i32
      %dma_wait3A_1053 = arith.constant 0 : i32
      %dma_wait3A_1054 = tpu.memref_slice %arg29[%dma_wait3A_1052, %dma_wait3A_1053] : memref<10000x64xf32, #tpu.memory_space<vmem_shared>> -> memref<16x64xf32, #tpu.memory_space<vmem_shared>>
      tpu.wait_dma2 semaphore(%run_scoped3A : memref<!tpu.dma_semaphore, #tpu.memory_space<semaphore_mem>>) src(%dma_wait3A_1054 : memref<16x64xf32, #tpu.memory_space<vmem_shared>>) dst(%arg27 : memref<16x64xf32, #tpu.memory_space<vmem>>)
      tpu.yield
    }) : () -> ()
    %mul3A_1035 = arith.constant 10000 : i32
    %mul3A_1036 = arith.muli %arg0, %mul3A_1035 : i32
    %add3A_1037 = arith.constant 9984 : i32
    %add3A_1038 = arith.addi %mul3A_1036, %add3A_1037 : i32
    "tpu.region"() ({
      %run_scoped3A = tpu.sem_alloc : memref<!tpu.dma_semaphore, #tpu.memory_space<semaphore_mem>>
      %dma_start3A_1043 = arith.constant 0 : i32
      %dma_start3A_1044 = tpu.memref_slice %arg7[%add3A_1038, %dma_start3A_1043] : memref<20000x64xf32, #tpu.memory_space<hbm>> -> memref<16x64xf32, #tpu.memory_space<hbm>>
      %dma_start3A_1045 = arith.constant 0 : i32
      %dma_start3A_1046 = tpu.memref_slice %arg7[%add3A_1038, %dma_start3A_1045] : memref<20000x64xf32, #tpu.memory_space<hbm>> -> memref<16x64xf32, #tpu.memory_space<hbm>>
      tpu.enqueue_dma source(%arg27 : memref<16x64xf32, #tpu.memory_space<vmem>>) target(%dma_start3A_1046 : memref<16x64xf32, #tpu.memory_space<hbm>>) target_semaphore(%run_scoped3A : memref<!tpu.dma_semaphore, #tpu.memory_space<semaphore_mem>>)
      %dma_wait3A_1047 = arith.constant 0 : i32
      %dma_wait3A_1048 = tpu.memref_slice %arg7[%add3A_1038, %dma_wait3A_1047] : memref<20000x64xf32, #tpu.memory_space<hbm>> -> memref<16x64xf32, #tpu.memory_space<hbm>>
      %dma_wait3A_1049 = arith.constant 0 : i32
      %dma_wait3A_1050 = tpu.memref_slice %arg7[%add3A_1038, %dma_wait3A_1049] : memref<20000x64xf32, #tpu.memory_space<hbm>> -> memref<16x64xf32, #tpu.memory_space<hbm>>
      tpu.wait_dma2 semaphore(%run_scoped3A : memref<!tpu.dma_semaphore, #tpu.memory_space<semaphore_mem>>) src(%arg27 : memref<16x64xf32, #tpu.memory_space<vmem>>) dst(%dma_wait3A_1050 : memref<16x64xf32, #tpu.memory_space<hbm>>)
      tpu.yield
    }) : () -> ()
    "tpu.region"() ({
      %run_scoped3A = tpu.sem_alloc : memref<!tpu.dma_semaphore, #tpu.memory_space<semaphore_mem>>
      %dma_start3A_1043 = arith.constant 9984 : i32
      %dma_start3A_1044 = arith.constant 0 : i32
      %dma_start3A_1045 = tpu.memref_slice %arg30[%dma_start3A_1043, %dma_start3A_1044] : memref<10000x16xf32, #tpu.memory_space<vmem_shared>> -> memref<16x16xf32, #tpu.memory_space<vmem_shared>>
      %dma_start3A_1046 = arith.constant 9984 : i32
      %dma_start3A_1047 = arith.constant 0 : i32
      %dma_start3A_1048 = tpu.memref_slice %arg30[%dma_start3A_1046, %dma_start3A_1047] : memref<10000x16xf32, #tpu.memory_space<vmem_shared>> -> memref<16x16xf32, #tpu.memory_space<vmem_shared>>
      tpu.enqueue_dma source(%dma_start3A_1048 : memref<16x16xf32, #tpu.memory_space<vmem_shared>>) target(%arg28 : memref<16x16xf32, #tpu.memory_space<vmem>>) target_semaphore(%run_scoped3A : memref<!tpu.dma_semaphore, #tpu.memory_space<semaphore_mem>>)
      %dma_wait3A_1049 = arith.constant 9984 : i32
      %dma_wait3A_1050 = arith.constant 0 : i32
      %dma_wait3A_1051 = tpu.memref_slice %arg30[%dma_wait3A_1049, %dma_wait3A_1050] : memref<10000x16xf32, #tpu.memory_space<vmem_shared>> -> memref<16x16xf32, #tpu.memory_space<vmem_shared>>
      %dma_wait3A_1052 = arith.constant 9984 : i32
      %dma_wait3A_1053 = arith.constant 0 : i32
      %dma_wait3A_1054 = tpu.memref_slice %arg30[%dma_wait3A_1052, %dma_wait3A_1053] : memref<10000x16xf32, #tpu.memory_space<vmem_shared>> -> memref<16x16xf32, #tpu.memory_space<vmem_shared>>
      tpu.wait_dma2 semaphore(%run_scoped3A : memref<!tpu.dma_semaphore, #tpu.memory_space<semaphore_mem>>) src(%dma_wait3A_1054 : memref<16x16xf32, #tpu.memory_space<vmem_shared>>) dst(%arg28 : memref<16x16xf32, #tpu.memory_space<vmem>>)
      tpu.yield
    }) : () -> ()
    %mul3A_1039 = arith.constant 10000 : i32
    %mul3A_1040 = arith.muli %arg0, %mul3A_1039 : i32
    %add3A_1041 = arith.constant 9984 : i32
    %add3A_1042 = arith.addi %mul3A_1040, %add3A_1041 : i32
    "tpu.region"() ({
      %run_scoped3A = tpu.sem_alloc : memref<!tpu.dma_semaphore, #tpu.memory_space<semaphore_mem>>
      %dma_start3A_1043 = arith.constant 0 : i32
      %dma_start3A_1044 = tpu.memref_slice %arg8[%add3A_1042, %dma_start3A_1043] : memref<20000x16xf32, #tpu.memory_space<hbm>> -> memref<16x16xf32, #tpu.memory_space<hbm>>
      %dma_start3A_1045 = arith.constant 0 : i32
      %dma_start3A_1046 = tpu.memref_slice %arg8[%add3A_1042, %dma_start3A_1045] : memref<20000x16xf32, #tpu.memory_space<hbm>> -> memref<16x16xf32, #tpu.memory_space<hbm>>
      tpu.enqueue_dma source(%arg28 : memref<16x16xf32, #tpu.memory_space<vmem>>) target(%dma_start3A_1046 : memref<16x16xf32, #tpu.memory_space<hbm>>) target_semaphore(%run_scoped3A : memref<!tpu.dma_semaphore, #tpu.memory_space<semaphore_mem>>)
      %dma_wait3A_1047 = arith.constant 0 : i32
      %dma_wait3A_1048 = tpu.memref_slice %arg8[%add3A_1042, %dma_wait3A_1047] : memref<20000x16xf32, #tpu.memory_space<hbm>> -> memref<16x16xf32, #tpu.memory_space<hbm>>
      %dma_wait3A_1049 = arith.constant 0 : i32
      %dma_wait3A_1050 = tpu.memref_slice %arg8[%add3A_1042, %dma_wait3A_1049] : memref<20000x16xf32, #tpu.memory_space<hbm>> -> memref<16x16xf32, #tpu.memory_space<hbm>>
      tpu.wait_dma2 semaphore(%run_scoped3A : memref<!tpu.dma_semaphore, #tpu.memory_space<semaphore_mem>>) src(%arg28 : memref<16x16xf32, #tpu.memory_space<vmem>>) dst(%dma_wait3A_1050 : memref<16x16xf32, #tpu.memory_space<hbm>>)
      tpu.yield
    }) : () -> ()
    return
  }
}

module attributes {stable_mosaic.version = 14 : i64} {
  func.func @_proj_body(%arg0: i32, %arg1: memref<1000x128xf32, #tpu.memory_space<vmem>>, %arg2: memref<128x128xf32, #tpu.memory_space<vmem>>, %arg3: memref<1x128xf32, #tpu.memory_space<vmem>>, %arg4: memref<128x128xf32, #tpu.memory_space<vmem>>, %arg5: memref<1x128xf32, #tpu.memory_space<vmem>>, %arg6: memref<128x128xf32, #tpu.memory_space<vmem>>, %arg7: memref<1x128xf32, #tpu.memory_space<vmem>>, %arg8: memref<128x128xf32, #tpu.memory_space<vmem>>, %arg9: memref<1x128xf32, #tpu.memory_space<vmem>>, %arg10: memref<128x128xf32, #tpu.memory_space<vmem>>, %arg11: memref<128x128xf32, #tpu.memory_space<vmem>>, %arg12: memref<1x128xf32, #tpu.memory_space<vmem>>, %arg13: memref<1000x128xf32, #tpu.memory_space<vmem>>, %arg14: memref<1000x128xf32, #tpu.memory_space<vmem>>, %arg15: memref<1000x128xf32, #tpu.memory_space<vmem>>, %arg16: memref<1000x128xf32, #tpu.memory_space<vmem>>) attributes {dimension_semantics = [#tpu.dimension_semantics<arbitrary>], iteration_bounds = array<i64: 10>, scalar_prefetch = 0 : i64, scratch_operands = 0 : i64, tpu.core_type = #tpu.core_type<tc>, window_params = [{transform_indices = @transform_0, window_bounds = array<i64: 1000, 128>}, {pipeline_mode = #tpu.pipeline_mode<synchronous>, transform_indices = @transform_1, window_bounds = array<i64: 128, 128>}, {pipeline_mode = #tpu.pipeline_mode<synchronous>, transform_indices = @transform_2, window_bounds = array<i64: 1, 128>}, {pipeline_mode = #tpu.pipeline_mode<synchronous>, transform_indices = @transform_3, window_bounds = array<i64: 128, 128>}, {pipeline_mode = #tpu.pipeline_mode<synchronous>, transform_indices = @transform_4, window_bounds = array<i64: 1, 128>}, {pipeline_mode = #tpu.pipeline_mode<synchronous>, transform_indices = @transform_5, window_bounds = array<i64: 128, 128>}, {pipeline_mode = #tpu.pipeline_mode<synchronous>, transform_indices = @transform_6, window_bounds = array<i64: 1, 128>}, {pipeline_mode = #tpu.pipeline_mode<synchronous>, transform_indices = @transform_7, window_bounds = array<i64: 128, 128>}, {pipeline_mode = #tpu.pipeline_mode<synchronous>, transform_indices = @transform_8, window_bounds = array<i64: 1, 128>}, {pipeline_mode = #tpu.pipeline_mode<synchronous>, transform_indices = @transform_9, window_bounds = array<i64: 128, 128>}, {pipeline_mode = #tpu.pipeline_mode<synchronous>, transform_indices = @transform_10, window_bounds = array<i64: 128, 128>}, {pipeline_mode = #tpu.pipeline_mode<synchronous>, transform_indices = @transform_11, window_bounds = array<i64: 1, 128>}, {transform_indices = @transform_12, window_bounds = array<i64: 1000, 128>}, {transform_indices = @transform_13, window_bounds = array<i64: 1000, 128>}, {transform_indices = @transform_14, window_bounds = array<i64: 1000, 128>}, {transform_indices = @transform_15, window_bounds = array<i64: 1000, 128>}]} {
    %get3A = arith.constant 0 : index
    %get3A_0 = arith.constant 0 : index
    %get3A_1 = vector.load %arg1[%get3A, %get3A_0] : memref<1000x128xf32, #tpu.memory_space<vmem>>, vector<1000x128xf32>
    %get3A_2 = arith.constant 0 : index
    %get3A_3 = arith.constant 0 : index
    %get3A_4 = vector.load %arg2[%get3A_2, %get3A_3] : memref<128x128xf32, #tpu.memory_space<vmem>>, vector<128x128xf32>
    %dot_general3A = arith.constant dense<0.000000e+00> : vector<1000x128xf32>
    %dot_general3A_5 = tpu.matmul %get3A_1, %get3A_4, %dot_general3A {dimension_numbers = #tpu.dot_dimension_numbers<[1], [0], [0], [1], [0, 0, 1, 1], [], []>, transpose_lhs_hint = false} : vector<1000x128xf32>, vector<128x128xf32>, vector<1000x128xf32> -> vector<1000x128xf32>
    %get3A_6 = arith.constant 0 : index
    %get3A_7 = arith.constant 0 : index
    %get3A_8 = vector.load %arg3[%get3A_6, %get3A_7] : memref<1x128xf32, #tpu.memory_space<vmem>>, vector<1x128xf32>
    %add3A = vector.broadcast %get3A_8 : vector<1x128xf32> to vector<1000x128xf32>
    %add3A_9 = arith.addf %dot_general3A_5, %add3A : vector<1000x128xf32>
    %tanh3A = math.tanh %add3A_9 : vector<1000x128xf32>
    %swap3A = arith.constant 0 : index
    %swap3A_10 = arith.constant 0 : index
    %swap3A_11 = vector.load %arg13[%swap3A, %swap3A_10] : memref<1000x128xf32, #tpu.memory_space<vmem>>, vector<1000x128xf32>
    tpu.vector_store %arg13[%swap3A, %swap3A_10], %tanh3A {strides = array<i32>} : memref<1000x128xf32, #tpu.memory_space<vmem>>, vector<1000x128xf32>,
    %get3A_12 = arith.constant 0 : index
    %get3A_13 = arith.constant 0 : index
    %get3A_14 = vector.load %arg6[%get3A_12, %get3A_13] : memref<128x128xf32, #tpu.memory_space<vmem>>, vector<128x128xf32>
    %dot_general3A_15 = arith.constant dense<0.000000e+00> : vector<1000x128xf32>
    %dot_general3A_16 = tpu.matmul %tanh3A, %get3A_14, %dot_general3A_15 {dimension_numbers = #tpu.dot_dimension_numbers<[1], [0], [0], [1], [0, 0, 1, 1], [], []>, transpose_lhs_hint = false} : vector<1000x128xf32>, vector<128x128xf32>, vector<1000x128xf32> -> vector<1000x128xf32>
    %get3A_17 = arith.constant 0 : index
    %get3A_18 = arith.constant 0 : index
    %get3A_19 = vector.load %arg7[%get3A_17, %get3A_18] : memref<1x128xf32, #tpu.memory_space<vmem>>, vector<1x128xf32>
    %add3A_20 = vector.broadcast %get3A_19 : vector<1x128xf32> to vector<1000x128xf32>
    %add3A_21 = arith.addf %dot_general3A_16, %add3A_20 : vector<1000x128xf32>
    %get3A_22 = arith.constant 0 : index
    %get3A_23 = arith.constant 0 : index
    %get3A_24 = vector.load %arg12[%get3A_22, %get3A_23] : memref<1x128xf32, #tpu.memory_space<vmem>>, vector<1x128xf32>
    %mul3A = vector.broadcast %get3A_24 : vector<1x128xf32> to vector<1000x128xf32>
    %mul3A_25 = arith.mulf %add3A_21, %mul3A : vector<1000x128xf32>
    %swap3A_26 = arith.constant 0 : index
    %swap3A_27 = arith.constant 0 : index
    %swap3A_28 = vector.load %arg14[%swap3A_26, %swap3A_27] : memref<1000x128xf32, #tpu.memory_space<vmem>>, vector<1000x128xf32>
    tpu.vector_store %arg14[%swap3A_26, %swap3A_27], %mul3A_25 {strides = array<i32>} : memref<1000x128xf32, #tpu.memory_space<vmem>>, vector<1000x128xf32>,
    %get3A_29 = arith.constant 0 : index
    %get3A_30 = arith.constant 0 : index
    %get3A_31 = vector.load %arg4[%get3A_29, %get3A_30] : memref<128x128xf32, #tpu.memory_space<vmem>>, vector<128x128xf32>
    %dot_general3A_32 = arith.constant dense<0.000000e+00> : vector<1000x128xf32>
    %dot_general3A_33 = tpu.matmul %tanh3A, %get3A_31, %dot_general3A_32 {dimension_numbers = #tpu.dot_dimension_numbers<[1], [0], [0], [1], [0, 0, 1, 1], [], []>, transpose_lhs_hint = false} : vector<1000x128xf32>, vector<128x128xf32>, vector<1000x128xf32> -> vector<1000x128xf32>
    %get3A_34 = arith.constant 0 : index
    %get3A_35 = arith.constant 0 : index
    %get3A_36 = vector.load %arg5[%get3A_34, %get3A_35] : memref<1x128xf32, #tpu.memory_space<vmem>>, vector<1x128xf32>
    %add3A_37 = vector.broadcast %get3A_36 : vector<1x128xf32> to vector<1000x128xf32>
    %add3A_38 = arith.addf %dot_general3A_33, %add3A_37 : vector<1000x128xf32>
    %get3A_39 = arith.constant 0 : index
    %get3A_40 = arith.constant 0 : index
    %get3A_41 = vector.load %arg10[%get3A_39, %get3A_40] : memref<128x128xf32, #tpu.memory_space<vmem>>, vector<128x128xf32>
    %dot_general3A_42 = arith.constant dense<0.000000e+00> : vector<1000x128xf32>
    %dot_general3A_43 = tpu.matmul %add3A_38, %get3A_41, %dot_general3A_42 {dimension_numbers = #tpu.dot_dimension_numbers<[1], [0], [0], [1], [0, 0, 1, 1], [], []>, transpose_lhs_hint = false} : vector<1000x128xf32>, vector<128x128xf32>, vector<1000x128xf32> -> vector<1000x128xf32>
    %swap3A_44 = arith.constant 0 : index
    %swap3A_45 = arith.constant 0 : index
    %swap3A_46 = vector.load %arg15[%swap3A_44, %swap3A_45] : memref<1000x128xf32, #tpu.memory_space<vmem>>, vector<1000x128xf32>
    tpu.vector_store %arg15[%swap3A_44, %swap3A_45], %dot_general3A_43 {strides = array<i32>} : memref<1000x128xf32, #tpu.memory_space<vmem>>, vector<1000x128xf32>,
    %get3A_47 = arith.constant 0 : index
    %get3A_48 = arith.constant 0 : index
    %get3A_49 = vector.load %arg8[%get3A_47, %get3A_48] : memref<128x128xf32, #tpu.memory_space<vmem>>, vector<128x128xf32>
    %dot_general3A_50 = arith.constant dense<0.000000e+00> : vector<1000x128xf32>
    %dot_general3A_51 = tpu.matmul %tanh3A, %get3A_49, %dot_general3A_50 {dimension_numbers = #tpu.dot_dimension_numbers<[1], [0], [0], [1], [0, 0, 1, 1], [], []>, transpose_lhs_hint = false} : vector<1000x128xf32>, vector<128x128xf32>, vector<1000x128xf32> -> vector<1000x128xf32>
    %get3A_52 = arith.constant 0 : index
    %get3A_53 = arith.constant 0 : index
    %get3A_54 = vector.load %arg9[%get3A_52, %get3A_53] : memref<1x128xf32, #tpu.memory_space<vmem>>, vector<1x128xf32>
    %add3A_55 = vector.broadcast %get3A_54 : vector<1x128xf32> to vector<1000x128xf32>
    %add3A_56 = arith.addf %dot_general3A_51, %add3A_55 : vector<1000x128xf32>
    %get3A_57 = arith.constant 0 : index
    %get3A_58 = arith.constant 0 : index
    %get3A_59 = vector.load %arg11[%get3A_57, %get3A_58] : memref<128x128xf32, #tpu.memory_space<vmem>>, vector<128x128xf32>
    %dot_general3A_60 = arith.constant dense<0.000000e+00> : vector<1000x128xf32>
    %dot_general3A_61 = tpu.matmul %add3A_56, %get3A_59, %dot_general3A_60 {dimension_numbers = #tpu.dot_dimension_numbers<[1], [0], [0], [1], [0, 0, 1, 1], [], []>, transpose_lhs_hint = false} : vector<1000x128xf32>, vector<128x128xf32>, vector<1000x128xf32> -> vector<1000x128xf32>
    %swap3A_62 = arith.constant 0 : index
    %swap3A_63 = arith.constant 0 : index
    %swap3A_64 = vector.load %arg16[%swap3A_62, %swap3A_63] : memref<1000x128xf32, #tpu.memory_space<vmem>>, vector<1000x128xf32>
    tpu.vector_store %arg16[%swap3A_62, %swap3A_63], %dot_general3A_61 {strides = array<i32>} : memref<1000x128xf32, #tpu.memory_space<vmem>>, vector<1000x128xf32>,
    return
  }
  func.func @transform_0(%arg0: i32) -> (i32, i32) {
    %c0_i32 = arith.constant 0 : i32
    %c0_i32_0 = arith.constant 0 : i32
    return %arg0, %c0_i32 : i32, i32
  }
  func.func @transform_1(%arg0: i32) -> (i32, i32) {
    %c0_i32 = arith.constant 0 : i32
    %c0_i32_0 = arith.constant 0 : i32
    %c0_i32_1 = arith.constant 0 : i32
    return %c0_i32, %c0_i32_0 : i32, i32
  }
  func.func @transform_2(%arg0: i32) -> (i32, i32) {
    %c0_i32 = arith.constant 0 : i32
    %c0_i32_0 = arith.constant 0 : i32
    %c0_i32_1 = arith.constant 0 : i32
    return %c0_i32, %c0_i32_0 : i32, i32
  }
  func.func @transform_3(%arg0: i32) -> (i32, i32) {
    %c0_i32 = arith.constant 0 : i32
    %c0_i32_0 = arith.constant 0 : i32
    %c0_i32_1 = arith.constant 0 : i32
    return %c0_i32, %c0_i32_0 : i32, i32
  }
  func.func @transform_4(%arg0: i32) -> (i32, i32) {
    %c0_i32 = arith.constant 0 : i32
    %c0_i32_0 = arith.constant 0 : i32
    %c0_i32_1 = arith.constant 0 : i32
    return %c0_i32, %c0_i32_0 : i32, i32
  }
  func.func @transform_5(%arg0: i32) -> (i32, i32) {
    %c0_i32 = arith.constant 0 : i32
    %c0_i32_0 = arith.constant 0 : i32
    %c0_i32_1 = arith.constant 0 : i32
    return %c0_i32, %c0_i32_0 : i32, i32
  }
  func.func @transform_6(%arg0: i32) -> (i32, i32) {
    %c0_i32 = arith.constant 0 : i32
    %c0_i32_0 = arith.constant 0 : i32
    %c0_i32_1 = arith.constant 0 : i32
    return %c0_i32, %c0_i32_0 : i32, i32
  }
  func.func @transform_7(%arg0: i32) -> (i32, i32) {
    %c0_i32 = arith.constant 0 : i32
    %c0_i32_0 = arith.constant 0 : i32
    %c0_i32_1 = arith.constant 0 : i32
    return %c0_i32, %c0_i32_0 : i32, i32
  }
  func.func @transform_8(%arg0: i32) -> (i32, i32) {
    %c0_i32 = arith.constant 0 : i32
    %c0_i32_0 = arith.constant 0 : i32
    %c0_i32_1 = arith.constant 0 : i32
    return %c0_i32, %c0_i32_0 : i32, i32
  }
  func.func @transform_9(%arg0: i32) -> (i32, i32) {
    %c0_i32 = arith.constant 0 : i32
    %c0_i32_0 = arith.constant 0 : i32
    %c0_i32_1 = arith.constant 0 : i32
    return %c0_i32, %c0_i32_0 : i32, i32
  }
  func.func @transform_10(%arg0: i32) -> (i32, i32) {
    %c0_i32 = arith.constant 0 : i32
    %c0_i32_0 = arith.constant 0 : i32
    %c0_i32_1 = arith.constant 0 : i32
    return %c0_i32, %c0_i32_0 : i32, i32
  }
  func.func @transform_11(%arg0: i32) -> (i32, i32) {
    %c0_i32 = arith.constant 0 : i32
    %c0_i32_0 = arith.constant 0 : i32
    %c0_i32_1 = arith.constant 0 : i32
    return %c0_i32, %c0_i32_0 : i32, i32
  }
  func.func @transform_12(%arg0: i32) -> (i32, i32) {
    %c0_i32 = arith.constant 0 : i32
    %c0_i32_0 = arith.constant 0 : i32
    return %arg0, %c0_i32 : i32, i32
  }
  func.func @transform_13(%arg0: i32) -> (i32, i32) {
    %c0_i32 = arith.constant 0 : i32
    %c0_i32_0 = arith.constant 0 : i32
    return %arg0, %c0_i32 : i32, i32
  }
  func.func @transform_14(%arg0: i32) -> (i32, i32) {
    %c0_i32 = arith.constant 0 : i32
    %c0_i32_0 = arith.constant 0 : i32
    return %arg0, %c0_i32 : i32, i32
  }
  func.func @transform_15(%arg0: i32) -> (i32, i32) {
    %c0_i32 = arith.constant 0 : i32
    %c0_i32_0 = arith.constant 0 : i32
    return %arg0, %c0_i32 : i32, i32
  }
}

module attributes {stable_mosaic.version = 14 : i64} {
  func.func @_out_body(%arg0: i32, %arg1: memref<1000x128xf32, #tpu.memory_space<vmem>>, %arg2: memref<1000x16xf32, #tpu.memory_space<vmem>>, %arg3: memref<1000x16xf32, #tpu.memory_space<vmem>>, %arg4: memref<1000x128xf32, #tpu.memory_space<vmem>>, %arg5: memref<16x128xf32, #tpu.memory_space<vmem>>, %arg6: memref<128x128xf32, #tpu.memory_space<vmem>>, %arg7: memref<1x128xf32, #tpu.memory_space<vmem>>, %arg8: memref<1x1xf32, #tpu.memory_space<vmem>>, %arg9: memref<1000x128xf32, #tpu.memory_space<vmem>>) attributes {dimension_semantics = [#tpu.dimension_semantics<arbitrary>], iteration_bounds = array<i64: 10>, scalar_prefetch = 0 : i64, scratch_operands = 0 : i64, tpu.core_type = #tpu.core_type<tc>, window_params = [{transform_indices = @transform_0, window_bounds = array<i64: 1000, 128>}, {transform_indices = @transform_1, window_bounds = array<i64: 1000, 16>}, {transform_indices = @transform_2, window_bounds = array<i64: 1000, 16>}, {transform_indices = @transform_3, window_bounds = array<i64: 1000, 128>}, {pipeline_mode = #tpu.pipeline_mode<synchronous>, transform_indices = @transform_4, window_bounds = array<i64: 16, 128>}, {pipeline_mode = #tpu.pipeline_mode<synchronous>, transform_indices = @transform_5, window_bounds = array<i64: 128, 128>}, {pipeline_mode = #tpu.pipeline_mode<synchronous>, transform_indices = @transform_6, window_bounds = array<i64: 1, 128>}, {pipeline_mode = #tpu.pipeline_mode<synchronous>, transform_indices = @transform_7, window_bounds = array<i64: 1, 1>}, {transform_indices = @transform_8, window_bounds = array<i64: 1000, 128>}]} {
    %get3A = arith.constant 0 : index
    %get3A_0 = arith.constant 0 : index
    %get3A_1 = vector.load %arg2[%get3A, %get3A_0] : memref<1000x16xf32, #tpu.memory_space<vmem>>, vector<1000x16xf32>
    %get3A_2 = arith.constant 0 : index
    %get3A_3 = arith.constant 0 : index
    %get3A_4 = vector.load %arg3[%get3A_2, %get3A_3] : memref<1000x16xf32, #tpu.memory_space<vmem>>, vector<1000x16xf32>
    %add3A = arith.addf %get3A_1, %get3A_4 : vector<1000x16xf32>
    %get3A_5 = arith.constant 0 : index
    %get3A_6 = arith.constant 0 : index
    %get3A_7 = vector.load %arg5[%get3A_5, %get3A_6] : memref<16x128xf32, #tpu.memory_space<vmem>>, vector<16x128xf32>
    %dot_general3A = arith.constant dense<0.000000e+00> : vector<1000x128xf32>
    %dot_general3A_8 = tpu.matmul %add3A, %get3A_7, %dot_general3A {dimension_numbers = #tpu.dot_dimension_numbers<[1], [0], [0], [1], [0, 0, 1, 1], [], []>, transpose_lhs_hint = false} : vector<1000x16xf32>, vector<16x128xf32>, vector<1000x128xf32> -> vector<1000x128xf32>
    %get3A_9 = arith.constant 0 : index
    %get3A_10 = arith.constant 0 : index
    %get3A_11 = vector.load %arg1[%get3A_9, %get3A_10] : memref<1000x128xf32, #tpu.memory_space<vmem>>, vector<1000x128xf32>
    %gt3A = arith.constant 0.000000e+00 : f32
    %gt3A_12 = vector.broadcast %gt3A : f32 to vector<1000x128xf32>
    %gt3A_13 = arith.cmpf ogt, %dot_general3A_8, %gt3A_12 : vector<1000x128xf32>
    %div3A = arith.divf %get3A_11, %dot_general3A_8 : vector<1000x128xf32>
    %jit3A = arith.constant 0.000000e+00 : f32
    %broadcast_in_dim3A = vector.broadcast %jit3A : f32 to vector<1000x128xf32>
    %select_n3A = arith.select %gt3A_13, %div3A, %broadcast_in_dim3A : vector<1000x128xi1>, vector<1000x128xf32>
    %get3A_14 = arith.constant 0 : index
    %get3A_15 = arith.constant 0 : index
    %get3A_16 = vector.load %arg6[%get3A_14, %get3A_15] : memref<128x128xf32, #tpu.memory_space<vmem>>, vector<128x128xf32>
    %dot_general3A_17 = arith.constant dense<0.000000e+00> : vector<1000x128xf32>
    %dot_general3A_18 = tpu.matmul %select_n3A, %get3A_16, %dot_general3A_17 {dimension_numbers = #tpu.dot_dimension_numbers<[1], [0], [0], [1], [0, 0, 1, 1], [], []>, transpose_lhs_hint = false} : vector<1000x128xf32>, vector<128x128xf32>, vector<1000x128xf32> -> vector<1000x128xf32>
    %get3A_19 = arith.constant 0 : index
    %get3A_20 = arith.constant 0 : index
    %get3A_21 = vector.load %arg7[%get3A_19, %get3A_20] : memref<1x128xf32, #tpu.memory_space<vmem>>, vector<1x128xf32>
    %add3A_22 = vector.broadcast %get3A_21 : vector<1x128xf32> to vector<1000x128xf32>
    %add3A_23 = arith.addf %dot_general3A_18, %add3A_22 : vector<1000x128xf32>
    %get3A_24 = arith.constant 0 : index
    %get3A_25 = arith.constant 0 : index
    %get3A_26 = vector.load %arg8[%get3A_24, %get3A_25] : memref<1x1xf32, #tpu.memory_space<vmem>>, vector<1x1xf32>
    %get3A_27 = vector.extract %get3A_26[0, 0] : f32 from vector<1x1xf32>
    %mul3A = vector.broadcast %get3A_27 : f32 to vector<1000x128xf32>
    %mul3A_28 = arith.mulf %add3A_23, %mul3A : vector<1000x128xf32>
    %get3A_29 = arith.constant 0 : index
    %get3A_30 = arith.constant 0 : index
    %get3A_31 = vector.load %arg4[%get3A_29, %get3A_30] : memref<1000x128xf32, #tpu.memory_space<vmem>>, vector<1000x128xf32>
    %sub3A = arith.constant 1.000000e+00 : f32
    %sub3A_32 = arith.subf %sub3A, %get3A_27 : f32
    %mul3A_33 = vector.broadcast %sub3A_32 : f32 to vector<1000x128xf32>
    %mul3A_34 = arith.mulf %get3A_31, %mul3A_33 : vector<1000x128xf32>
    %add3A_35 = arith.addf %mul3A_28, %mul3A_34 : vector<1000x128xf32>
    %swap3A = arith.constant 0 : index
    %swap3A_36 = arith.constant 0 : index
    %swap3A_37 = vector.load %arg9[%swap3A, %swap3A_36] : memref<1000x128xf32, #tpu.memory_space<vmem>>, vector<1000x128xf32>
    tpu.vector_store %arg9[%swap3A, %swap3A_36], %add3A_35 {strides = array<i32>} : memref<1000x128xf32, #tpu.memory_space<vmem>>, vector<1000x128xf32>,
    return
  }
  func.func @transform_0(%arg0: i32) -> (i32, i32) {
    %c0_i32 = arith.constant 0 : i32
    %c0_i32_0 = arith.constant 0 : i32
    return %arg0, %c0_i32 : i32, i32
  }
  func.func @transform_1(%arg0: i32) -> (i32, i32) {
    %c0_i32 = arith.constant 0 : i32
    %c0_i32_0 = arith.constant 0 : i32
    return %arg0, %c0_i32 : i32, i32
  }
  func.func @transform_2(%arg0: i32) -> (i32, i32) {
    %c0_i32 = arith.constant 0 : i32
    %c0_i32_0 = arith.constant 0 : i32
    return %arg0, %c0_i32 : i32, i32
  }
  func.func @transform_3(%arg0: i32) -> (i32, i32) {
    %c0_i32 = arith.constant 0 : i32
    %c0_i32_0 = arith.constant 0 : i32
    return %arg0, %c0_i32 : i32, i32
  }
  func.func @transform_4(%arg0: i32) -> (i32, i32) {
    %c0_i32 = arith.constant 0 : i32
    %c0_i32_0 = arith.constant 0 : i32
    %c0_i32_1 = arith.constant 0 : i32
    return %c0_i32, %c0_i32_0 : i32, i32
  }
  func.func @transform_5(%arg0: i32) -> (i32, i32) {
    %c0_i32 = arith.constant 0 : i32
    %c0_i32_0 = arith.constant 0 : i32
    %c0_i32_1 = arith.constant 0 : i32
    return %c0_i32, %c0_i32_0 : i32, i32
  }
  func.func @transform_6(%arg0: i32) -> (i32, i32) {
    %c0_i32 = arith.constant 0 : i32
    %c0_i32_0 = arith.constant 0 : i32
    %c0_i32_1 = arith.constant 0 : i32
    return %c0_i32, %c0_i32_0 : i32, i32
  }
  func.func @transform_7(%arg0: i32) -> (i32, i32) {
    %c0_i32 = arith.constant 0 : i32
    %c0_i32_0 = arith.constant 0 : i32
    %c0_i32_1 = arith.constant 0 : i32
    return %c0_i32, %c0_i32_0 : i32, i32
  }
  func.func @transform_8(%arg0: i32) -> (i32, i32) {
    %c0_i32 = arith.constant 0 : i32
    %c0_i32_0 = arith.constant 0 : i32
    return %arg0, %c0_i32 : i32, i32
  }
}

</mosaic_0001>

<sc_bundles>
// kernel: kernel.5.cloned.1.call-start
scs
__scs_entry_jumppad:
0x0: {  	(pc) =	sbr.rel $0x88, $3  }
0x1: {  	(tag) =	ssettag $0x0;
	lr =	simm.s32 $0x1  }
0x2: {  	[smem:$0x3F91] =	sst lr;
	_ =	strace $0xD0000000  }
0x3: {  	_ = 	snop  }
0x4: {  	_ = 	snop  }
0x5: {  	_ = 	snop  }
0x6: {  	_ = 	snop  }
0x7: {  	_ = 	snop  }
__scs_overlays_trampoline_lowered:
0x8: {  	[smem:$0x3FA0] =	sst s0  }
0x9: {  	[smem:$0x3FA1] =	sst s1  }
0xa: {  	[smem:$0x3FA2] =	sst s2  }
0xb: {  	[smem:$0x3FA3] =	sst s3  }
0xc: {  	[smem:$0x3FA4] =	sst s4  }
0xd: {  	[smem:$0x3FA5] =	sst s5  }
0xe: {  	[smem:$0x3FA6] =	sst s6  }
0xf: {  	[smem:$0x3FA7] =	sst s7  }
0x10: {  	[smem:$0x3FA8] =	sst s8  }
0x11: {  	[smem:$0x3FA9] =	sst s9;
	s0 =	simm.s32 @!p0 $0x0  }
0x12: {  	s1 =	sld [smem:$0x3F8F];
	s0 =	simm.s32 @p0 $0x1  }
0x13: {  	[smem:$0x3FAA] =	sst s0;
	s0 =	simm.s32 @!p1 $0x0  }
0x14: {  	s2 =	sld [smem:$0x3F8E];
	s0 =	simm.s32 @p1 $0x1  }
0x15: {  	[smem:$0x3FAB] =	sst s0;
	s0 =	simm.s32 @!p2 $0x0  }
0x16: {  	s3 =	sld [smem:$0x3FDB];
	s0 =	simm.s32 @p2 $0x1  }
0x17: {  	s4 =	simm.s32 $0x1BF5;
	[smem:$0x3FAD] =	sst s0  }
0x18: {  	s0 =	sld [smem:$0x3F90];
	_ =	swait.ge [sflag:s4], $0x0  }
0x19: {  	s7 =	sld [smem:$0x3F91]  }
0x1a: {  	s8 =	sadd.s32 $0xFFFFE003, lr  }
0x1b: {  	s9 =	sadd.s32 $0xFFFFFEF7, lr;
	s5 =	simm.s32 $0xFFFFFFFF;
	p2 =	slt.u32 s8, $0xFFFFF086  }
0x1c: {  	p1 =	slt.u32 s9, $0xF7A;
	s5 =	simm.s32 @!p2 $0x0  }
0x1d: {  	s5 =	simm.s32 @p1 $0x1;
	p0 =	seq.s32 s7, s2  }
0x1e: {  	s7 =	smul.u32 @!p0 $0xF7A, s2;
	p2 =	seq.s32 @!p0 s5, $0x0  }
0x1f: {  	s9 =	smul.u32 $0xF7A, s1;
	s8 =	simm.s32 @!p0 $0x1BF5;
	p2 =	por !p2, p0  }
0x20: {  	[sflag:s8] =	ssyncset.s32 @!p0 $0xFFFFF086;
	s6 =	sadd.s32 @!p0 s3, s7;
	s7 =	simm.s32 @!p0 $0x108  }
0x21: {  	s3 =	sadd.s32 s3, s9;
	s6 =	sadd.s32 @!p0 $0x88, s6;
	s7 =	simm.s32 @p2 $0x1082  }
0x22: {  	[simem:s7], [sflag:s8] =	dma.local @!p0 [hbm:s6], $0xF7A  }
0x23: {  	s9 =	sor.u32 $0xD0000000, s2;
	s6 =	simm.s32 $0x108;
	_ =	swait.ge @!p0 [sflag:s8], $0x0  }
0x24: {  	s3 =	sadd.s32 $0x88, s3;
	s6 =	simm.s32 @!p1 $0x1082;
	[sflag:s4] =	ssyncset.s32 $0xFFFFF086  }
0x25: {  	[simem:s6], [sflag:s4] =	dma.local [hbm:s3], $0xF7A  }
0x26: {  	[smem:$0x3F91] =	sst s1;
	(tag) =	ssettag s2;
	_ =	strace s9  }
0x27: {  	s1 =	sld [smem:$0x3FA1]  }
0x28: {  	s2 =	sld [smem:$0x3FA2]  }
0x29: {  	s4 =	sld [smem:$0x3FA4]  }
0x2a: {  	p0 =	seq.s32 s5, $0x0;
	s5 =	sld [smem:$0x3FA5]  }
0x2b: {  	s6 =	sld [smem:$0x3FA6]  }
0x2c: {  	s7 =	sld [smem:$0x3FA7]  }
0x2d: {  	s3 =	simm.s32 $0x108;
	s8 =	sld [smem:$0x3FA8]  }
0x2e: {  	s3 =	simm.s32 @!p0 $0x1082;
	s9 =	sld [smem:$0x3FA9]  }
0x2f: {  	lr =	sadd.s32 s0, s3;
	s0 =	sld [smem:$0x3FA0]  }
0x30: {  	s3 =	sld [smem:$0x3FA3]  }
0x31: {  	[smem:$0x3FAC] =	sst s10  }
0x32: {  	s10 =	sld [smem:$0x3FAA];
	_ =	sdelay $0x3  }
0x33: {  	p0 =	seq.s32 s10, $0x1;
	s10 =	sld [smem:$0x3FAC];
	_ =	sdelay $0x3  }
0x34: {  	[smem:$0x3FAC] =	sst s10  }
0x35: {  	s10 =	sld [smem:$0x3FAB];
	_ =	sdelay $0x3  }
0x36: {  	p1 =	seq.s32 s10, $0x1;
	s10 =	sld [smem:$0x3FAC];
	_ =	sdelay $0x3  }
0x37: {  	[smem:$0x3FAC] =	sst s10  }
0x38: {  	s10 =	sld [smem:$0x3FAD]  }
0x39: {  	_ = 	snop;
	(pc) =	sbr.ind lr, $3  }
0x3a: {  	_ = 	snop  }
0x3b: {  	_ = 	snop  }
0x3c: {  	p2 =	seq.s32 s10, $0x1;
	s10 =	sld [smem:$0x3FAC]  }
0x3d: {  	_ =	shalt  }
0x3e: {  	_ =	shalt  }
0x3f: {  	_ =	shalt  }
0x40: {  	_ =	shalt  }
0x41: {  	_ =	shalt  }
0x42: {  	_ =	shalt  }
0x43: {  	_ =	shalt  }
0x44: {  	_ =	shalt  }
0x45: {  	_ =	shalt  }
0x46: {  	_ =	shalt  }
0x47: {  	_ =	shalt  }
0x48: {  	_ =	shalt  }
0x49: {  	_ =	shalt  }
0x4a: {  	_ =	shalt  }
0x4b: {  	_ =	shalt  }
0x4c: {  	_ =	shalt  }
0x4d: {  	_ =	shalt  }
0x4e: {  	_ =	shalt  }
0x4f: {  	_ =	shalt  }
0x50: {  	_ =	shalt  }
0x51: {  	_ =	shalt  }
0x52: {  	_ =	shalt  }
0x53: {  	_ =	shalt  }
0x54: {  	_ =	shalt  }
0x55: {  	_ =	shalt  }
0x56: {  	_ =	shalt  }
0x57: {  	_ =	shalt  }
0x58: {  	_ =	shalt  }
0x59: {  	_ =	shalt  }
0x5a: {  	_ =	shalt  }
0x5b: {  	_ =	shalt  }
0x5c: {  	_ =	shalt  }
0x5d: {  	_ =	shalt  }
0x5e: {  	_ =	shalt  }
0x5f: {  	_ =	shalt  }
0x60: {  	_ =	shalt  }
0x61: {  	_ =	shalt  }
0x62: {  	_ =	shalt  }
0x63: {  	_ =	shalt  }
0x64: {  	_ =	shalt  }
0x65: {  	_ =	shalt  }
0x66: {  	_ =	shalt  }
0x67: {  	_ =	shalt  }
0x68: {  	_ =	shalt  }
0x69: {  	_ =	shalt  }
0x6a: {  	_ =	shalt  }
0x6b: {  	_ =	shalt  }
0x6c: {  	_ =	shalt  }
0x6d: {  	_ =	shalt  }
0x6e: {  	_ =	shalt  }
0x6f: {  	_ =	shalt  }
0x70: {  	_ =	shalt  }
0x71: {  	_ =	shalt  }
0x72: {  	_ =	shalt  }
0x73: {  	_ =	shalt  }
0x74: {  	_ =	shalt  }
0x75: {  	_ =	shalt  }
0x76: {  	_ =	shalt  }
0x77: {  	_ =	shalt  }
0x78: {  	_ =	shalt  }
0x79: {  	_ =	shalt  }
0x7a: {  	_ =	shalt  }
0x7b: {  	_ =	shalt  }
0x7c: {  	_ =	shalt  }
0x7d: {  	_ =	shalt  }
0x7e: {  	_ =	shalt  }
0x7f: {  	_ =	shalt  }
0x80: {  	_ =	shalt  }
0x81: {  	_ =	shalt  }
0x82: {  	_ =	shalt  }
0x83: {  	_ =	shalt  }
0x84: {  	_ =	shalt  }
0x85: {  	_ =	shalt  }
0x86: {  	_ =	shalt  }
0x87: {  	_ =	shalt  }
.Lfunc_end0:
.L_simem_size_0:
called_computation_lowered:
.L_overlay_start_0:
0x88: {  	s2 =	sld [smem:$0x3FD9]  }
0x89: {  	s3 =	sld [smem:$0x3FFE];
	_ =	sdelay $0x1  }
0x8a: {  	s1 =	srdreg.scid  }
0x8b: {  	s0 =	sand.u32 $0x1, s1  }
0x8c: {  	s17 =	sshll.u32 s0, $0xA;
	s2 =	sadd.s32 s3, s2  }
0x8d: {  	s2 =	sadd.s32 s2, s17  }
0x8e: {  	[smem:$0x3FB8] =	sst s2  }
0x8f: {  	_ = 	snop  }
0x90: {  	s2 =	sld [smem:$0x3FD0];
	(tm) =	ssettm $0x1  }
0x91: {  	s18 =	sld [smem:$0x3FFB];
	_ =	sdelay $0x3  }
0x92: {  	_ =	strace s18  }
0x93: {  	s3 =	sld [smem:$0x3FFC];
	_ =	sdelay $0x3  }
0x94: {  	_ =	strace s3  }
0x95: {  	s3 =	sld [smem:$0x3FFD];
	_ =	sdelay $0x3  }
0x96: {  	_ =	strace s3  }
0x97: {  	_ =	strace $0x8FFFFFFF  }
0x98: {  	s19 =	sld [smem:$0x3FDB];
	_ =	sdelay $0x1  }
0x99: {  	s4 =	simm.s32 $_scs_section_size  }
0x9a: {  	s5 =	simm.s32 $_size__tile_overlayer_lowered;
	s6 =	simm.s32 $_tile_overlayer_lowered  }
0x9b: {  	s22 =	simm.s32 $0x1BFF;
	s21 =	sshll.u32 s6, $0x1;
	s3 =	sadd.s32 s4, s19  }
0x9c: {  	s7 =	simm.s32 $0x0;
	s20 =	sshll.u32 s5, $0x1;
	s5 =	sadd.s32 s21, s3  }
0x9d: {  	[timem:s7], [sflag:s22] =	dma.local [hbm:s5], s20  }
0x9e: {  	_ =	swait.ge [sflag:s22], s20  }
0x9f: {  	s4 =	ssub.s32 $0x0, s20;
	[sflag:s22] =	ssyncset.done $0x0  }
0xa0: {  	[sflag:s22] =	ssyncadd.s32 s4;
	_ =	sdelay $0x1  }
0xa1: {  	s23 =	simm.s32 $0x1B8B  }
0xa2: {  	_ =	swait.ge [sflag:s23], $0x1  }
0xa3: {  	[sflag:s23] =	ssyncset.done $0x0  }
0xa4: {  	s25 =	simm.s32 $0x1B8E;
	s24 =	sld [smem:$0x3FFE];
	[sflag:s23] =	ssyncadd.s32 $0xFFFFFFFF  }
0xa5: {  	s26 =	simm.s32 $execute0_lowered;
	[smem:$0x3FD2] =	sst s25  }
0xa6: {  	s5 =	sshll.u32 s26, $0x1;
	_ =	strace $0x80000046;
	[dreg:$0x1] =	wrdreg $0xFFFFFFFF  }
0xa7: {  	s28 =	simm.s32 $_size_execute0_lowered;
	s3 =	sadd.s32 s3, s5;
	[dreg:$0x0] =	wrdreg $0x0  }
0xa8: {  	s5 =	sshll.u32 s28, $0x1;
	[dreg:$0x2] =	wrdreg s3  }
0xa9: {  	[dreg:$0x3] =	wrdreg s5  }
0xaa: {  	[dreg:$0x4] =	wrdreg $0xC0  }
0xab: {  	_ =	task [dreg:s7], $0x5FFFF  }
0xac: {  	[dreg:$0x1] =	wrdreg $0xFFFFFFFF  }
0xad: {  	[dreg:$0x0] =	wrdreg $0x60  }
0xae: {  	[dreg:$0x2] =	wrdreg s24  }
0xaf: {  	[dreg:$0x3] =	wrdreg s2  }
0xb0: {  	[dreg:$0x4] =	wrdreg $0x8A200  }
0xb1: {  	[dreg:$0x5] =	wrdreg $0x126600  }
0xb2: {  	[dreg:$0x6] =	wrdreg $0x9  }
0xb3: {  	_ =	task.clear_ibuf [dreg:s7], $0x7FFFF;
	_ =	strace $0x90000046  }
0xb4: {  	s29 =	simm.s32 $0x9;
	_ =	strace $0x80000048  }
0xb5: {  	_ =	swait.ge [sflag:s29], $0x1  }
0xb6: {  	[sflag:s29] =	ssyncadd.s32 $0xFFFFFFFF  }
0xb7: {  	_ =	strace $0x90000048  }
0xb8: {  	_ =	sfence  }
0xb9: {  	s30 =	sld [smem:$0x0];
	_ =	sdelay $0x2  }
0xba: {  	s31 =	sshll.u32 s1, $0xD;
	s1 =	sshrl.u32 s1, $0x2  }
0xbb: {  	s3 =	sand.u32 $0x4000, s31;
	s1 =	sadd.s32 s1, s30  }
0xbc: {  	s0 =	sor.u32 s3, s0;
	s1 =	sshll.u32 s1, $0x11  }
0xbd: {  	s0 =	sor.u32 s1, s0  }
0xbe: {  	s0 =	sadd.s32 $0x8F2B, s0  }
0xbf: {  	[sflag:s0] =	ssyncadd.remote.s32 $0x1  }
0xc0: {  	_ =	sfence.sel $0xFFFF  }
0xc1: {  	[dreg:$0x0] =	wrdreg $0xFFFFFFFF;
	(pc) =	sbr.abs _section_cstart, $3  }
0xc2: {  	[dreg:$0x1] =	wrdreg $0xFFFFFFFF  }
0xc3: {  	_ =	task.clear_ibuf [dreg:s7], $0x2FFFF;
	_ =	strace $0x9FFFFFFF  }
0xc4: {  	(tm) =	ssettm $0x7FFFFFFF  }
0xc5: {  	_ =	shalt  }
tec
execute0_lowered:
.L_overlay_start_1:
0x0: {  	(tag) =	ssettag $0x1  }
0x1: {  	s0 =	rddreg [dreg:$0x0]  }
0x2: {  	s31 =	rddreg [dreg:$0x1]  }
0x3: {  	s6 =	rddreg [dreg:$0x2]  }
0x4: {  	s7 =	rddreg [dreg:$0x3];
	s4 =	simm.s32 $0x0  }
0x5: {  	s1 =	srdreg.scid;
	s15 =	stileid.u32;
	s28 =	simm.s32 $0xB  }
0x6: {  	s29 =	simm.s32 $0x8920;
	s30 =	simm.s32 $0x50;
	[smem:$0x7FF] =	sst s4  }
0x7: {  	s11 =	sadd.s32 $0x5AA00, s0;
	s14 =	sadd.s32 $0x50C00, s0;
	s5 =	smul.u32 $0x4E20, s15  }
0x8: {  	s1 =	sand.u32 $0x1, s1;
	s2 =	sadd.s32 $0x29A00, s0;
	s26 =	smul.u32 $0x4E0, s15  }
0x9: {  	s3 =	sadd.s32 $0x2800, s0;
	s10 =	sadd.s32 $0x64800, s0;
	s18 =	smul.u32 $0x1380, s15  }
0xa: {  	s0 =	sadd.s32 $0x8BA00, s0;
	s24 =	sadd.s32 $0x9C000, s6;
	s12 =	smul.u32 $0x2710, s1  }
0xb: {  	_ =	strace $0x80000047;
	[dreg:$0x5] =	wrdreg s2;
	s13 =	smul.u32 $0x4E20, s1  }
0xc: {  	s19 =	ssub.s32 $0x2, s1;
	[dreg:$0x6] =	wrdreg s3;
	s16 =	smul.u32 $0x13880, s1  }
0xd: {  	[dreg:$0x7] =	wrdreg s24;
	s20 =	sshrl.u32 s19, $0x1;
	s21 =	sshrl.u32 s5, $0x3  }
0xe: {  	s2 =	ssub.s32 s19, s20;
	s8 =	sadd.s32 s11, s21;
	s22 =	sadd.s32 s14, s21  }
0xf: {  	s3 =	sadd.s32 $0xA, s21;
	s23 =	sadd.s32 $0x2700, s12;
	s19 =	smul.u32 $0x9C00, s15  }
0x10: {  	s21 =	sadd.s32 $0xA0, s5;
	s20 =	sshll.u32 s1, $0x2;
	[dreg:$0x8] =	wrdreg s8  }
0x11: {  	s1 =	simm.s32 $0x8020;
	[dreg:$0x9] =	wrdreg s22;
	s8 =	smov.u32 s11  }
0x12: {  	s9 =	sadd.s32 s11, s3;
	s3 =	sadd.s32 s14, s3;
	s25 =	sshll.u32 s23, $0x3  }
0x13: {  	s11 =	sshll.u32 s23, $0x1;
	[dreg:$0xe] =	wrdreg s21;
	s22 =	smul.u32 $0x27000, s15  }
0x14: {  	s23 =	sadd.s32 $0xF0, s5;
	s5 =	simm.s32 $0x6720;
	s15 =	simm.s32 $0x1  }
0x15: {  	s21 =	simm.s32 $0x5;
	[dreg:$0xa] =	wrdreg s9;
	s9 =	smov.u32 s14  }
0x16: {  	[dreg:$0xb] =	wrdreg s3;
	s3 =	sadd.s32 s10, s25;
	s10 =	sadd.s32 s16, s10  }
0x17: {  	[dreg:$0x10] =	wrdreg s23;
	s25 =	smax.u32 s2, $0x1;
	s2 =	sadd.s32 $0x27000, s7  }
0x18: {  	s14 =	simm.s32 $0x2B20;
	s16 =	simm.s32 $0x2;
	[dreg:$0xc] =	wrdreg s3  }
0x19: {  	s3 =	sadd.s32 s0, s11;
	s0 =	sadd.s32 s13, s0;
	[dreg:$0x11] =	wrdreg s25  }
0x1a: {  	s11 =	simm.s32 $0x320;
	s13 =	simm.s32 $0x1720;
	[dreg:$0x13] =	wrdreg s2  }
0x1b: {  	s25 =	simm.s32 $0x3F20;
	[dreg:$0xd] =	wrdreg s3;
	s17 =	sadd.s32 s26, s0  }
0x1c: {  	s3 =	sadd.s32 s18, s10;
	s0 =	sshrl.u32 s19, $0x2;
	s26 =	sshrl.u32 s22, $0x2  }
0x1d: {  	s19 =	simm.s32 $0x5320;
	s18 =	simm.s32 $0x4;
	[dreg:$0xf] =	wrdreg s3  }
0x1e: {  	v3 =	vimm.s32 $0x0;
	vm0 =	vcmask $0x300;
	v1 =	vimm.f32 $0.0e+00;
	s23 =	sadd.s32 s0, s7;
	s6 =	sadd.s32 s26, s6;
	s26 =	simm.s32 $0x8520  }
0x1f: {  	v2 =	vlaneseq.u32;
	v3 =	vsel vm0, $0x3, v3;
	v0 =	vmov s12;
	s3 =	simm.s32 $0x7B20;
	s7 =	simm.s32 $0x0;
	[dreg:$0x12] =	wrdreg s6  }
.LBB2_1:
0x20: {  	[tilespmem:$0x8520] =	vst v1  }
0x21: {  	[tilespmem:$0x8530] =	vst v1  }
0x22: {  	[tilespmem:$0x8540] =	vst v1  }
0x23: {  	[tilespmem:$0x8550] =	vst v1  }
0x24: {  	[tilespmem:$0x8920] =	vst v1  }
0x25: {  	[tilespmem:$0x8560] =	vst v1  }
0x26: {  	[tilespmem:$0x8570] =	vst v1  }
0x27: {  	[tilespmem:$0x8580] =	vst v1  }
0x28: {  	[tilespmem:$0x8590] =	vst v1  }
0x29: {  	[tilespmem:$0x8930] =	vst v1  }
0x2a: {  	[tilespmem:$0x85A0] =	vst v1  }
0x2b: {  	[tilespmem:$0x85B0] =	vst v1  }
0x2c: {  	[tilespmem:$0x85C0] =	vst v1  }
0x2d: {  	[tilespmem:$0x85D0] =	vst v1  }
0x2e: {  	[tilespmem:$0x8940] =	vst v1  }
0x2f: {  	[tilespmem:$0x85E0] =	vst v1  }
0x30: {  	[tilespmem:$0x85F0] =	vst v1  }
0x31: {  	[tilespmem:$0x8600] =	vst v1  }
0x32: {  	[tilespmem:$0x8610] =	vst v1  }
0x33: {  	[tilespmem:$0x8950] =	vst v1  }
0x34: {  	[tilespmem:$0x8620] =	vst v1  }
0x35: {  	[tilespmem:$0x8630] =	vst v1  }
0x36: {  	[tilespmem:$0x8640] =	vst v1  }
0x37: {  	[tilespmem:$0x8650] =	vst v1  }
0x38: {  	[tilespmem:$0x8960] =	vst v1  }
0x39: {  	[tilespmem:$0x8660] =	vst v1  }
0x3a: {  	[tilespmem:$0x8670] =	vst v1  }
0x3b: {  	[tilespmem:$0x8680] =	vst v1  }
0x3c: {  	[tilespmem:$0x8690] =	vst v1  }
0x3d: {  	[tilespmem:$0x8970] =	vst v1  }
0x3e: {  	[tilespmem:$0x86A0] =	vst v1  }
0x3f: {  	[tilespmem:$0x86B0] =	vst v1  }
0x40: {  	[tilespmem:$0x86C0] =	vst v1  }
0x41: {  	[tilespmem:$0x86D0] =	vst v1  }
0x42: {  	[tilespmem:$0x8980] =	vst v1  }
0x43: {  	[tilespmem:$0x86E0] =	vst v1  }
0x44: {  	[tilespmem:$0x86F0] =	vst v1  }
0x45: {  	[tilespmem:$0x8700] =	vst v1  }
0x46: {  	[tilespmem:$0x8710] =	vst v1  }
0x47: {  	[tilespmem:$0x8990] =	vst v1  }
0x48: {  	[tilespmem:$0x8720] =	vst v1  }
0x49: {  	[tilespmem:$0x8730] =	vst v1  }
0x4a: {  	[tilespmem:$0x8740] =	vst v1  }
0x4b: {  	[tilespmem:$0x8750] =	vst v1  }
0x4c: {  	[tilespmem:$0x89A0] =	vst v1  }
0x4d: {  	[tilespmem:$0x8760] =	vst v1  }
0x4e: {  	[tilespmem:$0x8770] =	vst v1  }
0x4f: {  	[tilespmem:$0x8780] =	vst v1  }
0x50: {  	[tilespmem:$0x8790] =	vst v1  }
0x51: {  	[tilespmem:$0x89B0] =	vst v1  }
0x52: {  	[tilespmem:$0x87A0] =	vst v1  }
0x53: {  	[tilespmem:$0x87B0] =	vst v1  }
0x54: {  	[tilespmem:$0x87C0] =	vst v1  }
0x55: {  	[tilespmem:$0x87D0] =	vst v1  }
0x56: {  	[tilespmem:$0x89C0] =	vst v1  }
0x57: {  	[tilespmem:$0x87E0] =	vst v1  }
0x58: {  	[tilespmem:$0x87F0] =	vst v1  }
0x59: {  	[tilespmem:$0x8800] =	vst v1  }
0x5a: {  	[tilespmem:$0x8810] =	vst v1  }
0x5b: {  	[tilespmem:$0x89D0] =	vst v1  }
0x5c: {  	[tilespmem:$0x8820] =	vst v1  }
0x5d: {  	[tilespmem:$0x8830] =	vst v1  }
0x5e: {  	[tilespmem:$0x8840] =	vst v1  }
0x5f: {  	[tilespmem:$0x8850] =	vst v1  }
0x60: {  	[tilespmem:$0x89E0] =	vst v1  }
0x61: {  	[tilespmem:$0x8860] =	vst v1  }
0x62: {  	[tilespmem:$0x8870] =	vst v1  }
0x63: {  	[tilespmem:$0x8880] =	vst v1  }
0x64: {  	[tilespmem:$0x8890] =	vst v1  }
0x65: {  	[tilespmem:$0x89F0] =	vst v1  }
0x66: {  	[tilespmem:$0x88A0] =	vst v1  }
0x67: {  	[tilespmem:$0x88B0] =	vst v1  }
0x68: {  	[tilespmem:$0x88C0] =	vst v1  }
0x69: {  	[tilespmem:$0x88D0] =	vst v1  }
0x6a: {  	[tilespmem:$0x8A00] =	vst v1  }
0x6b: {  	[tilespmem:$0x88E0] =	vst v1  }
0x6c: {  	[tilespmem:$0x88F0] =	vst v1  }
0x6d: {  	[tilespmem:$0x8900] =	vst v1  }
0x6e: {  	[tilespmem:$0x8910] =	vst v1  }
0x6f: {  	[tilespmem:$0x8A10] =	vst v1  }
0x70: {  	[tilespmem:$0x7B20] =	vst v1  }
0x71: {  	[tilespmem:$0x8020] =	vst v1  }
0x72: {  	[tilespmem:$0x7B30] =	vst v1  }
0x73: {  	[tilespmem:$0x8030] =	vst v1  }
0x74: {  	[tilespmem:$0x7B40] =	vst v1  }
0x75: {  	[tilespmem:$0x8040] =	vst v1  }
0x76: {  	[tilespmem:$0x7B50] =	vst v1  }
0x77: {  	[tilespmem:$0x8050] =	vst v1  }
0x78: {  	[tilespmem:$0x7B60] =	vst v1  }
0x79: {  	[tilespmem:$0x8060] =	vst v1  }
0x7a: {  	[tilespmem:$0x7B70] =	vst v1  }
0x7b: {  	[tilespmem:$0x8070] =	vst v1  }
0x7c: {  	[tilespmem:$0x7B80] =	vst v1  }
0x7d: {  	[tilespmem:$0x8080] =	vst v1  }
0x7e: {  	[tilespmem:$0x7B90] =	vst v1  }
0x7f: {  	[tilespmem:$0x8090] =	vst v1  }
0x80: {  	[tilespmem:$0x7BA0] =	vst v1  }
0x81: {  	[tilespmem:$0x80A0] =	vst v1  }
0x82: {  	[tilespmem:$0x7BB0] =	vst v1  }
0x83: {  	[tilespmem:$0x80B0] =	vst v1  }
0x84: {  	[tilespmem:$0x7BC0] =	vst v1  }
0x85: {  	[tilespmem:$0x80C0] =	vst v1  }
0x86: {  	[tilespmem:$0x7BD0] =	vst v1  }
0x87: {  	[tilespmem:$0x80D0] =	vst v1  }
0x88: {  	[tilespmem:$0x7BE0] =	vst v1  }
0x89: {  	[tilespmem:$0x80E0] =	vst v1  }
0x8a: {  	[tilespmem:$0x7BF0] =	vst v1  }
0x8b: {  	[tilespmem:$0x80F0] =	vst v1  }
0x8c: {  	[tilespmem:$0x7C00] =	vst v1  }
0x8d: {  	[tilespmem:$0x8100] =	vst v1  }
0x8e: {  	[tilespmem:$0x7C10] =	vst v1  }
0x8f: {  	[tilespmem:$0x8110] =	vst v1  }
0x90: {  	[tilespmem:$0x7C20] =	vst v1  }
0x91: {  	[tilespmem:$0x8120] =	vst v1  }
0x92: {  	[tilespmem:$0x7C30] =	vst v1  }
0x93: {  	[tilespmem:$0x8130] =	vst v1  }
0x94: {  	[tilespmem:$0x7C40] =	vst v1  }
0x95: {  	[tilespmem:$0x8140] =	vst v1  }
0x96: {  	[tilespmem:$0x7C50] =	vst v1  }
0x97: {  	[tilespmem:$0x8150] =	vst v1  }
0x98: {  	[tilespmem:$0x7C60] =	vst v1  }
0x99: {  	[tilespmem:$0x8160] =	vst v1  }
0x9a: {  	[tilespmem:$0x7C70] =	vst v1  }
0x9b: {  	[tilespmem:$0x8170] =	vst v1  }
0x9c: {  	[tilespmem:$0x7C80] =	vst v1  }
0x9d: {  	[tilespmem:$0x8180] =	vst v1  }
0x9e: {  	[tilespmem:$0x7C90] =	vst v1  }
0x9f: {  	[tilespmem:$0x8190] =	vst v1  }
0xa0: {  	[tilespmem:$0x7CA0] =	vst v1  }
0xa1: {  	[tilespmem:$0x81A0] =	vst v1  }
0xa2: {  	[tilespmem:$0x7CB0] =	vst v1  }
0xa3: {  	[tilespmem:$0x81B0] =	vst v1  }
0xa4: {  	[tilespmem:$0x7CC0] =	vst v1  }
0xa5: {  	[tilespmem:$0x81C0] =	vst v1  }
0xa6: {  	[tilespmem:$0x7CD0] =	vst v1  }
0xa7: {  	[tilespmem:$0x81D0] =	vst v1  }
0xa8: {  	[tilespmem:$0x7CE0] =	vst v1  }
0xa9: {  	[tilespmem:$0x81E0] =	vst v1  }
0xaa: {  	[tilespmem:$0x7CF0] =	vst v1  }
0xab: {  	[tilespmem:$0x81F0] =	vst v1  }
0xac: {  	[tilespmem:$0x7D00] =	vst v1  }
0xad: {  	[tilespmem:$0x8200] =	vst v1  }
0xae: {  	[tilespmem:$0x7D10] =	vst v1  }
0xaf: {  	[tilespmem:$0x8210] =	vst v1  }
0xb0: {  	[tilespmem:$0x7D20] =	vst v1  }
0xb1: {  	[tilespmem:$0x8220] =	vst v1  }
0xb2: {  	[tilespmem:$0x7D30] =	vst v1  }
0xb3: {  	[tilespmem:$0x8230] =	vst v1  }
0xb4: {  	[tilespmem:$0x7D40] =	vst v1  }
0xb5: {  	[tilespmem:$0x8240] =	vst v1  }
0xb6: {  	[tilespmem:$0x7D50] =	vst v1  }
0xb7: {  	[tilespmem:$0x8250] =	vst v1  }
0xb8: {  	[tilespmem:$0x7D60] =	vst v1  }
0xb9: {  	[tilespmem:$0x8260] =	vst v1  }
0xba: {  	[tilespmem:$0x7D70] =	vst v1  }
0xbb: {  	[tilespmem:$0x8270] =	vst v1  }
0xbc: {  	[tilespmem:$0x7D80] =	vst v1  }
0xbd: {  	[tilespmem:$0x8280] =	vst v1  }
0xbe: {  	[tilespmem:$0x7D90] =	vst v1  }
0xbf: {  	[tilespmem:$0x8290] =	vst v1  }
0xc0: {  	[tilespmem:$0x7DA0] =	vst v1  }
0xc1: {  	[tilespmem:$0x82A0] =	vst v1  }
0xc2: {  	[tilespmem:$0x7DB0] =	vst v1  }
0xc3: {  	[tilespmem:$0x82B0] =	vst v1  }
0xc4: {  	[tilespmem:$0x7DC0] =	vst v1  }
0xc5: {  	[tilespmem:$0x82C0] =	vst v1  }
0xc6: {  	[tilespmem:$0x7DD0] =	vst v1  }
0xc7: {  	[tilespmem:$0x82D0] =	vst v1  }
0xc8: {  	[tilespmem:$0x7DE0] =	vst v1  }
0xc9: {  	[tilespmem:$0x82E0] =	vst v1  }
0xca: {  	[tilespmem:$0x7DF0] =	vst v1  }
0xcb: {  	[tilespmem:$0x82F0] =	vst v1  }
0xcc: {  	[tilespmem:$0x7E00] =	vst v1  }
0xcd: {  	[tilespmem:$0x8300] =	vst v1  }
0xce: {  	[tilespmem:$0x7E10] =	vst v1  }
0xcf: {  	[tilespmem:$0x8310] =	vst v1  }
0xd0: {  	[tilespmem:$0x7E20] =	vst v1  }
0xd1: {  	[tilespmem:$0x8320] =	vst v1  }
0xd2: {  	[tilespmem:$0x7E30] =	vst v1  }
0xd3: {  	[tilespmem:$0x8330] =	vst v1  }
0xd4: {  	[tilespmem:$0x7E40] =	vst v1  }
0xd5: {  	[tilespmem:$0x8340] =	vst v1  }
0xd6: {  	[tilespmem:$0x7E50] =	vst v1  }
0xd7: {  	[tilespmem:$0x8350] =	vst v1  }
0xd8: {  	[tilespmem:$0x7E60] =	vst v1  }
0xd9: {  	[tilespmem:$0x8360] =	vst v1  }
0xda: {  	[tilespmem:$0x7E70] =	vst v1  }
0xdb: {  	[tilespmem:$0x8370] =	vst v1  }
0xdc: {  	[tilespmem:$0x7E80] =	vst v1  }
0xdd: {  	[tilespmem:$0x8380] =	vst v1  }
0xde: {  	[tilespmem:$0x7E90] =	vst v1  }
0xdf: {  	[tilespmem:$0x8390] =	vst v1  }
0xe0: {  	[tilespmem:$0x7EA0] =	vst v1  }
0xe1: {  	[tilespmem:$0x83A0] =	vst v1  }
0xe2: {  	[tilespmem:$0x7EB0] =	vst v1  }
0xe3: {  	[tilespmem:$0x83B0] =	vst v1  }
0xe4: {  	[tilespmem:$0x7EC0] =	vst v1  }
0xe5: {  	[tilespmem:$0x83C0] =	vst v1  }
0xe6: {  	[tilespmem:$0x7ED0] =	vst v1  }
0xe7: {  	[tilespmem:$0x83D0] =	vst v1  }
0xe8: {  	[tilespmem:$0x7EE0] =	vst v1  }
0xe9: {  	[tilespmem:$0x83E0] =	vst v1  }
0xea: {  	[tilespmem:$0x7EF0] =	vst v1  }
0xeb: {  	[tilespmem:$0x83F0] =	vst v1  }
0xec: {  	[tilespmem:$0x7F00] =	vst v1  }
0xed: {  	[tilespmem:$0x8400] =	vst v1  }
0xee: {  	[tilespmem:$0x7F10] =	vst v1  }
0xef: {  	[tilespmem:$0x8410] =	vst v1  }
0xf0: {  	[tilespmem:$0x7F20] =	vst v1  }
0xf1: {  	[tilespmem:$0x8420] =	vst v1  }
0xf2: {  	[tilespmem:$0x7F30] =	vst v1  }
0xf3: {  	[tilespmem:$0x8430] =	vst v1  }
0xf4: {  	[tilespmem:$0x7F40] =	vst v1  }
0xf5: {  	[tilespmem:$0x8440] =	vst v1  }
0xf6: {  	[tilespmem:$0x7F50] =	vst v1  }
0xf7: {  	[tilespmem:$0x8450] =	vst v1  }
0xf8: {  	[tilespmem:$0x7F60] =	vst v1  }
0xf9: {  	[tilespmem:$0x8460] =	vst v1  }
0xfa: {  	[tilespmem:$0x7F70] =	vst v1  }
0xfb: {  	[tilespmem:$0x8470] =	vst v1  }
0xfc: {  	[tilespmem:$0x7F80] =	vst v1  }
0xfd: {  	[tilespmem:$0x8480] =	vst v1  }
0xfe: {  	[tilespmem:$0x7F90] =	vst v1  }
0xff: {  	[tilespmem:$0x8490] =	vst v1  }
0x100: {  	[tilespmem:$0x7FA0] =	vst v1  }
0x101: {  	[tilespmem:$0x84A0] =	vst v1  }
0x102: {  	[tilespmem:$0x7FB0] =	vst v1  }
0x103: {  	[tilespmem:$0x84B0] =	vst v1  }
0x104: {  	[tilespmem:$0x7FC0] =	vst v1  }
0x105: {  	[tilespmem:$0x84C0] =	vst v1  }
0x106: {  	[tilespmem:$0x7FD0] =	vst v1  }
0x107: {  	[tilespmem:$0x84D0] =	vst v1  }
0x108: {  	[tilespmem:$0x7FE0] =	vst v1  }
0x109: {  	[tilespmem:$0x84E0] =	vst v1  }
0x10a: {  	[tilespmem:$0x7FF0] =	vst v1  }
0x10b: {  	[tilespmem:$0x84F0] =	vst v1  }
0x10c: {  	[tilespmem:$0x8000] =	vst v1  }
0x10d: {  	[tilespmem:$0x8500] =	vst v1  }
0x10e: {  	[tilespmem:$0x8010] =	vst v1  }
0x10f: {  	[dreg:$0x14] =	wrdreg s7;
	[tilespmem:$0x8510] =	vst v1  }
0x110: {  	[spmem:s6] =	stream.linear.scatter [tilespmem:s26], [sflag:$0xB], $0x400, $0x38;
	[tilespmem:$0x14D70] =	vst v63  }
0x111: {  	_ =	swait.ge [sflag:s28], $0x400  }
0x112: {  	[sflag:s28] =	ssyncset.done $0x0  }
0x113: {  	s0 =	sadd.s32 $0x0, s23;
	[sflag:s28] =	ssyncadd.s32 $0xFFFFFC00  }
0x114: {  	[spmem:s0] =	stream.linear.scatter [tilespmem:s29], [sflag:$0xB], $0x100, $0x38;
	[tilespmem:$0x14D70] =	vst v63  }
0x115: {  	_ =	swait.ge [sflag:s28], $0x100  }
0x116: {  	s12 =	smov.u32 s6;
	s0 =	simm.s32 $0x400;
	[sflag:s28] =	ssyncset.done $0x0  }
.LBB2_2:
0x117: {  	p0 =	sne.s32 s0, $0x9800;
	[sflag:s28] =	ssyncadd.s32 $0xFFFFFF00;
	s12 =	sadd.s32 $0x400, s12  }
0x118: {  	[spmem:s12] =	stream.linear.scatter [tilespmem:s26], [sflag:$0xB], $0x400, $0x38;
	[tilespmem:$0x14D70] =	vst v63  }
0x119: {  	s22 =	smov.u32 s0;
	s0 =	sadd.s32 $0x400, s0;
	_ =	swait.ge [sflag:s28], $0x400  }
.Ltmp0:
0x11a: {  	s22 =	sshra.s32 s22, $0x2;
	[sflag:s28] =	ssyncset.done $0x0;
	(pc) =	sbr.rel @p0 .LBB2_2-.Ltmp0, $4  }
0x11b: {  	s22 =	sadd.s32 s22, s23;
	[sflag:s28] =	ssyncadd.s32 $0xFFFFFC00  }
0x11c: {  	[spmem:s22] =	stream.linear.scatter [tilespmem:s29], [sflag:$0xB], $0x100, $0x38;
	[tilespmem:$0x14D70] =	vst v63  }
0x11d: {  	_ =	swait.ge [sflag:s28], $0x100  }
0x11e: {  	[sflag:s28] =	ssyncset.done $0x0  }
0x11f: {  	[sflag:s28] =	ssyncadd.s32 $0xFFFFFF00  }
0x120: {  	[spmem:s24] =	stream.linear.scatter [tilespmem:s26], [sflag:$0xB], $0x400, $0x38;
	[tilespmem:$0x14D70] =	vst v63  }
0x121: {  	_ =	swait.ge [sflag:s28], $0x400  }
0x122: {  	[sflag:s28] =	ssyncset.done $0x0  }
0x123: {  	[sflag:s28] =	ssyncadd.s32 $0xFFFFFC00  }
0x124: {  	[spmem:s2] =	stream.linear.scatter [tilespmem:s29], [sflag:$0xB], $0x100, $0x38;
	[tilespmem:$0x14D70] =	vst v63  }
0x125: {  	_ =	swait.ge [sflag:s28], $0x100  }
0x126: {  	[sflag:s28] =	ssyncset.done $0x0  }
0x127: {  	[sflag:s28] =	ssyncadd.s32 $0xFFFFFF00  }
0x128: {  	[bflag:$0x0] =	sbarrier.arrive $0xFFFF  }
0x129: {  	s6 =	simm.s32 $0x0;
	s0 =	rddreg [dreg:$0x8]  }
0x12a: {  	[tilespmem:s6], [sflag:$0x7] =	stream.linear.gather [hbm4b:s0+s6], $0x50, $0x38;
	[tilespmem:$0x14D70] =	vst v63  }
0x12b: {  	s7 =	simm.s32 $0x7;
	s2 =	rddreg [dreg:$0x9]  }
0x12c: {  	[tilespmem:s30], [sflag:$0x8] =	stream.linear.gather [hbm4b:s2+s6], $0x50, $0x38;
	[tilespmem:$0x14D70] =	vst v63  }
0x12d: {  	_ =	swait.ge [sflag:s7], $0x50  }
0x12e: {  	[sflag:s7] =	ssyncset.done $0x0  }
0x12f: {  	s10 =	simm.s32 $0x8;
	[sflag:s7] =	ssyncadd.s32 $0xFFFFFFB0  }
0x130: {  	_ =	swait.ge [sflag:s10], $0x50  }
0x131: {  	[sflag:s10] =	ssyncset.done $0x0  }
0x132: {  	[sflag:s10] =	ssyncadd.s32 $0xFFFFFFB0  }
0x133: {  	v4 =	vld [tilespmem:$0x0]  }
0x134: {  	v6 =	vld [tilespmem:$0x50]  }
0x135: {  	v5 =	vld [tilespmem:$0x50]  }
0x136: {  	v9 =	vld [tilespmem:$0x60]  }
0x137: {  	v57 =	vld [tilespmem:$0x70]  }
0x138: {  	v61 =	vld [tilespmem:$0x80]  }
0x139: {  	v63 =	vld [tilespmem:$0x90];
	v4 =	vadd.s32 v0, v4;
	[tilespmem:$0x140] =	vst v6  }
0x13a: {  	[tilespmem:$0xA0] =	vst v4;
	v4 =	vadd.s32 v0, v5;
	v5 =	vld [tilespmem:$0x20]  }
0x13b: {  	[tilespmem:$0xF0] =	vst v4;
	v4 =	vld [tilespmem:$0x70]  }
0x13c: {  	v7 =	vld [tilespmem:$0x10];
	[tilespmem:$0x150] =	vst v9  }
0x13d: {  	v8 =	vld [tilespmem:$0x60];
	[tilespmem:$0x160] =	vst v57  }
0x13e: {  	v59 =	vld [tilespmem:$0x30];
	[tilespmem:$0x170] =	vst v61  }
0x13f: {  	v60 =	vld [tilespmem:$0x80];
	[tilespmem:$0x180] =	vst v63;
	v5 =	vadd.s32 v0, v5  }
0x140: {  	[tilespmem:$0xC0] =	vst v5;
	v4 =	vadd.s32 v0, v4;
	v5 =	vld [tilespmem:$0x40]  }
0x141: {  	v56 =	vadd.s32 v0, v7;
	[tilespmem:$0x110] =	vst v4;
	v4 =	vld [tilespmem:$0x90]  }
0x142: {  	v58 =	vadd.s32 v0, v8;
	[tilespmem:$0xB0] =	vst v56  }
0x143: {  	v62 =	vadd.s32 v0, v59;
	[tilespmem:$0x100] =	vst v58  }
0x144: {  	v6 =	vadd.s32 v0, v60;
	[tilespmem:$0xD0] =	vst v62  }
0x145: {  	[tilespmem:$0x120] =	vst v6;
	v5 =	vadd.s32 v0, v5  }
0x146: {  	[tilespmem:$0xE0] =	vst v5;
	v4 =	vadd.s32 v0, v4  }
0x147: {  	s12 =	simm.s32 $0xF0;
	[tilespmem:$0x130] =	vst v4  }
0x148: {  	[tilespmem:s11], [sflag:$0x1] =	stream.indirect.gather [hbm4b:s31+s30], $0x40, s12, s30, $0xb8;
	[tilespmem:$0x14D70] =	vst v63  }
0x149: {  	s24 =	simm.s32 $0xA0;
	s22 =	rddreg [dreg:$0x5]  }
0x14a: {  	[tilespmem:s13], [sflag:$0x2] =	stream.indirect.gather [hbm4b:s22+s30], $0x40, s24, s30, $0xb8;
	[tilespmem:$0x14D70] =	vst v63  }
0x14b: {  	s7 =	rddreg [dreg:$0x6]  }
0x14c: {  	[tilespmem:s14], [sflag:$0x3] =	stream.indirect.gather [hbm4b:s7+s30], $0x40, s24, s30, $0xb8;
	[tilespmem:$0x14D70] =	vst v63  }
0x14d: {  	s10 =	rddreg [dreg:$0xa];
	s12 =	simm.s32 $0x190  }
0x14e: {  	[tilespmem:s12], [sflag:$0x9] =	stream.linear.gather [hbm4b:s10+s6], $0x50, $0x38;
	[tilespmem:$0x14D70] =	vst v63  }
0x14f: {  	s22 =	rddreg [dreg:$0xb];
	s24 =	simm.s32 $0x1E0;
	s12 =	simm.s32 $0x0  }
0x150: {  	[tilespmem:s24], [sflag:$0xA] =	stream.linear.gather [hbm4b:s22+s6], $0x50, $0x38;
	[tilespmem:$0x14D70] =	vst v63  }
.LBB2_4:
0x151: {  	s0 =	simm.s32 $0x9  }
0x152: {  	_ =	swait.ge [sflag:s0], $0x50  }
0x153: {  	[sflag:s0] =	ssyncset.done $0x0  }
0x154: {  	s2 =	simm.s32 $0xA;
	[sflag:s0] =	ssyncadd.s32 $0xFFFFFFB0  }
0x155: {  	_ =	swait.ge [sflag:s2], $0x50  }
0x156: {  	[sflag:s2] =	ssyncset.done $0x0  }
0x157: {  	[sflag:s2] =	ssyncadd.s32 $0xFFFFFFB0  }
0x158: {  	v4 =	vld [tilespmem:$0x190]  }
0x159: {  	v6 =	vld [tilespmem:$0x1E0]  }
0x15a: {  	v5 =	vld [tilespmem:$0x1E0]  }
0x15b: {  	v9 =	vld [tilespmem:$0x1F0]  }
0x15c: {  	v57 =	vld [tilespmem:$0x200]  }
0x15d: {  	v61 =	vld [tilespmem:$0x210]  }
0x15e: {  	v63 =	vld [tilespmem:$0x220];
	v4 =	vadd.s32 v0, v4;
	[tilespmem:$0x2D0] =	vst v6  }
0x15f: {  	[tilespmem:$0x230] =	vst v4;
	v4 =	vadd.s32 v0, v5;
	v5 =	vld [tilespmem:$0x1B0]  }
0x160: {  	[tilespmem:$0x280] =	vst v4;
	v4 =	vld [tilespmem:$0x200]  }
0x161: {  	v7 =	vld [tilespmem:$0x1A0];
	[tilespmem:$0x2E0] =	vst v9  }
0x162: {  	v8 =	vld [tilespmem:$0x1F0];
	[tilespmem:$0x2F0] =	vst v57  }
0x163: {  	v59 =	vld [tilespmem:$0x1C0];
	[tilespmem:$0x300] =	vst v61  }
0x164: {  	v60 =	vld [tilespmem:$0x210];
	[tilespmem:$0x310] =	vst v63;
	v5 =	vadd.s32 v0, v5  }
0x165: {  	[tilespmem:$0x250] =	vst v5;
	v4 =	vadd.s32 v0, v4;
	v5 =	vld [tilespmem:$0x1D0]  }
0x166: {  	v56 =	vadd.s32 v0, v7;
	[tilespmem:$0x2A0] =	vst v4;
	v4 =	vld [tilespmem:$0x220]  }
0x167: {  	v58 =	vadd.s32 v0, v8;
	[tilespmem:$0x240] =	vst v56  }
0x168: {  	v62 =	vadd.s32 v0, v59;
	[tilespmem:$0x290] =	vst v58  }
0x169: {  	v6 =	vadd.s32 v0, v60;
	[tilespmem:$0x260] =	vst v62  }
0x16a: {  	[tilespmem:$0x2B0] =	vst v6;
	v5 =	vadd.s32 v0, v5  }
0x16b: {  	[tilespmem:$0x270] =	vst v5;
	v4 =	vadd.s32 v0, v4  }
0x16c: {  	s6 =	simm.s32 $0x280;
	s24 =	smul.u32 $0xA0, s12;
	[tilespmem:$0x2C0] =	vst v4  }
0x16d: {  	[tilespmem:s25], [sflag:$0x4] =	stream.indirect.gather [hbm4b:s31+s30], $0x40, s6, s30, $0xb8;
	[tilespmem:$0x14D70] =	vst v63  }
0x16e: {  	s6 =	rddreg [dreg:$0xe]  }
0x16f: {  	s10 =	rddreg [dreg:$0x5];
	s2 =	simm.s32 $0x230;
	s0 =	sadd.s32 s24, s6  }
0x170: {  	[tilespmem:s19], [sflag:$0x5] =	stream.indirect.gather [hbm4b:s10+s30], $0x40, s2, s30, $0xb8;
	[tilespmem:$0x14D70] =	vst v63  }
0x171: {  	p0 =	slt.s32 s0, $0x4E1B0  }
0x172: {  	s22 =	rddreg [dreg:$0x6];
	s0 =	simm.s32 @!p0 $0x4E1B0  }
0x173: {  	[tilespmem:s5], [sflag:$0x6] =	stream.indirect.gather [hbm4b:s22+s30], $0x40, s2, s30, $0xb8;
	[tilespmem:$0x14D70] =	vst v63  }
0x174: {  	s0 =	sshrl.u32 s0, $0x3  }
0x175: {  	s10 =	simm.s32 $0x0;
	s22 =	sadd.s32 s8, s0  }
0x176: {  	[tilespmem:s10], [sflag:$0x7] =	stream.linear.gather [hbm4b:s22+s10], $0x50, $0x38;
	[tilespmem:$0x14D70] =	vst v63  }
0x177: {  	s0 =	sadd.s32 s9, s0  }
0x178: {  	[tilespmem:s30], [sflag:$0x8] =	stream.linear.gather [hbm4b:s0+s10], $0x50, $0x38;
	[tilespmem:$0x14D70] =	vst v63  }
0x179: {  	_ =	swait.ge [sflag:s15], $0x1400  }
0x17a: {  	[sflag:s15] =	ssyncset.done $0x0  }
0x17b: {  	[sflag:s15] =	ssyncadd.s32 $0xFFFFEC00  }
0x17c: {  	_ =	swait.ge [sflag:s16], $0x1400  }
0x17d: {  	[sflag:s16] =	ssyncset.done $0x0  }
0x17e: {  	s22 =	simm.s32 $0x3;
	[sflag:s16] =	ssyncadd.s32 $0xFFFFEC00  }
0x17f: {  	_ =	swait.ge [sflag:s22], $0x1400  }
0x180: {  	[sflag:s22] =	ssyncset.done $0x0  }
0x181: {  	s7 =	smov.u32 s31;
	s31 =	simm.s32 $0x0;
	[sflag:s22] =	ssyncadd.s32 $0xFFFFEC00  }
.LBB2_5:
0x182: {  	s0 =	sshll.u32 s31, $0x4;
	s2 =	simm.s32 $0xF  }
0x183: {  	s22 =	simm.s32 $0x8;
	s10 =	simm.s32 $0xA;
	s6 =	simm.s32 $0xC;
	v14 =	vor.u32 s0, v2;
	v4 =	vmov s2  }
0x184: {  	v9 =	vmov s22;
	v10 =	vmov s10;
	s22 =	simm.s32 $0xB;
	v11 =	vmov s6  }
0x185: {  	v5 =	vshll.u32 v14, $0x6;
	v4 =	vshrl.u32 v4, $0x3;
	v12 =	vmov s22  }
0x186: {  	v11 =	vshrl.u32 v11, $0x3;
	v13 =	vshrl.u32 v9, $0x3;
	v4 =	vshll.u32 v4, v3  }
0x187: {  	v12 =	vshrl.u32 v12, $0x3;
	v11 =	vshll.u32 v11, v3;
	v4 =	vbroadcast v4, $0x0  }
0x188: {  	v8 =	vor.u32 $0x7, v5;
	v9 =	vshll.u32 v12, v3;
	v11 =	vbroadcast v11, $0x0  }
0x189: {  	v7 =	vor.u32 $0x4, v5;
	v12 =	vbroadcast v9, $0x0;
	v9 =	vadd.s32 v8, v4  }
0x18a: {  	v10 =	vshrl.u32 v10, $0x3;
	v16 =	vadd.s32 v7, v11  }
0x18b: {  	s2 =	simm.s32 $0xD;
	v6 =	vor.u32 $0x3, v5;
	v10 =	vshll.u32 v10, v3;
	v4 =	vshll.u32 v13, v3  }
0x18c: {  	v11 =	vbroadcast v10, $0x0;
	v17 =	vadd.s32 v6, v12;
	v12 =	vmov s2  }
0x18d: {  	s6 =	simm.s32 $0x9;
	v10 =	vor.u32 $0x2, v5;
	v4 =	vbroadcast v4, $0x0;
	v12 =	vshrl.u32 v12, $0x3  }
0x18e: {  	v13 =	vmov s6;
	v18 =	vadd.s32 v10, v11;
	v11 =	vshll.u32 v12, v3;
	v20 =	vld.idx.msk [tilespmem:v9+s13+$0x0], $0xffff  }
0x18f: {  	s10 =	simm.s32 $0x0;
	v12 =	vshrl.u32 v13, $0x3;
	v21 =	vadd.s32 v5, v4;
	v4 =	vbroadcast v11, $0x0;
	v22 =	vld.idx.msk [tilespmem:v16+s13+$0x0], $0xffff  }
0x190: {  	v13 =	vmov s10;
	v11 =	vor.u32 $0x5, v5;
	v12 =	vshll.u32 v12, v3;
	v62 =	vld.idx.msk [tilespmem:v9+s11+$0x0], $0xffff  }
0x191: {  	v13 =	vshrl.u32 v13, $0x3;
	v15 =	vbroadcast v12, $0x0;
	v23 =	vld.idx.msk [tilespmem:v17+s13+$0x0], $0xffff;
	v19 =	vadd.s32 v11, v4  }
0x192: {  	v12 =	vor.u32 $0x1, v5;
	v4 =	vshll.u32 v13, v3;
	v24 =	vld.idx.msk [tilespmem:v17+s11+$0x0], $0xffff  }
0x193: {  	v4 =	vbroadcast v4, $0x0;
	v25 =	vadd.s32 v12, v15;
	v26 =	vld.idx.msk [tilespmem:v18+s13+$0x0], $0xffff  }
0x194: {  	v27 =	vld.idx.msk [tilespmem:v21+s13+$0x0], $0xffff  }
0x195: {  	v29 =	vld.idx.msk [tilespmem:v21+s11+$0x0], $0xffff;
	v28 =	vor.u32 v5, v4  }
0x196: {  	v30 =	vadd.s32 v10, v4;
	v31 =	vld.idx.msk [tilespmem:v19+s13+$0x0], $0xffff  }
0x197: {  	v32 =	vadd.s32 v12, v4;
	v33 =	vld.idx.msk [tilespmem:v19+s11+$0x0], $0xffff  }
0x198: {  	v34 =	vld.idx.msk [tilespmem:v25+s13+$0x0], $0xffff  }
0x199: {  	v35 =	vld.idx.msk [tilespmem:v25+s11+$0x0], $0xffff  }
0x19a: {  	v36 =	vadd.s32 v6, v4;
	v37 =	vld.idx.msk [tilespmem:v28+s11+$0x0], $0xffff  }
0x19b: {  	v38 =	vadd.s32 v11, v4;
	v39 =	vld.idx.msk [tilespmem:v30+s13+$0x0], $0xffff  }
0x19c: {  	v40 =	vld.idx.msk [tilespmem:v32+s13+$0x0], $0xffff  }
0x19d: {  	v41 =	vld.idx.msk [tilespmem:v28+s13+$0x0], $0xffff  }
0x19e: {  	v42 =	vld.idx.msk [tilespmem:v32+s11+$0x0], $0xffff  }
0x19f: {  	v13 =	vor.u32 $0x6, v5;
	v44 =	vadd.s32 v8, v4;
	v43 =	vld.idx.msk [tilespmem:v36+s11+$0x0], $0xffff  }
0x1a0: {  	s22 =	simm.s32 $0xE;
	v45 =	vadd.s32 v13, v4;
	v46 =	vld.idx.msk [tilespmem:v38+s13+$0x0], $0xffff  }
0x1a1: {  	v15 =	vmov s22;
	v47 =	vadd.s32 v7, v4;
	v4 =	vld.idx.msk [tilespmem:v30+s11+$0x0], $0xffff  }
0x1a2: {  	v15 =	vshrl.u32 v15, $0x3;
	v48 =	vld.idx.msk [tilespmem:v36+s13+$0x0], $0xffff  }
0x1a3: {  	v15 =	vshll.u32 v15, v3;
	v49 =	vld.idx.msk [tilespmem:v38+s11+$0x0], $0xffff  }
0x1a4: {  	v15 =	vbroadcast v15, $0x0;
	v50 =	vld.idx.msk [tilespmem:v44+s13+$0x0], $0xffff  }
0x1a5: {  	v51 =	vld.idx.msk [tilespmem:v45+s13+$0x0], $0xffff  }
0x1a6: {  	v15 =	vadd.s32 v13, v15;
	v52 =	vld.idx.msk [tilespmem:v47+s11+$0x0], $0xffff  }
0x1a7: {  	v53 =	vld.idx.msk [tilespmem:v47+s13+$0x0], $0xffff  }
0x1a8: {  	v20 =	vmul.f32 v20, v62;
	v23 =	vmul.f32 v23, v24;
	v54 =	vld.idx.msk [tilespmem:v44+s11+$0x0], $0xffff  }
0x1a9: {  	v27 =	vmul.f32 v27, v29;
	v24 =	vld.idx.msk [tilespmem:v45+s11+$0x0], $0xffff;
	v29 =	vmul.f32 v34, v35  }
0x1aa: {  	v34 =	vld.idx.msk [tilespmem:v18+s11+$0x0], $0xffff;
	v59 =	vmul.f32 v41, v37;
	v60 =	vmul.f32 v40, v42  }
0x1ab: {  	v56 =	vld.idx.msk [tilespmem:v15+s11+$0x0], $0xffff;
	v4 =	vmul.f32 v39, v4;
	v61 =	vmul.f32 v48, v43  }
0x1ac: {  	v40 =	vld.idx.msk [tilespmem:v16+s11+$0x0], $0xffff;
	v63 =	vmul.f32 v46, v49;
	v55 =	vmul.f32 v53, v52  }
0x1ad: {  	v58 =	vld.idx.msk [tilespmem:v15+s13+$0x0], $0xffff;
	v57 =	vmul.f32 v50, v54;
	v37 =	vadd.f32 $0.0e+00, v60;
	v35 =	vadd.f32 $0.0e+00, v59  }
0x1ae: {  	v24 =	vmul.f32 v51, v24;
	v39 =	vadd.f32 $0.0e+00, v61;
	v4 =	vadd.f32 $0.0e+00, v4  }
0x1af: {  	v31 =	vmul.f32 v31, v33;
	v37 =	vadd.f32 v63, v37;
	v59 =	vadd.f32 v55, v35  }
0x1b0: {  	v26 =	vmul.f32 v26, v34;
	v60 =	vadd.f32 v57, v39;
	v4 =	vadd.f32 v24, v4  }
0x1b1: {  	v22 =	vmul.f32 v22, v40;
	v29 =	vadd.f32 v29, v37;
	v61 =	vadd.f32 v27, v59  }
0x1b2: {  	v62 =	vmul.f32 v58, v56;
	v23 =	vadd.f32 v23, v60;
	v4 =	vadd.f32 v26, v4  }
0x1b3: {  	v63 =	vadd.f32 v31, v29;
	v22 =	vadd.f32 v22, v61  }
0x1b4: {  	v20 =	vadd.f32 v20, v23;
	v4 =	vadd.f32 v62, v4;
	_ =	sdelay $0x1  }
0x1b5: {  	v22 =	vadd.f32 v63, v22;
	v4 =	vadd.f32 v20, v4;
	_ =	sdelay $0x1  }
0x1b6: {  	v4 =	vadd.f32 v4, v22;
	_ =	sdelay $0x1  }
0x1b7: {  	v4 =	vmin.f32 v4, $6.000000000e+01  }
0x1b8: {  	v4 =	vmul.f32 $1.442695020e+00, v4;
	_ =	sdelay $0x1  }
0x1b9: {  	(erf) = vpow2.f32 v4  }
0x1ba: {  	v4 =	vmov s20  }
0x1bb: {  	v4 =	vand.u32 $0x7, v4  }
0x1bc: {  	v4 =	vbroadcast v4, $0x0  }
0x1bd: {  	v14 =	vshll.u32 v14, $0x4  }
0x1be: {  	v22 =	vor.u32 v14, v4;
	_ =	sdelay $0x3  }
0x1bf: {  	v20 =	vpop (erf)  }
0x1c0: {  	[tilespmem:v22+s3+$0x0] =	vst.idx.msk $0xffff, v20  }
0x1c1: {  	v22 =	vld.idx.msk [tilespmem:v28+s14+$0x0], $0xffff;
	_ =	sdelay $0x4  }
0x1c2: {  	v22 =	vmul.f32 v20, v22;
	_ =	sdelay $0x1  }
0x1c3: {  	[tilespmem:v28+s14+$0x0] =	vst.idx.msk $0xffff, v22  }
0x1c4: {  	v22 =	vld.idx.msk [tilespmem:v32+s14+$0x0], $0xffff;
	_ =	sdelay $0x4  }
0x1c5: {  	v22 =	vmul.f32 v20, v22;
	_ =	sdelay $0x1  }
0x1c6: {  	[tilespmem:v32+s14+$0x0] =	vst.idx.msk $0xffff, v22  }
0x1c7: {  	v22 =	vld.idx.msk [tilespmem:v30+s14+$0x0], $0xffff;
	_ =	sdelay $0x4  }
0x1c8: {  	v22 =	vmul.f32 v20, v22;
	_ =	sdelay $0x1  }
0x1c9: {  	[tilespmem:v30+s14+$0x0] =	vst.idx.msk $0xffff, v22  }
0x1ca: {  	v22 =	vld.idx.msk [tilespmem:v36+s14+$0x0], $0xffff;
	_ =	sdelay $0x4  }
0x1cb: {  	v22 =	vmul.f32 v22, v20;
	_ =	sdelay $0x1  }
0x1cc: {  	[tilespmem:v36+s14+$0x0] =	vst.idx.msk $0xffff, v22  }
0x1cd: {  	v22 =	vld.idx.msk [tilespmem:v47+s14+$0x0], $0xffff;
	_ =	sdelay $0x4  }
0x1ce: {  	v22 =	vmul.f32 v22, v20;
	_ =	sdelay $0x1  }
0x1cf: {  	[tilespmem:v47+s14+$0x0] =	vst.idx.msk $0xffff, v22  }
0x1d0: {  	v22 =	vld.idx.msk [tilespmem:v38+s14+$0x0], $0xffff;
	_ =	sdelay $0x4  }
0x1d1: {  	v22 =	vmul.f32 v22, v20;
	_ =	sdelay $0x1  }
0x1d2: {  	[tilespmem:v38+s14+$0x0] =	vst.idx.msk $0xffff, v22  }
0x1d3: {  	v22 =	vld.idx.msk [tilespmem:v45+s14+$0x0], $0xffff;
	_ =	sdelay $0x4  }
0x1d4: {  	v22 =	vmul.f32 v22, v20;
	_ =	sdelay $0x1  }
0x1d5: {  	[tilespmem:v45+s14+$0x0] =	vst.idx.msk $0xffff, v22  }
0x1d6: {  	v22 =	vld.idx.msk [tilespmem:v44+s14+$0x0], $0xffff;
	_ =	sdelay $0x4  }
0x1d7: {  	v22 =	vmul.f32 v22, v20;
	_ =	sdelay $0x1  }
0x1d8: {  	[tilespmem:v44+s14+$0x0] =	vst.idx.msk $0xffff, v22  }
0x1d9: {  	v22 =	vld.idx.msk [tilespmem:v21+s14+$0x0], $0xffff;
	_ =	sdelay $0x4  }
0x1da: {  	v22 =	vmul.f32 v22, v20;
	_ =	sdelay $0x1  }
0x1db: {  	[tilespmem:v21+s14+$0x0] =	vst.idx.msk $0xffff, v22  }
0x1dc: {  	v21 =	vld.idx.msk [tilespmem:v25+s14+$0x0], $0xffff;
	_ =	sdelay $0x4  }
0x1dd: {  	v21 =	vmul.f32 v21, v20;
	_ =	sdelay $0x1  }
0x1de: {  	[tilespmem:v25+s14+$0x0] =	vst.idx.msk $0xffff, v21  }
0x1df: {  	v21 =	vld.idx.msk [tilespmem:v18+s14+$0x0], $0xffff;
	_ =	sdelay $0x4  }
0x1e0: {  	v21 =	vmul.f32 v21, v20;
	_ =	sdelay $0x1  }
0x1e1: {  	[tilespmem:v18+s14+$0x0] =	vst.idx.msk $0xffff, v21  }
0x1e2: {  	v18 =	vld.idx.msk [tilespmem:v17+s14+$0x0], $0xffff;
	_ =	sdelay $0x4  }
0x1e3: {  	v18 =	vmul.f32 v18, v20;
	_ =	sdelay $0x1  }
0x1e4: {  	[tilespmem:v17+s14+$0x0] =	vst.idx.msk $0xffff, v18  }
0x1e5: {  	v17 =	vld.idx.msk [tilespmem:v16+s14+$0x0], $0xffff;
	_ =	sdelay $0x4  }
0x1e6: {  	v17 =	vmul.f32 v17, v20;
	_ =	sdelay $0x1  }
0x1e7: {  	[tilespmem:v16+s14+$0x0] =	vst.idx.msk $0xffff, v17  }
0x1e8: {  	v16 =	vld.idx.msk [tilespmem:v19+s14+$0x0], $0xffff;
	_ =	sdelay $0x4  }
0x1e9: {  	v16 =	vmul.f32 v16, v20;
	_ =	sdelay $0x1  }
0x1ea: {  	[tilespmem:v19+s14+$0x0] =	vst.idx.msk $0xffff, v16  }
0x1eb: {  	v16 =	vld.idx.msk [tilespmem:v15+s14+$0x0], $0xffff  }
0x1ec: {  	s0 =	simm.s32 $0x1F;
	s22 =	sadd.s32 $0x1, s20  }
.LBB2_6:
0x1ed: {  	s10 =	sadd.s32 $0xFFFFFFF9, s0;
	s2 =	sadd.s32 $0xFFFFFFFA, s0;
	s6 =	sadd.s32 $0xFFFFFFFB, s0;
	v17 =	vmov s0  }
0x1ee: {  	p0 =	sne.s32 s0, $0x3F;
	v18 =	vmov s10;
	v19 =	vmov s2;
	v21 =	vmov s6;
	s2 =	smov.u32 s0;
	s0 =	sadd.s32 $0x10, s0  }
0x1ef: {  	v18 =	vshrl.u32 v18, $0x3;
	v19 =	vshrl.u32 v19, $0x3;
	v21 =	vshrl.u32 v21, $0x3  }
0x1f0: {  	s6 =	sadd.s32 $0xFFFFFFFC, s2;
	s10 =	sadd.s32 $0xFFFFFFFF, s2;
	v16 =	vmul.f32 v16, v20;
	v18 =	vshll.u32 v18, v3;
	v19 =	vshll.u32 v19, v3  }
0x1f1: {  	v22 =	vbroadcast v18, $0x0;
	v23 =	vbroadcast v19, $0x0;
	v18 =	vmov s6  }
0x1f2: {  	v19 =	vshll.u32 v21, v3;
	s6 =	sadd.s32 $0xFFFFFFFD, s2;
	v21 =	vmov s10;
	v18 =	vshrl.u32 v18, $0x3;
	[tilespmem:v15+s14+$0x0] =	vst.idx.msk $0xffff, v16  }
0x1f3: {  	v17 =	vshrl.u32 v17, $0x3;
	v16 =	vmov s6;
	v15 =	vshll.u32 v18, v3;
	v24 =	vld.idx.msk [tilespmem:v9+s14+$0x0], $0xffff  }
0x1f4: {  	v17 =	vshll.u32 v17, v3;
	v16 =	vshrl.u32 v16, $0x3;
	v18 =	vshrl.u32 v21, $0x3  }
0x1f5: {  	v17 =	vbroadcast v17, $0x0;
	v16 =	vshll.u32 v16, v3;
	v18 =	vshll.u32 v18, v3  }
0x1f6: {  	v16 =	vbroadcast v16, $0x0;
	v31 =	vbroadcast v18, $0x0  }
0x1f7: {  	v17 =	vadd.s32 v8, v17;
	v15 =	vbroadcast v15, $0x0  }
0x1f8: {  	v19 =	vbroadcast v19, $0x0;
	s6 =	sadd.s32 $0xFFFFFFFE, s2;
	v16 =	vadd.s32 v7, v16  }
0x1f9: {  	v18 =	vadd.s32 v6, v15;
	v15 =	vmov s6;
	v20 =	vmul.f32 v24, v20  }
0x1fa: {  	v15 =	vshrl.u32 v15, $0x3  }
0x1fb: {  	v19 =	vadd.s32 v10, v19;
	v15 =	vshll.u32 v15, v3;
	[tilespmem:v9+s14+$0x0] =	vst.idx.msk $0xffff, v20;
	v9 =	vmov v17  }
0x1fc: {  	s2 =	sadd.s32 $0xFFFFFFF1, s2;
	v21 =	vadd.s32 v5, v22;
	v15 =	vbroadcast v15, $0x0;
	v20 =	vld.idx.msk [tilespmem:v17+s13+$0x0], $0xffff  }
0x1fd: {  	v17 =	vmov s2;
	v32 =	vld.idx.msk [tilespmem:v16+s13+$0x0], $0xffff  }
0x1fe: {  	v22 =	vshrl.u32 v17, $0x3;
	v17 =	vadd.s32 v11, v15;
	v24 =	vld.idx.msk [tilespmem:v18+s13+$0x0], $0xffff  }
0x1ff: {  	v15 =	vshll.u32 v22, v3;
	v25 =	vld.idx.msk [tilespmem:v18+s11+$0x0], $0xffff  }
0x200: {  	v22 =	vadd.s32 v12, v23;
	v15 =	vbroadcast v15, $0x0;
	v33 =	vld.idx.msk [tilespmem:v19+s13+$0x0], $0xffff  }
0x201: {  	v23 =	vld.idx.msk [tilespmem:v21+s13+$0x0], $0xffff  }
0x202: {  	v30 =	vor.u32 v5, v15;
	v29 =	vadd.s32 v12, v15;
	v28 =	vadd.s32 v10, v15;
	v34 =	vld.idx.msk [tilespmem:v21+s11+$0x0], $0xffff  }
0x203: {  	v27 =	vadd.s32 v6, v15;
	v35 =	vld.idx.msk [tilespmem:v17+s13+$0x0], $0xffff  }
0x204: {  	v36 =	vld.idx.msk [tilespmem:v17+s11+$0x0], $0xffff  }
0x205: {  	v38 =	vmul.f32 v24, v25;
	v37 =	vld.idx.msk [tilespmem:v22+s13+$0x0], $0xffff  }
0x206: {  	v39 =	vld.idx.msk [tilespmem:v22+s11+$0x0], $0xffff  }
0x207: {  	v26 =	vadd.s32 v7, v15;
	v24 =	vadd.s32 v11, v15;
	v40 =	vld.idx.msk [tilespmem:v30+s11+$0x0], $0xffff  }
0x208: {  	v34 =	vmul.f32 v23, v34;
	v41 =	vld.idx.msk [tilespmem:v28+s13+$0x0], $0xffff  }
0x209: {  	v42 =	vld.idx.msk [tilespmem:v29+s13+$0x0], $0xffff  }
0x20a: {  	v35 =	vmul.f32 v35, v36;
	v43 =	vld.idx.msk [tilespmem:v30+s13+$0x0], $0xffff  }
0x20b: {  	v36 =	vld.idx.msk [tilespmem:v29+s11+$0x0], $0xffff  }
0x20c: {  	v25 =	vadd.s32 v13, v15;
	v23 =	vadd.s32 v8, v15;
	v37 =	vmul.f32 v37, v39;
	v44 =	vld.idx.msk [tilespmem:v27+s11+$0x0], $0xffff  }
0x20d: {  	v39 =	vld.idx.msk [tilespmem:v24+s13+$0x0], $0xffff  }
0x20e: {  	v15 =	vld.idx.msk [tilespmem:v28+s11+$0x0], $0xffff  }
0x20f: {  	v45 =	vld.idx.msk [tilespmem:v27+s13+$0x0], $0xffff  }
0x210: {  	v40 =	vmul.f32 v43, v40;
	v43 =	vld.idx.msk [tilespmem:v24+s11+$0x0], $0xffff  }
0x211: {  	v36 =	vmul.f32 v42, v36;
	v42 =	vld.idx.msk [tilespmem:v23+s13+$0x0], $0xffff  }
0x212: {  	v46 =	vld.idx.msk [tilespmem:v25+s13+$0x0], $0xffff  }
0x213: {  	v47 =	vld.idx.msk [tilespmem:v26+s11+$0x0], $0xffff  }
0x214: {  	v36 =	vadd.f32 $0.0e+00, v36;
	v41 =	vmul.f32 v41, v15;
	v48 =	vld.idx.msk [tilespmem:v26+s13+$0x0], $0xffff  }
0x215: {  	v40 =	vadd.f32 $0.0e+00, v40;
	v15 =	vadd.s32 v13, v31;
	v44 =	vmul.f32 v45, v44;
	v45 =	vld.idx.msk [tilespmem:v23+s11+$0x0], $0xffff  }
0x216: {  	v31 =	vmul.f32 v39, v43;
	v39 =	vld.idx.msk [tilespmem:v25+s11+$0x0], $0xffff  }
0x217: {  	v41 =	vadd.f32 $0.0e+00, v41;
	v43 =	vadd.f32 $0.0e+00, v44;
	v44 =	vld.idx.msk [tilespmem:v19+s11+$0x0], $0xffff  }
0x218: {  	v31 =	vadd.f32 v31, v36;
	v36 =	vld.idx.msk [tilespmem:v16+s11+$0x0], $0xffff  }
0x219: {  	v49 =	vld.idx.msk [tilespmem:v9+s11+$0x0], $0xffff  }
0x21a: {  	v47 =	vmul.f32 v48, v47;
	v31 =	vadd.f32 v37, v31;
	v37 =	vld.idx.msk [tilespmem:v15+s11+$0x0], $0xffff  }
0x21b: {  	v42 =	vmul.f32 v42, v45;
	v45 =	vld.idx.msk [tilespmem:v15+s13+$0x0], $0xffff  }
0x21c: {  	v40 =	vadd.f32 v47, v40;
	v39 =	vmul.f32 v46, v39;
	v31 =	vadd.f32 v35, v31  }
0x21d: {  	v35 =	vadd.f32 v42, v43;
	v33 =	vmul.f32 v33, v44  }
0x21e: {  	v39 =	vadd.f32 v39, v41;
	v34 =	vadd.f32 v34, v40;
	v32 =	vmul.f32 v32, v36  }
0x21f: {  	v35 =	vadd.f32 v38, v35;
	v20 =	vmul.f32 v20, v49  }
0x220: {  	v33 =	vadd.f32 v33, v39;
	v32 =	vadd.f32 v32, v34  }
0x221: {  	v34 =	vmul.f32 v45, v37;
	v20 =	vadd.f32 v20, v35;
	_ =	sdelay $0x1  }
0x222: {  	v31 =	vadd.f32 v31, v32;
	v33 =	vadd.f32 v34, v33;
	_ =	sdelay $0x1  }
0x223: {  	v20 =	vadd.f32 v20, v33;
	_ =	sdelay $0x1  }
0x224: {  	v20 =	vadd.f32 v20, v31;
	_ =	sdelay $0x1  }
0x225: {  	v20 =	vmin.f32 v20, $6.000000000e+01  }
0x226: {  	v20 =	vmul.f32 $1.442695020e+00, v20;
	_ =	sdelay $0x1  }
0x227: {  	v31 =	vmov s22;
	(erf) = vpow2.f32 v20  }
0x228: {  	v20 =	vand.u32 $0x7, v31  }
0x229: {  	v20 =	vbroadcast v20, $0x0;
	_ =	sdelay $0x1  }
0x22a: {  	v31 =	vor.u32 v14, v20;
	_ =	sdelay $0x4  }
0x22b: {  	v20 =	vpop (erf)  }
0x22c: {  	[tilespmem:v31+s3+$0x0] =	vst.idx.msk $0xffff, v20  }
0x22d: {  	v31 =	vld.idx.msk [tilespmem:v30+s14+$0x0], $0xffff;
	_ =	sdelay $0x5  }
0x22e: {  	v31 =	vmul.f32 v20, v31;
	_ =	sdelay $0x1  }
0x22f: {  	[tilespmem:v30+s14+$0x0] =	vst.idx.msk $0xffff, v31  }
0x230: {  	v30 =	vld.idx.msk [tilespmem:v29+s14+$0x0], $0xffff;
	_ =	sdelay $0x5  }
0x231: {  	v30 =	vmul.f32 v20, v30;
	_ =	sdelay $0x1  }
0x232: {  	[tilespmem:v29+s14+$0x0] =	vst.idx.msk $0xffff, v30  }
0x233: {  	v29 =	vld.idx.msk [tilespmem:v28+s14+$0x0], $0xffff;
	_ =	sdelay $0x5  }
0x234: {  	v29 =	vmul.f32 v20, v29;
	_ =	sdelay $0x1  }
0x235: {  	[tilespmem:v28+s14+$0x0] =	vst.idx.msk $0xffff, v29  }
0x236: {  	v28 =	vld.idx.msk [tilespmem:v27+s14+$0x0], $0xffff;
	_ =	sdelay $0x5  }
0x237: {  	v28 =	vmul.f32 v28, v20;
	_ =	sdelay $0x1  }
0x238: {  	[tilespmem:v27+s14+$0x0] =	vst.idx.msk $0xffff, v28  }
0x239: {  	v27 =	vld.idx.msk [tilespmem:v26+s14+$0x0], $0xffff;
	_ =	sdelay $0x5  }
0x23a: {  	v27 =	vmul.f32 v27, v20;
	_ =	sdelay $0x1  }
0x23b: {  	[tilespmem:v26+s14+$0x0] =	vst.idx.msk $0xffff, v27  }
0x23c: {  	v26 =	vld.idx.msk [tilespmem:v24+s14+$0x0], $0xffff;
	_ =	sdelay $0x5  }
0x23d: {  	v26 =	vmul.f32 v26, v20;
	_ =	sdelay $0x1  }
0x23e: {  	[tilespmem:v24+s14+$0x0] =	vst.idx.msk $0xffff, v26  }
0x23f: {  	v24 =	vld.idx.msk [tilespmem:v25+s14+$0x0], $0xffff;
	_ =	sdelay $0x5  }
0x240: {  	v24 =	vmul.f32 v24, v20;
	_ =	sdelay $0x1  }
0x241: {  	[tilespmem:v25+s14+$0x0] =	vst.idx.msk $0xffff, v24  }
0x242: {  	v24 =	vld.idx.msk [tilespmem:v23+s14+$0x0], $0xffff;
	_ =	sdelay $0x5  }
0x243: {  	v24 =	vmul.f32 v24, v20;
	_ =	sdelay $0x1  }
0x244: {  	[tilespmem:v23+s14+$0x0] =	vst.idx.msk $0xffff, v24  }
0x245: {  	v23 =	vld.idx.msk [tilespmem:v21+s14+$0x0], $0xffff;
	_ =	sdelay $0x5  }
0x246: {  	v23 =	vmul.f32 v23, v20;
	_ =	sdelay $0x1  }
0x247: {  	[tilespmem:v21+s14+$0x0] =	vst.idx.msk $0xffff, v23  }
0x248: {  	v21 =	vld.idx.msk [tilespmem:v22+s14+$0x0], $0xffff;
	_ =	sdelay $0x5  }
0x249: {  	v21 =	vmul.f32 v21, v20;
	_ =	sdelay $0x1  }
0x24a: {  	[tilespmem:v22+s14+$0x0] =	vst.idx.msk $0xffff, v21  }
0x24b: {  	v21 =	vld.idx.msk [tilespmem:v19+s14+$0x0], $0xffff;
	_ =	sdelay $0x5  }
0x24c: {  	v21 =	vmul.f32 v21, v20;
	_ =	sdelay $0x1  }
0x24d: {  	[tilespmem:v19+s14+$0x0] =	vst.idx.msk $0xffff, v21  }
0x24e: {  	v19 =	vld.idx.msk [tilespmem:v18+s14+$0x0], $0xffff;
	_ =	sdelay $0x5  }
0x24f: {  	v19 =	vmul.f32 v19, v20;
	_ =	sdelay $0x1  }
0x250: {  	[tilespmem:v18+s14+$0x0] =	vst.idx.msk $0xffff, v19  }
0x251: {  	v18 =	vld.idx.msk [tilespmem:v16+s14+$0x0], $0xffff;
	_ =	sdelay $0x5  }
0x252: {  	v18 =	vmul.f32 v18, v20;
	_ =	sdelay $0x1  }
0x253: {  	[tilespmem:v16+s14+$0x0] =	vst.idx.msk $0xffff, v18  }
0x254: {  	v16 =	vld.idx.msk [tilespmem:v17+s14+$0x0], $0xffff;
	_ =	sdelay $0x5  }
0x255: {  	v16 =	vmul.f32 v16, v20  }
.Ltmp1:
0x256: {  	(pc) =	sbr.rel @p0 .LBB2_6-.Ltmp1, $3  }
0x257: {  	[tilespmem:v17+s14+$0x0] =	vst.idx.msk $0xffff, v16  }
0x258: {  	v16 =	vld.idx.msk [tilespmem:v15+s14+$0x0], $0xffff;
	_ =	sdelay $0x1  }
0x259: {  	s22 =	sadd.s32 $0x1, s22  }
0x25a: {  	_ =	sdelay $0x1  }
0x25b: {  	v5 =	vmul.f32 v16, v20;
	_ =	sdelay $0x1  }
0x25c: {  	[tilespmem:v15+s14+$0x0] =	vst.idx.msk $0xffff, v5  }
0x25d: {  	v5 =	vld.idx.msk [tilespmem:v9+s14+$0x0], $0xffff  }
0x25e: {  	s31 =	sadd.s32 $0x1, s31  }
0x25f: {  	p0 =	sne.s32 s31, $0x5  }
.Ltmp2:
0x260: {  	_ = 	snop;
	(pc) =	sbr.rel @p0 .LBB2_5-.Ltmp2, $3  }
0x261: {  	_ = 	snop  }
0x262: {  	v5 =	vmul.f32 v5, v20;
	_ =	sdelay $0x1  }
0x263: {  	[tilespmem:v9+s14+$0x0] =	vst.idx.msk $0xffff, v5  }
0x264: {  	s0 =	rddreg [dreg:$0x2];
	s2 =	simm.s32 $0x140  }
0x265: {  	[spmem:s0] =	stream.indirect.scatter.add.f32 [tilespmem:s14], [sflag:$0x1], $0x40, s2, s30, $0xb8;
	[tilespmem:$0x14D70] =	vst v63  }
0x266: {  	s10 =	rddreg [dreg:$0x3]  }
0x267: {  	[spmem:s10] =	stream.indirect.scatter.add.f32 [tilespmem:s3], [sflag:$0x2], $0x10, s2, s30, $0xb8;
	[tilespmem:$0x14D70] =	vst v63  }
0x268: {  	_ =	swait.ge [sflag:s15], $0x1400  }
0x269: {  	[sflag:s15] =	ssyncset.done $0x0  }
0x26a: {  	[sflag:s15] =	ssyncadd.s32 $0xFFFFEC00  }
0x26b: {  	_ =	swait.ge [sflag:s16], $0x500  }
0x26c: {  	[sflag:s16] =	ssyncset.done $0x0  }
0x26d: {  	s22 =	simm.s32 $0x7;
	[sflag:s16] =	ssyncadd.s32 $0xFFFFFB00  }
0x26e: {  	_ =	swait.ge [sflag:s22], $0x50  }
0x26f: {  	[sflag:s22] =	ssyncset.done $0x0  }
0x270: {  	s2 =	simm.s32 $0x8;
	[sflag:s22] =	ssyncadd.s32 $0xFFFFFFB0  }
0x271: {  	_ =	swait.ge [sflag:s2], $0x50  }
0x272: {  	[sflag:s2] =	ssyncset.done $0x0  }
0x273: {  	[sflag:s2] =	ssyncadd.s32 $0xFFFFFFB0  }
0x274: {  	v5 =	vld [tilespmem:$0x0]  }
0x275: {  	v7 =	vld [tilespmem:$0x50]  }
0x276: {  	v6 =	vld [tilespmem:$0x50]  }
0x277: {  	v8 =	vld [tilespmem:$0x10]  }
0x278: {  	v10 =	vld [tilespmem:$0x60]  }
0x279: {  	v59 =	vld [tilespmem:$0x70]  }
0x27a: {  	v9 =	vld [tilespmem:$0x60];
	v5 =	vadd.s32 v0, v5;
	[tilespmem:$0x140] =	vst v7  }
0x27b: {  	[tilespmem:$0xA0] =	vst v5;
	v5 =	vadd.s32 v0, v6;
	v6 =	vld [tilespmem:$0x20]  }
0x27c: {  	[tilespmem:$0xF0] =	vst v5;
	v5 =	vld [tilespmem:$0x70]  }
0x27d: {  	v60 =	vld [tilespmem:$0x30];
	[tilespmem:$0x150] =	vst v10  }
0x27e: {  	v61 =	vld [tilespmem:$0x80];
	v7 =	vadd.s32 v0, v8;
	[tilespmem:$0x160] =	vst v59  }
0x27f: {  	v63 =	vld [tilespmem:$0x90];
	[tilespmem:$0xB0] =	vst v7;
	v7 =	vadd.s32 v0, v9  }
0x280: {  	[tilespmem:$0x100] =	vst v7;
	v7 =	vld [tilespmem:$0x80];
	v6 =	vadd.s32 v0, v6  }
0x281: {  	[tilespmem:$0xC0] =	vst v6;
	v5 =	vadd.s32 v0, v5;
	v6 =	vld [tilespmem:$0x40]  }
0x282: {  	[tilespmem:$0x110] =	vst v5;
	v5 =	vld [tilespmem:$0x90]  }
0x283: {  	[tilespmem:$0x170] =	vst v61  }
0x284: {  	v62 =	vadd.s32 v0, v60;
	[tilespmem:$0x180] =	vst v63  }
0x285: {  	[tilespmem:$0xD0] =	vst v62;
	v7 =	vadd.s32 v0, v7  }
0x286: {  	[tilespmem:$0x120] =	vst v7;
	v6 =	vadd.s32 v0, v6  }
0x287: {  	[tilespmem:$0xE0] =	vst v6;
	v5 =	vadd.s32 v0, v5  }
0x288: {  	s6 =	simm.s32 $0xF0;
	[tilespmem:$0x130] =	vst v5  }
0x289: {  	[tilespmem:s11], [sflag:$0x1] =	stream.indirect.gather [hbm4b:s7+s30], $0x40, s6, s30, $0xb8;
	[tilespmem:$0x14D70] =	vst v63  }
0x28a: {  	s31 =	smov.u32 s7;
	s6 =	rddreg [dreg:$0x10]  }
0x28b: {  	s10 =	simm.s32 $0xA0;
	s7 =	rddreg [dreg:$0x5];
	s0 =	sadd.s32 s24, s6  }
0x28c: {  	[tilespmem:s13], [sflag:$0x2] =	stream.indirect.gather [hbm4b:s7+s30], $0x40, s10, s30, $0xb8;
	[tilespmem:$0x14D70] =	vst v63  }
0x28d: {  	p0 =	slt.s32 s0, $0x4E1B0  }
0x28e: {  	s22 =	rddreg [dreg:$0x6];
	s0 =	simm.s32 @!p0 $0x4E1B0  }
0x28f: {  	[tilespmem:s14], [sflag:$0x3] =	stream.indirect.gather [hbm4b:s22+s30], $0x40, s10, s30, $0xb8;
	[tilespmem:$0x14D70] =	vst v63  }
0x290: {  	s0 =	sshrl.u32 s0, $0x3  }
0x291: {  	s24 =	simm.s32 $0x0;
	s6 =	simm.s32 $0x190;
	s7 =	sadd.s32 s8, s0  }
0x292: {  	[tilespmem:s6], [sflag:$0x9] =	stream.linear.gather [hbm4b:s7+s24], $0x50, $0x38;
	[tilespmem:$0x14D70] =	vst v63  }
0x293: {  	s10 =	simm.s32 $0x1E0;
	s0 =	sadd.s32 s9, s0  }
0x294: {  	[tilespmem:s10], [sflag:$0xA] =	stream.linear.gather [hbm4b:s0+s24], $0x50, $0x38;
	[tilespmem:$0x14D70] =	vst v63  }
0x295: {  	_ =	swait.ge [sflag:s18], $0x1400  }
0x296: {  	[sflag:s18] =	ssyncset.done $0x0  }
0x297: {  	[sflag:s18] =	ssyncadd.s32 $0xFFFFEC00  }
0x298: {  	_ =	swait.ge [sflag:s21], $0x1400  }
0x299: {  	[sflag:s21] =	ssyncset.done $0x0  }
0x29a: {  	s22 =	simm.s32 $0x6;
	[sflag:s21] =	ssyncadd.s32 $0xFFFFEC00  }
0x29b: {  	_ =	swait.ge [sflag:s22], $0x1400  }
0x29c: {  	[sflag:s22] =	ssyncset.done $0x0  }
0x29d: {  	[sflag:s22] =	ssyncadd.s32 $0xFFFFEC00  }
.LBB2_9:
0x29e: {  	s0 =	sshll.u32 s24, $0x4  }
0x29f: {  	s7 =	simm.s32 $0xF;
	s2 =	simm.s32 $0x8;
	s6 =	simm.s32 $0xA;
	v14 =	vor.u32 s0, v2  }
0x2a0: {  	s10 =	simm.s32 $0xC;
	s22 =	simm.s32 $0xB;
	v9 =	vmov s7;
	v10 =	vmov s2;
	v11 =	vmov s6  }
0x2a1: {  	v12 =	vmov s10;
	v13 =	vmov s22;
	v5 =	vshll.u32 v14, $0x6  }
0x2a2: {  	v9 =	vshrl.u32 v9, $0x3;
	v12 =	vshrl.u32 v12, $0x3;
	v13 =	vshrl.u32 v13, $0x3  }
0x2a3: {  	v10 =	vshrl.u32 v10, $0x3;
	v11 =	vshrl.u32 v11, $0x3;
	v9 =	vshll.u32 v9, v3  }
0x2a4: {  	v6 =	vor.u32 $0x3, v5;
	v12 =	vshll.u32 v12, v3;
	v9 =	vbroadcast v9, $0x0  }
0x2a5: {  	v8 =	vor.u32 $0x7, v5;
	v13 =	vshll.u32 v13, v3;
	v12 =	vbroadcast v12, $0x0  }
0x2a6: {  	v7 =	vor.u32 $0x4, v5;
	v13 =	vbroadcast v13, $0x0;
	v9 =	vadd.s32 v8, v9  }
0x2a7: {  	v15 =	vshll.u32 v10, v3;
	v10 =	vshll.u32 v11, v3;
	v16 =	vadd.s32 v7, v12  }
0x2a8: {  	s6 =	simm.s32 $0xD;
	v11 =	vbroadcast v10, $0x0;
	v17 =	vadd.s32 v6, v13  }
0x2a9: {  	v10 =	vor.u32 $0x2, v5;
	v12 =	vmov s6  }
0x2aa: {  	s7 =	simm.s32 $0x9;
	v13 =	vbroadcast v15, $0x0;
	v18 =	vadd.s32 v10, v11;
	v12 =	vshrl.u32 v12, $0x3  }
0x2ab: {  	v15 =	vmov s7;
	v11 =	vshll.u32 v12, v3;
	v20 =	vld.idx.msk [tilespmem:v9+s19+$0x0], $0xffff  }
0x2ac: {  	s10 =	simm.s32 $0x0;
	v12 =	vshrl.u32 v15, $0x3;
	v21 =	vadd.s32 v5, v13;
	v13 =	vbroadcast v11, $0x0;
	v22 =	vld.idx.msk [tilespmem:v16+s19+$0x0], $0xffff  }
0x2ad: {  	v15 =	vmov s10;
	v11 =	vor.u32 $0x5, v5;
	v12 =	vshll.u32 v12, v3;
	v24 =	vld.idx.msk [tilespmem:v17+s19+$0x0], $0xffff  }
0x2ae: {  	v15 =	vshrl.u32 v15, $0x3;
	v23 =	vbroadcast v12, $0x0;
	v19 =	vadd.s32 v11, v13;
	v25 =	vld.idx.msk [tilespmem:v17+s25+$0x0], $0xffff  }
0x2af: {  	v12 =	vor.u32 $0x1, v5;
	v13 =	vshll.u32 v15, v3;
	v26 =	vld.idx.msk [tilespmem:v18+s19+$0x0], $0xffff  }
0x2b0: {  	v62 =	vld.idx.msk [tilespmem:v9+s25+$0x0], $0xffff;
	v15 =	vbroadcast v13, $0x0;
	v23 =	vadd.s32 v12, v23  }
0x2b1: {  	v27 =	vld.idx.msk [tilespmem:v21+s19+$0x0], $0xffff  }
0x2b2: {  	v29 =	vld.idx.msk [tilespmem:v21+s25+$0x0], $0xffff;
	v28 =	vor.u32 v5, v15  }
0x2b3: {  	v30 =	vadd.s32 v10, v15;
	v31 =	vld.idx.msk [tilespmem:v19+s19+$0x0], $0xffff  }
0x2b4: {  	v32 =	vadd.s32 v12, v15;
	v33 =	vld.idx.msk [tilespmem:v19+s25+$0x0], $0xffff  }
0x2b5: {  	v34 =	vld.idx.msk [tilespmem:v23+s19+$0x0], $0xffff  }
0x2b6: {  	v35 =	vld.idx.msk [tilespmem:v23+s25+$0x0], $0xffff  }
0x2b7: {  	v36 =	vadd.s32 v6, v15;
	v37 =	vld.idx.msk [tilespmem:v28+s25+$0x0], $0xffff  }
0x2b8: {  	v38 =	vadd.s32 v11, v15;
	v39 =	vld.idx.msk [tilespmem:v30+s19+$0x0], $0xffff  }
0x2b9: {  	v40 =	vld.idx.msk [tilespmem:v32+s19+$0x0], $0xffff  }
0x2ba: {  	v41 =	vld.idx.msk [tilespmem:v28+s19+$0x0], $0xffff  }
0x2bb: {  	v42 =	vld.idx.msk [tilespmem:v32+s25+$0x0], $0xffff  }
0x2bc: {  	v13 =	vor.u32 $0x6, v5;
	v44 =	vadd.s32 v8, v15;
	v43 =	vld.idx.msk [tilespmem:v36+s25+$0x0], $0xffff  }
0x2bd: {  	v45 =	vadd.s32 v13, v15;
	v46 =	vld.idx.msk [tilespmem:v38+s19+$0x0], $0xffff  }
0x2be: {  	s22 =	simm.s32 $0xE;
	v47 =	vadd.s32 v7, v15;
	v48 =	vld.idx.msk [tilespmem:v30+s25+$0x0], $0xffff  }
0x2bf: {  	v15 =	vmov s22;
	v49 =	vld.idx.msk [tilespmem:v36+s19+$0x0], $0xffff  }
0x2c0: {  	v15 =	vshrl.u32 v15, $0x3;
	v50 =	vld.idx.msk [tilespmem:v38+s25+$0x0], $0xffff  }
0x2c1: {  	v15 =	vshll.u32 v15, v3;
	v51 =	vld.idx.msk [tilespmem:v44+s19+$0x0], $0xffff  }
0x2c2: {  	v15 =	vbroadcast v15, $0x0;
	v52 =	vld.idx.msk [tilespmem:v45+s19+$0x0], $0xffff  }
0x2c3: {  	v53 =	vld.idx.msk [tilespmem:v47+s25+$0x0], $0xffff  }
0x2c4: {  	v54 =	vld.idx.msk [tilespmem:v47+s19+$0x0], $0xffff;
	v15 =	vadd.s32 v13, v15  }
0x2c5: {  	v24 =	vmul.f32 v24, v25;
	v20 =	vmul.f32 v20, v62;
	v55 =	vld.idx.msk [tilespmem:v44+s25+$0x0], $0xffff  }
0x2c6: {  	v27 =	vmul.f32 v27, v29;
	v25 =	vld.idx.msk [tilespmem:v45+s25+$0x0], $0xffff;
	v29 =	vmul.f32 v34, v35  }
0x2c7: {  	v34 =	vld.idx.msk [tilespmem:v18+s25+$0x0], $0xffff;
	v59 =	vmul.f32 v41, v37;
	v60 =	vmul.f32 v40, v42  }
0x2c8: {  	v40 =	vld.idx.msk [tilespmem:v16+s25+$0x0], $0xffff;
	v39 =	vmul.f32 v39, v48;
	v61 =	vmul.f32 v49, v43  }
0x2c9: {  	v63 =	vmul.f32 v46, v50;
	v56 =	vmul.f32 v54, v53;
	v57 =	vld.idx.msk [tilespmem:v15+s25+$0x0], $0xffff  }
0x2ca: {  	v58 =	vmul.f32 v51, v55;
	v37 =	vadd.f32 $0.0e+00, v60;
	v35 =	vadd.f32 $0.0e+00, v59;
	v59 =	vld.idx.msk [tilespmem:v15+s19+$0x0], $0xffff  }
0x2cb: {  	v25 =	vmul.f32 v52, v25;
	v41 =	vadd.f32 $0.0e+00, v61;
	v39 =	vadd.f32 $0.0e+00, v39  }
0x2cc: {  	v31 =	vmul.f32 v31, v33;
	v37 =	vadd.f32 v63, v37;
	v60 =	vadd.f32 v56, v35  }
0x2cd: {  	v26 =	vmul.f32 v26, v34;
	v61 =	vadd.f32 v58, v41;
	v25 =	vadd.f32 v25, v39  }
0x2ce: {  	v22 =	vmul.f32 v22, v40;
	v29 =	vadd.f32 v29, v37;
	v27 =	vadd.f32 v27, v60  }
0x2cf: {  	v24 =	vadd.f32 v24, v61;
	v25 =	vadd.f32 v26, v25;
	v62 =	vmul.f32 v59, v57  }
0x2d0: {  	v29 =	vadd.f32 v31, v29;
	v22 =	vadd.f32 v22, v27  }
0x2d1: {  	v20 =	vadd.f32 v20, v24;
	v63 =	vadd.f32 v62, v25;
	_ =	sdelay $0x1  }
0x2d2: {  	v22 =	vadd.f32 v29, v22;
	v20 =	vadd.f32 v20, v63;
	_ =	sdelay $0x1  }
0x2d3: {  	v20 =	vadd.f32 v20, v22;
	_ =	sdelay $0x1  }
0x2d4: {  	v20 =	vmin.f32 v20, $6.000000000e+01  }
0x2d5: {  	v20 =	vmul.f32 $1.442695020e+00, v20;
	_ =	sdelay $0x1  }
0x2d6: {  	(erf) = vpow2.f32 v20;
	_ =	sdelay $0x3  }
0x2d7: {  	v14 =	vshll.u32 v14, $0x4  }
0x2d8: {  	v22 =	vor.u32 v14, v4;
	_ =	sdelay $0x3  }
0x2d9: {  	v20 =	vpop (erf)  }
0x2da: {  	[tilespmem:v22+s1+$0x0] =	vst.idx.msk $0xffff, v20  }
0x2db: {  	v22 =	vld.idx.msk [tilespmem:v28+s5+$0x0], $0xffff;
	_ =	sdelay $0x4  }
0x2dc: {  	v22 =	vmul.f32 v20, v22;
	_ =	sdelay $0x1  }
0x2dd: {  	[tilespmem:v28+s5+$0x0] =	vst.idx.msk $0xffff, v22  }
0x2de: {  	v22 =	vld.idx.msk [tilespmem:v32+s5+$0x0], $0xffff;
	_ =	sdelay $0x4  }
0x2df: {  	v22 =	vmul.f32 v20, v22;
	_ =	sdelay $0x1  }
0x2e0: {  	[tilespmem:v32+s5+$0x0] =	vst.idx.msk $0xffff, v22  }
0x2e1: {  	v22 =	vld.idx.msk [tilespmem:v30+s5+$0x0], $0xffff;
	_ =	sdelay $0x4  }
0x2e2: {  	v22 =	vmul.f32 v20, v22;
	_ =	sdelay $0x1  }
0x2e3: {  	[tilespmem:v30+s5+$0x0] =	vst.idx.msk $0xffff, v22  }
0x2e4: {  	v22 =	vld.idx.msk [tilespmem:v36+s5+$0x0], $0xffff;
	_ =	sdelay $0x4  }
0x2e5: {  	v22 =	vmul.f32 v22, v20;
	_ =	sdelay $0x1  }
0x2e6: {  	[tilespmem:v36+s5+$0x0] =	vst.idx.msk $0xffff, v22  }
0x2e7: {  	v22 =	vld.idx.msk [tilespmem:v47+s5+$0x0], $0xffff;
	_ =	sdelay $0x4  }
0x2e8: {  	v22 =	vmul.f32 v22, v20;
	_ =	sdelay $0x1  }
0x2e9: {  	[tilespmem:v47+s5+$0x0] =	vst.idx.msk $0xffff, v22  }
0x2ea: {  	v22 =	vld.idx.msk [tilespmem:v38+s5+$0x0], $0xffff;
	_ =	sdelay $0x4  }
0x2eb: {  	v22 =	vmul.f32 v22, v20;
	_ =	sdelay $0x1  }
0x2ec: {  	[tilespmem:v38+s5+$0x0] =	vst.idx.msk $0xffff, v22  }
0x2ed: {  	v22 =	vld.idx.msk [tilespmem:v45+s5+$0x0], $0xffff;
	_ =	sdelay $0x4  }
0x2ee: {  	v22 =	vmul.f32 v22, v20;
	_ =	sdelay $0x1  }
0x2ef: {  	[tilespmem:v45+s5+$0x0] =	vst.idx.msk $0xffff, v22  }
0x2f0: {  	v22 =	vld.idx.msk [tilespmem:v44+s5+$0x0], $0xffff;
	_ =	sdelay $0x4  }
0x2f1: {  	v22 =	vmul.f32 v22, v20;
	_ =	sdelay $0x1  }
0x2f2: {  	[tilespmem:v44+s5+$0x0] =	vst.idx.msk $0xffff, v22  }
0x2f3: {  	v22 =	vld.idx.msk [tilespmem:v21+s5+$0x0], $0xffff;
	_ =	sdelay $0x4  }
0x2f4: {  	v22 =	vmul.f32 v22, v20;
	_ =	sdelay $0x1  }
0x2f5: {  	[tilespmem:v21+s5+$0x0] =	vst.idx.msk $0xffff, v22  }
0x2f6: {  	v21 =	vld.idx.msk [tilespmem:v23+s5+$0x0], $0xffff;
	_ =	sdelay $0x4  }
0x2f7: {  	v21 =	vmul.f32 v21, v20;
	_ =	sdelay $0x1  }
0x2f8: {  	[tilespmem:v23+s5+$0x0] =	vst.idx.msk $0xffff, v21  }
0x2f9: {  	v21 =	vld.idx.msk [tilespmem:v18+s5+$0x0], $0xffff;
	_ =	sdelay $0x4  }
0x2fa: {  	v21 =	vmul.f32 v21, v20;
	_ =	sdelay $0x1  }
0x2fb: {  	[tilespmem:v18+s5+$0x0] =	vst.idx.msk $0xffff, v21  }
0x2fc: {  	v18 =	vld.idx.msk [tilespmem:v17+s5+$0x0], $0xffff;
	_ =	sdelay $0x4  }
0x2fd: {  	v18 =	vmul.f32 v18, v20;
	_ =	sdelay $0x1  }
0x2fe: {  	[tilespmem:v17+s5+$0x0] =	vst.idx.msk $0xffff, v18  }
0x2ff: {  	v17 =	vld.idx.msk [tilespmem:v16+s5+$0x0], $0xffff;
	_ =	sdelay $0x4  }
0x300: {  	v17 =	vmul.f32 v17, v20;
	_ =	sdelay $0x1  }
0x301: {  	[tilespmem:v16+s5+$0x0] =	vst.idx.msk $0xffff, v17  }
0x302: {  	v16 =	vld.idx.msk [tilespmem:v19+s5+$0x0], $0xffff;
	_ =	sdelay $0x4  }
0x303: {  	v16 =	vmul.f32 v16, v20;
	_ =	sdelay $0x1  }
0x304: {  	[tilespmem:v19+s5+$0x0] =	vst.idx.msk $0xffff, v16  }
0x305: {  	v16 =	vld.idx.msk [tilespmem:v15+s5+$0x0], $0xffff  }
0x306: {  	s0 =	simm.s32 $0x1F;
	s22 =	sadd.s32 $0x1, s20  }
.LBB2_10:
0x307: {  	s2 =	sadd.s32 $0xFFFFFFF9, s0;
	s6 =	sadd.s32 $0xFFFFFFFA, s0;
	s10 =	sadd.s32 $0xFFFFFFFB, s0;
	v17 =	vmov s0  }
0x308: {  	p0 =	sne.s32 s0, $0x3F;
	v18 =	vmov s2;
	v19 =	vmov s6;
	v21 =	vmov s10;
	s2 =	smov.u32 s0;
	s0 =	sadd.s32 $0x10, s0  }
0x309: {  	v18 =	vshrl.u32 v18, $0x3;
	v19 =	vshrl.u32 v19, $0x3;
	v21 =	vshrl.u32 v21, $0x3  }
0x30a: {  	s6 =	sadd.s32 $0xFFFFFFFC, s2;
	s10 =	sadd.s32 $0xFFFFFFFF, s2;
	v16 =	vmul.f32 v16, v20;
	v18 =	vshll.u32 v18, v3;
	v19 =	vshll.u32 v19, v3  }
0x30b: {  	v22 =	vbroadcast v18, $0x0;
	v23 =	vbroadcast v19, $0x0;
	v18 =	vmov s6  }
0x30c: {  	v19 =	vshll.u32 v21, v3;
	s6 =	sadd.s32 $0xFFFFFFFD, s2;
	v21 =	vmov s10;
	v18 =	vshrl.u32 v18, $0x3;
	[tilespmem:v15+s5+$0x0] =	vst.idx.msk $0xffff, v16  }
0x30d: {  	v17 =	vshrl.u32 v17, $0x3;
	v16 =	vmov s6;
	v15 =	vshll.u32 v18, v3;
	v24 =	vld.idx.msk [tilespmem:v9+s5+$0x0], $0xffff  }
0x30e: {  	v17 =	vshll.u32 v17, v3;
	v16 =	vshrl.u32 v16, $0x3;
	v18 =	vshrl.u32 v21, $0x3  }
0x30f: {  	v17 =	vbroadcast v17, $0x0;
	v16 =	vshll.u32 v16, v3;
	v18 =	vshll.u32 v18, v3  }
0x310: {  	v16 =	vbroadcast v16, $0x0;
	v31 =	vbroadcast v18, $0x0  }
0x311: {  	v17 =	vadd.s32 v8, v17;
	v15 =	vbroadcast v15, $0x0  }
0x312: {  	v19 =	vbroadcast v19, $0x0;
	s6 =	sadd.s32 $0xFFFFFFFE, s2;
	v16 =	vadd.s32 v7, v16  }
0x313: {  	v18 =	vadd.s32 v6, v15;
	v15 =	vmov s6;
	v20 =	vmul.f32 v24, v20  }
0x314: {  	v15 =	vshrl.u32 v15, $0x3  }
0x315: {  	v19 =	vadd.s32 v10, v19;
	v15 =	vshll.u32 v15, v3;
	[tilespmem:v9+s5+$0x0] =	vst.idx.msk $0xffff, v20;
	v9 =	vmov v17  }
0x316: {  	s2 =	sadd.s32 $0xFFFFFFF1, s2;
	v21 =	vadd.s32 v5, v22;
	v15 =	vbroadcast v15, $0x0;
	v20 =	vld.idx.msk [tilespmem:v17+s19+$0x0], $0xffff  }
0x317: {  	v17 =	vmov s2;
	v32 =	vld.idx.msk [tilespmem:v16+s19+$0x0], $0xffff  }
0x318: {  	v22 =	vshrl.u32 v17, $0x3;
	v17 =	vadd.s32 v11, v15;
	v24 =	vld.idx.msk [tilespmem:v18+s19+$0x0], $0xffff  }
0x319: {  	v15 =	vshll.u32 v22, v3;
	v25 =	vld.idx.msk [tilespmem:v18+s25+$0x0], $0xffff  }
0x31a: {  	v22 =	vadd.s32 v12, v23;
	v15 =	vbroadcast v15, $0x0;
	v33 =	vld.idx.msk [tilespmem:v19+s19+$0x0], $0xffff  }
0x31b: {  	v23 =	vld.idx.msk [tilespmem:v21+s19+$0x0], $0xffff  }
0x31c: {  	v30 =	vor.u32 v5, v15;
	v29 =	vadd.s32 v12, v15;
	v28 =	vadd.s32 v10, v15;
	v34 =	vld.idx.msk [tilespmem:v21+s25+$0x0], $0xffff  }
0x31d: {  	v27 =	vadd.s32 v6, v15;
	v35 =	vld.idx.msk [tilespmem:v17+s19+$0x0], $0xffff  }
0x31e: {  	v36 =	vld.idx.msk [tilespmem:v17+s25+$0x0], $0xffff  }
0x31f: {  	v38 =	vmul.f32 v24, v25;
	v37 =	vld.idx.msk [tilespmem:v22+s19+$0x0], $0xffff  }
0x320: {  	v39 =	vld.idx.msk [tilespmem:v22+s25+$0x0], $0xffff  }
0x321: {  	v26 =	vadd.s32 v7, v15;
	v24 =	vadd.s32 v11, v15;
	v40 =	vld.idx.msk [tilespmem:v30+s25+$0x0], $0xffff  }
0x322: {  	v34 =	vmul.f32 v23, v34;
	v41 =	vld.idx.msk [tilespmem:v28+s19+$0x0], $0xffff  }
0x323: {  	v42 =	vld.idx.msk [tilespmem:v29+s19+$0x0], $0xffff  }
0x324: {  	v35 =	vmul.f32 v35, v36;
	v43 =	vld.idx.msk [tilespmem:v30+s19+$0x0], $0xffff  }
0x325: {  	v36 =	vld.idx.msk [tilespmem:v29+s25+$0x0], $0xffff  }
0x326: {  	v25 =	vadd.s32 v13, v15;
	v23 =	vadd.s32 v8, v15;
	v37 =	vmul.f32 v37, v39;
	v44 =	vld.idx.msk [tilespmem:v27+s25+$0x0], $0xffff  }
0x327: {  	v39 =	vld.idx.msk [tilespmem:v24+s19+$0x0], $0xffff  }
0x328: {  	v15 =	vld.idx.msk [tilespmem:v28+s25+$0x0], $0xffff  }
0x329: {  	v45 =	vld.idx.msk [tilespmem:v27+s19+$0x0], $0xffff  }
0x32a: {  	v40 =	vmul.f32 v43, v40;
	v43 =	vld.idx.msk [tilespmem:v24+s25+$0x0], $0xffff  }
0x32b: {  	v36 =	vmul.f32 v42, v36;
	v42 =	vld.idx.msk [tilespmem:v23+s19+$0x0], $0xffff  }
0x32c: {  	v46 =	vld.idx.msk [tilespmem:v25+s19+$0x0], $0xffff  }
0x32d: {  	v47 =	vld.idx.msk [tilespmem:v26+s25+$0x0], $0xffff  }
0x32e: {  	v36 =	vadd.f32 $0.0e+00, v36;
	v41 =	vmul.f32 v41, v15;
	v48 =	vld.idx.msk [tilespmem:v26+s19+$0x0], $0xffff  }
0x32f: {  	v40 =	vadd.f32 $0.0e+00, v40;
	v15 =	vadd.s32 v13, v31;
	v44 =	vmul.f32 v45, v44;
	v45 =	vld.idx.msk [tilespmem:v23+s25+$0x0], $0xffff  }
0x330: {  	v31 =	vmul.f32 v39, v43;
	v39 =	vld.idx.msk [tilespmem:v25+s25+$0x0], $0xffff  }
0x331: {  	v41 =	vadd.f32 $0.0e+00, v41;
	v43 =	vadd.f32 $0.0e+00, v44;
	v44 =	vld.idx.msk [tilespmem:v19+s25+$0x0], $0xffff  }
0x332: {  	v31 =	vadd.f32 v31, v36;
	v36 =	vld.idx.msk [tilespmem:v16+s25+$0x0], $0xffff  }
0x333: {  	v49 =	vld.idx.msk [tilespmem:v9+s25+$0x0], $0xffff  }
0x334: {  	v47 =	vmul.f32 v48, v47;
	v31 =	vadd.f32 v37, v31;
	v37 =	vld.idx.msk [tilespmem:v15+s25+$0x0], $0xffff  }
0x335: {  	v42 =	vmul.f32 v42, v45;
	v45 =	vld.idx.msk [tilespmem:v15+s19+$0x0], $0xffff  }
0x336: {  	v40 =	vadd.f32 v47, v40;
	v39 =	vmul.f32 v46, v39;
	v31 =	vadd.f32 v35, v31  }
0x337: {  	v35 =	vadd.f32 v42, v43;
	v33 =	vmul.f32 v33, v44  }
0x338: {  	v39 =	vadd.f32 v39, v41;
	v34 =	vadd.f32 v34, v40;
	v32 =	vmul.f32 v32, v36  }
0x339: {  	v35 =	vadd.f32 v38, v35;
	v20 =	vmul.f32 v20, v49  }
0x33a: {  	v33 =	vadd.f32 v33, v39;
	v32 =	vadd.f32 v32, v34  }
0x33b: {  	v34 =	vmul.f32 v45, v37;
	v20 =	vadd.f32 v20, v35;
	_ =	sdelay $0x1  }
0x33c: {  	v31 =	vadd.f32 v31, v32;
	v33 =	vadd.f32 v34, v33;
	_ =	sdelay $0x1  }
0x33d: {  	v20 =	vadd.f32 v20, v33;
	_ =	sdelay $0x1  }
0x33e: {  	v20 =	vadd.f32 v20, v31;
	_ =	sdelay $0x1  }
0x33f: {  	v20 =	vmin.f32 v20, $6.000000000e+01  }
0x340: {  	v20 =	vmul.f32 $1.442695020e+00, v20;
	_ =	sdelay $0x1  }
0x341: {  	v31 =	vmov s22;
	(erf) = vpow2.f32 v20  }
0x342: {  	v20 =	vand.u32 $0x7, v31  }
0x343: {  	v20 =	vbroadcast v20, $0x0;
	_ =	sdelay $0x1  }
0x344: {  	v31 =	vor.u32 v14, v20;
	_ =	sdelay $0x4  }
0x345: {  	v20 =	vpop (erf)  }
0x346: {  	[tilespmem:v31+s1+$0x0] =	vst.idx.msk $0xffff, v20  }
0x347: {  	v31 =	vld.idx.msk [tilespmem:v30+s5+$0x0], $0xffff;
	_ =	sdelay $0x5  }
0x348: {  	v31 =	vmul.f32 v20, v31;
	_ =	sdelay $0x1  }
0x349: {  	[tilespmem:v30+s5+$0x0] =	vst.idx.msk $0xffff, v31  }
0x34a: {  	v30 =	vld.idx.msk [tilespmem:v29+s5+$0x0], $0xffff;
	_ =	sdelay $0x5  }
0x34b: {  	v30 =	vmul.f32 v20, v30;
	_ =	sdelay $0x1  }
0x34c: {  	[tilespmem:v29+s5+$0x0] =	vst.idx.msk $0xffff, v30  }
0x34d: {  	v29 =	vld.idx.msk [tilespmem:v28+s5+$0x0], $0xffff;
	_ =	sdelay $0x5  }
0x34e: {  	v29 =	vmul.f32 v20, v29;
	_ =	sdelay $0x1  }
0x34f: {  	[tilespmem:v28+s5+$0x0] =	vst.idx.msk $0xffff, v29  }
0x350: {  	v28 =	vld.idx.msk [tilespmem:v27+s5+$0x0], $0xffff;
	_ =	sdelay $0x5  }
0x351: {  	v28 =	vmul.f32 v28, v20;
	_ =	sdelay $0x1  }
0x352: {  	[tilespmem:v27+s5+$0x0] =	vst.idx.msk $0xffff, v28  }
0x353: {  	v27 =	vld.idx.msk [tilespmem:v26+s5+$0x0], $0xffff;
	_ =	sdelay $0x5  }
0x354: {  	v27 =	vmul.f32 v27, v20;
	_ =	sdelay $0x1  }
0x355: {  	[tilespmem:v26+s5+$0x0] =	vst.idx.msk $0xffff, v27  }
0x356: {  	v26 =	vld.idx.msk [tilespmem:v24+s5+$0x0], $0xffff;
	_ =	sdelay $0x5  }
0x357: {  	v26 =	vmul.f32 v26, v20;
	_ =	sdelay $0x1  }
0x358: {  	[tilespmem:v24+s5+$0x0] =	vst.idx.msk $0xffff, v26  }
0x359: {  	v24 =	vld.idx.msk [tilespmem:v25+s5+$0x0], $0xffff;
	_ =	sdelay $0x5  }
0x35a: {  	v24 =	vmul.f32 v24, v20;
	_ =	sdelay $0x1  }
0x35b: {  	[tilespmem:v25+s5+$0x0] =	vst.idx.msk $0xffff, v24  }
0x35c: {  	v24 =	vld.idx.msk [tilespmem:v23+s5+$0x0], $0xffff;
	_ =	sdelay $0x5  }
0x35d: {  	v24 =	vmul.f32 v24, v20;
	_ =	sdelay $0x1  }
0x35e: {  	[tilespmem:v23+s5+$0x0] =	vst.idx.msk $0xffff, v24  }
0x35f: {  	v23 =	vld.idx.msk [tilespmem:v21+s5+$0x0], $0xffff;
	_ =	sdelay $0x5  }
0x360: {  	v23 =	vmul.f32 v23, v20;
	_ =	sdelay $0x1  }
0x361: {  	[tilespmem:v21+s5+$0x0] =	vst.idx.msk $0xffff, v23  }
0x362: {  	v21 =	vld.idx.msk [tilespmem:v22+s5+$0x0], $0xffff;
	_ =	sdelay $0x5  }
0x363: {  	v21 =	vmul.f32 v21, v20;
	_ =	sdelay $0x1  }
0x364: {  	[tilespmem:v22+s5+$0x0] =	vst.idx.msk $0xffff, v21  }
0x365: {  	v21 =	vld.idx.msk [tilespmem:v19+s5+$0x0], $0xffff;
	_ =	sdelay $0x5  }
0x366: {  	v21 =	vmul.f32 v21, v20;
	_ =	sdelay $0x1  }
0x367: {  	[tilespmem:v19+s5+$0x0] =	vst.idx.msk $0xffff, v21  }
0x368: {  	v19 =	vld.idx.msk [tilespmem:v18+s5+$0x0], $0xffff;
	_ =	sdelay $0x5  }
0x369: {  	v19 =	vmul.f32 v19, v20;
	_ =	sdelay $0x1  }
0x36a: {  	[tilespmem:v18+s5+$0x0] =	vst.idx.msk $0xffff, v19  }
0x36b: {  	v18 =	vld.idx.msk [tilespmem:v16+s5+$0x0], $0xffff;
	_ =	sdelay $0x5  }
0x36c: {  	v18 =	vmul.f32 v18, v20;
	_ =	sdelay $0x1  }
0x36d: {  	[tilespmem:v16+s5+$0x0] =	vst.idx.msk $0xffff, v18  }
0x36e: {  	v16 =	vld.idx.msk [tilespmem:v17+s5+$0x0], $0xffff;
	_ =	sdelay $0x5  }
0x36f: {  	v16 =	vmul.f32 v16, v20  }
.Ltmp3:
0x370: {  	(pc) =	sbr.rel @p0 .LBB2_10-.Ltmp3, $3  }
0x371: {  	[tilespmem:v17+s5+$0x0] =	vst.idx.msk $0xffff, v16  }
0x372: {  	v16 =	vld.idx.msk [tilespmem:v15+s5+$0x0], $0xffff;
	_ =	sdelay $0x1  }
0x373: {  	s22 =	sadd.s32 $0x1, s22  }
0x374: {  	_ =	sdelay $0x1  }
0x375: {  	v5 =	vmul.f32 v16, v20;
	_ =	sdelay $0x1  }
0x376: {  	[tilespmem:v15+s5+$0x0] =	vst.idx.msk $0xffff, v5  }
0x377: {  	v5 =	vld.idx.msk [tilespmem:v9+s5+$0x0], $0xffff  }
0x378: {  	s24 =	sadd.s32 $0x1, s24  }
0x379: {  	p0 =	sne.s32 s24, $0x5  }
.Ltmp4:
0x37a: {  	_ = 	snop;
	(pc) =	sbr.rel @p0 .LBB2_9-.Ltmp4, $3  }
0x37b: {  	_ = 	snop  }
0x37c: {  	v5 =	vmul.f32 v5, v20;
	_ =	sdelay $0x1  }
0x37d: {  	[tilespmem:v9+s5+$0x0] =	vst.idx.msk $0xffff, v5  }
0x37e: {  	s0 =	rddreg [dreg:$0x2];
	s2 =	simm.s32 $0x2D0  }
0x37f: {  	[spmem:s0] =	stream.indirect.scatter.add.f32 [tilespmem:s5], [sflag:$0x4], $0x40, s2, s30, $0xb8;
	[tilespmem:$0x14D70] =	vst v63  }
0x380: {  	s24 =	rddreg [dreg:$0x3];
	s12 =	sadd.s32 $0x1, s12  }
0x381: {  	[spmem:s24] =	stream.indirect.scatter.add.f32 [tilespmem:s1], [sflag:$0x5], $0x10, s2, s30, $0xb8;
	[tilespmem:$0x14D70] =	vst v63  }
0x382: {  	p0 =	sne.s32 s12, $0x7D;
	_ =	swait.ge [sflag:s18], $0x1400  }
.Ltmp5:
0x383: {  	[sflag:s18] =	ssyncset.done $0x0;
	(pc) =	sbr.rel @p0 .LBB2_4-.Ltmp5, $4  }
0x384: {  	[sflag:s18] =	ssyncadd.s32 $0xFFFFEC00  }
0x385: {  	_ =	swait.ge [sflag:s21], $0x500  }
0x386: {  	[sflag:s21] =	ssyncset.done $0x0  }
0x387: {  	[sflag:s21] =	ssyncadd.s32 $0xFFFFFB00  }
0x388: {  	_ =	swait.ge [sflag:s15], $0x1400  }
0x389: {  	[sflag:s15] =	ssyncset.done $0x0  }
0x38a: {  	[sflag:s15] =	ssyncadd.s32 $0xFFFFEC00  }
0x38b: {  	_ =	swait.ge [sflag:s16], $0x1400  }
0x38c: {  	[sflag:s16] =	ssyncset.done $0x0  }
0x38d: {  	s0 =	simm.s32 $0x3;
	[sflag:s16] =	ssyncadd.s32 $0xFFFFEC00  }
0x38e: {  	_ =	swait.ge [sflag:s0], $0x1400  }
0x38f: {  	[sflag:s0] =	ssyncset.done $0x0  }
0x390: {  	s12 =	simm.s32 $0x9;
	[sflag:s0] =	ssyncadd.s32 $0xFFFFEC00  }
0x391: {  	_ =	swait.ge [sflag:s12], $0x50  }
0x392: {  	[sflag:s12] =	ssyncset.done $0x0  }
0x393: {  	s22 =	simm.s32 $0xA;
	[sflag:s12] =	ssyncadd.s32 $0xFFFFFFB0  }
0x394: {  	_ =	swait.ge [sflag:s22], $0x50  }
0x395: {  	[sflag:s22] =	ssyncset.done $0x0  }
0x396: {  	[sflag:s22] =	ssyncadd.s32 $0xFFFFFFB0  }
0x397: {  	[bflag:$0x0] =	sbarrier.arrive $0xFFFF  }
0x398: {  	s6 =	rddreg [dreg:$0x12]  }
0x399: {  	[tilespmem:s26], [sflag:$0xB] =	stream.linear.gather [spmem:s6], $0x400, $0x38;
	[tilespmem:$0x14D70] =	vst v63  }
0x39a: {  	_ =	swait.ge [sflag:s28], $0x400  }
0x39b: {  	[sflag:s28] =	ssyncset.done $0x0  }
0x39c: {  	s2 =	rddreg [dreg:$0xf];
	[sflag:s28] =	ssyncadd.s32 $0xFFFFFC00  }
0x39d: {  	[hbm4b:s2+s4] =	stream.linear.scatter [tilespmem:s26], [sflag:$0xB], $0x400, $0x38;
	[tilespmem:$0x14D70] =	vst v63  }
0x39e: {  	_ =	swait.ge [sflag:s28], $0x400  }
0x39f: {  	[sflag:s28] =	ssyncset.done $0x0  }
0x3a0: {  	[sflag:s28] =	ssyncadd.s32 $0xFFFFFC00  }
0x3a1: {  	[tilespmem:s29], [sflag:$0xB] =	stream.linear.gather [spmem:s23], $0x100, $0x38;
	[tilespmem:$0x14D70] =	vst v63  }
0x3a2: {  	_ =	swait.ge [sflag:s28], $0x100  }
0x3a3: {  	[sflag:s28] =	ssyncset.done $0x0  }
0x3a4: {  	s24 =	sadd.s32 $0x0, s17;
	[sflag:s28] =	ssyncadd.s32 $0xFFFFFF00  }
0x3a5: {  	[hbm4b:s24+s4] =	stream.linear.scatter [tilespmem:s29], [sflag:$0xB], $0x100, $0x38;
	[tilespmem:$0x14D70] =	vst v63  }
0x3a6: {  	s0 =	simm.s32 $0x20;
	s22 =	smov.u32 s23;
	_ =	swait.ge [sflag:s28], $0x100  }
0x3a7: {  	s12 =	sadd.s32 $0x80, s2;
	s24 =	smov.u32 s6;
	[sflag:s28] =	ssyncset.done $0x0  }
.LBB2_14:
0x3a8: {  	[sflag:s28] =	ssyncadd.s32 $0xFFFFFF00  }
0x3a9: {  	s22 =	sadd.s32 $0x100, s22;
	s24 =	sadd.s32 $0x400, s24;
	s2 =	smov.u32 s0  }
0x3aa: {  	[tilespmem:s26], [sflag:$0xB] =	stream.linear.gather [spmem:s24], $0x400, $0x38;
	[tilespmem:$0x14D70] =	vst v63  }
0x3ab: {  	p0 =	sne.s32 s0, $0x4C0;
	s0 =	sadd.s32 $0x20, s0;
	_ =	swait.ge [sflag:s28], $0x400  }
0x3ac: {  	[sflag:s28] =	ssyncset.done $0x0  }
0x3ad: {  	[sflag:s28] =	ssyncadd.s32 $0xFFFFFC00  }
0x3ae: {  	[hbm4b:s12+s4] =	stream.linear.scatter [tilespmem:s26], [sflag:$0xB], $0x400, $0x38;
	[tilespmem:$0x14D70] =	vst v63  }
0x3af: {  	_ =	swait.ge [sflag:s28], $0x400  }
0x3b0: {  	[sflag:s28] =	ssyncset.done $0x0  }
0x3b1: {  	[sflag:s28] =	ssyncadd.s32 $0xFFFFFC00  }
0x3b2: {  	[tilespmem:s29], [sflag:$0xB] =	stream.linear.gather [spmem:s22], $0x100, $0x38;
	[tilespmem:$0x14D70] =	vst v63  }
0x3b3: {  	_ =	swait.ge [sflag:s28], $0x100  }
.Ltmp6:
0x3b4: {  	[sflag:s28] =	ssyncset.done $0x0;
	(pc) =	sbr.rel @p0 .LBB2_14-.Ltmp6, $4  }
0x3b5: {  	s2 =	sadd.s32 s2, s17;
	[sflag:s28] =	ssyncadd.s32 $0xFFFFFF00  }
0x3b6: {  	[hbm4b:s2+s4] =	stream.linear.scatter [tilespmem:s29], [sflag:$0xB], $0x100, $0x38;
	[tilespmem:$0x14D70] =	vst v63  }
0x3b7: {  	_ =	swait.ge [sflag:s28], $0x100  }
0x3b8: {  	s12 =	sadd.s32 $0x80, s12;
	[sflag:s28] =	ssyncset.done $0x0  }
0x3b9: {  	[sflag:s28] =	ssyncadd.s32 $0xFFFFFF00;
	s24 =	rddreg [dreg:$0x7]  }
0x3ba: {  	[tilespmem:s26], [sflag:$0xB] =	stream.linear.gather [spmem:s24], $0x400, $0x38;
	[tilespmem:$0x14D70] =	vst v63  }
0x3bb: {  	_ =	swait.ge [sflag:s28], $0x400  }
0x3bc: {  	[sflag:s28] =	ssyncset.done $0x0  }
0x3bd: {  	s0 =	rddreg [dreg:$0xc];
	[sflag:s28] =	ssyncadd.s32 $0xFFFFFC00  }
0x3be: {  	[hbm4b:s0+s4] =	stream.linear.scatter [tilespmem:s26], [sflag:$0xB], $0x400, $0x38;
	[tilespmem:$0x14D70] =	vst v63  }
0x3bf: {  	_ =	swait.ge [sflag:s28], $0x400  }
0x3c0: {  	[sflag:s28] =	ssyncset.done $0x0  }
0x3c1: {  	s2 =	rddreg [dreg:$0x13];
	[sflag:s28] =	ssyncadd.s32 $0xFFFFFC00  }
0x3c2: {  	[tilespmem:s29], [sflag:$0xB] =	stream.linear.gather [spmem:s2], $0x100, $0x38;
	[tilespmem:$0x14D70] =	vst v63  }
0x3c3: {  	_ =	swait.ge [sflag:s28], $0x100  }
0x3c4: {  	[sflag:s28] =	ssyncset.done $0x0  }
0x3c5: {  	s12 =	rddreg [dreg:$0xd];
	[sflag:s28] =	ssyncadd.s32 $0xFFFFFF00  }
0x3c6: {  	[hbm4b:s12+s4] =	stream.linear.scatter [tilespmem:s29], [sflag:$0xB], $0x100, $0x38;
	[tilespmem:$0x14D70] =	vst v63  }
0x3c7: {  	_ =	swait.ge [sflag:s28], $0x100  }
0x3c8: {  	s7 =	rddreg [dreg:$0x14]  }
0x3c9: {  	s22 =	rddreg [dreg:$0x11];
	s7 =	sadd.s32 $0x1, s7  }
0x3ca: {  	p0 =	sne.s32 s7, s22  }
.Ltmp7:
0x3cb: {  	_ = 	snop;
	(pc) =	sbr.rel @p0 .LBB2_1-.Ltmp7, $3  }
0x3cc: {  	_ =	sdelay $0x1  }
0x3cd: {  	[sflag:s28] =	ssyncset.done $0x0  }
0x3ce: {  	[sflag:s28] =	ssyncadd.s32 $0xFFFFFF00  }
0x3cf: {  	_ =	sfence.sel $0x180000  }
0x3d0: {  	[bflag:$0x0] =	sbarrier.arrive $0xFFFF  }
0x3d1: {  	_ =	strace $0x90000047  }
0x3d2: {  	s0 =	stileid.u32;
	[bflag:$0x2] =	sbarrier.arrive $0xFFFF  }
0x3d3: {  	p0 =	sne.s32 s0, $0x0;
	s0 =	rddreg [dreg:$0x4]  }
0x3d4: {  	s0 =	sadd.s32 @!p0 $0x100000, s0  }
0x3d5: {  	[sflag:s0] =	ssyncadd.tile.s32 @!p0 $0x1;
	_ =	shalt  }
.Lfunc_end2:
_tile_overlayer_lowered:
.L_overlay_start_2:
0x3d6: {  	(tag) =	ssettag $0x2  }
0x3d7: {  	s0 =	rddreg [dreg:$0x0];
	s2 =	stileid.u32  }
0x3d8: {  	s1 =	rddreg [dreg:$0x1];
	p0 =	sne.s32 s2, $0x0  }
0x3d9: {  	s3 =	rddreg [dreg:$0x2];
	[bflag:$0x3] =	sbarrier.arrive $0xFFFF;
	s2 =	simm.s32 @!p0 $0x1C0B  }
0x3da: {  	[timem:s3], [sflag:s2] =	dma.local @!p0 [hbm:s0], s1  }
0x3db: {  	s0 =	simm.s32 @!p0 $0xB  }
0x3dc: {  	_ =	swait.ge @!p0 [sflag:s0], s1  }
0x3dd: {  	s1 =	ssub.s32 @!p0 $0x0, s1;
	[sflag:s0] =	ssyncset.done @!p0 $0x0  }
0x3de: {  	[sflag:s0] =	ssyncadd.s32 @!p0 s1  }
0x3df: {  	[bflag:$0x3] =	sbarrier.arrive $0xFFFF  }
0x3e0: {  	_ =	shalt  }

</sc_bundles>
